<compile_context>
chip_gen: v7x
topology: tpu7x:2x2x1
jax: 0.10.2.dev20260603
libtpu: 0.0.44.dev20260713+nightly
codegen_flags: <defaults>
</compile_context>

<pallas_src>
import functools

import jax
import jax.numpy as jnp
from jax import lax
from jax.experimental import pallas as pl
from jax.experimental.pallas import tpu as pltpu
from jax.experimental.pallas import tpu_sc as plsc

N = 327680
V = 100000
D = 128
H = D // 2

NC = 2
NS = 16
NW = NC * NS
SLABS = 4
NSL = N // SLABS
B_PER_W = NSL // NW
CHUNK = 320
NCHUNK = B_PER_W // CHUNK

ROWS_TC = 8192


def _sc_gather_two(act_table, res_table, act_idx, res_idx):
    mesh = plsc.VectorSubcoreMesh(core_axis_name="c", subcore_axis_name="s")
    out_t = jax.ShapeDtypeStruct((NSL, D), jnp.float32)

    @functools.partial(
        pl.kernel, mesh=mesh, out_type=out_t,
        compiler_params=pltpu.CompilerParams(use_tc_tiling_on_sc=False),
        scratch_types=(
            [pltpu.VMEM((B_PER_W,), jnp.int32)] * 2
            + [pltpu.VMEM((CHUNK, H), jnp.float32)] * 4
            + [pltpu.SemaphoreType.DMA] * 8
        ),
    )
    def k(act_tab, res_tab, ai_hbm, ri_hbm, cat_hbm,
          idx_av, idx_rv, ra0, ra1, rr0, rr1,
          sga0, sga1, sgr0, sgr1, swa0, swa1, swr0, swr1):
        wid = lax.axis_index("s") * NC + lax.axis_index("c")
        rows_a = (ra0, ra1)
        rows_r = (rr0, rr1)
        sem_ga = (sga0, sga1)
        sem_gr = (sgr0, sgr1)
        sem_wa = (swa0, swa1)
        sem_wr = (swr0, swr1)
        wbase = wid * B_PER_W

        pltpu.sync_copy(ai_hbm.at[pl.ds(wbase, B_PER_W)], idx_av)
        pltpu.sync_copy(ri_hbm.at[pl.ds(wbase, B_PER_W)], idx_rv)

        def g_copies(j, b):
            s = pl.ds(j * CHUNK, CHUNK)
            return (
                pltpu.make_async_copy(act_tab.at[idx_av.at[s]], rows_a[b],
                                      sem_ga[b]),
                pltpu.make_async_copy(res_tab.at[idx_rv.at[s]], rows_r[b],
                                      sem_gr[b]),
            )

        def w_copies(j, b):
            g = pl.ds(wbase + j * CHUNK, CHUNK)
            return (
                pltpu.make_async_copy(rows_a[b], cat_hbm.at[g, pl.ds(0, H)],
                                      sem_wa[b]),
                pltpu.make_async_copy(rows_r[b], cat_hbm.at[g, pl.ds(H, H)],
                                      sem_wr[b]),
            )

        def issue(cs):
            for c in cs:
                c.start()

        def wait(cs):
            for c in cs:
                c.wait()

        issue(g_copies(0, 0))

        @pl.loop(0, NCHUNK, step=2)
        def _(i):
            for b in (0, 1):
                j = i + b
                wait(g_copies(j, b))
                issue(w_copies(j, b))
                nx = j + 1

                @pl.when(nx < NCHUNK)
                def _():
                    @pl.when(nx >= 2)
                    def _():
                        wait(w_copies(nx - 2, 1 - b))

                    issue(g_copies(nx, 1 - b))

        wait(w_copies(NCHUNK - 2, 0))
        wait(w_copies(NCHUNK - 1, 1))

    return k(act_table, res_table, act_idx, res_idx)


def _tc_dense_body(cat_ref, nft_ref, w1t_ref, or_ref, oc_ref,
                   wc_ref, wnt_ref, pb_ref, g2_ref, be2_ref, out_ref):
    dot = functools.partial(jnp.dot, preferred_element_type=jnp.float32)
    ht = jnp.maximum(dot(w1t_ref[...], nft_ref[...]), 0.0)
    hct = ht - dot(or_ref[...], ht)
    v1t = dot(or_ref[...], hct * hct)
    z1t = hct * lax.rsqrt(v1t + 1e-5)
    u = dot(wnt_ref[...], z1t).T
    fc = dot(cat_ref[...], wc_ref[...]) + u + pb_ref[...]
    v2 = dot(fc * fc, oc_ref[...])
    out_ref[...] = fc * lax.rsqrt(v2 + 1e-5) * g2_ref[...] + be2_ref[...]


def _tc_dense(cat_emb, nft, w1t, onesr, onesc, wc, wnt, pb, g2, be2,
              slab, buf=None):
    tiles = NSL // ROWS_TC
    off = slab * tiles
    grid = (tiles,)
    row_spec = lambda c: pl.BlockSpec((ROWS_TC, c), lambda i: (i, 0))
    full_spec = lambda a: pl.BlockSpec(a.shape, lambda i: (0, 0))
    in_specs = [
        row_spec(D), pl.BlockSpec((8, ROWS_TC), lambda i: (0, i + off)),
        full_spec(w1t), full_spec(onesr), full_spec(onesc),
        full_spec(wc), full_spec(wnt),
        full_spec(pb), full_spec(g2), full_spec(be2),
    ]
    args = [cat_emb, nft, w1t, onesr, onesc, wc, wnt, pb, g2, be2]
    kwargs = {}
    body = _tc_dense_body
    if buf is not None:
        in_specs.append(pl.BlockSpec(memory_space=pl.ANY))
        args.append(buf)
        kwargs["input_output_aliases"] = {10: 0}
        body = lambda *refs: _tc_dense_body(*refs[:10], refs[-1])
    return pl.pallas_call(
        body,
        grid=grid,
        in_specs=in_specs,
        out_specs=pl.BlockSpec((ROWS_TC, D), lambda i: (i + off, 0)),
        out_shape=jax.ShapeDtypeStruct((N, D), jnp.float32),
        **kwargs,
    )(*args)


def kernel(activities, resources, num_feats, act_table, res_table, num_w1,
           num_b1, ln1_g, ln1_b, proj_w, proj_b, ln2_g, ln2_b):
    ai = activities.astype(jnp.int32)
    ri = resources.astype(jnp.int32)
    cats = [_sc_gather_two(act_table, res_table,
                           ai[s * NSL:(s + 1) * NSL], ri[s * NSL:(s + 1) * NSL])
            for s in range(SLABS)]

    nft = jnp.concatenate(
        [num_feats.T, jnp.ones((1, N), jnp.float32),
         jnp.zeros((4, N), jnp.float32)], axis=0)
    w1t = jnp.concatenate(
        [num_w1, num_b1[None, :], jnp.zeros((4, D), jnp.float32)], axis=0).T

    mm = jnp.eye(D, dtype=jnp.float32) - 1.0 / D
    onesr = jnp.full((1, D), 1.0 / D, jnp.float32)
    onesc = jnp.full((D, 1), 1.0 / D, jnp.float32)

    wn_raw = proj_w[2 * H:]
    wc = proj_w[0:2 * H] @ mm
    wnt = ((ln1_g[:, None] * wn_raw) @ mm).T
    pb = ((ln1_b @ wn_raw + proj_b) @ mm)[None, :]
    g2 = ln2_g.reshape(1, D)
    b2 = ln2_b.reshape(1, D)
    out = None
    for s in range(SLABS):
        out = _tc_dense(cats[s], nft, w1t, onesr, onesc, wc, wnt, pb,
                        g2, b2, slab=s, buf=out)
    return out

# --- scband reference (transcript-rebuilt; emitter-appended) ---
"""Pipeline reference for scband-event-embedder-29437705846791 (READ-ONLY COPY).

The authoritative reference and input builder live on the scoring server;
editing this copy changes nothing except your own understanding.
"""

import jax, jax.numpy as jnp
import numpy as np

N = 327680
V = 100000
D = 128
H = D // 2

def _layernorm(x, g, b, eps=1e-5):
    mu = x.mean(-1, keepdims=True)
    var = ((x - mu) ** 2).mean(-1, keepdims=True)
    return (x - mu) / jnp.sqrt(var + eps) * g + b

def setup_inputs(seed: int = 0) -> dict:
    key = jax.random.key(seed)
    ks = jax.random.split(key, 8)
    return {
        "activities": jax.random.randint(ks[0], (N,), 0, V, dtype=jnp.int64) if jax.config.jax_enable_x64 else jax.random.randint(ks[0], (N,), 0, V),
        "resources": jax.random.randint(ks[1], (N,), 0, V),
        "num_feats": jax.random.normal(ks[2], (N, 3), dtype=jnp.float32),
        "act_table": jax.random.normal(ks[3], (V, H), dtype=jnp.float32) * 0.02,
        "res_table": jax.random.normal(ks[4], (V, H), dtype=jnp.float32) * 0.02,
        "num_w1": jax.random.normal(ks[5], (3, D), dtype=jnp.float32) * 0.02,
        "num_b1": jnp.zeros((D,), dtype=jnp.float32),
        "ln1_g": jnp.ones((D,), dtype=jnp.float32),
        "ln1_b": jnp.zeros((D,), dtype=jnp.float32),
        "proj_w": jax.random.normal(ks[6], (2 * D, D), dtype=jnp.float32) * 0.02,
        "proj_b": jnp.zeros((D,), dtype=jnp.float32),
        "ln2_g": jnp.ones((D,), dtype=jnp.float32),
        "ln2_b": jnp.zeros((D,), dtype=jnp.float32),
    }

def reference(activities, resources, num_feats, act_table, res_table, num_w1, num_b1, ln1_g, ln1_b, proj_w, proj_b, ln2_g, ln2_b):
    act_emb = jnp.take(act_table, activities, axis=0)
    res_emb = jnp.take(res_table, resources, axis=0)
    cat_emb = jnp.concatenate([act_emb, res_emb], axis=-1)
    num_h = jax.nn.relu(num_feats @ num_w1 + num_b1)
    num_emb = _layernorm(num_h, ln1_g, ln1_b)
    combined = jnp.concatenate([cat_emb, num_emb], axis=-1)
    final = combined @ proj_w + proj_b
    return _layernorm(final, ln2_g, ln2_b)

if __name__ == "__main__":
    import jax
    _d = setup_inputs()
    print(jax.jit(kernel)(*tuple(_d.values())))

</pallas_src>

<mosaic_0001>
#map = affine_map<(d0, d1) -> (0, 0)>
#map1 = affine_map<(d0, d1) -> (0)>
module attributes {stable_mosaic.version = 14 : i64} {
  func.func @k(%arg0: i32, %arg1: i32, %arg2: memref<100000x64xf32, #tpu.memory_space<hbm>>, %arg3: memref<100000x64xf32, #tpu.memory_space<hbm>>, %arg4: memref<81920xi32, #tpu.memory_space<hbm>>, %arg5: memref<81920xi32, #tpu.memory_space<hbm>>, %arg6: memref<81920x128xf32, #tpu.memory_space<hbm>>, %arg7: memref<2560xi32, #tpu.memory_space<vmem>>, %arg8: memref<2560xi32, #tpu.memory_space<vmem>>, %arg9: memref<320x64xf32, #tpu.memory_space<vmem>>, %arg10: memref<320x64xf32, #tpu.memory_space<vmem>>, %arg11: memref<320x64xf32, #tpu.memory_space<vmem>>, %arg12: memref<320x64xf32, #tpu.memory_space<vmem>>, %arg13: memref<!tpu.dma_semaphore, #tpu.memory_space<semaphore_mem>>, %arg14: memref<!tpu.dma_semaphore, #tpu.memory_space<semaphore_mem>>, %arg15: memref<!tpu.dma_semaphore, #tpu.memory_space<semaphore_mem>>, %arg16: memref<!tpu.dma_semaphore, #tpu.memory_space<semaphore_mem>>, %arg17: memref<!tpu.dma_semaphore, #tpu.memory_space<semaphore_mem>>, %arg18: memref<!tpu.dma_semaphore, #tpu.memory_space<semaphore_mem>>, %arg19: memref<!tpu.dma_semaphore, #tpu.memory_space<semaphore_mem>>, %arg20: memref<!tpu.dma_semaphore, #tpu.memory_space<semaphore_mem>>) attributes {dimension_semantics = [#tpu.dimension_semantics<core_parallel>, #tpu.dimension_semantics<subcore_parallel>], iteration_bounds = array<i64: 2, 16>, scalar_prefetch = 0 : i64, scratch_operands = 14 : i64, tpu.core_type = #tpu.core_type<sc_vector_subcore>, window_params = [{transform_indices = #map}, {transform_indices = #map}, {transform_indices = #map1}, {transform_indices = #map1}, {transform_indices = #map}]} {
    %mul3A = arith.constant 2 : i32
    %mul3A_0 = arith.muli %arg1, %mul3A : i32
    %add3A = arith.addi %mul3A_0, %arg0 : i32
    %mul3A_1 = arith.constant 2560 : i32
    %mul3A_2 = arith.muli %add3A, %mul3A_1 : i32
    "tpu.region"() ({
      %run_scoped3A = tpu.sem_alloc : memref<!tpu.dma_semaphore, #tpu.memory_space<semaphore_mem>>
      %dma_start3A_35 = tpu.memref_slice %arg4[%mul3A_2] : memref<81920xi32, #tpu.memory_space<hbm>> -> memref<2560xi32, #tpu.memory_space<hbm>>
      %dma_start3A_36 = tpu.memref_slice %arg4[%mul3A_2] : memref<81920xi32, #tpu.memory_space<hbm>> -> memref<2560xi32, #tpu.memory_space<hbm>>
      tpu.enqueue_dma source(%dma_start3A_36 : memref<2560xi32, #tpu.memory_space<hbm>>) target(%arg7 : memref<2560xi32, #tpu.memory_space<vmem>>) target_semaphore(%run_scoped3A : memref<!tpu.dma_semaphore, #tpu.memory_space<semaphore_mem>>)
      %dma_wait3A_37 = tpu.memref_slice %arg4[%mul3A_2] : memref<81920xi32, #tpu.memory_space<hbm>> -> memref<2560xi32, #tpu.memory_space<hbm>>
      %dma_wait3A_38 = tpu.memref_slice %arg4[%mul3A_2] : memref<81920xi32, #tpu.memory_space<hbm>> -> memref<2560xi32, #tpu.memory_space<hbm>>
      tpu.wait_dma2 semaphore(%run_scoped3A : memref<!tpu.dma_semaphore, #tpu.memory_space<semaphore_mem>>) src(%dma_wait3A_38 : memref<2560xi32, #tpu.memory_space<hbm>>) dst(%arg7 : memref<2560xi32, #tpu.memory_space<vmem>>)
      tpu.yield
    }) : () -> ()
    "tpu.region"() ({
      %run_scoped3A = tpu.sem_alloc : memref<!tpu.dma_semaphore, #tpu.memory_space<semaphore_mem>>
      %dma_start3A_35 = tpu.memref_slice %arg5[%mul3A_2] : memref<81920xi32, #tpu.memory_space<hbm>> -> memref<2560xi32, #tpu.memory_space<hbm>>
      %dma_start3A_36 = tpu.memref_slice %arg5[%mul3A_2] : memref<81920xi32, #tpu.memory_space<hbm>> -> memref<2560xi32, #tpu.memory_space<hbm>>
      tpu.enqueue_dma source(%dma_start3A_36 : memref<2560xi32, #tpu.memory_space<hbm>>) target(%arg8 : memref<2560xi32, #tpu.memory_space<vmem>>) target_semaphore(%run_scoped3A : memref<!tpu.dma_semaphore, #tpu.memory_space<semaphore_mem>>)
      %dma_wait3A_37 = tpu.memref_slice %arg5[%mul3A_2] : memref<81920xi32, #tpu.memory_space<hbm>> -> memref<2560xi32, #tpu.memory_space<hbm>>
      %dma_wait3A_38 = tpu.memref_slice %arg5[%mul3A_2] : memref<81920xi32, #tpu.memory_space<hbm>> -> memref<2560xi32, #tpu.memory_space<hbm>>
      tpu.wait_dma2 semaphore(%run_scoped3A : memref<!tpu.dma_semaphore, #tpu.memory_space<semaphore_mem>>) src(%dma_wait3A_38 : memref<2560xi32, #tpu.memory_space<hbm>>) dst(%arg8 : memref<2560xi32, #tpu.memory_space<vmem>>)
      tpu.yield
    }) : () -> ()
    %dma_start3A = arith.constant 0 : i32
    %dma_start3A_3 = tpu.memref_slice %arg7[%dma_start3A] : memref<2560xi32, #tpu.memory_space<vmem>> -> memref<320xi32, #tpu.memory_space<vmem>>
    %dma_start3A_4 = arith.constant 0 : i32
    %dma_start3A_5 = arith.constant 0 : i32
    %dma_start3A_6 = tpu.memref_slice %arg2[%dma_start3A_4, %dma_start3A_5] : memref<100000x64xf32, #tpu.memory_space<hbm>> -> memref<100000x64xf32, #tpu.memory_space<hbm>>
    tpu.enqueue_indirect_dma source(%dma_start3A_6 : memref<100000x64xf32, #tpu.memory_space<hbm>>) target(%arg9 : memref<320x64xf32, #tpu.memory_space<vmem>>) offsets(%dma_start3A_3 : memref<320xi32, #tpu.memory_space<vmem>>) semaphore(%arg13 : memref<!tpu.dma_semaphore, #tpu.memory_space<semaphore_mem>>)
    %dma_start3A_7 = arith.constant 0 : i32
    %dma_start3A_8 = tpu.memref_slice %arg8[%dma_start3A_7] : memref<2560xi32, #tpu.memory_space<vmem>> -> memref<320xi32, #tpu.memory_space<vmem>>
    %dma_start3A_9 = arith.constant 0 : i32
    %dma_start3A_10 = arith.constant 0 : i32
    %dma_start3A_11 = tpu.memref_slice %arg3[%dma_start3A_9, %dma_start3A_10] : memref<100000x64xf32, #tpu.memory_space<hbm>> -> memref<100000x64xf32, #tpu.memory_space<hbm>>
    tpu.enqueue_indirect_dma source(%dma_start3A_11 : memref<100000x64xf32, #tpu.memory_space<hbm>>) target(%arg11 : memref<320x64xf32, #tpu.memory_space<vmem>>) offsets(%dma_start3A_8 : memref<320xi32, #tpu.memory_space<vmem>>) semaphore(%arg15 : memref<!tpu.dma_semaphore, #tpu.memory_space<semaphore_mem>>)
    %scan3A = arith.constant 0 : i32
    %scan3A_12 = arith.constant 4 : i32
    %scan3A_13 = arith.addi %scan3A, %scan3A_12 : i32
    %scan3A_14 = arith.constant 1 : i32
    scf.for %scan3A_35 = %scan3A to %scan3A_13 step %scan3A_14  : i32 {
      %mul3A_36 = arith.constant 2 : i32
      %mul3A_37 = arith.muli %scan3A_35, %mul3A_36 : i32
      %add3A_38 = arith.constant 0 : i32
      %add3A_39 = arith.addi %add3A_38, %mul3A_37 : i32
      %add3A_40 = arith.constant 0 : i32
      %add3A_41 = arith.addi %add3A_39, %add3A_40 : i32
      %mul3A_42 = arith.constant 320 : i32
      %mul3A_43 = arith.muli %add3A_41, %mul3A_42 : i32
      %dma_wait3A_44 = tpu.memref_slice %arg7[%mul3A_43] : memref<2560xi32, #tpu.memory_space<vmem>> -> memref<320xi32, #tpu.memory_space<vmem>>
      %dma_wait3A_45 = arith.constant 0 : i32
      %dma_wait3A_46 = arith.constant 0 : i32
      %dma_wait3A_47 = tpu.memref_slice %arg2[%dma_wait3A_45, %dma_wait3A_46] : memref<100000x64xf32, #tpu.memory_space<hbm>> -> memref<100000x64xf32, #tpu.memory_space<hbm>>
      tpu.wait_indirect_dma semaphore(%arg13 : memref<!tpu.dma_semaphore, #tpu.memory_space<semaphore_mem>>) src(%dma_wait3A_47 : memref<100000x64xf32, #tpu.memory_space<hbm>>) dst(%arg9 : memref<320x64xf32, #tpu.memory_space<vmem>>)
      %dma_wait3A_48 = tpu.memref_slice %arg8[%mul3A_43] : memref<2560xi32, #tpu.memory_space<vmem>> -> memref<320xi32, #tpu.memory_space<vmem>>
      %dma_wait3A_49 = arith.constant 0 : i32
      %dma_wait3A_50 = arith.constant 0 : i32
      %dma_wait3A_51 = tpu.memref_slice %arg3[%dma_wait3A_49, %dma_wait3A_50] : memref<100000x64xf32, #tpu.memory_space<hbm>> -> memref<100000x64xf32, #tpu.memory_space<hbm>>
      tpu.wait_indirect_dma semaphore(%arg15 : memref<!tpu.dma_semaphore, #tpu.memory_space<semaphore_mem>>) src(%dma_wait3A_51 : memref<100000x64xf32, #tpu.memory_space<hbm>>) dst(%arg11 : memref<320x64xf32, #tpu.memory_space<vmem>>)
      %mul3A_52 = arith.constant 320 : i32
      %mul3A_53 = arith.muli %add3A_41, %mul3A_52 : i32
      %add3A_54 = arith.addi %mul3A_2, %mul3A_53 : i32
      %dma_start3A_55 = arith.constant 0 : i32
      %dma_start3A_56 = tpu.memref_slice %arg6[%add3A_54, %dma_start3A_55] : memref<81920x128xf32, #tpu.memory_space<hbm>> -> memref<320x64xf32, #tpu.memory_space<hbm>>
      %dma_start3A_57 = arith.constant 0 : i32
      %dma_start3A_58 = tpu.memref_slice %arg6[%add3A_54, %dma_start3A_57] : memref<81920x128xf32, #tpu.memory_space<hbm>> -> memref<320x64xf32, #tpu.memory_space<hbm>>
      tpu.enqueue_dma source(%arg9 : memref<320x64xf32, #tpu.memory_space<vmem>>) target(%dma_start3A_58 : memref<320x64xf32, #tpu.memory_space<hbm>>) target_semaphore(%arg17 : memref<!tpu.dma_semaphore, #tpu.memory_space<semaphore_mem>>)
      %dma_start3A_59 = arith.constant 64 : i32
      %dma_start3A_60 = tpu.memref_slice %arg6[%add3A_54, %dma_start3A_59] : memref<81920x128xf32, #tpu.memory_space<hbm>> -> memref<320x64xf32, #tpu.memory_space<hbm>>
      %dma_start3A_61 = arith.constant 64 : i32
      %dma_start3A_62 = tpu.memref_slice %arg6[%add3A_54, %dma_start3A_61] : memref<81920x128xf32, #tpu.memory_space<hbm>> -> memref<320x64xf32, #tpu.memory_space<hbm>>
      tpu.enqueue_dma source(%arg11 : memref<320x64xf32, #tpu.memory_space<vmem>>) target(%dma_start3A_62 : memref<320x64xf32, #tpu.memory_space<hbm>>) target_semaphore(%arg19 : memref<!tpu.dma_semaphore, #tpu.memory_space<semaphore_mem>>)
      %add3A_63 = arith.constant 1 : i32
      %add3A_64 = arith.addi %add3A_41, %add3A_63 : i32
      %lt3A = arith.constant 8 : i32
      %lt3A_65 = arith.cmpi slt, %add3A_64, %lt3A : i32
      %convert_element_type3A = arith.extui %lt3A_65 : i1 to i32
      %cond3A = arith.constant 0 : i32
      %cond3A_66 = arith.cmpi ne, %convert_element_type3A, %cond3A : i32
      scf.if %cond3A_66 {
        %ge3A = arith.constant 2 : i32
        %ge3A_97 = arith.cmpi sge, %add3A_64, %ge3A : i32
        %convert_element_type3A_98 = arith.extui %ge3A_97 : i1 to i32
        %cond3A_99 = arith.constant 0 : i32
        %cond3A_100 = arith.cmpi ne, %convert_element_type3A_98, %cond3A_99 : i32
        scf.if %cond3A_100 {
          %sub3A = arith.constant 2 : i32
          %sub3A_111 = arith.subi %add3A_64, %sub3A : i32
          %mul3A_112 = arith.constant 320 : i32
          %mul3A_113 = arith.muli %sub3A_111, %mul3A_112 : i32
          %add3A_114 = arith.addi %mul3A_2, %mul3A_113 : i32
          %dma_wait3A_115 = arith.constant 0 : i32
          %dma_wait3A_116 = tpu.memref_slice %arg6[%add3A_114, %dma_wait3A_115] : memref<81920x128xf32, #tpu.memory_space<hbm>> -> memref<320x64xf32, #tpu.memory_space<hbm>>
          %dma_wait3A_117 = arith.constant 0 : i32
          %dma_wait3A_118 = tpu.memref_slice %arg6[%add3A_114, %dma_wait3A_117] : memref<81920x128xf32, #tpu.memory_space<hbm>> -> memref<320x64xf32, #tpu.memory_space<hbm>>
          tpu.wait_dma2 semaphore(%arg18 : memref<!tpu.dma_semaphore, #tpu.memory_space<semaphore_mem>>) src(%arg10 : memref<320x64xf32, #tpu.memory_space<vmem>>) dst(%dma_wait3A_118 : memref<320x64xf32, #tpu.memory_space<hbm>>)
          %dma_wait3A_119 = arith.constant 64 : i32
          %dma_wait3A_120 = tpu.memref_slice %arg6[%add3A_114, %dma_wait3A_119] : memref<81920x128xf32, #tpu.memory_space<hbm>> -> memref<320x64xf32, #tpu.memory_space<hbm>>
          %dma_wait3A_121 = arith.constant 64 : i32
          %dma_wait3A_122 = tpu.memref_slice %arg6[%add3A_114, %dma_wait3A_121] : memref<81920x128xf32, #tpu.memory_space<hbm>> -> memref<320x64xf32, #tpu.memory_space<hbm>>
          tpu.wait_dma2 semaphore(%arg20 : memref<!tpu.dma_semaphore, #tpu.memory_space<semaphore_mem>>) src(%arg12 : memref<320x64xf32, #tpu.memory_space<vmem>>) dst(%dma_wait3A_122 : memref<320x64xf32, #tpu.memory_space<hbm>>)
        } else {
        }
        %mul3A_101 = arith.constant 320 : i32
        %mul3A_102 = arith.muli %add3A_64, %mul3A_101 : i32
        %dma_start3A_103 = tpu.memref_slice %arg7[%mul3A_102] : memref<2560xi32, #tpu.memory_space<vmem>> -> memref<320xi32, #tpu.memory_space<vmem>>
        %dma_start3A_104 = arith.constant 0 : i32
        %dma_start3A_105 = arith.constant 0 : i32
        %dma_start3A_106 = tpu.memref_slice %arg2[%dma_start3A_104, %dma_start3A_105] : memref<100000x64xf32, #tpu.memory_space<hbm>> -> memref<100000x64xf32, #tpu.memory_space<hbm>>
        tpu.enqueue_indirect_dma source(%dma_start3A_106 : memref<100000x64xf32, #tpu.memory_space<hbm>>) target(%arg10 : memref<320x64xf32, #tpu.memory_space<vmem>>) offsets(%dma_start3A_103 : memref<320xi32, #tpu.memory_space<vmem>>) semaphore(%arg14 : memref<!tpu.dma_semaphore, #tpu.memory_space<semaphore_mem>>)
        %dma_start3A_107 = tpu.memref_slice %arg8[%mul3A_102] : memref<2560xi32, #tpu.memory_space<vmem>> -> memref<320xi32, #tpu.memory_space<vmem>>
        %dma_start3A_108 = arith.constant 0 : i32
        %dma_start3A_109 = arith.constant 0 : i32
        %dma_start3A_110 = tpu.memref_slice %arg3[%dma_start3A_108, %dma_start3A_109] : memref<100000x64xf32, #tpu.memory_space<hbm>> -> memref<100000x64xf32, #tpu.memory_space<hbm>>
        tpu.enqueue_indirect_dma source(%dma_start3A_110 : memref<100000x64xf32, #tpu.memory_space<hbm>>) target(%arg12 : memref<320x64xf32, #tpu.memory_space<vmem>>) offsets(%dma_start3A_107 : memref<320xi32, #tpu.memory_space<vmem>>) semaphore(%arg16 : memref<!tpu.dma_semaphore, #tpu.memory_space<semaphore_mem>>)
      } else {
      }
      %add3A_67 = arith.constant 1 : i32
      %add3A_68 = arith.addi %add3A_39, %add3A_67 : i32
      %mul3A_69 = arith.constant 320 : i32
      %mul3A_70 = arith.muli %add3A_68, %mul3A_69 : i32
      %dma_wait3A_71 = tpu.memref_slice %arg7[%mul3A_70] : memref<2560xi32, #tpu.memory_space<vmem>> -> memref<320xi32, #tpu.memory_space<vmem>>
      %dma_wait3A_72 = arith.constant 0 : i32
      %dma_wait3A_73 = arith.constant 0 : i32
      %dma_wait3A_74 = tpu.memref_slice %arg2[%dma_wait3A_72, %dma_wait3A_73] : memref<100000x64xf32, #tpu.memory_space<hbm>> -> memref<100000x64xf32, #tpu.memory_space<hbm>>
      tpu.wait_indirect_dma semaphore(%arg14 : memref<!tpu.dma_semaphore, #tpu.memory_space<semaphore_mem>>) src(%dma_wait3A_74 : memref<100000x64xf32, #tpu.memory_space<hbm>>) dst(%arg10 : memref<320x64xf32, #tpu.memory_space<vmem>>)
      %dma_wait3A_75 = tpu.memref_slice %arg8[%mul3A_70] : memref<2560xi32, #tpu.memory_space<vmem>> -> memref<320xi32, #tpu.memory_space<vmem>>
      %dma_wait3A_76 = arith.constant 0 : i32
      %dma_wait3A_77 = arith.constant 0 : i32
      %dma_wait3A_78 = tpu.memref_slice %arg3[%dma_wait3A_76, %dma_wait3A_77] : memref<100000x64xf32, #tpu.memory_space<hbm>> -> memref<100000x64xf32, #tpu.memory_space<hbm>>
      tpu.wait_indirect_dma semaphore(%arg16 : memref<!tpu.dma_semaphore, #tpu.memory_space<semaphore_mem>>) src(%dma_wait3A_78 : memref<100000x64xf32, #tpu.memory_space<hbm>>) dst(%arg12 : memref<320x64xf32, #tpu.memory_space<vmem>>)
      %mul3A_79 = arith.constant 320 : i32
      %mul3A_80 = arith.muli %add3A_68, %mul3A_79 : i32
      %add3A_81 = arith.addi %mul3A_2, %mul3A_80 : i32
      %dma_start3A_82 = arith.constant 0 : i32
      %dma_start3A_83 = tpu.memref_slice %arg6[%add3A_81, %dma_start3A_82] : memref<81920x128xf32, #tpu.memory_space<hbm>> -> memref<320x64xf32, #tpu.memory_space<hbm>>
      %dma_start3A_84 = arith.constant 0 : i32
      %dma_start3A_85 = tpu.memref_slice %arg6[%add3A_81, %dma_start3A_84] : memref<81920x128xf32, #tpu.memory_space<hbm>> -> memref<320x64xf32, #tpu.memory_space<hbm>>
      tpu.enqueue_dma source(%arg10 : memref<320x64xf32, #tpu.memory_space<vmem>>) target(%dma_start3A_85 : memref<320x64xf32, #tpu.memory_space<hbm>>) target_semaphore(%arg18 : memref<!tpu.dma_semaphore, #tpu.memory_space<semaphore_mem>>)
      %dma_start3A_86 = arith.constant 64 : i32
      %dma_start3A_87 = tpu.memref_slice %arg6[%add3A_81, %dma_start3A_86] : memref<81920x128xf32, #tpu.memory_space<hbm>> -> memref<320x64xf32, #tpu.memory_space<hbm>>
      %dma_start3A_88 = arith.constant 64 : i32
      %dma_start3A_89 = tpu.memref_slice %arg6[%add3A_81, %dma_start3A_88] : memref<81920x128xf32, #tpu.memory_space<hbm>> -> memref<320x64xf32, #tpu.memory_space<hbm>>
      tpu.enqueue_dma source(%arg12 : memref<320x64xf32, #tpu.memory_space<vmem>>) target(%dma_start3A_89 : memref<320x64xf32, #tpu.memory_space<hbm>>) target_semaphore(%arg20 : memref<!tpu.dma_semaphore, #tpu.memory_space<semaphore_mem>>)
      %add3A_90 = arith.constant 1 : i32
      %add3A_91 = arith.addi %add3A_68, %add3A_90 : i32
      %lt3A_92 = arith.constant 8 : i32
      %lt3A_93 = arith.cmpi slt, %add3A_91, %lt3A_92 : i32
      %convert_element_type3A_94 = arith.extui %lt3A_93 : i1 to i32
      %cond3A_95 = arith.constant 0 : i32
      %cond3A_96 = arith.cmpi ne, %convert_element_type3A_94, %cond3A_95 : i32
      scf.if %cond3A_96 {
        %ge3A = arith.constant 2 : i32
        %ge3A_97 = arith.cmpi sge, %add3A_91, %ge3A : i32
        %convert_element_type3A_98 = arith.extui %ge3A_97 : i1 to i32
        %cond3A_99 = arith.constant 0 : i32
        %cond3A_100 = arith.cmpi ne, %convert_element_type3A_98, %cond3A_99 : i32
        scf.if %cond3A_100 {
          %sub3A = arith.constant 2 : i32
          %sub3A_111 = arith.subi %add3A_91, %sub3A : i32
          %mul3A_112 = arith.constant 320 : i32
          %mul3A_113 = arith.muli %sub3A_111, %mul3A_112 : i32
          %add3A_114 = arith.addi %mul3A_2, %mul3A_113 : i32
          %dma_wait3A_115 = arith.constant 0 : i32
          %dma_wait3A_116 = tpu.memref_slice %arg6[%add3A_114, %dma_wait3A_115] : memref<81920x128xf32, #tpu.memory_space<hbm>> -> memref<320x64xf32, #tpu.memory_space<hbm>>
          %dma_wait3A_117 = arith.constant 0 : i32
          %dma_wait3A_118 = tpu.memref_slice %arg6[%add3A_114, %dma_wait3A_117] : memref<81920x128xf32, #tpu.memory_space<hbm>> -> memref<320x64xf32, #tpu.memory_space<hbm>>
          tpu.wait_dma2 semaphore(%arg17 : memref<!tpu.dma_semaphore, #tpu.memory_space<semaphore_mem>>) src(%arg9 : memref<320x64xf32, #tpu.memory_space<vmem>>) dst(%dma_wait3A_118 : memref<320x64xf32, #tpu.memory_space<hbm>>)
          %dma_wait3A_119 = arith.constant 64 : i32
          %dma_wait3A_120 = tpu.memref_slice %arg6[%add3A_114, %dma_wait3A_119] : memref<81920x128xf32, #tpu.memory_space<hbm>> -> memref<320x64xf32, #tpu.memory_space<hbm>>
          %dma_wait3A_121 = arith.constant 64 : i32
          %dma_wait3A_122 = tpu.memref_slice %arg6[%add3A_114, %dma_wait3A_121] : memref<81920x128xf32, #tpu.memory_space<hbm>> -> memref<320x64xf32, #tpu.memory_space<hbm>>
          tpu.wait_dma2 semaphore(%arg19 : memref<!tpu.dma_semaphore, #tpu.memory_space<semaphore_mem>>) src(%arg11 : memref<320x64xf32, #tpu.memory_space<vmem>>) dst(%dma_wait3A_122 : memref<320x64xf32, #tpu.memory_space<hbm>>)
        } else {
        }
        %mul3A_101 = arith.constant 320 : i32
        %mul3A_102 = arith.muli %add3A_91, %mul3A_101 : i32
        %dma_start3A_103 = tpu.memref_slice %arg7[%mul3A_102] : memref<2560xi32, #tpu.memory_space<vmem>> -> memref<320xi32, #tpu.memory_space<vmem>>
        %dma_start3A_104 = arith.constant 0 : i32
        %dma_start3A_105 = arith.constant 0 : i32
        %dma_start3A_106 = tpu.memref_slice %arg2[%dma_start3A_104, %dma_start3A_105] : memref<100000x64xf32, #tpu.memory_space<hbm>> -> memref<100000x64xf32, #tpu.memory_space<hbm>>
        tpu.enqueue_indirect_dma source(%dma_start3A_106 : memref<100000x64xf32, #tpu.memory_space<hbm>>) target(%arg9 : memref<320x64xf32, #tpu.memory_space<vmem>>) offsets(%dma_start3A_103 : memref<320xi32, #tpu.memory_space<vmem>>) semaphore(%arg13 : memref<!tpu.dma_semaphore, #tpu.memory_space<semaphore_mem>>)
        %dma_start3A_107 = tpu.memref_slice %arg8[%mul3A_102] : memref<2560xi32, #tpu.memory_space<vmem>> -> memref<320xi32, #tpu.memory_space<vmem>>
        %dma_start3A_108 = arith.constant 0 : i32
        %dma_start3A_109 = arith.constant 0 : i32
        %dma_start3A_110 = tpu.memref_slice %arg3[%dma_start3A_108, %dma_start3A_109] : memref<100000x64xf32, #tpu.memory_space<hbm>> -> memref<100000x64xf32, #tpu.memory_space<hbm>>
        tpu.enqueue_indirect_dma source(%dma_start3A_110 : memref<100000x64xf32, #tpu.memory_space<hbm>>) target(%arg11 : memref<320x64xf32, #tpu.memory_space<vmem>>) offsets(%dma_start3A_107 : memref<320xi32, #tpu.memory_space<vmem>>) semaphore(%arg15 : memref<!tpu.dma_semaphore, #tpu.memory_space<semaphore_mem>>)
      } else {
      }
    }
    %scan3A_15 = arith.constant 4 : i32
    %add3A_16 = arith.constant 1920 : i32
    %add3A_17 = arith.addi %mul3A_2, %add3A_16 : i32
    %dma_wait3A = arith.constant 0 : i32
    %dma_wait3A_18 = tpu.memref_slice %arg6[%add3A_17, %dma_wait3A] : memref<81920x128xf32, #tpu.memory_space<hbm>> -> memref<320x64xf32, #tpu.memory_space<hbm>>
    %dma_wait3A_19 = arith.constant 0 : i32
    %dma_wait3A_20 = tpu.memref_slice %arg6[%add3A_17, %dma_wait3A_19] : memref<81920x128xf32, #tpu.memory_space<hbm>> -> memref<320x64xf32, #tpu.memory_space<hbm>>
    tpu.wait_dma2 semaphore(%arg17 : memref<!tpu.dma_semaphore, #tpu.memory_space<semaphore_mem>>) src(%arg9 : memref<320x64xf32, #tpu.memory_space<vmem>>) dst(%dma_wait3A_20 : memref<320x64xf32, #tpu.memory_space<hbm>>)
    %dma_wait3A_21 = arith.constant 64 : i32
    %dma_wait3A_22 = tpu.memref_slice %arg6[%add3A_17, %dma_wait3A_21] : memref<81920x128xf32, #tpu.memory_space<hbm>> -> memref<320x64xf32, #tpu.memory_space<hbm>>
    %dma_wait3A_23 = arith.constant 64 : i32
    %dma_wait3A_24 = tpu.memref_slice %arg6[%add3A_17, %dma_wait3A_23] : memref<81920x128xf32, #tpu.memory_space<hbm>> -> memref<320x64xf32, #tpu.memory_space<hbm>>
    tpu.wait_dma2 semaphore(%arg19 : memref<!tpu.dma_semaphore, #tpu.memory_space<semaphore_mem>>) src(%arg11 : memref<320x64xf32, #tpu.memory_space<vmem>>) dst(%dma_wait3A_24 : memref<320x64xf32, #tpu.memory_space<hbm>>)
    %add3A_25 = arith.constant 2240 : i32
    %add3A_26 = arith.addi %mul3A_2, %add3A_25 : i32
    %dma_wait3A_27 = arith.constant 0 : i32
    %dma_wait3A_28 = tpu.memref_slice %arg6[%add3A_26, %dma_wait3A_27] : memref<81920x128xf32, #tpu.memory_space<hbm>> -> memref<320x64xf32, #tpu.memory_space<hbm>>
    %dma_wait3A_29 = arith.constant 0 : i32
    %dma_wait3A_30 = tpu.memref_slice %arg6[%add3A_26, %dma_wait3A_29] : memref<81920x128xf32, #tpu.memory_space<hbm>> -> memref<320x64xf32, #tpu.memory_space<hbm>>
    tpu.wait_dma2 semaphore(%arg18 : memref<!tpu.dma_semaphore, #tpu.memory_space<semaphore_mem>>) src(%arg10 : memref<320x64xf32, #tpu.memory_space<vmem>>) dst(%dma_wait3A_30 : memref<320x64xf32, #tpu.memory_space<hbm>>)
    %dma_wait3A_31 = arith.constant 64 : i32
    %dma_wait3A_32 = tpu.memref_slice %arg6[%add3A_26, %dma_wait3A_31] : memref<81920x128xf32, #tpu.memory_space<hbm>> -> memref<320x64xf32, #tpu.memory_space<hbm>>
    %dma_wait3A_33 = arith.constant 64 : i32
    %dma_wait3A_34 = tpu.memref_slice %arg6[%add3A_26, %dma_wait3A_33] : memref<81920x128xf32, #tpu.memory_space<hbm>> -> memref<320x64xf32, #tpu.memory_space<hbm>>
    tpu.wait_dma2 semaphore(%arg20 : memref<!tpu.dma_semaphore, #tpu.memory_space<semaphore_mem>>) src(%arg12 : memref<320x64xf32, #tpu.memory_space<vmem>>) dst(%dma_wait3A_34 : memref<320x64xf32, #tpu.memory_space<hbm>>)
    return
  }
}

#map = affine_map<(d0, d1) -> (0, 0)>
#map1 = affine_map<(d0, d1) -> (0)>
module attributes {stable_mosaic.version = 14 : i64} {
  func.func @k(%arg0: i32, %arg1: i32, %arg2: memref<100000x64xf32, #tpu.memory_space<hbm>>, %arg3: memref<100000x64xf32, #tpu.memory_space<hbm>>, %arg4: memref<81920xi32, #tpu.memory_space<hbm>>, %arg5: memref<81920xi32, #tpu.memory_space<hbm>>, %arg6: memref<81920x128xf32, #tpu.memory_space<hbm>>, %arg7: memref<2560xi32, #tpu.memory_space<vmem>>, %arg8: memref<2560xi32, #tpu.memory_space<vmem>>, %arg9: memref<320x64xf32, #tpu.memory_space<vmem>>, %arg10: memref<320x64xf32, #tpu.memory_space<vmem>>, %arg11: memref<320x64xf32, #tpu.memory_space<vmem>>, %arg12: memref<320x64xf32, #tpu.memory_space<vmem>>, %arg13: memref<!tpu.dma_semaphore, #tpu.memory_space<semaphore_mem>>, %arg14: memref<!tpu.dma_semaphore, #tpu.memory_space<semaphore_mem>>, %arg15: memref<!tpu.dma_semaphore, #tpu.memory_space<semaphore_mem>>, %arg16: memref<!tpu.dma_semaphore, #tpu.memory_space<semaphore_mem>>, %arg17: memref<!tpu.dma_semaphore, #tpu.memory_space<semaphore_mem>>, %arg18: memref<!tpu.dma_semaphore, #tpu.memory_space<semaphore_mem>>, %arg19: memref<!tpu.dma_semaphore, #tpu.memory_space<semaphore_mem>>, %arg20: memref<!tpu.dma_semaphore, #tpu.memory_space<semaphore_mem>>) attributes {dimension_semantics = [#tpu.dimension_semantics<core_parallel>, #tpu.dimension_semantics<subcore_parallel>], iteration_bounds = array<i64: 2, 16>, scalar_prefetch = 0 : i64, scratch_operands = 14 : i64, tpu.core_type = #tpu.core_type<sc_vector_subcore>, window_params = [{transform_indices = #map}, {transform_indices = #map}, {transform_indices = #map1}, {transform_indices = #map1}, {transform_indices = #map}]} {
    %mul3A = arith.constant 2 : i32
    %mul3A_0 = arith.muli %arg1, %mul3A : i32
    %add3A = arith.addi %mul3A_0, %arg0 : i32
    %mul3A_1 = arith.constant 2560 : i32
    %mul3A_2 = arith.muli %add3A, %mul3A_1 : i32
    "tpu.region"() ({
      %run_scoped3A = tpu.sem_alloc : memref<!tpu.dma_semaphore, #tpu.memory_space<semaphore_mem>>
      %dma_start3A_35 = tpu.memref_slice %arg4[%mul3A_2] : memref<81920xi32, #tpu.memory_space<hbm>> -> memref<2560xi32, #tpu.memory_space<hbm>>
      %dma_start3A_36 = tpu.memref_slice %arg4[%mul3A_2] : memref<81920xi32, #tpu.memory_space<hbm>> -> memref<2560xi32, #tpu.memory_space<hbm>>
      tpu.enqueue_dma source(%dma_start3A_36 : memref<2560xi32, #tpu.memory_space<hbm>>) target(%arg7 : memref<2560xi32, #tpu.memory_space<vmem>>) target_semaphore(%run_scoped3A : memref<!tpu.dma_semaphore, #tpu.memory_space<semaphore_mem>>)
      %dma_wait3A_37 = tpu.memref_slice %arg4[%mul3A_2] : memref<81920xi32, #tpu.memory_space<hbm>> -> memref<2560xi32, #tpu.memory_space<hbm>>
      %dma_wait3A_38 = tpu.memref_slice %arg4[%mul3A_2] : memref<81920xi32, #tpu.memory_space<hbm>> -> memref<2560xi32, #tpu.memory_space<hbm>>
      tpu.wait_dma2 semaphore(%run_scoped3A : memref<!tpu.dma_semaphore, #tpu.memory_space<semaphore_mem>>) src(%dma_wait3A_38 : memref<2560xi32, #tpu.memory_space<hbm>>) dst(%arg7 : memref<2560xi32, #tpu.memory_space<vmem>>)
      tpu.yield
    }) : () -> ()
    "tpu.region"() ({
      %run_scoped3A = tpu.sem_alloc : memref<!tpu.dma_semaphore, #tpu.memory_space<semaphore_mem>>
      %dma_start3A_35 = tpu.memref_slice %arg5[%mul3A_2] : memref<81920xi32, #tpu.memory_space<hbm>> -> memref<2560xi32, #tpu.memory_space<hbm>>
      %dma_start3A_36 = tpu.memref_slice %arg5[%mul3A_2] : memref<81920xi32, #tpu.memory_space<hbm>> -> memref<2560xi32, #tpu.memory_space<hbm>>
      tpu.enqueue_dma source(%dma_start3A_36 : memref<2560xi32, #tpu.memory_space<hbm>>) target(%arg8 : memref<2560xi32, #tpu.memory_space<vmem>>) target_semaphore(%run_scoped3A : memref<!tpu.dma_semaphore, #tpu.memory_space<semaphore_mem>>)
      %dma_wait3A_37 = tpu.memref_slice %arg5[%mul3A_2] : memref<81920xi32, #tpu.memory_space<hbm>> -> memref<2560xi32, #tpu.memory_space<hbm>>
      %dma_wait3A_38 = tpu.memref_slice %arg5[%mul3A_2] : memref<81920xi32, #tpu.memory_space<hbm>> -> memref<2560xi32, #tpu.memory_space<hbm>>
      tpu.wait_dma2 semaphore(%run_scoped3A : memref<!tpu.dma_semaphore, #tpu.memory_space<semaphore_mem>>) src(%dma_wait3A_38 : memref<2560xi32, #tpu.memory_space<hbm>>) dst(%arg8 : memref<2560xi32, #tpu.memory_space<vmem>>)
      tpu.yield
    }) : () -> ()
    %dma_start3A = arith.constant 0 : i32
    %dma_start3A_3 = tpu.memref_slice %arg7[%dma_start3A] : memref<2560xi32, #tpu.memory_space<vmem>> -> memref<320xi32, #tpu.memory_space<vmem>>
    %dma_start3A_4 = arith.constant 0 : i32
    %dma_start3A_5 = arith.constant 0 : i32
    %dma_start3A_6 = tpu.memref_slice %arg2[%dma_start3A_4, %dma_start3A_5] : memref<100000x64xf32, #tpu.memory_space<hbm>> -> memref<100000x64xf32, #tpu.memory_space<hbm>>
    tpu.enqueue_indirect_dma source(%dma_start3A_6 : memref<100000x64xf32, #tpu.memory_space<hbm>>) target(%arg9 : memref<320x64xf32, #tpu.memory_space<vmem>>) offsets(%dma_start3A_3 : memref<320xi32, #tpu.memory_space<vmem>>) semaphore(%arg13 : memref<!tpu.dma_semaphore, #tpu.memory_space<semaphore_mem>>)
    %dma_start3A_7 = arith.constant 0 : i32
    %dma_start3A_8 = tpu.memref_slice %arg8[%dma_start3A_7] : memref<2560xi32, #tpu.memory_space<vmem>> -> memref<320xi32, #tpu.memory_space<vmem>>
    %dma_start3A_9 = arith.constant 0 : i32
    %dma_start3A_10 = arith.constant 0 : i32
    %dma_start3A_11 = tpu.memref_slice %arg3[%dma_start3A_9, %dma_start3A_10] : memref<100000x64xf32, #tpu.memory_space<hbm>> -> memref<100000x64xf32, #tpu.memory_space<hbm>>
    tpu.enqueue_indirect_dma source(%dma_start3A_11 : memref<100000x64xf32, #tpu.memory_space<hbm>>) target(%arg11 : memref<320x64xf32, #tpu.memory_space<vmem>>) offsets(%dma_start3A_8 : memref<320xi32, #tpu.memory_space<vmem>>) semaphore(%arg15 : memref<!tpu.dma_semaphore, #tpu.memory_space<semaphore_mem>>)
    %scan3A = arith.constant 0 : i32
    %scan3A_12 = arith.constant 4 : i32
    %scan3A_13 = arith.addi %scan3A, %scan3A_12 : i32
    %scan3A_14 = arith.constant 1 : i32
    scf.for %scan3A_35 = %scan3A to %scan3A_13 step %scan3A_14  : i32 {
      %mul3A_36 = arith.constant 2 : i32
      %mul3A_37 = arith.muli %scan3A_35, %mul3A_36 : i32
      %add3A_38 = arith.constant 0 : i32
      %add3A_39 = arith.addi %add3A_38, %mul3A_37 : i32
      %add3A_40 = arith.constant 0 : i32
      %add3A_41 = arith.addi %add3A_39, %add3A_40 : i32
      %mul3A_42 = arith.constant 320 : i32
      %mul3A_43 = arith.muli %add3A_41, %mul3A_42 : i32
      %dma_wait3A_44 = tpu.memref_slice %arg7[%mul3A_43] : memref<2560xi32, #tpu.memory_space<vmem>> -> memref<320xi32, #tpu.memory_space<vmem>>
      %dma_wait3A_45 = arith.constant 0 : i32
      %dma_wait3A_46 = arith.constant 0 : i32
      %dma_wait3A_47 = tpu.memref_slice %arg2[%dma_wait3A_45, %dma_wait3A_46] : memref<100000x64xf32, #tpu.memory_space<hbm>> -> memref<100000x64xf32, #tpu.memory_space<hbm>>
      tpu.wait_indirect_dma semaphore(%arg13 : memref<!tpu.dma_semaphore, #tpu.memory_space<semaphore_mem>>) src(%dma_wait3A_47 : memref<100000x64xf32, #tpu.memory_space<hbm>>) dst(%arg9 : memref<320x64xf32, #tpu.memory_space<vmem>>)
      %dma_wait3A_48 = tpu.memref_slice %arg8[%mul3A_43] : memref<2560xi32, #tpu.memory_space<vmem>> -> memref<320xi32, #tpu.memory_space<vmem>>
      %dma_wait3A_49 = arith.constant 0 : i32
      %dma_wait3A_50 = arith.constant 0 : i32
      %dma_wait3A_51 = tpu.memref_slice %arg3[%dma_wait3A_49, %dma_wait3A_50] : memref<100000x64xf32, #tpu.memory_space<hbm>> -> memref<100000x64xf32, #tpu.memory_space<hbm>>
      tpu.wait_indirect_dma semaphore(%arg15 : memref<!tpu.dma_semaphore, #tpu.memory_space<semaphore_mem>>) src(%dma_wait3A_51 : memref<100000x64xf32, #tpu.memory_space<hbm>>) dst(%arg11 : memref<320x64xf32, #tpu.memory_space<vmem>>)
      %mul3A_52 = arith.constant 320 : i32
      %mul3A_53 = arith.muli %add3A_41, %mul3A_52 : i32
      %add3A_54 = arith.addi %mul3A_2, %mul3A_53 : i32
      %dma_start3A_55 = arith.constant 0 : i32
      %dma_start3A_56 = tpu.memref_slice %arg6[%add3A_54, %dma_start3A_55] : memref<81920x128xf32, #tpu.memory_space<hbm>> -> memref<320x64xf32, #tpu.memory_space<hbm>>
      %dma_start3A_57 = arith.constant 0 : i32
      %dma_start3A_58 = tpu.memref_slice %arg6[%add3A_54, %dma_start3A_57] : memref<81920x128xf32, #tpu.memory_space<hbm>> -> memref<320x64xf32, #tpu.memory_space<hbm>>
      tpu.enqueue_dma source(%arg9 : memref<320x64xf32, #tpu.memory_space<vmem>>) target(%dma_start3A_58 : memref<320x64xf32, #tpu.memory_space<hbm>>) target_semaphore(%arg17 : memref<!tpu.dma_semaphore, #tpu.memory_space<semaphore_mem>>)
      %dma_start3A_59 = arith.constant 64 : i32
      %dma_start3A_60 = tpu.memref_slice %arg6[%add3A_54, %dma_start3A_59] : memref<81920x128xf32, #tpu.memory_space<hbm>> -> memref<320x64xf32, #tpu.memory_space<hbm>>
      %dma_start3A_61 = arith.constant 64 : i32
      %dma_start3A_62 = tpu.memref_slice %arg6[%add3A_54, %dma_start3A_61] : memref<81920x128xf32, #tpu.memory_space<hbm>> -> memref<320x64xf32, #tpu.memory_space<hbm>>
      tpu.enqueue_dma source(%arg11 : memref<320x64xf32, #tpu.memory_space<vmem>>) target(%dma_start3A_62 : memref<320x64xf32, #tpu.memory_space<hbm>>) target_semaphore(%arg19 : memref<!tpu.dma_semaphore, #tpu.memory_space<semaphore_mem>>)
      %add3A_63 = arith.constant 1 : i32
      %add3A_64 = arith.addi %add3A_41, %add3A_63 : i32
      %lt3A = arith.constant 8 : i32
      %lt3A_65 = arith.cmpi slt, %add3A_64, %lt3A : i32
      %convert_element_type3A = arith.extui %lt3A_65 : i1 to i32
      %cond3A = arith.constant 0 : i32
      %cond3A_66 = arith.cmpi ne, %convert_element_type3A, %cond3A : i32
      scf.if %cond3A_66 {
        %ge3A = arith.constant 2 : i32
        %ge3A_97 = arith.cmpi sge, %add3A_64, %ge3A : i32
        %convert_element_type3A_98 = arith.extui %ge3A_97 : i1 to i32
        %cond3A_99 = arith.constant 0 : i32
        %cond3A_100 = arith.cmpi ne, %convert_element_type3A_98, %cond3A_99 : i32
        scf.if %cond3A_100 {
          %sub3A = arith.constant 2 : i32
          %sub3A_111 = arith.subi %add3A_64, %sub3A : i32
          %mul3A_112 = arith.constant 320 : i32
          %mul3A_113 = arith.muli %sub3A_111, %mul3A_112 : i32
          %add3A_114 = arith.addi %mul3A_2, %mul3A_113 : i32
          %dma_wait3A_115 = arith.constant 0 : i32
          %dma_wait3A_116 = tpu.memref_slice %arg6[%add3A_114, %dma_wait3A_115] : memref<81920x128xf32, #tpu.memory_space<hbm>> -> memref<320x64xf32, #tpu.memory_space<hbm>>
          %dma_wait3A_117 = arith.constant 0 : i32
          %dma_wait3A_118 = tpu.memref_slice %arg6[%add3A_114, %dma_wait3A_117] : memref<81920x128xf32, #tpu.memory_space<hbm>> -> memref<320x64xf32, #tpu.memory_space<hbm>>
          tpu.wait_dma2 semaphore(%arg18 : memref<!tpu.dma_semaphore, #tpu.memory_space<semaphore_mem>>) src(%arg10 : memref<320x64xf32, #tpu.memory_space<vmem>>) dst(%dma_wait3A_118 : memref<320x64xf32, #tpu.memory_space<hbm>>)
          %dma_wait3A_119 = arith.constant 64 : i32
          %dma_wait3A_120 = tpu.memref_slice %arg6[%add3A_114, %dma_wait3A_119] : memref<81920x128xf32, #tpu.memory_space<hbm>> -> memref<320x64xf32, #tpu.memory_space<hbm>>
          %dma_wait3A_121 = arith.constant 64 : i32
          %dma_wait3A_122 = tpu.memref_slice %arg6[%add3A_114, %dma_wait3A_121] : memref<81920x128xf32, #tpu.memory_space<hbm>> -> memref<320x64xf32, #tpu.memory_space<hbm>>
          tpu.wait_dma2 semaphore(%arg20 : memref<!tpu.dma_semaphore, #tpu.memory_space<semaphore_mem>>) src(%arg12 : memref<320x64xf32, #tpu.memory_space<vmem>>) dst(%dma_wait3A_122 : memref<320x64xf32, #tpu.memory_space<hbm>>)
        } else {
        }
        %mul3A_101 = arith.constant 320 : i32
        %mul3A_102 = arith.muli %add3A_64, %mul3A_101 : i32
        %dma_start3A_103 = tpu.memref_slice %arg7[%mul3A_102] : memref<2560xi32, #tpu.memory_space<vmem>> -> memref<320xi32, #tpu.memory_space<vmem>>
        %dma_start3A_104 = arith.constant 0 : i32
        %dma_start3A_105 = arith.constant 0 : i32
        %dma_start3A_106 = tpu.memref_slice %arg2[%dma_start3A_104, %dma_start3A_105] : memref<100000x64xf32, #tpu.memory_space<hbm>> -> memref<100000x64xf32, #tpu.memory_space<hbm>>
        tpu.enqueue_indirect_dma source(%dma_start3A_106 : memref<100000x64xf32, #tpu.memory_space<hbm>>) target(%arg10 : memref<320x64xf32, #tpu.memory_space<vmem>>) offsets(%dma_start3A_103 : memref<320xi32, #tpu.memory_space<vmem>>) semaphore(%arg14 : memref<!tpu.dma_semaphore, #tpu.memory_space<semaphore_mem>>)
        %dma_start3A_107 = tpu.memref_slice %arg8[%mul3A_102] : memref<2560xi32, #tpu.memory_space<vmem>> -> memref<320xi32, #tpu.memory_space<vmem>>
        %dma_start3A_108 = arith.constant 0 : i32
        %dma_start3A_109 = arith.constant 0 : i32
        %dma_start3A_110 = tpu.memref_slice %arg3[%dma_start3A_108, %dma_start3A_109] : memref<100000x64xf32, #tpu.memory_space<hbm>> -> memref<100000x64xf32, #tpu.memory_space<hbm>>
        tpu.enqueue_indirect_dma source(%dma_start3A_110 : memref<100000x64xf32, #tpu.memory_space<hbm>>) target(%arg12 : memref<320x64xf32, #tpu.memory_space<vmem>>) offsets(%dma_start3A_107 : memref<320xi32, #tpu.memory_space<vmem>>) semaphore(%arg16 : memref<!tpu.dma_semaphore, #tpu.memory_space<semaphore_mem>>)
      } else {
      }
      %add3A_67 = arith.constant 1 : i32
      %add3A_68 = arith.addi %add3A_39, %add3A_67 : i32
      %mul3A_69 = arith.constant 320 : i32
      %mul3A_70 = arith.muli %add3A_68, %mul3A_69 : i32
      %dma_wait3A_71 = tpu.memref_slice %arg7[%mul3A_70] : memref<2560xi32, #tpu.memory_space<vmem>> -> memref<320xi32, #tpu.memory_space<vmem>>
      %dma_wait3A_72 = arith.constant 0 : i32
      %dma_wait3A_73 = arith.constant 0 : i32
      %dma_wait3A_74 = tpu.memref_slice %arg2[%dma_wait3A_72, %dma_wait3A_73] : memref<100000x64xf32, #tpu.memory_space<hbm>> -> memref<100000x64xf32, #tpu.memory_space<hbm>>
      tpu.wait_indirect_dma semaphore(%arg14 : memref<!tpu.dma_semaphore, #tpu.memory_space<semaphore_mem>>) src(%dma_wait3A_74 : memref<100000x64xf32, #tpu.memory_space<hbm>>) dst(%arg10 : memref<320x64xf32, #tpu.memory_space<vmem>>)
      %dma_wait3A_75 = tpu.memref_slice %arg8[%mul3A_70] : memref<2560xi32, #tpu.memory_space<vmem>> -> memref<320xi32, #tpu.memory_space<vmem>>
      %dma_wait3A_76 = arith.constant 0 : i32
      %dma_wait3A_77 = arith.constant 0 : i32
      %dma_wait3A_78 = tpu.memref_slice %arg3[%dma_wait3A_76, %dma_wait3A_77] : memref<100000x64xf32, #tpu.memory_space<hbm>> -> memref<100000x64xf32, #tpu.memory_space<hbm>>
      tpu.wait_indirect_dma semaphore(%arg16 : memref<!tpu.dma_semaphore, #tpu.memory_space<semaphore_mem>>) src(%dma_wait3A_78 : memref<100000x64xf32, #tpu.memory_space<hbm>>) dst(%arg12 : memref<320x64xf32, #tpu.memory_space<vmem>>)
      %mul3A_79 = arith.constant 320 : i32
      %mul3A_80 = arith.muli %add3A_68, %mul3A_79 : i32
      %add3A_81 = arith.addi %mul3A_2, %mul3A_80 : i32
      %dma_start3A_82 = arith.constant 0 : i32
      %dma_start3A_83 = tpu.memref_slice %arg6[%add3A_81, %dma_start3A_82] : memref<81920x128xf32, #tpu.memory_space<hbm>> -> memref<320x64xf32, #tpu.memory_space<hbm>>
      %dma_start3A_84 = arith.constant 0 : i32
      %dma_start3A_85 = tpu.memref_slice %arg6[%add3A_81, %dma_start3A_84] : memref<81920x128xf32, #tpu.memory_space<hbm>> -> memref<320x64xf32, #tpu.memory_space<hbm>>
      tpu.enqueue_dma source(%arg10 : memref<320x64xf32, #tpu.memory_space<vmem>>) target(%dma_start3A_85 : memref<320x64xf32, #tpu.memory_space<hbm>>) target_semaphore(%arg18 : memref<!tpu.dma_semaphore, #tpu.memory_space<semaphore_mem>>)
      %dma_start3A_86 = arith.constant 64 : i32
      %dma_start3A_87 = tpu.memref_slice %arg6[%add3A_81, %dma_start3A_86] : memref<81920x128xf32, #tpu.memory_space<hbm>> -> memref<320x64xf32, #tpu.memory_space<hbm>>
      %dma_start3A_88 = arith.constant 64 : i32
      %dma_start3A_89 = tpu.memref_slice %arg6[%add3A_81, %dma_start3A_88] : memref<81920x128xf32, #tpu.memory_space<hbm>> -> memref<320x64xf32, #tpu.memory_space<hbm>>
      tpu.enqueue_dma source(%arg12 : memref<320x64xf32, #tpu.memory_space<vmem>>) target(%dma_start3A_89 : memref<320x64xf32, #tpu.memory_space<hbm>>) target_semaphore(%arg20 : memref<!tpu.dma_semaphore, #tpu.memory_space<semaphore_mem>>)
      %add3A_90 = arith.constant 1 : i32
      %add3A_91 = arith.addi %add3A_68, %add3A_90 : i32
      %lt3A_92 = arith.constant 8 : i32
      %lt3A_93 = arith.cmpi slt, %add3A_91, %lt3A_92 : i32
      %convert_element_type3A_94 = arith.extui %lt3A_93 : i1 to i32
      %cond3A_95 = arith.constant 0 : i32
      %cond3A_96 = arith.cmpi ne, %convert_element_type3A_94, %cond3A_95 : i32
      scf.if %cond3A_96 {
        %ge3A = arith.constant 2 : i32
        %ge3A_97 = arith.cmpi sge, %add3A_91, %ge3A : i32
        %convert_element_type3A_98 = arith.extui %ge3A_97 : i1 to i32
        %cond3A_99 = arith.constant 0 : i32
        %cond3A_100 = arith.cmpi ne, %convert_element_type3A_98, %cond3A_99 : i32
        scf.if %cond3A_100 {
          %sub3A = arith.constant 2 : i32
          %sub3A_111 = arith.subi %add3A_91, %sub3A : i32
          %mul3A_112 = arith.constant 320 : i32
          %mul3A_113 = arith.muli %sub3A_111, %mul3A_112 : i32
          %add3A_114 = arith.addi %mul3A_2, %mul3A_113 : i32
          %dma_wait3A_115 = arith.constant 0 : i32
          %dma_wait3A_116 = tpu.memref_slice %arg6[%add3A_114, %dma_wait3A_115] : memref<81920x128xf32, #tpu.memory_space<hbm>> -> memref<320x64xf32, #tpu.memory_space<hbm>>
          %dma_wait3A_117 = arith.constant 0 : i32
          %dma_wait3A_118 = tpu.memref_slice %arg6[%add3A_114, %dma_wait3A_117] : memref<81920x128xf32, #tpu.memory_space<hbm>> -> memref<320x64xf32, #tpu.memory_space<hbm>>
          tpu.wait_dma2 semaphore(%arg17 : memref<!tpu.dma_semaphore, #tpu.memory_space<semaphore_mem>>) src(%arg9 : memref<320x64xf32, #tpu.memory_space<vmem>>) dst(%dma_wait3A_118 : memref<320x64xf32, #tpu.memory_space<hbm>>)
          %dma_wait3A_119 = arith.constant 64 : i32
          %dma_wait3A_120 = tpu.memref_slice %arg6[%add3A_114, %dma_wait3A_119] : memref<81920x128xf32, #tpu.memory_space<hbm>> -> memref<320x64xf32, #tpu.memory_space<hbm>>
          %dma_wait3A_121 = arith.constant 64 : i32
          %dma_wait3A_122 = tpu.memref_slice %arg6[%add3A_114, %dma_wait3A_121] : memref<81920x128xf32, #tpu.memory_space<hbm>> -> memref<320x64xf32, #tpu.memory_space<hbm>>
          tpu.wait_dma2 semaphore(%arg19 : memref<!tpu.dma_semaphore, #tpu.memory_space<semaphore_mem>>) src(%arg11 : memref<320x64xf32, #tpu.memory_space<vmem>>) dst(%dma_wait3A_122 : memref<320x64xf32, #tpu.memory_space<hbm>>)
        } else {
        }
        %mul3A_101 = arith.constant 320 : i32
        %mul3A_102 = arith.muli %add3A_91, %mul3A_101 : i32
        %dma_start3A_103 = tpu.memref_slice %arg7[%mul3A_102] : memref<2560xi32, #tpu.memory_space<vmem>> -> memref<320xi32, #tpu.memory_space<vmem>>
        %dma_start3A_104 = arith.constant 0 : i32
        %dma_start3A_105 = arith.constant 0 : i32
        %dma_start3A_106 = tpu.memref_slice %arg2[%dma_start3A_104, %dma_start3A_105] : memref<100000x64xf32, #tpu.memory_space<hbm>> -> memref<100000x64xf32, #tpu.memory_space<hbm>>
        tpu.enqueue_indirect_dma source(%dma_start3A_106 : memref<100000x64xf32, #tpu.memory_space<hbm>>) target(%arg9 : memref<320x64xf32, #tpu.memory_space<vmem>>) offsets(%dma_start3A_103 : memref<320xi32, #tpu.memory_space<vmem>>) semaphore(%arg13 : memref<!tpu.dma_semaphore, #tpu.memory_space<semaphore_mem>>)
        %dma_start3A_107 = tpu.memref_slice %arg8[%mul3A_102] : memref<2560xi32, #tpu.memory_space<vmem>> -> memref<320xi32, #tpu.memory_space<vmem>>
        %dma_start3A_108 = arith.constant 0 : i32
        %dma_start3A_109 = arith.constant 0 : i32
        %dma_start3A_110 = tpu.memref_slice %arg3[%dma_start3A_108, %dma_start3A_109] : memref<100000x64xf32, #tpu.memory_space<hbm>> -> memref<100000x64xf32, #tpu.memory_space<hbm>>
        tpu.enqueue_indirect_dma source(%dma_start3A_110 : memref<100000x64xf32, #tpu.memory_space<hbm>>) target(%arg11 : memref<320x64xf32, #tpu.memory_space<vmem>>) offsets(%dma_start3A_107 : memref<320xi32, #tpu.memory_space<vmem>>) semaphore(%arg15 : memref<!tpu.dma_semaphore, #tpu.memory_space<semaphore_mem>>)
      } else {
      }
    }
    %scan3A_15 = arith.constant 4 : i32
    %add3A_16 = arith.constant 1920 : i32
    %add3A_17 = arith.addi %mul3A_2, %add3A_16 : i32
    %dma_wait3A = arith.constant 0 : i32
    %dma_wait3A_18 = tpu.memref_slice %arg6[%add3A_17, %dma_wait3A] : memref<81920x128xf32, #tpu.memory_space<hbm>> -> memref<320x64xf32, #tpu.memory_space<hbm>>
    %dma_wait3A_19 = arith.constant 0 : i32
    %dma_wait3A_20 = tpu.memref_slice %arg6[%add3A_17, %dma_wait3A_19] : memref<81920x128xf32, #tpu.memory_space<hbm>> -> memref<320x64xf32, #tpu.memory_space<hbm>>
    tpu.wait_dma2 semaphore(%arg17 : memref<!tpu.dma_semaphore, #tpu.memory_space<semaphore_mem>>) src(%arg9 : memref<320x64xf32, #tpu.memory_space<vmem>>) dst(%dma_wait3A_20 : memref<320x64xf32, #tpu.memory_space<hbm>>)
    %dma_wait3A_21 = arith.constant 64 : i32
    %dma_wait3A_22 = tpu.memref_slice %arg6[%add3A_17, %dma_wait3A_21] : memref<81920x128xf32, #tpu.memory_space<hbm>> -> memref<320x64xf32, #tpu.memory_space<hbm>>
    %dma_wait3A_23 = arith.constant 64 : i32
    %dma_wait3A_24 = tpu.memref_slice %arg6[%add3A_17, %dma_wait3A_23] : memref<81920x128xf32, #tpu.memory_space<hbm>> -> memref<320x64xf32, #tpu.memory_space<hbm>>
    tpu.wait_dma2 semaphore(%arg19 : memref<!tpu.dma_semaphore, #tpu.memory_space<semaphore_mem>>) src(%arg11 : memref<320x64xf32, #tpu.memory_space<vmem>>) dst(%dma_wait3A_24 : memref<320x64xf32, #tpu.memory_space<hbm>>)
    %add3A_25 = arith.constant 2240 : i32
    %add3A_26 = arith.addi %mul3A_2, %add3A_25 : i32
    %dma_wait3A_27 = arith.constant 0 : i32
    %dma_wait3A_28 = tpu.memref_slice %arg6[%add3A_26, %dma_wait3A_27] : memref<81920x128xf32, #tpu.memory_space<hbm>> -> memref<320x64xf32, #tpu.memory_space<hbm>>
    %dma_wait3A_29 = arith.constant 0 : i32
    %dma_wait3A_30 = tpu.memref_slice %arg6[%add3A_26, %dma_wait3A_29] : memref<81920x128xf32, #tpu.memory_space<hbm>> -> memref<320x64xf32, #tpu.memory_space<hbm>>
    tpu.wait_dma2 semaphore(%arg18 : memref<!tpu.dma_semaphore, #tpu.memory_space<semaphore_mem>>) src(%arg10 : memref<320x64xf32, #tpu.memory_space<vmem>>) dst(%dma_wait3A_30 : memref<320x64xf32, #tpu.memory_space<hbm>>)
    %dma_wait3A_31 = arith.constant 64 : i32
    %dma_wait3A_32 = tpu.memref_slice %arg6[%add3A_26, %dma_wait3A_31] : memref<81920x128xf32, #tpu.memory_space<hbm>> -> memref<320x64xf32, #tpu.memory_space<hbm>>
    %dma_wait3A_33 = arith.constant 64 : i32
    %dma_wait3A_34 = tpu.memref_slice %arg6[%add3A_26, %dma_wait3A_33] : memref<81920x128xf32, #tpu.memory_space<hbm>> -> memref<320x64xf32, #tpu.memory_space<hbm>>
    tpu.wait_dma2 semaphore(%arg20 : memref<!tpu.dma_semaphore, #tpu.memory_space<semaphore_mem>>) src(%arg12 : memref<320x64xf32, #tpu.memory_space<vmem>>) dst(%dma_wait3A_34 : memref<320x64xf32, #tpu.memory_space<hbm>>)
    return
  }
}

#map = affine_map<(d0, d1) -> (0, 0)>
#map1 = affine_map<(d0, d1) -> (0)>
module attributes {stable_mosaic.version = 14 : i64} {
  func.func @k(%arg0: i32, %arg1: i32, %arg2: memref<100000x64xf32, #tpu.memory_space<hbm>>, %arg3: memref<100000x64xf32, #tpu.memory_space<hbm>>, %arg4: memref<81920xi32, #tpu.memory_space<hbm>>, %arg5: memref<81920xi32, #tpu.memory_space<hbm>>, %arg6: memref<81920x128xf32, #tpu.memory_space<hbm>>, %arg7: memref<2560xi32, #tpu.memory_space<vmem>>, %arg8: memref<2560xi32, #tpu.memory_space<vmem>>, %arg9: memref<320x64xf32, #tpu.memory_space<vmem>>, %arg10: memref<320x64xf32, #tpu.memory_space<vmem>>, %arg11: memref<320x64xf32, #tpu.memory_space<vmem>>, %arg12: memref<320x64xf32, #tpu.memory_space<vmem>>, %arg13: memref<!tpu.dma_semaphore, #tpu.memory_space<semaphore_mem>>, %arg14: memref<!tpu.dma_semaphore, #tpu.memory_space<semaphore_mem>>, %arg15: memref<!tpu.dma_semaphore, #tpu.memory_space<semaphore_mem>>, %arg16: memref<!tpu.dma_semaphore, #tpu.memory_space<semaphore_mem>>, %arg17: memref<!tpu.dma_semaphore, #tpu.memory_space<semaphore_mem>>, %arg18: memref<!tpu.dma_semaphore, #tpu.memory_space<semaphore_mem>>, %arg19: memref<!tpu.dma_semaphore, #tpu.memory_space<semaphore_mem>>, %arg20: memref<!tpu.dma_semaphore, #tpu.memory_space<semaphore_mem>>) attributes {dimension_semantics = [#tpu.dimension_semantics<core_parallel>, #tpu.dimension_semantics<subcore_parallel>], iteration_bounds = array<i64: 2, 16>, scalar_prefetch = 0 : i64, scratch_operands = 14 : i64, tpu.core_type = #tpu.core_type<sc_vector_subcore>, window_params = [{transform_indices = #map}, {transform_indices = #map}, {transform_indices = #map1}, {transform_indices = #map1}, {transform_indices = #map}]} {
    %mul3A = arith.constant 2 : i32
    %mul3A_0 = arith.muli %arg1, %mul3A : i32
    %add3A = arith.addi %mul3A_0, %arg0 : i32
    %mul3A_1 = arith.constant 2560 : i32
    %mul3A_2 = arith.muli %add3A, %mul3A_1 : i32
    "tpu.region"() ({
      %run_scoped3A = tpu.sem_alloc : memref<!tpu.dma_semaphore, #tpu.memory_space<semaphore_mem>>
      %dma_start3A_35 = tpu.memref_slice %arg4[%mul3A_2] : memref<81920xi32, #tpu.memory_space<hbm>> -> memref<2560xi32, #tpu.memory_space<hbm>>
      %dma_start3A_36 = tpu.memref_slice %arg4[%mul3A_2] : memref<81920xi32, #tpu.memory_space<hbm>> -> memref<2560xi32, #tpu.memory_space<hbm>>
      tpu.enqueue_dma source(%dma_start3A_36 : memref<2560xi32, #tpu.memory_space<hbm>>) target(%arg7 : memref<2560xi32, #tpu.memory_space<vmem>>) target_semaphore(%run_scoped3A : memref<!tpu.dma_semaphore, #tpu.memory_space<semaphore_mem>>)
      %dma_wait3A_37 = tpu.memref_slice %arg4[%mul3A_2] : memref<81920xi32, #tpu.memory_space<hbm>> -> memref<2560xi32, #tpu.memory_space<hbm>>
      %dma_wait3A_38 = tpu.memref_slice %arg4[%mul3A_2] : memref<81920xi32, #tpu.memory_space<hbm>> -> memref<2560xi32, #tpu.memory_space<hbm>>
      tpu.wait_dma2 semaphore(%run_scoped3A : memref<!tpu.dma_semaphore, #tpu.memory_space<semaphore_mem>>) src(%dma_wait3A_38 : memref<2560xi32, #tpu.memory_space<hbm>>) dst(%arg7 : memref<2560xi32, #tpu.memory_space<vmem>>)
      tpu.yield
    }) : () -> ()
    "tpu.region"() ({
      %run_scoped3A = tpu.sem_alloc : memref<!tpu.dma_semaphore, #tpu.memory_space<semaphore_mem>>
      %dma_start3A_35 = tpu.memref_slice %arg5[%mul3A_2] : memref<81920xi32, #tpu.memory_space<hbm>> -> memref<2560xi32, #tpu.memory_space<hbm>>
      %dma_start3A_36 = tpu.memref_slice %arg5[%mul3A_2] : memref<81920xi32, #tpu.memory_space<hbm>> -> memref<2560xi32, #tpu.memory_space<hbm>>
      tpu.enqueue_dma source(%dma_start3A_36 : memref<2560xi32, #tpu.memory_space<hbm>>) target(%arg8 : memref<2560xi32, #tpu.memory_space<vmem>>) target_semaphore(%run_scoped3A : memref<!tpu.dma_semaphore, #tpu.memory_space<semaphore_mem>>)
      %dma_wait3A_37 = tpu.memref_slice %arg5[%mul3A_2] : memref<81920xi32, #tpu.memory_space<hbm>> -> memref<2560xi32, #tpu.memory_space<hbm>>
      %dma_wait3A_38 = tpu.memref_slice %arg5[%mul3A_2] : memref<81920xi32, #tpu.memory_space<hbm>> -> memref<2560xi32, #tpu.memory_space<hbm>>
      tpu.wait_dma2 semaphore(%run_scoped3A : memref<!tpu.dma_semaphore, #tpu.memory_space<semaphore_mem>>) src(%dma_wait3A_38 : memref<2560xi32, #tpu.memory_space<hbm>>) dst(%arg8 : memref<2560xi32, #tpu.memory_space<vmem>>)
      tpu.yield
    }) : () -> ()
    %dma_start3A = arith.constant 0 : i32
    %dma_start3A_3 = tpu.memref_slice %arg7[%dma_start3A] : memref<2560xi32, #tpu.memory_space<vmem>> -> memref<320xi32, #tpu.memory_space<vmem>>
    %dma_start3A_4 = arith.constant 0 : i32
    %dma_start3A_5 = arith.constant 0 : i32
    %dma_start3A_6 = tpu.memref_slice %arg2[%dma_start3A_4, %dma_start3A_5] : memref<100000x64xf32, #tpu.memory_space<hbm>> -> memref<100000x64xf32, #tpu.memory_space<hbm>>
    tpu.enqueue_indirect_dma source(%dma_start3A_6 : memref<100000x64xf32, #tpu.memory_space<hbm>>) target(%arg9 : memref<320x64xf32, #tpu.memory_space<vmem>>) offsets(%dma_start3A_3 : memref<320xi32, #tpu.memory_space<vmem>>) semaphore(%arg13 : memref<!tpu.dma_semaphore, #tpu.memory_space<semaphore_mem>>)
    %dma_start3A_7 = arith.constant 0 : i32
    %dma_start3A_8 = tpu.memref_slice %arg8[%dma_start3A_7] : memref<2560xi32, #tpu.memory_space<vmem>> -> memref<320xi32, #tpu.memory_space<vmem>>
    %dma_start3A_9 = arith.constant 0 : i32
    %dma_start3A_10 = arith.constant 0 : i32
    %dma_start3A_11 = tpu.memref_slice %arg3[%dma_start3A_9, %dma_start3A_10] : memref<100000x64xf32, #tpu.memory_space<hbm>> -> memref<100000x64xf32, #tpu.memory_space<hbm>>
    tpu.enqueue_indirect_dma source(%dma_start3A_11 : memref<100000x64xf32, #tpu.memory_space<hbm>>) target(%arg11 : memref<320x64xf32, #tpu.memory_space<vmem>>) offsets(%dma_start3A_8 : memref<320xi32, #tpu.memory_space<vmem>>) semaphore(%arg15 : memref<!tpu.dma_semaphore, #tpu.memory_space<semaphore_mem>>)
    %scan3A = arith.constant 0 : i32
    %scan3A_12 = arith.constant 4 : i32
    %scan3A_13 = arith.addi %scan3A, %scan3A_12 : i32
    %scan3A_14 = arith.constant 1 : i32
    scf.for %scan3A_35 = %scan3A to %scan3A_13 step %scan3A_14  : i32 {
      %mul3A_36 = arith.constant 2 : i32
      %mul3A_37 = arith.muli %scan3A_35, %mul3A_36 : i32
      %add3A_38 = arith.constant 0 : i32
      %add3A_39 = arith.addi %add3A_38, %mul3A_37 : i32
      %add3A_40 = arith.constant 0 : i32
      %add3A_41 = arith.addi %add3A_39, %add3A_40 : i32
      %mul3A_42 = arith.constant 320 : i32
      %mul3A_43 = arith.muli %add3A_41, %mul3A_42 : i32
      %dma_wait3A_44 = tpu.memref_slice %arg7[%mul3A_43] : memref<2560xi32, #tpu.memory_space<vmem>> -> memref<320xi32, #tpu.memory_space<vmem>>
      %dma_wait3A_45 = arith.constant 0 : i32
      %dma_wait3A_46 = arith.constant 0 : i32
      %dma_wait3A_47 = tpu.memref_slice %arg2[%dma_wait3A_45, %dma_wait3A_46] : memref<100000x64xf32, #tpu.memory_space<hbm>> -> memref<100000x64xf32, #tpu.memory_space<hbm>>
      tpu.wait_indirect_dma semaphore(%arg13 : memref<!tpu.dma_semaphore, #tpu.memory_space<semaphore_mem>>) src(%dma_wait3A_47 : memref<100000x64xf32, #tpu.memory_space<hbm>>) dst(%arg9 : memref<320x64xf32, #tpu.memory_space<vmem>>)
      %dma_wait3A_48 = tpu.memref_slice %arg8[%mul3A_43] : memref<2560xi32, #tpu.memory_space<vmem>> -> memref<320xi32, #tpu.memory_space<vmem>>
      %dma_wait3A_49 = arith.constant 0 : i32
      %dma_wait3A_50 = arith.constant 0 : i32
      %dma_wait3A_51 = tpu.memref_slice %arg3[%dma_wait3A_49, %dma_wait3A_50] : memref<100000x64xf32, #tpu.memory_space<hbm>> -> memref<100000x64xf32, #tpu.memory_space<hbm>>
      tpu.wait_indirect_dma semaphore(%arg15 : memref<!tpu.dma_semaphore, #tpu.memory_space<semaphore_mem>>) src(%dma_wait3A_51 : memref<100000x64xf32, #tpu.memory_space<hbm>>) dst(%arg11 : memref<320x64xf32, #tpu.memory_space<vmem>>)
      %mul3A_52 = arith.constant 320 : i32
      %mul3A_53 = arith.muli %add3A_41, %mul3A_52 : i32
      %add3A_54 = arith.addi %mul3A_2, %mul3A_53 : i32
      %dma_start3A_55 = arith.constant 0 : i32
      %dma_start3A_56 = tpu.memref_slice %arg6[%add3A_54, %dma_start3A_55] : memref<81920x128xf32, #tpu.memory_space<hbm>> -> memref<320x64xf32, #tpu.memory_space<hbm>>
      %dma_start3A_57 = arith.constant 0 : i32
      %dma_start3A_58 = tpu.memref_slice %arg6[%add3A_54, %dma_start3A_57] : memref<81920x128xf32, #tpu.memory_space<hbm>> -> memref<320x64xf32, #tpu.memory_space<hbm>>
      tpu.enqueue_dma source(%arg9 : memref<320x64xf32, #tpu.memory_space<vmem>>) target(%dma_start3A_58 : memref<320x64xf32, #tpu.memory_space<hbm>>) target_semaphore(%arg17 : memref<!tpu.dma_semaphore, #tpu.memory_space<semaphore_mem>>)
      %dma_start3A_59 = arith.constant 64 : i32
      %dma_start3A_60 = tpu.memref_slice %arg6[%add3A_54, %dma_start3A_59] : memref<81920x128xf32, #tpu.memory_space<hbm>> -> memref<320x64xf32, #tpu.memory_space<hbm>>
      %dma_start3A_61 = arith.constant 64 : i32
      %dma_start3A_62 = tpu.memref_slice %arg6[%add3A_54, %dma_start3A_61] : memref<81920x128xf32, #tpu.memory_space<hbm>> -> memref<320x64xf32, #tpu.memory_space<hbm>>
      tpu.enqueue_dma source(%arg11 : memref<320x64xf32, #tpu.memory_space<vmem>>) target(%dma_start3A_62 : memref<320x64xf32, #tpu.memory_space<hbm>>) target_semaphore(%arg19 : memref<!tpu.dma_semaphore, #tpu.memory_space<semaphore_mem>>)
      %add3A_63 = arith.constant 1 : i32
      %add3A_64 = arith.addi %add3A_41, %add3A_63 : i32
      %lt3A = arith.constant 8 : i32
      %lt3A_65 = arith.cmpi slt, %add3A_64, %lt3A : i32
      %convert_element_type3A = arith.extui %lt3A_65 : i1 to i32
      %cond3A = arith.constant 0 : i32
      %cond3A_66 = arith.cmpi ne, %convert_element_type3A, %cond3A : i32
      scf.if %cond3A_66 {
        %ge3A = arith.constant 2 : i32
        %ge3A_97 = arith.cmpi sge, %add3A_64, %ge3A : i32
        %convert_element_type3A_98 = arith.extui %ge3A_97 : i1 to i32
        %cond3A_99 = arith.constant 0 : i32
        %cond3A_100 = arith.cmpi ne, %convert_element_type3A_98, %cond3A_99 : i32
        scf.if %cond3A_100 {
          %sub3A = arith.constant 2 : i32
          %sub3A_111 = arith.subi %add3A_64, %sub3A : i32
          %mul3A_112 = arith.constant 320 : i32
          %mul3A_113 = arith.muli %sub3A_111, %mul3A_112 : i32
          %add3A_114 = arith.addi %mul3A_2, %mul3A_113 : i32
          %dma_wait3A_115 = arith.constant 0 : i32
          %dma_wait3A_116 = tpu.memref_slice %arg6[%add3A_114, %dma_wait3A_115] : memref<81920x128xf32, #tpu.memory_space<hbm>> -> memref<320x64xf32, #tpu.memory_space<hbm>>
          %dma_wait3A_117 = arith.constant 0 : i32
          %dma_wait3A_118 = tpu.memref_slice %arg6[%add3A_114, %dma_wait3A_117] : memref<81920x128xf32, #tpu.memory_space<hbm>> -> memref<320x64xf32, #tpu.memory_space<hbm>>
          tpu.wait_dma2 semaphore(%arg18 : memref<!tpu.dma_semaphore, #tpu.memory_space<semaphore_mem>>) src(%arg10 : memref<320x64xf32, #tpu.memory_space<vmem>>) dst(%dma_wait3A_118 : memref<320x64xf32, #tpu.memory_space<hbm>>)
          %dma_wait3A_119 = arith.constant 64 : i32
          %dma_wait3A_120 = tpu.memref_slice %arg6[%add3A_114, %dma_wait3A_119] : memref<81920x128xf32, #tpu.memory_space<hbm>> -> memref<320x64xf32, #tpu.memory_space<hbm>>
          %dma_wait3A_121 = arith.constant 64 : i32
          %dma_wait3A_122 = tpu.memref_slice %arg6[%add3A_114, %dma_wait3A_121] : memref<81920x128xf32, #tpu.memory_space<hbm>> -> memref<320x64xf32, #tpu.memory_space<hbm>>
          tpu.wait_dma2 semaphore(%arg20 : memref<!tpu.dma_semaphore, #tpu.memory_space<semaphore_mem>>) src(%arg12 : memref<320x64xf32, #tpu.memory_space<vmem>>) dst(%dma_wait3A_122 : memref<320x64xf32, #tpu.memory_space<hbm>>)
        } else {
        }
        %mul3A_101 = arith.constant 320 : i32
        %mul3A_102 = arith.muli %add3A_64, %mul3A_101 : i32
        %dma_start3A_103 = tpu.memref_slice %arg7[%mul3A_102] : memref<2560xi32, #tpu.memory_space<vmem>> -> memref<320xi32, #tpu.memory_space<vmem>>
        %dma_start3A_104 = arith.constant 0 : i32
        %dma_start3A_105 = arith.constant 0 : i32
        %dma_start3A_106 = tpu.memref_slice %arg2[%dma_start3A_104, %dma_start3A_105] : memref<100000x64xf32, #tpu.memory_space<hbm>> -> memref<100000x64xf32, #tpu.memory_space<hbm>>
        tpu.enqueue_indirect_dma source(%dma_start3A_106 : memref<100000x64xf32, #tpu.memory_space<hbm>>) target(%arg10 : memref<320x64xf32, #tpu.memory_space<vmem>>) offsets(%dma_start3A_103 : memref<320xi32, #tpu.memory_space<vmem>>) semaphore(%arg14 : memref<!tpu.dma_semaphore, #tpu.memory_space<semaphore_mem>>)
        %dma_start3A_107 = tpu.memref_slice %arg8[%mul3A_102] : memref<2560xi32, #tpu.memory_space<vmem>> -> memref<320xi32, #tpu.memory_space<vmem>>
        %dma_start3A_108 = arith.constant 0 : i32
        %dma_start3A_109 = arith.constant 0 : i32
        %dma_start3A_110 = tpu.memref_slice %arg3[%dma_start3A_108, %dma_start3A_109] : memref<100000x64xf32, #tpu.memory_space<hbm>> -> memref<100000x64xf32, #tpu.memory_space<hbm>>
        tpu.enqueue_indirect_dma source(%dma_start3A_110 : memref<100000x64xf32, #tpu.memory_space<hbm>>) target(%arg12 : memref<320x64xf32, #tpu.memory_space<vmem>>) offsets(%dma_start3A_107 : memref<320xi32, #tpu.memory_space<vmem>>) semaphore(%arg16 : memref<!tpu.dma_semaphore, #tpu.memory_space<semaphore_mem>>)
      } else {
      }
      %add3A_67 = arith.constant 1 : i32
      %add3A_68 = arith.addi %add3A_39, %add3A_67 : i32
      %mul3A_69 = arith.constant 320 : i32
      %mul3A_70 = arith.muli %add3A_68, %mul3A_69 : i32
      %dma_wait3A_71 = tpu.memref_slice %arg7[%mul3A_70] : memref<2560xi32, #tpu.memory_space<vmem>> -> memref<320xi32, #tpu.memory_space<vmem>>
      %dma_wait3A_72 = arith.constant 0 : i32
      %dma_wait3A_73 = arith.constant 0 : i32
      %dma_wait3A_74 = tpu.memref_slice %arg2[%dma_wait3A_72, %dma_wait3A_73] : memref<100000x64xf32, #tpu.memory_space<hbm>> -> memref<100000x64xf32, #tpu.memory_space<hbm>>
      tpu.wait_indirect_dma semaphore(%arg14 : memref<!tpu.dma_semaphore, #tpu.memory_space<semaphore_mem>>) src(%dma_wait3A_74 : memref<100000x64xf32, #tpu.memory_space<hbm>>) dst(%arg10 : memref<320x64xf32, #tpu.memory_space<vmem>>)
      %dma_wait3A_75 = tpu.memref_slice %arg8[%mul3A_70] : memref<2560xi32, #tpu.memory_space<vmem>> -> memref<320xi32, #tpu.memory_space<vmem>>
      %dma_wait3A_76 = arith.constant 0 : i32
      %dma_wait3A_77 = arith.constant 0 : i32
      %dma_wait3A_78 = tpu.memref_slice %arg3[%dma_wait3A_76, %dma_wait3A_77] : memref<100000x64xf32, #tpu.memory_space<hbm>> -> memref<100000x64xf32, #tpu.memory_space<hbm>>
      tpu.wait_indirect_dma semaphore(%arg16 : memref<!tpu.dma_semaphore, #tpu.memory_space<semaphore_mem>>) src(%dma_wait3A_78 : memref<100000x64xf32, #tpu.memory_space<hbm>>) dst(%arg12 : memref<320x64xf32, #tpu.memory_space<vmem>>)
      %mul3A_79 = arith.constant 320 : i32
      %mul3A_80 = arith.muli %add3A_68, %mul3A_79 : i32
      %add3A_81 = arith.addi %mul3A_2, %mul3A_80 : i32
      %dma_start3A_82 = arith.constant 0 : i32
      %dma_start3A_83 = tpu.memref_slice %arg6[%add3A_81, %dma_start3A_82] : memref<81920x128xf32, #tpu.memory_space<hbm>> -> memref<320x64xf32, #tpu.memory_space<hbm>>
      %dma_start3A_84 = arith.constant 0 : i32
      %dma_start3A_85 = tpu.memref_slice %arg6[%add3A_81, %dma_start3A_84] : memref<81920x128xf32, #tpu.memory_space<hbm>> -> memref<320x64xf32, #tpu.memory_space<hbm>>
      tpu.enqueue_dma source(%arg10 : memref<320x64xf32, #tpu.memory_space<vmem>>) target(%dma_start3A_85 : memref<320x64xf32, #tpu.memory_space<hbm>>) target_semaphore(%arg18 : memref<!tpu.dma_semaphore, #tpu.memory_space<semaphore_mem>>)
      %dma_start3A_86 = arith.constant 64 : i32
      %dma_start3A_87 = tpu.memref_slice %arg6[%add3A_81, %dma_start3A_86] : memref<81920x128xf32, #tpu.memory_space<hbm>> -> memref<320x64xf32, #tpu.memory_space<hbm>>
      %dma_start3A_88 = arith.constant 64 : i32
      %dma_start3A_89 = tpu.memref_slice %arg6[%add3A_81, %dma_start3A_88] : memref<81920x128xf32, #tpu.memory_space<hbm>> -> memref<320x64xf32, #tpu.memory_space<hbm>>
      tpu.enqueue_dma source(%arg12 : memref<320x64xf32, #tpu.memory_space<vmem>>) target(%dma_start3A_89 : memref<320x64xf32, #tpu.memory_space<hbm>>) target_semaphore(%arg20 : memref<!tpu.dma_semaphore, #tpu.memory_space<semaphore_mem>>)
      %add3A_90 = arith.constant 1 : i32
      %add3A_91 = arith.addi %add3A_68, %add3A_90 : i32
      %lt3A_92 = arith.constant 8 : i32
      %lt3A_93 = arith.cmpi slt, %add3A_91, %lt3A_92 : i32
      %convert_element_type3A_94 = arith.extui %lt3A_93 : i1 to i32
      %cond3A_95 = arith.constant 0 : i32
      %cond3A_96 = arith.cmpi ne, %convert_element_type3A_94, %cond3A_95 : i32
      scf.if %cond3A_96 {
        %ge3A = arith.constant 2 : i32
        %ge3A_97 = arith.cmpi sge, %add3A_91, %ge3A : i32
        %convert_element_type3A_98 = arith.extui %ge3A_97 : i1 to i32
        %cond3A_99 = arith.constant 0 : i32
        %cond3A_100 = arith.cmpi ne, %convert_element_type3A_98, %cond3A_99 : i32
        scf.if %cond3A_100 {
          %sub3A = arith.constant 2 : i32
          %sub3A_111 = arith.subi %add3A_91, %sub3A : i32
          %mul3A_112 = arith.constant 320 : i32
          %mul3A_113 = arith.muli %sub3A_111, %mul3A_112 : i32
          %add3A_114 = arith.addi %mul3A_2, %mul3A_113 : i32
          %dma_wait3A_115 = arith.constant 0 : i32
          %dma_wait3A_116 = tpu.memref_slice %arg6[%add3A_114, %dma_wait3A_115] : memref<81920x128xf32, #tpu.memory_space<hbm>> -> memref<320x64xf32, #tpu.memory_space<hbm>>
          %dma_wait3A_117 = arith.constant 0 : i32
          %dma_wait3A_118 = tpu.memref_slice %arg6[%add3A_114, %dma_wait3A_117] : memref<81920x128xf32, #tpu.memory_space<hbm>> -> memref<320x64xf32, #tpu.memory_space<hbm>>
          tpu.wait_dma2 semaphore(%arg17 : memref<!tpu.dma_semaphore, #tpu.memory_space<semaphore_mem>>) src(%arg9 : memref<320x64xf32, #tpu.memory_space<vmem>>) dst(%dma_wait3A_118 : memref<320x64xf32, #tpu.memory_space<hbm>>)
          %dma_wait3A_119 = arith.constant 64 : i32
          %dma_wait3A_120 = tpu.memref_slice %arg6[%add3A_114, %dma_wait3A_119] : memref<81920x128xf32, #tpu.memory_space<hbm>> -> memref<320x64xf32, #tpu.memory_space<hbm>>
          %dma_wait3A_121 = arith.constant 64 : i32
          %dma_wait3A_122 = tpu.memref_slice %arg6[%add3A_114, %dma_wait3A_121] : memref<81920x128xf32, #tpu.memory_space<hbm>> -> memref<320x64xf32, #tpu.memory_space<hbm>>
          tpu.wait_dma2 semaphore(%arg19 : memref<!tpu.dma_semaphore, #tpu.memory_space<semaphore_mem>>) src(%arg11 : memref<320x64xf32, #tpu.memory_space<vmem>>) dst(%dma_wait3A_122 : memref<320x64xf32, #tpu.memory_space<hbm>>)
        } else {
        }
        %mul3A_101 = arith.constant 320 : i32
        %mul3A_102 = arith.muli %add3A_91, %mul3A_101 : i32
        %dma_start3A_103 = tpu.memref_slice %arg7[%mul3A_102] : memref<2560xi32, #tpu.memory_space<vmem>> -> memref<320xi32, #tpu.memory_space<vmem>>
        %dma_start3A_104 = arith.constant 0 : i32
        %dma_start3A_105 = arith.constant 0 : i32
        %dma_start3A_106 = tpu.memref_slice %arg2[%dma_start3A_104, %dma_start3A_105] : memref<100000x64xf32, #tpu.memory_space<hbm>> -> memref<100000x64xf32, #tpu.memory_space<hbm>>
        tpu.enqueue_indirect_dma source(%dma_start3A_106 : memref<100000x64xf32, #tpu.memory_space<hbm>>) target(%arg9 : memref<320x64xf32, #tpu.memory_space<vmem>>) offsets(%dma_start3A_103 : memref<320xi32, #tpu.memory_space<vmem>>) semaphore(%arg13 : memref<!tpu.dma_semaphore, #tpu.memory_space<semaphore_mem>>)
        %dma_start3A_107 = tpu.memref_slice %arg8[%mul3A_102] : memref<2560xi32, #tpu.memory_space<vmem>> -> memref<320xi32, #tpu.memory_space<vmem>>
        %dma_start3A_108 = arith.constant 0 : i32
        %dma_start3A_109 = arith.constant 0 : i32
        %dma_start3A_110 = tpu.memref_slice %arg3[%dma_start3A_108, %dma_start3A_109] : memref<100000x64xf32, #tpu.memory_space<hbm>> -> memref<100000x64xf32, #tpu.memory_space<hbm>>
        tpu.enqueue_indirect_dma source(%dma_start3A_110 : memref<100000x64xf32, #tpu.memory_space<hbm>>) target(%arg11 : memref<320x64xf32, #tpu.memory_space<vmem>>) offsets(%dma_start3A_107 : memref<320xi32, #tpu.memory_space<vmem>>) semaphore(%arg15 : memref<!tpu.dma_semaphore, #tpu.memory_space<semaphore_mem>>)
      } else {
      }
    }
    %scan3A_15 = arith.constant 4 : i32
    %add3A_16 = arith.constant 1920 : i32
    %add3A_17 = arith.addi %mul3A_2, %add3A_16 : i32
    %dma_wait3A = arith.constant 0 : i32
    %dma_wait3A_18 = tpu.memref_slice %arg6[%add3A_17, %dma_wait3A] : memref<81920x128xf32, #tpu.memory_space<hbm>> -> memref<320x64xf32, #tpu.memory_space<hbm>>
    %dma_wait3A_19 = arith.constant 0 : i32
    %dma_wait3A_20 = tpu.memref_slice %arg6[%add3A_17, %dma_wait3A_19] : memref<81920x128xf32, #tpu.memory_space<hbm>> -> memref<320x64xf32, #tpu.memory_space<hbm>>
    tpu.wait_dma2 semaphore(%arg17 : memref<!tpu.dma_semaphore, #tpu.memory_space<semaphore_mem>>) src(%arg9 : memref<320x64xf32, #tpu.memory_space<vmem>>) dst(%dma_wait3A_20 : memref<320x64xf32, #tpu.memory_space<hbm>>)
    %dma_wait3A_21 = arith.constant 64 : i32
    %dma_wait3A_22 = tpu.memref_slice %arg6[%add3A_17, %dma_wait3A_21] : memref<81920x128xf32, #tpu.memory_space<hbm>> -> memref<320x64xf32, #tpu.memory_space<hbm>>
    %dma_wait3A_23 = arith.constant 64 : i32
    %dma_wait3A_24 = tpu.memref_slice %arg6[%add3A_17, %dma_wait3A_23] : memref<81920x128xf32, #tpu.memory_space<hbm>> -> memref<320x64xf32, #tpu.memory_space<hbm>>
    tpu.wait_dma2 semaphore(%arg19 : memref<!tpu.dma_semaphore, #tpu.memory_space<semaphore_mem>>) src(%arg11 : memref<320x64xf32, #tpu.memory_space<vmem>>) dst(%dma_wait3A_24 : memref<320x64xf32, #tpu.memory_space<hbm>>)
    %add3A_25 = arith.constant 2240 : i32
    %add3A_26 = arith.addi %mul3A_2, %add3A_25 : i32
    %dma_wait3A_27 = arith.constant 0 : i32
    %dma_wait3A_28 = tpu.memref_slice %arg6[%add3A_26, %dma_wait3A_27] : memref<81920x128xf32, #tpu.memory_space<hbm>> -> memref<320x64xf32, #tpu.memory_space<hbm>>
    %dma_wait3A_29 = arith.constant 0 : i32
    %dma_wait3A_30 = tpu.memref_slice %arg6[%add3A_26, %dma_wait3A_29] : memref<81920x128xf32, #tpu.memory_space<hbm>> -> memref<320x64xf32, #tpu.memory_space<hbm>>
    tpu.wait_dma2 semaphore(%arg18 : memref<!tpu.dma_semaphore, #tpu.memory_space<semaphore_mem>>) src(%arg10 : memref<320x64xf32, #tpu.memory_space<vmem>>) dst(%dma_wait3A_30 : memref<320x64xf32, #tpu.memory_space<hbm>>)
    %dma_wait3A_31 = arith.constant 64 : i32
    %dma_wait3A_32 = tpu.memref_slice %arg6[%add3A_26, %dma_wait3A_31] : memref<81920x128xf32, #tpu.memory_space<hbm>> -> memref<320x64xf32, #tpu.memory_space<hbm>>
    %dma_wait3A_33 = arith.constant 64 : i32
    %dma_wait3A_34 = tpu.memref_slice %arg6[%add3A_26, %dma_wait3A_33] : memref<81920x128xf32, #tpu.memory_space<hbm>> -> memref<320x64xf32, #tpu.memory_space<hbm>>
    tpu.wait_dma2 semaphore(%arg20 : memref<!tpu.dma_semaphore, #tpu.memory_space<semaphore_mem>>) src(%arg12 : memref<320x64xf32, #tpu.memory_space<vmem>>) dst(%dma_wait3A_34 : memref<320x64xf32, #tpu.memory_space<hbm>>)
    return
  }
}

#map = affine_map<(d0, d1) -> (0, 0)>
#map1 = affine_map<(d0, d1) -> (0)>
module attributes {stable_mosaic.version = 14 : i64} {
  func.func @k(%arg0: i32, %arg1: i32, %arg2: memref<100000x64xf32, #tpu.memory_space<hbm>>, %arg3: memref<100000x64xf32, #tpu.memory_space<hbm>>, %arg4: memref<81920xi32, #tpu.memory_space<hbm>>, %arg5: memref<81920xi32, #tpu.memory_space<hbm>>, %arg6: memref<81920x128xf32, #tpu.memory_space<hbm>>, %arg7: memref<2560xi32, #tpu.memory_space<vmem>>, %arg8: memref<2560xi32, #tpu.memory_space<vmem>>, %arg9: memref<320x64xf32, #tpu.memory_space<vmem>>, %arg10: memref<320x64xf32, #tpu.memory_space<vmem>>, %arg11: memref<320x64xf32, #tpu.memory_space<vmem>>, %arg12: memref<320x64xf32, #tpu.memory_space<vmem>>, %arg13: memref<!tpu.dma_semaphore, #tpu.memory_space<semaphore_mem>>, %arg14: memref<!tpu.dma_semaphore, #tpu.memory_space<semaphore_mem>>, %arg15: memref<!tpu.dma_semaphore, #tpu.memory_space<semaphore_mem>>, %arg16: memref<!tpu.dma_semaphore, #tpu.memory_space<semaphore_mem>>, %arg17: memref<!tpu.dma_semaphore, #tpu.memory_space<semaphore_mem>>, %arg18: memref<!tpu.dma_semaphore, #tpu.memory_space<semaphore_mem>>, %arg19: memref<!tpu.dma_semaphore, #tpu.memory_space<semaphore_mem>>, %arg20: memref<!tpu.dma_semaphore, #tpu.memory_space<semaphore_mem>>) attributes {dimension_semantics = [#tpu.dimension_semantics<core_parallel>, #tpu.dimension_semantics<subcore_parallel>], iteration_bounds = array<i64: 2, 16>, scalar_prefetch = 0 : i64, scratch_operands = 14 : i64, tpu.core_type = #tpu.core_type<sc_vector_subcore>, window_params = [{transform_indices = #map}, {transform_indices = #map}, {transform_indices = #map1}, {transform_indices = #map1}, {transform_indices = #map}]} {
    %mul3A = arith.constant 2 : i32
    %mul3A_0 = arith.muli %arg1, %mul3A : i32
    %add3A = arith.addi %mul3A_0, %arg0 : i32
    %mul3A_1 = arith.constant 2560 : i32
    %mul3A_2 = arith.muli %add3A, %mul3A_1 : i32
    "tpu.region"() ({
      %run_scoped3A = tpu.sem_alloc : memref<!tpu.dma_semaphore, #tpu.memory_space<semaphore_mem>>
      %dma_start3A_35 = tpu.memref_slice %arg4[%mul3A_2] : memref<81920xi32, #tpu.memory_space<hbm>> -> memref<2560xi32, #tpu.memory_space<hbm>>
      %dma_start3A_36 = tpu.memref_slice %arg4[%mul3A_2] : memref<81920xi32, #tpu.memory_space<hbm>> -> memref<2560xi32, #tpu.memory_space<hbm>>
      tpu.enqueue_dma source(%dma_start3A_36 : memref<2560xi32, #tpu.memory_space<hbm>>) target(%arg7 : memref<2560xi32, #tpu.memory_space<vmem>>) target_semaphore(%run_scoped3A : memref<!tpu.dma_semaphore, #tpu.memory_space<semaphore_mem>>)
      %dma_wait3A_37 = tpu.memref_slice %arg4[%mul3A_2] : memref<81920xi32, #tpu.memory_space<hbm>> -> memref<2560xi32, #tpu.memory_space<hbm>>
      %dma_wait3A_38 = tpu.memref_slice %arg4[%mul3A_2] : memref<81920xi32, #tpu.memory_space<hbm>> -> memref<2560xi32, #tpu.memory_space<hbm>>
      tpu.wait_dma2 semaphore(%run_scoped3A : memref<!tpu.dma_semaphore, #tpu.memory_space<semaphore_mem>>) src(%dma_wait3A_38 : memref<2560xi32, #tpu.memory_space<hbm>>) dst(%arg7 : memref<2560xi32, #tpu.memory_space<vmem>>)
      tpu.yield
    }) : () -> ()
    "tpu.region"() ({
      %run_scoped3A = tpu.sem_alloc : memref<!tpu.dma_semaphore, #tpu.memory_space<semaphore_mem>>
      %dma_start3A_35 = tpu.memref_slice %arg5[%mul3A_2] : memref<81920xi32, #tpu.memory_space<hbm>> -> memref<2560xi32, #tpu.memory_space<hbm>>
      %dma_start3A_36 = tpu.memref_slice %arg5[%mul3A_2] : memref<81920xi32, #tpu.memory_space<hbm>> -> memref<2560xi32, #tpu.memory_space<hbm>>
      tpu.enqueue_dma source(%dma_start3A_36 : memref<2560xi32, #tpu.memory_space<hbm>>) target(%arg8 : memref<2560xi32, #tpu.memory_space<vmem>>) target_semaphore(%run_scoped3A : memref<!tpu.dma_semaphore, #tpu.memory_space<semaphore_mem>>)
      %dma_wait3A_37 = tpu.memref_slice %arg5[%mul3A_2] : memref<81920xi32, #tpu.memory_space<hbm>> -> memref<2560xi32, #tpu.memory_space<hbm>>
      %dma_wait3A_38 = tpu.memref_slice %arg5[%mul3A_2] : memref<81920xi32, #tpu.memory_space<hbm>> -> memref<2560xi32, #tpu.memory_space<hbm>>
      tpu.wait_dma2 semaphore(%run_scoped3A : memref<!tpu.dma_semaphore, #tpu.memory_space<semaphore_mem>>) src(%dma_wait3A_38 : memref<2560xi32, #tpu.memory_space<hbm>>) dst(%arg8 : memref<2560xi32, #tpu.memory_space<vmem>>)
      tpu.yield
    }) : () -> ()
    %dma_start3A = arith.constant 0 : i32
    %dma_start3A_3 = tpu.memref_slice %arg7[%dma_start3A] : memref<2560xi32, #tpu.memory_space<vmem>> -> memref<320xi32, #tpu.memory_space<vmem>>
    %dma_start3A_4 = arith.constant 0 : i32
    %dma_start3A_5 = arith.constant 0 : i32
    %dma_start3A_6 = tpu.memref_slice %arg2[%dma_start3A_4, %dma_start3A_5] : memref<100000x64xf32, #tpu.memory_space<hbm>> -> memref<100000x64xf32, #tpu.memory_space<hbm>>
    tpu.enqueue_indirect_dma source(%dma_start3A_6 : memref<100000x64xf32, #tpu.memory_space<hbm>>) target(%arg9 : memref<320x64xf32, #tpu.memory_space<vmem>>) offsets(%dma_start3A_3 : memref<320xi32, #tpu.memory_space<vmem>>) semaphore(%arg13 : memref<!tpu.dma_semaphore, #tpu.memory_space<semaphore_mem>>)
    %dma_start3A_7 = arith.constant 0 : i32
    %dma_start3A_8 = tpu.memref_slice %arg8[%dma_start3A_7] : memref<2560xi32, #tpu.memory_space<vmem>> -> memref<320xi32, #tpu.memory_space<vmem>>
    %dma_start3A_9 = arith.constant 0 : i32
    %dma_start3A_10 = arith.constant 0 : i32
    %dma_start3A_11 = tpu.memref_slice %arg3[%dma_start3A_9, %dma_start3A_10] : memref<100000x64xf32, #tpu.memory_space<hbm>> -> memref<100000x64xf32, #tpu.memory_space<hbm>>
    tpu.enqueue_indirect_dma source(%dma_start3A_11 : memref<100000x64xf32, #tpu.memory_space<hbm>>) target(%arg11 : memref<320x64xf32, #tpu.memory_space<vmem>>) offsets(%dma_start3A_8 : memref<320xi32, #tpu.memory_space<vmem>>) semaphore(%arg15 : memref<!tpu.dma_semaphore, #tpu.memory_space<semaphore_mem>>)
    %scan3A = arith.constant 0 : i32
    %scan3A_12 = arith.constant 4 : i32
    %scan3A_13 = arith.addi %scan3A, %scan3A_12 : i32
    %scan3A_14 = arith.constant 1 : i32
    scf.for %scan3A_35 = %scan3A to %scan3A_13 step %scan3A_14  : i32 {
      %mul3A_36 = arith.constant 2 : i32
      %mul3A_37 = arith.muli %scan3A_35, %mul3A_36 : i32
      %add3A_38 = arith.constant 0 : i32
      %add3A_39 = arith.addi %add3A_38, %mul3A_37 : i32
      %add3A_40 = arith.constant 0 : i32
      %add3A_41 = arith.addi %add3A_39, %add3A_40 : i32
      %mul3A_42 = arith.constant 320 : i32
      %mul3A_43 = arith.muli %add3A_41, %mul3A_42 : i32
      %dma_wait3A_44 = tpu.memref_slice %arg7[%mul3A_43] : memref<2560xi32, #tpu.memory_space<vmem>> -> memref<320xi32, #tpu.memory_space<vmem>>
      %dma_wait3A_45 = arith.constant 0 : i32
      %dma_wait3A_46 = arith.constant 0 : i32
      %dma_wait3A_47 = tpu.memref_slice %arg2[%dma_wait3A_45, %dma_wait3A_46] : memref<100000x64xf32, #tpu.memory_space<hbm>> -> memref<100000x64xf32, #tpu.memory_space<hbm>>
      tpu.wait_indirect_dma semaphore(%arg13 : memref<!tpu.dma_semaphore, #tpu.memory_space<semaphore_mem>>) src(%dma_wait3A_47 : memref<100000x64xf32, #tpu.memory_space<hbm>>) dst(%arg9 : memref<320x64xf32, #tpu.memory_space<vmem>>)
      %dma_wait3A_48 = tpu.memref_slice %arg8[%mul3A_43] : memref<2560xi32, #tpu.memory_space<vmem>> -> memref<320xi32, #tpu.memory_space<vmem>>
      %dma_wait3A_49 = arith.constant 0 : i32
      %dma_wait3A_50 = arith.constant 0 : i32
      %dma_wait3A_51 = tpu.memref_slice %arg3[%dma_wait3A_49, %dma_wait3A_50] : memref<100000x64xf32, #tpu.memory_space<hbm>> -> memref<100000x64xf32, #tpu.memory_space<hbm>>
      tpu.wait_indirect_dma semaphore(%arg15 : memref<!tpu.dma_semaphore, #tpu.memory_space<semaphore_mem>>) src(%dma_wait3A_51 : memref<100000x64xf32, #tpu.memory_space<hbm>>) dst(%arg11 : memref<320x64xf32, #tpu.memory_space<vmem>>)
      %mul3A_52 = arith.constant 320 : i32
      %mul3A_53 = arith.muli %add3A_41, %mul3A_52 : i32
      %add3A_54 = arith.addi %mul3A_2, %mul3A_53 : i32
      %dma_start3A_55 = arith.constant 0 : i32
      %dma_start3A_56 = tpu.memref_slice %arg6[%add3A_54, %dma_start3A_55] : memref<81920x128xf32, #tpu.memory_space<hbm>> -> memref<320x64xf32, #tpu.memory_space<hbm>>
      %dma_start3A_57 = arith.constant 0 : i32
      %dma_start3A_58 = tpu.memref_slice %arg6[%add3A_54, %dma_start3A_57] : memref<81920x128xf32, #tpu.memory_space<hbm>> -> memref<320x64xf32, #tpu.memory_space<hbm>>
      tpu.enqueue_dma source(%arg9 : memref<320x64xf32, #tpu.memory_space<vmem>>) target(%dma_start3A_58 : memref<320x64xf32, #tpu.memory_space<hbm>>) target_semaphore(%arg17 : memref<!tpu.dma_semaphore, #tpu.memory_space<semaphore_mem>>)
      %dma_start3A_59 = arith.constant 64 : i32
      %dma_start3A_60 = tpu.memref_slice %arg6[%add3A_54, %dma_start3A_59] : memref<81920x128xf32, #tpu.memory_space<hbm>> -> memref<320x64xf32, #tpu.memory_space<hbm>>
      %dma_start3A_61 = arith.constant 64 : i32
      %dma_start3A_62 = tpu.memref_slice %arg6[%add3A_54, %dma_start3A_61] : memref<81920x128xf32, #tpu.memory_space<hbm>> -> memref<320x64xf32, #tpu.memory_space<hbm>>
      tpu.enqueue_dma source(%arg11 : memref<320x64xf32, #tpu.memory_space<vmem>>) target(%dma_start3A_62 : memref<320x64xf32, #tpu.memory_space<hbm>>) target_semaphore(%arg19 : memref<!tpu.dma_semaphore, #tpu.memory_space<semaphore_mem>>)
      %add3A_63 = arith.constant 1 : i32
      %add3A_64 = arith.addi %add3A_41, %add3A_63 : i32
      %lt3A = arith.constant 8 : i32
      %lt3A_65 = arith.cmpi slt, %add3A_64, %lt3A : i32
      %convert_element_type3A = arith.extui %lt3A_65 : i1 to i32
      %cond3A = arith.constant 0 : i32
      %cond3A_66 = arith.cmpi ne, %convert_element_type3A, %cond3A : i32
      scf.if %cond3A_66 {
        %ge3A = arith.constant 2 : i32
        %ge3A_97 = arith.cmpi sge, %add3A_64, %ge3A : i32
        %convert_element_type3A_98 = arith.extui %ge3A_97 : i1 to i32
        %cond3A_99 = arith.constant 0 : i32
        %cond3A_100 = arith.cmpi ne, %convert_element_type3A_98, %cond3A_99 : i32
        scf.if %cond3A_100 {
          %sub3A = arith.constant 2 : i32
          %sub3A_111 = arith.subi %add3A_64, %sub3A : i32
          %mul3A_112 = arith.constant 320 : i32
          %mul3A_113 = arith.muli %sub3A_111, %mul3A_112 : i32
          %add3A_114 = arith.addi %mul3A_2, %mul3A_113 : i32
          %dma_wait3A_115 = arith.constant 0 : i32
          %dma_wait3A_116 = tpu.memref_slice %arg6[%add3A_114, %dma_wait3A_115] : memref<81920x128xf32, #tpu.memory_space<hbm>> -> memref<320x64xf32, #tpu.memory_space<hbm>>
          %dma_wait3A_117 = arith.constant 0 : i32
          %dma_wait3A_118 = tpu.memref_slice %arg6[%add3A_114, %dma_wait3A_117] : memref<81920x128xf32, #tpu.memory_space<hbm>> -> memref<320x64xf32, #tpu.memory_space<hbm>>
          tpu.wait_dma2 semaphore(%arg18 : memref<!tpu.dma_semaphore, #tpu.memory_space<semaphore_mem>>) src(%arg10 : memref<320x64xf32, #tpu.memory_space<vmem>>) dst(%dma_wait3A_118 : memref<320x64xf32, #tpu.memory_space<hbm>>)
          %dma_wait3A_119 = arith.constant 64 : i32
          %dma_wait3A_120 = tpu.memref_slice %arg6[%add3A_114, %dma_wait3A_119] : memref<81920x128xf32, #tpu.memory_space<hbm>> -> memref<320x64xf32, #tpu.memory_space<hbm>>
          %dma_wait3A_121 = arith.constant 64 : i32
          %dma_wait3A_122 = tpu.memref_slice %arg6[%add3A_114, %dma_wait3A_121] : memref<81920x128xf32, #tpu.memory_space<hbm>> -> memref<320x64xf32, #tpu.memory_space<hbm>>
          tpu.wait_dma2 semaphore(%arg20 : memref<!tpu.dma_semaphore, #tpu.memory_space<semaphore_mem>>) src(%arg12 : memref<320x64xf32, #tpu.memory_space<vmem>>) dst(%dma_wait3A_122 : memref<320x64xf32, #tpu.memory_space<hbm>>)
        } else {
        }
        %mul3A_101 = arith.constant 320 : i32
        %mul3A_102 = arith.muli %add3A_64, %mul3A_101 : i32
        %dma_start3A_103 = tpu.memref_slice %arg7[%mul3A_102] : memref<2560xi32, #tpu.memory_space<vmem>> -> memref<320xi32, #tpu.memory_space<vmem>>
        %dma_start3A_104 = arith.constant 0 : i32
        %dma_start3A_105 = arith.constant 0 : i32
        %dma_start3A_106 = tpu.memref_slice %arg2[%dma_start3A_104, %dma_start3A_105] : memref<100000x64xf32, #tpu.memory_space<hbm>> -> memref<100000x64xf32, #tpu.memory_space<hbm>>
        tpu.enqueue_indirect_dma source(%dma_start3A_106 : memref<100000x64xf32, #tpu.memory_space<hbm>>) target(%arg10 : memref<320x64xf32, #tpu.memory_space<vmem>>) offsets(%dma_start3A_103 : memref<320xi32, #tpu.memory_space<vmem>>) semaphore(%arg14 : memref<!tpu.dma_semaphore, #tpu.memory_space<semaphore_mem>>)
        %dma_start3A_107 = tpu.memref_slice %arg8[%mul3A_102] : memref<2560xi32, #tpu.memory_space<vmem>> -> memref<320xi32, #tpu.memory_space<vmem>>
        %dma_start3A_108 = arith.constant 0 : i32
        %dma_start3A_109 = arith.constant 0 : i32
        %dma_start3A_110 = tpu.memref_slice %arg3[%dma_start3A_108, %dma_start3A_109] : memref<100000x64xf32, #tpu.memory_space<hbm>> -> memref<100000x64xf32, #tpu.memory_space<hbm>>
        tpu.enqueue_indirect_dma source(%dma_start3A_110 : memref<100000x64xf32, #tpu.memory_space<hbm>>) target(%arg12 : memref<320x64xf32, #tpu.memory_space<vmem>>) offsets(%dma_start3A_107 : memref<320xi32, #tpu.memory_space<vmem>>) semaphore(%arg16 : memref<!tpu.dma_semaphore, #tpu.memory_space<semaphore_mem>>)
      } else {
      }
      %add3A_67 = arith.constant 1 : i32
      %add3A_68 = arith.addi %add3A_39, %add3A_67 : i32
      %mul3A_69 = arith.constant 320 : i32
      %mul3A_70 = arith.muli %add3A_68, %mul3A_69 : i32
      %dma_wait3A_71 = tpu.memref_slice %arg7[%mul3A_70] : memref<2560xi32, #tpu.memory_space<vmem>> -> memref<320xi32, #tpu.memory_space<vmem>>
      %dma_wait3A_72 = arith.constant 0 : i32
      %dma_wait3A_73 = arith.constant 0 : i32
      %dma_wait3A_74 = tpu.memref_slice %arg2[%dma_wait3A_72, %dma_wait3A_73] : memref<100000x64xf32, #tpu.memory_space<hbm>> -> memref<100000x64xf32, #tpu.memory_space<hbm>>
      tpu.wait_indirect_dma semaphore(%arg14 : memref<!tpu.dma_semaphore, #tpu.memory_space<semaphore_mem>>) src(%dma_wait3A_74 : memref<100000x64xf32, #tpu.memory_space<hbm>>) dst(%arg10 : memref<320x64xf32, #tpu.memory_space<vmem>>)
      %dma_wait3A_75 = tpu.memref_slice %arg8[%mul3A_70] : memref<2560xi32, #tpu.memory_space<vmem>> -> memref<320xi32, #tpu.memory_space<vmem>>
      %dma_wait3A_76 = arith.constant 0 : i32
      %dma_wait3A_77 = arith.constant 0 : i32
      %dma_wait3A_78 = tpu.memref_slice %arg3[%dma_wait3A_76, %dma_wait3A_77] : memref<100000x64xf32, #tpu.memory_space<hbm>> -> memref<100000x64xf32, #tpu.memory_space<hbm>>
      tpu.wait_indirect_dma semaphore(%arg16 : memref<!tpu.dma_semaphore, #tpu.memory_space<semaphore_mem>>) src(%dma_wait3A_78 : memref<100000x64xf32, #tpu.memory_space<hbm>>) dst(%arg12 : memref<320x64xf32, #tpu.memory_space<vmem>>)
      %mul3A_79 = arith.constant 320 : i32
      %mul3A_80 = arith.muli %add3A_68, %mul3A_79 : i32
      %add3A_81 = arith.addi %mul3A_2, %mul3A_80 : i32
      %dma_start3A_82 = arith.constant 0 : i32
      %dma_start3A_83 = tpu.memref_slice %arg6[%add3A_81, %dma_start3A_82] : memref<81920x128xf32, #tpu.memory_space<hbm>> -> memref<320x64xf32, #tpu.memory_space<hbm>>
      %dma_start3A_84 = arith.constant 0 : i32
      %dma_start3A_85 = tpu.memref_slice %arg6[%add3A_81, %dma_start3A_84] : memref<81920x128xf32, #tpu.memory_space<hbm>> -> memref<320x64xf32, #tpu.memory_space<hbm>>
      tpu.enqueue_dma source(%arg10 : memref<320x64xf32, #tpu.memory_space<vmem>>) target(%dma_start3A_85 : memref<320x64xf32, #tpu.memory_space<hbm>>) target_semaphore(%arg18 : memref<!tpu.dma_semaphore, #tpu.memory_space<semaphore_mem>>)
      %dma_start3A_86 = arith.constant 64 : i32
      %dma_start3A_87 = tpu.memref_slice %arg6[%add3A_81, %dma_start3A_86] : memref<81920x128xf32, #tpu.memory_space<hbm>> -> memref<320x64xf32, #tpu.memory_space<hbm>>
      %dma_start3A_88 = arith.constant 64 : i32
      %dma_start3A_89 = tpu.memref_slice %arg6[%add3A_81, %dma_start3A_88] : memref<81920x128xf32, #tpu.memory_space<hbm>> -> memref<320x64xf32, #tpu.memory_space<hbm>>
      tpu.enqueue_dma source(%arg12 : memref<320x64xf32, #tpu.memory_space<vmem>>) target(%dma_start3A_89 : memref<320x64xf32, #tpu.memory_space<hbm>>) target_semaphore(%arg20 : memref<!tpu.dma_semaphore, #tpu.memory_space<semaphore_mem>>)
      %add3A_90 = arith.constant 1 : i32
      %add3A_91 = arith.addi %add3A_68, %add3A_90 : i32
      %lt3A_92 = arith.constant 8 : i32
      %lt3A_93 = arith.cmpi slt, %add3A_91, %lt3A_92 : i32
      %convert_element_type3A_94 = arith.extui %lt3A_93 : i1 to i32
      %cond3A_95 = arith.constant 0 : i32
      %cond3A_96 = arith.cmpi ne, %convert_element_type3A_94, %cond3A_95 : i32
      scf.if %cond3A_96 {
        %ge3A = arith.constant 2 : i32
        %ge3A_97 = arith.cmpi sge, %add3A_91, %ge3A : i32
        %convert_element_type3A_98 = arith.extui %ge3A_97 : i1 to i32
        %cond3A_99 = arith.constant 0 : i32
        %cond3A_100 = arith.cmpi ne, %convert_element_type3A_98, %cond3A_99 : i32
        scf.if %cond3A_100 {
          %sub3A = arith.constant 2 : i32
          %sub3A_111 = arith.subi %add3A_91, %sub3A : i32
          %mul3A_112 = arith.constant 320 : i32
          %mul3A_113 = arith.muli %sub3A_111, %mul3A_112 : i32
          %add3A_114 = arith.addi %mul3A_2, %mul3A_113 : i32
          %dma_wait3A_115 = arith.constant 0 : i32
          %dma_wait3A_116 = tpu.memref_slice %arg6[%add3A_114, %dma_wait3A_115] : memref<81920x128xf32, #tpu.memory_space<hbm>> -> memref<320x64xf32, #tpu.memory_space<hbm>>
          %dma_wait3A_117 = arith.constant 0 : i32
          %dma_wait3A_118 = tpu.memref_slice %arg6[%add3A_114, %dma_wait3A_117] : memref<81920x128xf32, #tpu.memory_space<hbm>> -> memref<320x64xf32, #tpu.memory_space<hbm>>
          tpu.wait_dma2 semaphore(%arg17 : memref<!tpu.dma_semaphore, #tpu.memory_space<semaphore_mem>>) src(%arg9 : memref<320x64xf32, #tpu.memory_space<vmem>>) dst(%dma_wait3A_118 : memref<320x64xf32, #tpu.memory_space<hbm>>)
          %dma_wait3A_119 = arith.constant 64 : i32
          %dma_wait3A_120 = tpu.memref_slice %arg6[%add3A_114, %dma_wait3A_119] : memref<81920x128xf32, #tpu.memory_space<hbm>> -> memref<320x64xf32, #tpu.memory_space<hbm>>
          %dma_wait3A_121 = arith.constant 64 : i32
          %dma_wait3A_122 = tpu.memref_slice %arg6[%add3A_114, %dma_wait3A_121] : memref<81920x128xf32, #tpu.memory_space<hbm>> -> memref<320x64xf32, #tpu.memory_space<hbm>>
          tpu.wait_dma2 semaphore(%arg19 : memref<!tpu.dma_semaphore, #tpu.memory_space<semaphore_mem>>) src(%arg11 : memref<320x64xf32, #tpu.memory_space<vmem>>) dst(%dma_wait3A_122 : memref<320x64xf32, #tpu.memory_space<hbm>>)
        } else {
        }
        %mul3A_101 = arith.constant 320 : i32
        %mul3A_102 = arith.muli %add3A_91, %mul3A_101 : i32
        %dma_start3A_103 = tpu.memref_slice %arg7[%mul3A_102] : memref<2560xi32, #tpu.memory_space<vmem>> -> memref<320xi32, #tpu.memory_space<vmem>>
        %dma_start3A_104 = arith.constant 0 : i32
        %dma_start3A_105 = arith.constant 0 : i32
        %dma_start3A_106 = tpu.memref_slice %arg2[%dma_start3A_104, %dma_start3A_105] : memref<100000x64xf32, #tpu.memory_space<hbm>> -> memref<100000x64xf32, #tpu.memory_space<hbm>>
        tpu.enqueue_indirect_dma source(%dma_start3A_106 : memref<100000x64xf32, #tpu.memory_space<hbm>>) target(%arg9 : memref<320x64xf32, #tpu.memory_space<vmem>>) offsets(%dma_start3A_103 : memref<320xi32, #tpu.memory_space<vmem>>) semaphore(%arg13 : memref<!tpu.dma_semaphore, #tpu.memory_space<semaphore_mem>>)
        %dma_start3A_107 = tpu.memref_slice %arg8[%mul3A_102] : memref<2560xi32, #tpu.memory_space<vmem>> -> memref<320xi32, #tpu.memory_space<vmem>>
        %dma_start3A_108 = arith.constant 0 : i32
        %dma_start3A_109 = arith.constant 0 : i32
        %dma_start3A_110 = tpu.memref_slice %arg3[%dma_start3A_108, %dma_start3A_109] : memref<100000x64xf32, #tpu.memory_space<hbm>> -> memref<100000x64xf32, #tpu.memory_space<hbm>>
        tpu.enqueue_indirect_dma source(%dma_start3A_110 : memref<100000x64xf32, #tpu.memory_space<hbm>>) target(%arg11 : memref<320x64xf32, #tpu.memory_space<vmem>>) offsets(%dma_start3A_107 : memref<320xi32, #tpu.memory_space<vmem>>) semaphore(%arg15 : memref<!tpu.dma_semaphore, #tpu.memory_space<semaphore_mem>>)
      } else {
      }
    }
    %scan3A_15 = arith.constant 4 : i32
    %add3A_16 = arith.constant 1920 : i32
    %add3A_17 = arith.addi %mul3A_2, %add3A_16 : i32
    %dma_wait3A = arith.constant 0 : i32
    %dma_wait3A_18 = tpu.memref_slice %arg6[%add3A_17, %dma_wait3A] : memref<81920x128xf32, #tpu.memory_space<hbm>> -> memref<320x64xf32, #tpu.memory_space<hbm>>
    %dma_wait3A_19 = arith.constant 0 : i32
    %dma_wait3A_20 = tpu.memref_slice %arg6[%add3A_17, %dma_wait3A_19] : memref<81920x128xf32, #tpu.memory_space<hbm>> -> memref<320x64xf32, #tpu.memory_space<hbm>>
    tpu.wait_dma2 semaphore(%arg17 : memref<!tpu.dma_semaphore, #tpu.memory_space<semaphore_mem>>) src(%arg9 : memref<320x64xf32, #tpu.memory_space<vmem>>) dst(%dma_wait3A_20 : memref<320x64xf32, #tpu.memory_space<hbm>>)
    %dma_wait3A_21 = arith.constant 64 : i32
    %dma_wait3A_22 = tpu.memref_slice %arg6[%add3A_17, %dma_wait3A_21] : memref<81920x128xf32, #tpu.memory_space<hbm>> -> memref<320x64xf32, #tpu.memory_space<hbm>>
    %dma_wait3A_23 = arith.constant 64 : i32
    %dma_wait3A_24 = tpu.memref_slice %arg6[%add3A_17, %dma_wait3A_23] : memref<81920x128xf32, #tpu.memory_space<hbm>> -> memref<320x64xf32, #tpu.memory_space<hbm>>
    tpu.wait_dma2 semaphore(%arg19 : memref<!tpu.dma_semaphore, #tpu.memory_space<semaphore_mem>>) src(%arg11 : memref<320x64xf32, #tpu.memory_space<vmem>>) dst(%dma_wait3A_24 : memref<320x64xf32, #tpu.memory_space<hbm>>)
    %add3A_25 = arith.constant 2240 : i32
    %add3A_26 = arith.addi %mul3A_2, %add3A_25 : i32
    %dma_wait3A_27 = arith.constant 0 : i32
    %dma_wait3A_28 = tpu.memref_slice %arg6[%add3A_26, %dma_wait3A_27] : memref<81920x128xf32, #tpu.memory_space<hbm>> -> memref<320x64xf32, #tpu.memory_space<hbm>>
    %dma_wait3A_29 = arith.constant 0 : i32
    %dma_wait3A_30 = tpu.memref_slice %arg6[%add3A_26, %dma_wait3A_29] : memref<81920x128xf32, #tpu.memory_space<hbm>> -> memref<320x64xf32, #tpu.memory_space<hbm>>
    tpu.wait_dma2 semaphore(%arg18 : memref<!tpu.dma_semaphore, #tpu.memory_space<semaphore_mem>>) src(%arg10 : memref<320x64xf32, #tpu.memory_space<vmem>>) dst(%dma_wait3A_30 : memref<320x64xf32, #tpu.memory_space<hbm>>)
    %dma_wait3A_31 = arith.constant 64 : i32
    %dma_wait3A_32 = tpu.memref_slice %arg6[%add3A_26, %dma_wait3A_31] : memref<81920x128xf32, #tpu.memory_space<hbm>> -> memref<320x64xf32, #tpu.memory_space<hbm>>
    %dma_wait3A_33 = arith.constant 64 : i32
    %dma_wait3A_34 = tpu.memref_slice %arg6[%add3A_26, %dma_wait3A_33] : memref<81920x128xf32, #tpu.memory_space<hbm>> -> memref<320x64xf32, #tpu.memory_space<hbm>>
    tpu.wait_dma2 semaphore(%arg20 : memref<!tpu.dma_semaphore, #tpu.memory_space<semaphore_mem>>) src(%arg12 : memref<320x64xf32, #tpu.memory_space<vmem>>) dst(%dma_wait3A_34 : memref<320x64xf32, #tpu.memory_space<hbm>>)
    return
  }
}

module attributes {stable_mosaic.version = 14 : i64} {
  func.func @_lambda_(%arg0: i32, %arg1: memref<8192x128xf32, #tpu.memory_space<vmem>>, %arg2: memref<8x8192xf32, #tpu.memory_space<vmem>>, %arg3: memref<128x8xf32, #tpu.memory_space<vmem>>, %arg4: memref<1x128xf32, #tpu.memory_space<vmem>>, %arg5: memref<128x1xf32, #tpu.memory_space<vmem>>, %arg6: memref<128x128xf32, #tpu.memory_space<vmem>>, %arg7: memref<128x128xf32, #tpu.memory_space<vmem>>, %arg8: memref<1x128xf32, #tpu.memory_space<vmem>>, %arg9: memref<1x128xf32, #tpu.memory_space<vmem>>, %arg10: memref<1x128xf32, #tpu.memory_space<vmem>>, %arg11: memref<327680x128xf32, #tpu.memory_space<any>>, %arg12: memref<8192x128xf32, #tpu.memory_space<vmem>>) attributes {dimension_semantics = [#tpu.dimension_semantics<arbitrary>], iteration_bounds = array<i64: 10>, scalar_prefetch = 0 : i64, scratch_operands = 0 : i64, tpu.core_type = #tpu.core_type<tc>, window_params = [{transform_indices = @transform_0, window_bounds = array<i64: 8192, 128>}, {transform_indices = @transform_1, window_bounds = array<i64: 8, 8192>}, {pipeline_mode = #tpu.pipeline_mode<synchronous>, transform_indices = @transform_2, window_bounds = array<i64: 128, 8>}, {pipeline_mode = #tpu.pipeline_mode<synchronous>, transform_indices = @transform_3, window_bounds = array<i64: 1, 128>}, {pipeline_mode = #tpu.pipeline_mode<synchronous>, transform_indices = @transform_4, window_bounds = array<i64: 128, 1>}, {pipeline_mode = #tpu.pipeline_mode<synchronous>, transform_indices = @transform_5, window_bounds = array<i64: 128, 128>}, {pipeline_mode = #tpu.pipeline_mode<synchronous>, transform_indices = @transform_6, window_bounds = array<i64: 128, 128>}, {pipeline_mode = #tpu.pipeline_mode<synchronous>, transform_indices = @transform_7, window_bounds = array<i64: 1, 128>}, {pipeline_mode = #tpu.pipeline_mode<synchronous>, transform_indices = @transform_8, window_bounds = array<i64: 1, 128>}, {pipeline_mode = #tpu.pipeline_mode<synchronous>, transform_indices = @transform_9, window_bounds = array<i64: 1, 128>}, {}, {transform_indices = @transform_11, window_bounds = array<i64: 8192, 128>}]} {
    %get3A = arith.constant 0 : index
    %get3A_0 = arith.constant 0 : index
    %get3A_1 = vector.load %arg3[%get3A, %get3A_0] : memref<128x8xf32, #tpu.memory_space<vmem>>, vector<128x8xf32>
    %get3A_2 = arith.constant 0 : index
    %get3A_3 = arith.constant 0 : index
    %get3A_4 = vector.load %arg2[%get3A_2, %get3A_3] : memref<8x8192xf32, #tpu.memory_space<vmem>>, vector<8x8192xf32>
    %dot_general3A = arith.constant dense<0.000000e+00> : vector<128x8192xf32>
    %dot_general3A_5 = tpu.matmul %get3A_1, %get3A_4, %dot_general3A {dimension_numbers = #tpu.dot_dimension_numbers<[1], [0], [0], [1], [0, 0, 1, 1], [], []>, transpose_lhs_hint = false} : vector<128x8xf32>, vector<8x8192xf32>, vector<128x8192xf32> -> vector<128x8192xf32>
    %max3A = arith.constant 0.000000e+00 : f32
    %max3A_6 = vector.broadcast %max3A : f32 to vector<128x8192xf32>
    %max3A_7 = arith.maximumf %dot_general3A_5, %max3A_6 : vector<128x8192xf32>
    %get3A_8 = arith.constant 0 : index
    %get3A_9 = arith.constant 0 : index
    %get3A_10 = vector.load %arg4[%get3A_8, %get3A_9] : memref<1x128xf32, #tpu.memory_space<vmem>>, vector<1x128xf32>
    %dot_general3A_11 = arith.constant dense<0.000000e+00> : vector<1x8192xf32>
    %dot_general3A_12 = tpu.matmul %get3A_10, %max3A_7, %dot_general3A_11 {dimension_numbers = #tpu.dot_dimension_numbers<[1], [0], [0], [1], [0, 0, 1, 1], [], []>, transpose_lhs_hint = false} : vector<1x128xf32>, vector<128x8192xf32>, vector<1x8192xf32> -> vector<1x8192xf32>
    %sub3A = vector.broadcast %dot_general3A_12 : vector<1x8192xf32> to vector<128x8192xf32>
    %sub3A_13 = arith.subf %max3A_7, %sub3A : vector<128x8192xf32>
    %get3A_14 = arith.constant 0 : index
    %get3A_15 = arith.constant 0 : index
    %get3A_16 = vector.load %arg4[%get3A_14, %get3A_15] : memref<1x128xf32, #tpu.memory_space<vmem>>, vector<1x128xf32>
    %mul3A = arith.mulf %sub3A_13, %sub3A_13 : vector<128x8192xf32>
    %dot_general3A_17 = arith.constant dense<0.000000e+00> : vector<1x8192xf32>
    %dot_general3A_18 = tpu.matmul %get3A_16, %mul3A, %dot_general3A_17 {dimension_numbers = #tpu.dot_dimension_numbers<[1], [0], [0], [1], [0, 0, 1, 1], [], []>, transpose_lhs_hint = false} : vector<1x128xf32>, vector<128x8192xf32>, vector<1x8192xf32> -> vector<1x8192xf32>
    %add3A = arith.constant 9.99999974E-6 : f32
    %add3A_19 = vector.broadcast %add3A : f32 to vector<1x8192xf32>
    %add3A_20 = arith.addf %dot_general3A_18, %add3A_19 : vector<1x8192xf32>
    %rsqrt3A = math.rsqrt %add3A_20 : vector<1x8192xf32>
    %mul3A_21 = vector.broadcast %rsqrt3A : vector<1x8192xf32> to vector<128x8192xf32>
    %mul3A_22 = arith.mulf %sub3A_13, %mul3A_21 : vector<128x8192xf32>
    %get3A_23 = arith.constant 0 : index
    %get3A_24 = arith.constant 0 : index
    %get3A_25 = vector.load %arg7[%get3A_23, %get3A_24] : memref<128x128xf32, #tpu.memory_space<vmem>>, vector<128x128xf32>
    %dot_general3A_26 = arith.constant dense<0.000000e+00> : vector<128x8192xf32>
    %dot_general3A_27 = tpu.matmul %get3A_25, %mul3A_22, %dot_general3A_26 {dimension_numbers = #tpu.dot_dimension_numbers<[1], [0], [0], [1], [0, 0, 1, 1], [], []>, transpose_lhs_hint = false} : vector<128x128xf32>, vector<128x8192xf32>, vector<128x8192xf32> -> vector<128x8192xf32>
    %transpose3A = tpu.transpose %dot_general3A_27, [1, 0] : vector<128x8192xf32> -> vector<8192x128xf32>
    %get3A_28 = arith.constant 0 : index
    %get3A_29 = arith.constant 0 : index
    %get3A_30 = vector.load %arg1[%get3A_28, %get3A_29] : memref<8192x128xf32, #tpu.memory_space<vmem>>, vector<8192x128xf32>
    %get3A_31 = arith.constant 0 : index
    %get3A_32 = arith.constant 0 : index
    %get3A_33 = vector.load %arg6[%get3A_31, %get3A_32] : memref<128x128xf32, #tpu.memory_space<vmem>>, vector<128x128xf32>
    %dot_general3A_34 = arith.constant dense<0.000000e+00> : vector<8192x128xf32>
    %dot_general3A_35 = tpu.matmul %get3A_30, %get3A_33, %dot_general3A_34 {dimension_numbers = #tpu.dot_dimension_numbers<[1], [0], [0], [1], [0, 0, 1, 1], [], []>, transpose_lhs_hint = false} : vector<8192x128xf32>, vector<128x128xf32>, vector<8192x128xf32> -> vector<8192x128xf32>
    %add3A_36 = arith.addf %dot_general3A_35, %transpose3A : vector<8192x128xf32>
    %get3A_37 = arith.constant 0 : index
    %get3A_38 = arith.constant 0 : index
    %get3A_39 = vector.load %arg8[%get3A_37, %get3A_38] : memref<1x128xf32, #tpu.memory_space<vmem>>, vector<1x128xf32>
    %add3A_40 = vector.broadcast %get3A_39 : vector<1x128xf32> to vector<8192x128xf32>
    %add3A_41 = arith.addf %add3A_36, %add3A_40 : vector<8192x128xf32>
    %mul3A_42 = arith.mulf %add3A_41, %add3A_41 : vector<8192x128xf32>
    %get3A_43 = arith.constant 0 : index
    %get3A_44 = arith.constant 0 : index
    %get3A_45 = vector.load %arg5[%get3A_43, %get3A_44] : memref<128x1xf32, #tpu.memory_space<vmem>>, vector<128x1xf32>
    %dot_general3A_46 = arith.constant dense<0.000000e+00> : vector<8192x1xf32>
    %dot_general3A_47 = tpu.matmul %mul3A_42, %get3A_45, %dot_general3A_46 {dimension_numbers = #tpu.dot_dimension_numbers<[1], [0], [0], [1], [0, 0, 1, 1], [], []>, transpose_lhs_hint = false} : vector<8192x128xf32>, vector<128x1xf32>, vector<8192x1xf32> -> vector<8192x1xf32>
    %add3A_48 = arith.constant 9.99999974E-6 : f32
    %add3A_49 = vector.broadcast %add3A_48 : f32 to vector<8192x1xf32>
    %add3A_50 = arith.addf %dot_general3A_47, %add3A_49 : vector<8192x1xf32>
    %rsqrt3A_51 = math.rsqrt %add3A_50 : vector<8192x1xf32>
    %mul3A_52 = vector.broadcast %rsqrt3A_51 : vector<8192x1xf32> to vector<8192x128xf32>
    %mul3A_53 = arith.mulf %add3A_41, %mul3A_52 : vector<8192x128xf32>
    %get3A_54 = arith.constant 0 : index
    %get3A_55 = arith.constant 0 : index
    %get3A_56 = vector.load %arg9[%get3A_54, %get3A_55] : memref<1x128xf32, #tpu.memory_space<vmem>>, vector<1x128xf32>
    %mul3A_57 = vector.broadcast %get3A_56 : vector<1x128xf32> to vector<8192x128xf32>
    %mul3A_58 = arith.mulf %mul3A_53, %mul3A_57 : vector<8192x128xf32>
    %get3A_59 = arith.constant 0 : index
    %get3A_60 = arith.constant 0 : index
    %get3A_61 = vector.load %arg10[%get3A_59, %get3A_60] : memref<1x128xf32, #tpu.memory_space<vmem>>, vector<1x128xf32>
    %add3A_62 = vector.broadcast %get3A_61 : vector<1x128xf32> to vector<8192x128xf32>
    %add3A_63 = arith.addf %mul3A_58, %add3A_62 : vector<8192x128xf32>
    %swap3A = arith.constant 0 : index
    %swap3A_64 = arith.constant 0 : index
    %swap3A_65 = vector.load %arg12[%swap3A, %swap3A_64] : memref<8192x128xf32, #tpu.memory_space<vmem>>, vector<8192x128xf32>
    tpu.vector_store %arg12[%swap3A, %swap3A_64], %add3A_63 {strides = array<i32>} : memref<8192x128xf32, #tpu.memory_space<vmem>>, vector<8192x128xf32>,
    return
  }
  func.func @transform_0(%arg0: i32) -> (i32, i32) {
    %c0_i32 = arith.constant 0 : i32
    %c0_i32_0 = arith.constant 0 : i32
    return %arg0, %c0_i32 : i32, i32
  }
  func.func @transform_1(%arg0: i32) -> (i32, i32) {
    %add3A = arith.constant 10 : i32
    %add3A_0 = arith.addi %arg0, %add3A : i32
    %c0_i32 = arith.constant 0 : i32
    %c0_i32_1 = arith.constant 0 : i32
    return %c0_i32, %add3A_0 : i32, i32
  }
  func.func @transform_2(%arg0: i32) -> (i32, i32) {
    %c0_i32 = arith.constant 0 : i32
    %c0_i32_0 = arith.constant 0 : i32
    %c0_i32_1 = arith.constant 0 : i32
    return %c0_i32, %c0_i32_0 : i32, i32
  }
  func.func @transform_3(%arg0: i32) -> (i32, i32) {
    %c0_i32 = arith.constant 0 : i32
    %c0_i32_0 = arith.constant 0 : i32
    %c0_i32_1 = arith.constant 0 : i32
    return %c0_i32, %c0_i32_0 : i32, i32
  }
  func.func @transform_4(%arg0: i32) -> (i32, i32) {
    %c0_i32 = arith.constant 0 : i32
    %c0_i32_0 = arith.constant 0 : i32
    %c0_i32_1 = arith.constant 0 : i32
    return %c0_i32, %c0_i32_0 : i32, i32
  }
  func.func @transform_5(%arg0: i32) -> (i32, i32) {
    %c0_i32 = arith.constant 0 : i32
    %c0_i32_0 = arith.constant 0 : i32
    %c0_i32_1 = arith.constant 0 : i32
    return %c0_i32, %c0_i32_0 : i32, i32
  }
  func.func @transform_6(%arg0: i32) -> (i32, i32) {
    %c0_i32 = arith.constant 0 : i32
    %c0_i32_0 = arith.constant 0 : i32
    %c0_i32_1 = arith.constant 0 : i32
    return %c0_i32, %c0_i32_0 : i32, i32
  }
  func.func @transform_7(%arg0: i32) -> (i32, i32) {
    %c0_i32 = arith.constant 0 : i32
    %c0_i32_0 = arith.constant 0 : i32
    %c0_i32_1 = arith.constant 0 : i32
    return %c0_i32, %c0_i32_0 : i32, i32
  }
  func.func @transform_8(%arg0: i32) -> (i32, i32) {
    %c0_i32 = arith.constant 0 : i32
    %c0_i32_0 = arith.constant 0 : i32
    %c0_i32_1 = arith.constant 0 : i32
    return %c0_i32, %c0_i32_0 : i32, i32
  }
  func.func @transform_9(%arg0: i32) -> (i32, i32) {
    %c0_i32 = arith.constant 0 : i32
    %c0_i32_0 = arith.constant 0 : i32
    %c0_i32_1 = arith.constant 0 : i32
    return %c0_i32, %c0_i32_0 : i32, i32
  }
  func.func @transform_11(%arg0: i32) -> (i32, i32) {
    %add3A = arith.constant 10 : i32
    %add3A_0 = arith.addi %arg0, %add3A : i32
    %c0_i32 = arith.constant 0 : i32
    %c0_i32_1 = arith.constant 0 : i32
    return %add3A_0, %c0_i32 : i32, i32
  }
}

module attributes {stable_mosaic.version = 14 : i64} {
  func.func @_tc_dense_body(%arg0: i32, %arg1: memref<8192x128xf32, #tpu.memory_space<vmem>>, %arg2: memref<8x8192xf32, #tpu.memory_space<vmem>>, %arg3: memref<128x8xf32, #tpu.memory_space<vmem>>, %arg4: memref<1x128xf32, #tpu.memory_space<vmem>>, %arg5: memref<128x1xf32, #tpu.memory_space<vmem>>, %arg6: memref<128x128xf32, #tpu.memory_space<vmem>>, %arg7: memref<128x128xf32, #tpu.memory_space<vmem>>, %arg8: memref<1x128xf32, #tpu.memory_space<vmem>>, %arg9: memref<1x128xf32, #tpu.memory_space<vmem>>, %arg10: memref<1x128xf32, #tpu.memory_space<vmem>>, %arg11: memref<8192x128xf32, #tpu.memory_space<vmem>>) attributes {dimension_semantics = [#tpu.dimension_semantics<arbitrary>], iteration_bounds = array<i64: 10>, scalar_prefetch = 0 : i64, scratch_operands = 0 : i64, tpu.core_type = #tpu.core_type<tc>, window_params = [{transform_indices = @transform_0, window_bounds = array<i64: 8192, 128>}, {transform_indices = @transform_1, window_bounds = array<i64: 8, 8192>}, {pipeline_mode = #tpu.pipeline_mode<synchronous>, transform_indices = @transform_2, window_bounds = array<i64: 128, 8>}, {pipeline_mode = #tpu.pipeline_mode<synchronous>, transform_indices = @transform_3, window_bounds = array<i64: 1, 128>}, {pipeline_mode = #tpu.pipeline_mode<synchronous>, transform_indices = @transform_4, window_bounds = array<i64: 128, 1>}, {pipeline_mode = #tpu.pipeline_mode<synchronous>, transform_indices = @transform_5, window_bounds = array<i64: 128, 128>}, {pipeline_mode = #tpu.pipeline_mode<synchronous>, transform_indices = @transform_6, window_bounds = array<i64: 128, 128>}, {pipeline_mode = #tpu.pipeline_mode<synchronous>, transform_indices = @transform_7, window_bounds = array<i64: 1, 128>}, {pipeline_mode = #tpu.pipeline_mode<synchronous>, transform_indices = @transform_8, window_bounds = array<i64: 1, 128>}, {pipeline_mode = #tpu.pipeline_mode<synchronous>, transform_indices = @transform_9, window_bounds = array<i64: 1, 128>}, {transform_indices = @transform_10, window_bounds = array<i64: 8192, 128>}]} {
    %get3A = arith.constant 0 : index
    %get3A_0 = arith.constant 0 : index
    %get3A_1 = vector.load %arg3[%get3A, %get3A_0] : memref<128x8xf32, #tpu.memory_space<vmem>>, vector<128x8xf32>
    %get3A_2 = arith.constant 0 : index
    %get3A_3 = arith.constant 0 : index
    %get3A_4 = vector.load %arg2[%get3A_2, %get3A_3] : memref<8x8192xf32, #tpu.memory_space<vmem>>, vector<8x8192xf32>
    %dot_general3A = arith.constant dense<0.000000e+00> : vector<128x8192xf32>
    %dot_general3A_5 = tpu.matmul %get3A_1, %get3A_4, %dot_general3A {dimension_numbers = #tpu.dot_dimension_numbers<[1], [0], [0], [1], [0, 0, 1, 1], [], []>, transpose_lhs_hint = false} : vector<128x8xf32>, vector<8x8192xf32>, vector<128x8192xf32> -> vector<128x8192xf32>
    %max3A = arith.constant 0.000000e+00 : f32
    %max3A_6 = vector.broadcast %max3A : f32 to vector<128x8192xf32>
    %max3A_7 = arith.maximumf %dot_general3A_5, %max3A_6 : vector<128x8192xf32>
    %get3A_8 = arith.constant 0 : index
    %get3A_9 = arith.constant 0 : index
    %get3A_10 = vector.load %arg4[%get3A_8, %get3A_9] : memref<1x128xf32, #tpu.memory_space<vmem>>, vector<1x128xf32>
    %dot_general3A_11 = arith.constant dense<0.000000e+00> : vector<1x8192xf32>
    %dot_general3A_12 = tpu.matmul %get3A_10, %max3A_7, %dot_general3A_11 {dimension_numbers = #tpu.dot_dimension_numbers<[1], [0], [0], [1], [0, 0, 1, 1], [], []>, transpose_lhs_hint = false} : vector<1x128xf32>, vector<128x8192xf32>, vector<1x8192xf32> -> vector<1x8192xf32>
    %sub3A = vector.broadcast %dot_general3A_12 : vector<1x8192xf32> to vector<128x8192xf32>
    %sub3A_13 = arith.subf %max3A_7, %sub3A : vector<128x8192xf32>
    %get3A_14 = arith.constant 0 : index
    %get3A_15 = arith.constant 0 : index
    %get3A_16 = vector.load %arg4[%get3A_14, %get3A_15] : memref<1x128xf32, #tpu.memory_space<vmem>>, vector<1x128xf32>
    %mul3A = arith.mulf %sub3A_13, %sub3A_13 : vector<128x8192xf32>
    %dot_general3A_17 = arith.constant dense<0.000000e+00> : vector<1x8192xf32>
    %dot_general3A_18 = tpu.matmul %get3A_16, %mul3A, %dot_general3A_17 {dimension_numbers = #tpu.dot_dimension_numbers<[1], [0], [0], [1], [0, 0, 1, 1], [], []>, transpose_lhs_hint = false} : vector<1x128xf32>, vector<128x8192xf32>, vector<1x8192xf32> -> vector<1x8192xf32>
    %add3A = arith.constant 9.99999974E-6 : f32
    %add3A_19 = vector.broadcast %add3A : f32 to vector<1x8192xf32>
    %add3A_20 = arith.addf %dot_general3A_18, %add3A_19 : vector<1x8192xf32>
    %rsqrt3A = math.rsqrt %add3A_20 : vector<1x8192xf32>
    %mul3A_21 = vector.broadcast %rsqrt3A : vector<1x8192xf32> to vector<128x8192xf32>
    %mul3A_22 = arith.mulf %sub3A_13, %mul3A_21 : vector<128x8192xf32>
    %get3A_23 = arith.constant 0 : index
    %get3A_24 = arith.constant 0 : index
    %get3A_25 = vector.load %arg7[%get3A_23, %get3A_24] : memref<128x128xf32, #tpu.memory_space<vmem>>, vector<128x128xf32>
    %dot_general3A_26 = arith.constant dense<0.000000e+00> : vector<128x8192xf32>
    %dot_general3A_27 = tpu.matmul %get3A_25, %mul3A_22, %dot_general3A_26 {dimension_numbers = #tpu.dot_dimension_numbers<[1], [0], [0], [1], [0, 0, 1, 1], [], []>, transpose_lhs_hint = false} : vector<128x128xf32>, vector<128x8192xf32>, vector<128x8192xf32> -> vector<128x8192xf32>
    %transpose3A = tpu.transpose %dot_general3A_27, [1, 0] : vector<128x8192xf32> -> vector<8192x128xf32>
    %get3A_28 = arith.constant 0 : index
    %get3A_29 = arith.constant 0 : index
    %get3A_30 = vector.load %arg1[%get3A_28, %get3A_29] : memref<8192x128xf32, #tpu.memory_space<vmem>>, vector<8192x128xf32>
    %get3A_31 = arith.constant 0 : index
    %get3A_32 = arith.constant 0 : index
    %get3A_33 = vector.load %arg6[%get3A_31, %get3A_32] : memref<128x128xf32, #tpu.memory_space<vmem>>, vector<128x128xf32>
    %dot_general3A_34 = arith.constant dense<0.000000e+00> : vector<8192x128xf32>
    %dot_general3A_35 = tpu.matmul %get3A_30, %get3A_33, %dot_general3A_34 {dimension_numbers = #tpu.dot_dimension_numbers<[1], [0], [0], [1], [0, 0, 1, 1], [], []>, transpose_lhs_hint = false} : vector<8192x128xf32>, vector<128x128xf32>, vector<8192x128xf32> -> vector<8192x128xf32>
    %add3A_36 = arith.addf %dot_general3A_35, %transpose3A : vector<8192x128xf32>
    %get3A_37 = arith.constant 0 : index
    %get3A_38 = arith.constant 0 : index
    %get3A_39 = vector.load %arg8[%get3A_37, %get3A_38] : memref<1x128xf32, #tpu.memory_space<vmem>>, vector<1x128xf32>
    %add3A_40 = vector.broadcast %get3A_39 : vector<1x128xf32> to vector<8192x128xf32>
    %add3A_41 = arith.addf %add3A_36, %add3A_40 : vector<8192x128xf32>
    %mul3A_42 = arith.mulf %add3A_41, %add3A_41 : vector<8192x128xf32>
    %get3A_43 = arith.constant 0 : index
    %get3A_44 = arith.constant 0 : index
    %get3A_45 = vector.load %arg5[%get3A_43, %get3A_44] : memref<128x1xf32, #tpu.memory_space<vmem>>, vector<128x1xf32>
    %dot_general3A_46 = arith.constant dense<0.000000e+00> : vector<8192x1xf32>
    %dot_general3A_47 = tpu.matmul %mul3A_42, %get3A_45, %dot_general3A_46 {dimension_numbers = #tpu.dot_dimension_numbers<[1], [0], [0], [1], [0, 0, 1, 1], [], []>, transpose_lhs_hint = false} : vector<8192x128xf32>, vector<128x1xf32>, vector<8192x1xf32> -> vector<8192x1xf32>
    %add3A_48 = arith.constant 9.99999974E-6 : f32
    %add3A_49 = vector.broadcast %add3A_48 : f32 to vector<8192x1xf32>
    %add3A_50 = arith.addf %dot_general3A_47, %add3A_49 : vector<8192x1xf32>
    %rsqrt3A_51 = math.rsqrt %add3A_50 : vector<8192x1xf32>
    %mul3A_52 = vector.broadcast %rsqrt3A_51 : vector<8192x1xf32> to vector<8192x128xf32>
    %mul3A_53 = arith.mulf %add3A_41, %mul3A_52 : vector<8192x128xf32>
    %get3A_54 = arith.constant 0 : index
    %get3A_55 = arith.constant 0 : index
    %get3A_56 = vector.load %arg9[%get3A_54, %get3A_55] : memref<1x128xf32, #tpu.memory_space<vmem>>, vector<1x128xf32>
    %mul3A_57 = vector.broadcast %get3A_56 : vector<1x128xf32> to vector<8192x128xf32>
    %mul3A_58 = arith.mulf %mul3A_53, %mul3A_57 : vector<8192x128xf32>
    %get3A_59 = arith.constant 0 : index
    %get3A_60 = arith.constant 0 : index
    %get3A_61 = vector.load %arg10[%get3A_59, %get3A_60] : memref<1x128xf32, #tpu.memory_space<vmem>>, vector<1x128xf32>
    %add3A_62 = vector.broadcast %get3A_61 : vector<1x128xf32> to vector<8192x128xf32>
    %add3A_63 = arith.addf %mul3A_58, %add3A_62 : vector<8192x128xf32>
    %swap3A = arith.constant 0 : index
    %swap3A_64 = arith.constant 0 : index
    %swap3A_65 = vector.load %arg11[%swap3A, %swap3A_64] : memref<8192x128xf32, #tpu.memory_space<vmem>>, vector<8192x128xf32>
    tpu.vector_store %arg11[%swap3A, %swap3A_64], %add3A_63 {strides = array<i32>} : memref<8192x128xf32, #tpu.memory_space<vmem>>, vector<8192x128xf32>,
    return
  }
  func.func @transform_0(%arg0: i32) -> (i32, i32) {
    %c0_i32 = arith.constant 0 : i32
    %c0_i32_0 = arith.constant 0 : i32
    return %arg0, %c0_i32 : i32, i32
  }
  func.func @transform_1(%arg0: i32) -> (i32, i32) {
    %add3A = arith.constant 0 : i32
    %add3A_0 = arith.addi %arg0, %add3A : i32
    %c0_i32 = arith.constant 0 : i32
    %c0_i32_1 = arith.constant 0 : i32
    return %c0_i32, %add3A_0 : i32, i32
  }
  func.func @transform_2(%arg0: i32) -> (i32, i32) {
    %c0_i32 = arith.constant 0 : i32
    %c0_i32_0 = arith.constant 0 : i32
    %c0_i32_1 = arith.constant 0 : i32
    return %c0_i32, %c0_i32_0 : i32, i32
  }
  func.func @transform_3(%arg0: i32) -> (i32, i32) {
    %c0_i32 = arith.constant 0 : i32
    %c0_i32_0 = arith.constant 0 : i32
    %c0_i32_1 = arith.constant 0 : i32
    return %c0_i32, %c0_i32_0 : i32, i32
  }
  func.func @transform_4(%arg0: i32) -> (i32, i32) {
    %c0_i32 = arith.constant 0 : i32
    %c0_i32_0 = arith.constant 0 : i32
    %c0_i32_1 = arith.constant 0 : i32
    return %c0_i32, %c0_i32_0 : i32, i32
  }
  func.func @transform_5(%arg0: i32) -> (i32, i32) {
    %c0_i32 = arith.constant 0 : i32
    %c0_i32_0 = arith.constant 0 : i32
    %c0_i32_1 = arith.constant 0 : i32
    return %c0_i32, %c0_i32_0 : i32, i32
  }
  func.func @transform_6(%arg0: i32) -> (i32, i32) {
    %c0_i32 = arith.constant 0 : i32
    %c0_i32_0 = arith.constant 0 : i32
    %c0_i32_1 = arith.constant 0 : i32
    return %c0_i32, %c0_i32_0 : i32, i32
  }
  func.func @transform_7(%arg0: i32) -> (i32, i32) {
    %c0_i32 = arith.constant 0 : i32
    %c0_i32_0 = arith.constant 0 : i32
    %c0_i32_1 = arith.constant 0 : i32
    return %c0_i32, %c0_i32_0 : i32, i32
  }
  func.func @transform_8(%arg0: i32) -> (i32, i32) {
    %c0_i32 = arith.constant 0 : i32
    %c0_i32_0 = arith.constant 0 : i32
    %c0_i32_1 = arith.constant 0 : i32
    return %c0_i32, %c0_i32_0 : i32, i32
  }
  func.func @transform_9(%arg0: i32) -> (i32, i32) {
    %c0_i32 = arith.constant 0 : i32
    %c0_i32_0 = arith.constant 0 : i32
    %c0_i32_1 = arith.constant 0 : i32
    return %c0_i32, %c0_i32_0 : i32, i32
  }
  func.func @transform_10(%arg0: i32) -> (i32, i32) {
    %add3A = arith.constant 0 : i32
    %add3A_0 = arith.addi %arg0, %add3A : i32
    %c0_i32 = arith.constant 0 : i32
    %c0_i32_1 = arith.constant 0 : i32
    return %add3A_0, %c0_i32 : i32, i32
  }
}

module attributes {stable_mosaic.version = 14 : i64} {
  func.func @_lambda_(%arg0: i32, %arg1: memref<8192x128xf32, #tpu.memory_space<vmem>>, %arg2: memref<8x8192xf32, #tpu.memory_space<vmem>>, %arg3: memref<128x8xf32, #tpu.memory_space<vmem>>, %arg4: memref<1x128xf32, #tpu.memory_space<vmem>>, %arg5: memref<128x1xf32, #tpu.memory_space<vmem>>, %arg6: memref<128x128xf32, #tpu.memory_space<vmem>>, %arg7: memref<128x128xf32, #tpu.memory_space<vmem>>, %arg8: memref<1x128xf32, #tpu.memory_space<vmem>>, %arg9: memref<1x128xf32, #tpu.memory_space<vmem>>, %arg10: memref<1x128xf32, #tpu.memory_space<vmem>>, %arg11: memref<327680x128xf32, #tpu.memory_space<any>>, %arg12: memref<8192x128xf32, #tpu.memory_space<vmem>>) attributes {dimension_semantics = [#tpu.dimension_semantics<arbitrary>], iteration_bounds = array<i64: 10>, scalar_prefetch = 0 : i64, scratch_operands = 0 : i64, tpu.core_type = #tpu.core_type<tc>, window_params = [{transform_indices = @transform_0, window_bounds = array<i64: 8192, 128>}, {transform_indices = @transform_1, window_bounds = array<i64: 8, 8192>}, {pipeline_mode = #tpu.pipeline_mode<synchronous>, transform_indices = @transform_2, window_bounds = array<i64: 128, 8>}, {pipeline_mode = #tpu.pipeline_mode<synchronous>, transform_indices = @transform_3, window_bounds = array<i64: 1, 128>}, {pipeline_mode = #tpu.pipeline_mode<synchronous>, transform_indices = @transform_4, window_bounds = array<i64: 128, 1>}, {pipeline_mode = #tpu.pipeline_mode<synchronous>, transform_indices = @transform_5, window_bounds = array<i64: 128, 128>}, {pipeline_mode = #tpu.pipeline_mode<synchronous>, transform_indices = @transform_6, window_bounds = array<i64: 128, 128>}, {pipeline_mode = #tpu.pipeline_mode<synchronous>, transform_indices = @transform_7, window_bounds = array<i64: 1, 128>}, {pipeline_mode = #tpu.pipeline_mode<synchronous>, transform_indices = @transform_8, window_bounds = array<i64: 1, 128>}, {pipeline_mode = #tpu.pipeline_mode<synchronous>, transform_indices = @transform_9, window_bounds = array<i64: 1, 128>}, {}, {transform_indices = @transform_11, window_bounds = array<i64: 8192, 128>}]} {
    %get3A = arith.constant 0 : index
    %get3A_0 = arith.constant 0 : index
    %get3A_1 = vector.load %arg3[%get3A, %get3A_0] : memref<128x8xf32, #tpu.memory_space<vmem>>, vector<128x8xf32>
    %get3A_2 = arith.constant 0 : index
    %get3A_3 = arith.constant 0 : index
    %get3A_4 = vector.load %arg2[%get3A_2, %get3A_3] : memref<8x8192xf32, #tpu.memory_space<vmem>>, vector<8x8192xf32>
    %dot_general3A = arith.constant dense<0.000000e+00> : vector<128x8192xf32>
    %dot_general3A_5 = tpu.matmul %get3A_1, %get3A_4, %dot_general3A {dimension_numbers = #tpu.dot_dimension_numbers<[1], [0], [0], [1], [0, 0, 1, 1], [], []>, transpose_lhs_hint = false} : vector<128x8xf32>, vector<8x8192xf32>, vector<128x8192xf32> -> vector<128x8192xf32>
    %max3A = arith.constant 0.000000e+00 : f32
    %max3A_6 = vector.broadcast %max3A : f32 to vector<128x8192xf32>
    %max3A_7 = arith.maximumf %dot_general3A_5, %max3A_6 : vector<128x8192xf32>
    %get3A_8 = arith.constant 0 : index
    %get3A_9 = arith.constant 0 : index
    %get3A_10 = vector.load %arg4[%get3A_8, %get3A_9] : memref<1x128xf32, #tpu.memory_space<vmem>>, vector<1x128xf32>
    %dot_general3A_11 = arith.constant dense<0.000000e+00> : vector<1x8192xf32>
    %dot_general3A_12 = tpu.matmul %get3A_10, %max3A_7, %dot_general3A_11 {dimension_numbers = #tpu.dot_dimension_numbers<[1], [0], [0], [1], [0, 0, 1, 1], [], []>, transpose_lhs_hint = false} : vector<1x128xf32>, vector<128x8192xf32>, vector<1x8192xf32> -> vector<1x8192xf32>
    %sub3A = vector.broadcast %dot_general3A_12 : vector<1x8192xf32> to vector<128x8192xf32>
    %sub3A_13 = arith.subf %max3A_7, %sub3A : vector<128x8192xf32>
    %get3A_14 = arith.constant 0 : index
    %get3A_15 = arith.constant 0 : index
    %get3A_16 = vector.load %arg4[%get3A_14, %get3A_15] : memref<1x128xf32, #tpu.memory_space<vmem>>, vector<1x128xf32>
    %mul3A = arith.mulf %sub3A_13, %sub3A_13 : vector<128x8192xf32>
    %dot_general3A_17 = arith.constant dense<0.000000e+00> : vector<1x8192xf32>
    %dot_general3A_18 = tpu.matmul %get3A_16, %mul3A, %dot_general3A_17 {dimension_numbers = #tpu.dot_dimension_numbers<[1], [0], [0], [1], [0, 0, 1, 1], [], []>, transpose_lhs_hint = false} : vector<1x128xf32>, vector<128x8192xf32>, vector<1x8192xf32> -> vector<1x8192xf32>
    %add3A = arith.constant 9.99999974E-6 : f32
    %add3A_19 = vector.broadcast %add3A : f32 to vector<1x8192xf32>
    %add3A_20 = arith.addf %dot_general3A_18, %add3A_19 : vector<1x8192xf32>
    %rsqrt3A = math.rsqrt %add3A_20 : vector<1x8192xf32>
    %mul3A_21 = vector.broadcast %rsqrt3A : vector<1x8192xf32> to vector<128x8192xf32>
    %mul3A_22 = arith.mulf %sub3A_13, %mul3A_21 : vector<128x8192xf32>
    %get3A_23 = arith.constant 0 : index
    %get3A_24 = arith.constant 0 : index
    %get3A_25 = vector.load %arg7[%get3A_23, %get3A_24] : memref<128x128xf32, #tpu.memory_space<vmem>>, vector<128x128xf32>
    %dot_general3A_26 = arith.constant dense<0.000000e+00> : vector<128x8192xf32>
    %dot_general3A_27 = tpu.matmul %get3A_25, %mul3A_22, %dot_general3A_26 {dimension_numbers = #tpu.dot_dimension_numbers<[1], [0], [0], [1], [0, 0, 1, 1], [], []>, transpose_lhs_hint = false} : vector<128x128xf32>, vector<128x8192xf32>, vector<128x8192xf32> -> vector<128x8192xf32>
    %transpose3A = tpu.transpose %dot_general3A_27, [1, 0] : vector<128x8192xf32> -> vector<8192x128xf32>
    %get3A_28 = arith.constant 0 : index
    %get3A_29 = arith.constant 0 : index
    %get3A_30 = vector.load %arg1[%get3A_28, %get3A_29] : memref<8192x128xf32, #tpu.memory_space<vmem>>, vector<8192x128xf32>
    %get3A_31 = arith.constant 0 : index
    %get3A_32 = arith.constant 0 : index
    %get3A_33 = vector.load %arg6[%get3A_31, %get3A_32] : memref<128x128xf32, #tpu.memory_space<vmem>>, vector<128x128xf32>
    %dot_general3A_34 = arith.constant dense<0.000000e+00> : vector<8192x128xf32>
    %dot_general3A_35 = tpu.matmul %get3A_30, %get3A_33, %dot_general3A_34 {dimension_numbers = #tpu.dot_dimension_numbers<[1], [0], [0], [1], [0, 0, 1, 1], [], []>, transpose_lhs_hint = false} : vector<8192x128xf32>, vector<128x128xf32>, vector<8192x128xf32> -> vector<8192x128xf32>
    %add3A_36 = arith.addf %dot_general3A_35, %transpose3A : vector<8192x128xf32>
    %get3A_37 = arith.constant 0 : index
    %get3A_38 = arith.constant 0 : index
    %get3A_39 = vector.load %arg8[%get3A_37, %get3A_38] : memref<1x128xf32, #tpu.memory_space<vmem>>, vector<1x128xf32>
    %add3A_40 = vector.broadcast %get3A_39 : vector<1x128xf32> to vector<8192x128xf32>
    %add3A_41 = arith.addf %add3A_36, %add3A_40 : vector<8192x128xf32>
    %mul3A_42 = arith.mulf %add3A_41, %add3A_41 : vector<8192x128xf32>
    %get3A_43 = arith.constant 0 : index
    %get3A_44 = arith.constant 0 : index
    %get3A_45 = vector.load %arg5[%get3A_43, %get3A_44] : memref<128x1xf32, #tpu.memory_space<vmem>>, vector<128x1xf32>
    %dot_general3A_46 = arith.constant dense<0.000000e+00> : vector<8192x1xf32>
    %dot_general3A_47 = tpu.matmul %mul3A_42, %get3A_45, %dot_general3A_46 {dimension_numbers = #tpu.dot_dimension_numbers<[1], [0], [0], [1], [0, 0, 1, 1], [], []>, transpose_lhs_hint = false} : vector<8192x128xf32>, vector<128x1xf32>, vector<8192x1xf32> -> vector<8192x1xf32>
    %add3A_48 = arith.constant 9.99999974E-6 : f32
    %add3A_49 = vector.broadcast %add3A_48 : f32 to vector<8192x1xf32>
    %add3A_50 = arith.addf %dot_general3A_47, %add3A_49 : vector<8192x1xf32>
    %rsqrt3A_51 = math.rsqrt %add3A_50 : vector<8192x1xf32>
    %mul3A_52 = vector.broadcast %rsqrt3A_51 : vector<8192x1xf32> to vector<8192x128xf32>
    %mul3A_53 = arith.mulf %add3A_41, %mul3A_52 : vector<8192x128xf32>
    %get3A_54 = arith.constant 0 : index
    %get3A_55 = arith.constant 0 : index
    %get3A_56 = vector.load %arg9[%get3A_54, %get3A_55] : memref<1x128xf32, #tpu.memory_space<vmem>>, vector<1x128xf32>
    %mul3A_57 = vector.broadcast %get3A_56 : vector<1x128xf32> to vector<8192x128xf32>
    %mul3A_58 = arith.mulf %mul3A_53, %mul3A_57 : vector<8192x128xf32>
    %get3A_59 = arith.constant 0 : index
    %get3A_60 = arith.constant 0 : index
    %get3A_61 = vector.load %arg10[%get3A_59, %get3A_60] : memref<1x128xf32, #tpu.memory_space<vmem>>, vector<1x128xf32>
    %add3A_62 = vector.broadcast %get3A_61 : vector<1x128xf32> to vector<8192x128xf32>
    %add3A_63 = arith.addf %mul3A_58, %add3A_62 : vector<8192x128xf32>
    %swap3A = arith.constant 0 : index
    %swap3A_64 = arith.constant 0 : index
    %swap3A_65 = vector.load %arg12[%swap3A, %swap3A_64] : memref<8192x128xf32, #tpu.memory_space<vmem>>, vector<8192x128xf32>
    tpu.vector_store %arg12[%swap3A, %swap3A_64], %add3A_63 {strides = array<i32>} : memref<8192x128xf32, #tpu.memory_space<vmem>>, vector<8192x128xf32>,
    return
  }
  func.func @transform_0(%arg0: i32) -> (i32, i32) {
    %c0_i32 = arith.constant 0 : i32
    %c0_i32_0 = arith.constant 0 : i32
    return %arg0, %c0_i32 : i32, i32
  }
  func.func @transform_1(%arg0: i32) -> (i32, i32) {
    %add3A = arith.constant 20 : i32
    %add3A_0 = arith.addi %arg0, %add3A : i32
    %c0_i32 = arith.constant 0 : i32
    %c0_i32_1 = arith.constant 0 : i32
    return %c0_i32, %add3A_0 : i32, i32
  }
  func.func @transform_2(%arg0: i32) -> (i32, i32) {
    %c0_i32 = arith.constant 0 : i32
    %c0_i32_0 = arith.constant 0 : i32
    %c0_i32_1 = arith.constant 0 : i32
    return %c0_i32, %c0_i32_0 : i32, i32
  }
  func.func @transform_3(%arg0: i32) -> (i32, i32) {
    %c0_i32 = arith.constant 0 : i32
    %c0_i32_0 = arith.constant 0 : i32
    %c0_i32_1 = arith.constant 0 : i32
    return %c0_i32, %c0_i32_0 : i32, i32
  }
  func.func @transform_4(%arg0: i32) -> (i32, i32) {
    %c0_i32 = arith.constant 0 : i32
    %c0_i32_0 = arith.constant 0 : i32
    %c0_i32_1 = arith.constant 0 : i32
    return %c0_i32, %c0_i32_0 : i32, i32
  }
  func.func @transform_5(%arg0: i32) -> (i32, i32) {
    %c0_i32 = arith.constant 0 : i32
    %c0_i32_0 = arith.constant 0 : i32
    %c0_i32_1 = arith.constant 0 : i32
    return %c0_i32, %c0_i32_0 : i32, i32
  }
  func.func @transform_6(%arg0: i32) -> (i32, i32) {
    %c0_i32 = arith.constant 0 : i32
    %c0_i32_0 = arith.constant 0 : i32
    %c0_i32_1 = arith.constant 0 : i32
    return %c0_i32, %c0_i32_0 : i32, i32
  }
  func.func @transform_7(%arg0: i32) -> (i32, i32) {
    %c0_i32 = arith.constant 0 : i32
    %c0_i32_0 = arith.constant 0 : i32
    %c0_i32_1 = arith.constant 0 : i32
    return %c0_i32, %c0_i32_0 : i32, i32
  }
  func.func @transform_8(%arg0: i32) -> (i32, i32) {
    %c0_i32 = arith.constant 0 : i32
    %c0_i32_0 = arith.constant 0 : i32
    %c0_i32_1 = arith.constant 0 : i32
    return %c0_i32, %c0_i32_0 : i32, i32
  }
  func.func @transform_9(%arg0: i32) -> (i32, i32) {
    %c0_i32 = arith.constant 0 : i32
    %c0_i32_0 = arith.constant 0 : i32
    %c0_i32_1 = arith.constant 0 : i32
    return %c0_i32, %c0_i32_0 : i32, i32
  }
  func.func @transform_11(%arg0: i32) -> (i32, i32) {
    %add3A = arith.constant 20 : i32
    %add3A_0 = arith.addi %arg0, %add3A : i32
    %c0_i32 = arith.constant 0 : i32
    %c0_i32_1 = arith.constant 0 : i32
    return %add3A_0, %c0_i32 : i32, i32
  }
}

module attributes {stable_mosaic.version = 14 : i64} {
  func.func @_lambda_(%arg0: i32, %arg1: memref<8192x128xf32, #tpu.memory_space<vmem>>, %arg2: memref<8x8192xf32, #tpu.memory_space<vmem>>, %arg3: memref<128x8xf32, #tpu.memory_space<vmem>>, %arg4: memref<1x128xf32, #tpu.memory_space<vmem>>, %arg5: memref<128x1xf32, #tpu.memory_space<vmem>>, %arg6: memref<128x128xf32, #tpu.memory_space<vmem>>, %arg7: memref<128x128xf32, #tpu.memory_space<vmem>>, %arg8: memref<1x128xf32, #tpu.memory_space<vmem>>, %arg9: memref<1x128xf32, #tpu.memory_space<vmem>>, %arg10: memref<1x128xf32, #tpu.memory_space<vmem>>, %arg11: memref<327680x128xf32, #tpu.memory_space<any>>, %arg12: memref<8192x128xf32, #tpu.memory_space<vmem>>) attributes {dimension_semantics = [#tpu.dimension_semantics<arbitrary>], iteration_bounds = array<i64: 10>, scalar_prefetch = 0 : i64, scratch_operands = 0 : i64, tpu.core_type = #tpu.core_type<tc>, window_params = [{transform_indices = @transform_0, window_bounds = array<i64: 8192, 128>}, {transform_indices = @transform_1, window_bounds = array<i64: 8, 8192>}, {pipeline_mode = #tpu.pipeline_mode<synchronous>, transform_indices = @transform_2, window_bounds = array<i64: 128, 8>}, {pipeline_mode = #tpu.pipeline_mode<synchronous>, transform_indices = @transform_3, window_bounds = array<i64: 1, 128>}, {pipeline_mode = #tpu.pipeline_mode<synchronous>, transform_indices = @transform_4, window_bounds = array<i64: 128, 1>}, {pipeline_mode = #tpu.pipeline_mode<synchronous>, transform_indices = @transform_5, window_bounds = array<i64: 128, 128>}, {pipeline_mode = #tpu.pipeline_mode<synchronous>, transform_indices = @transform_6, window_bounds = array<i64: 128, 128>}, {pipeline_mode = #tpu.pipeline_mode<synchronous>, transform_indices = @transform_7, window_bounds = array<i64: 1, 128>}, {pipeline_mode = #tpu.pipeline_mode<synchronous>, transform_indices = @transform_8, window_bounds = array<i64: 1, 128>}, {pipeline_mode = #tpu.pipeline_mode<synchronous>, transform_indices = @transform_9, window_bounds = array<i64: 1, 128>}, {}, {transform_indices = @transform_11, window_bounds = array<i64: 8192, 128>}]} {
    %get3A = arith.constant 0 : index
    %get3A_0 = arith.constant 0 : index
    %get3A_1 = vector.load %arg3[%get3A, %get3A_0] : memref<128x8xf32, #tpu.memory_space<vmem>>, vector<128x8xf32>
    %get3A_2 = arith.constant 0 : index
    %get3A_3 = arith.constant 0 : index
    %get3A_4 = vector.load %arg2[%get3A_2, %get3A_3] : memref<8x8192xf32, #tpu.memory_space<vmem>>, vector<8x8192xf32>
    %dot_general3A = arith.constant dense<0.000000e+00> : vector<128x8192xf32>
    %dot_general3A_5 = tpu.matmul %get3A_1, %get3A_4, %dot_general3A {dimension_numbers = #tpu.dot_dimension_numbers<[1], [0], [0], [1], [0, 0, 1, 1], [], []>, transpose_lhs_hint = false} : vector<128x8xf32>, vector<8x8192xf32>, vector<128x8192xf32> -> vector<128x8192xf32>
    %max3A = arith.constant 0.000000e+00 : f32
    %max3A_6 = vector.broadcast %max3A : f32 to vector<128x8192xf32>
    %max3A_7 = arith.maximumf %dot_general3A_5, %max3A_6 : vector<128x8192xf32>
    %get3A_8 = arith.constant 0 : index
    %get3A_9 = arith.constant 0 : index
    %get3A_10 = vector.load %arg4[%get3A_8, %get3A_9] : memref<1x128xf32, #tpu.memory_space<vmem>>, vector<1x128xf32>
    %dot_general3A_11 = arith.constant dense<0.000000e+00> : vector<1x8192xf32>
    %dot_general3A_12 = tpu.matmul %get3A_10, %max3A_7, %dot_general3A_11 {dimension_numbers = #tpu.dot_dimension_numbers<[1], [0], [0], [1], [0, 0, 1, 1], [], []>, transpose_lhs_hint = false} : vector<1x128xf32>, vector<128x8192xf32>, vector<1x8192xf32> -> vector<1x8192xf32>
    %sub3A = vector.broadcast %dot_general3A_12 : vector<1x8192xf32> to vector<128x8192xf32>
    %sub3A_13 = arith.subf %max3A_7, %sub3A : vector<128x8192xf32>
    %get3A_14 = arith.constant 0 : index
    %get3A_15 = arith.constant 0 : index
    %get3A_16 = vector.load %arg4[%get3A_14, %get3A_15] : memref<1x128xf32, #tpu.memory_space<vmem>>, vector<1x128xf32>
    %mul3A = arith.mulf %sub3A_13, %sub3A_13 : vector<128x8192xf32>
    %dot_general3A_17 = arith.constant dense<0.000000e+00> : vector<1x8192xf32>
    %dot_general3A_18 = tpu.matmul %get3A_16, %mul3A, %dot_general3A_17 {dimension_numbers = #tpu.dot_dimension_numbers<[1], [0], [0], [1], [0, 0, 1, 1], [], []>, transpose_lhs_hint = false} : vector<1x128xf32>, vector<128x8192xf32>, vector<1x8192xf32> -> vector<1x8192xf32>
    %add3A = arith.constant 9.99999974E-6 : f32
    %add3A_19 = vector.broadcast %add3A : f32 to vector<1x8192xf32>
    %add3A_20 = arith.addf %dot_general3A_18, %add3A_19 : vector<1x8192xf32>
    %rsqrt3A = math.rsqrt %add3A_20 : vector<1x8192xf32>
    %mul3A_21 = vector.broadcast %rsqrt3A : vector<1x8192xf32> to vector<128x8192xf32>
    %mul3A_22 = arith.mulf %sub3A_13, %mul3A_21 : vector<128x8192xf32>
    %get3A_23 = arith.constant 0 : index
    %get3A_24 = arith.constant 0 : index
    %get3A_25 = vector.load %arg7[%get3A_23, %get3A_24] : memref<128x128xf32, #tpu.memory_space<vmem>>, vector<128x128xf32>
    %dot_general3A_26 = arith.constant dense<0.000000e+00> : vector<128x8192xf32>
    %dot_general3A_27 = tpu.matmul %get3A_25, %mul3A_22, %dot_general3A_26 {dimension_numbers = #tpu.dot_dimension_numbers<[1], [0], [0], [1], [0, 0, 1, 1], [], []>, transpose_lhs_hint = false} : vector<128x128xf32>, vector<128x8192xf32>, vector<128x8192xf32> -> vector<128x8192xf32>
    %transpose3A = tpu.transpose %dot_general3A_27, [1, 0] : vector<128x8192xf32> -> vector<8192x128xf32>
    %get3A_28 = arith.constant 0 : index
    %get3A_29 = arith.constant 0 : index
    %get3A_30 = vector.load %arg1[%get3A_28, %get3A_29] : memref<8192x128xf32, #tpu.memory_space<vmem>>, vector<8192x128xf32>
    %get3A_31 = arith.constant 0 : index
    %get3A_32 = arith.constant 0 : index
    %get3A_33 = vector.load %arg6[%get3A_31, %get3A_32] : memref<128x128xf32, #tpu.memory_space<vmem>>, vector<128x128xf32>
    %dot_general3A_34 = arith.constant dense<0.000000e+00> : vector<8192x128xf32>
    %dot_general3A_35 = tpu.matmul %get3A_30, %get3A_33, %dot_general3A_34 {dimension_numbers = #tpu.dot_dimension_numbers<[1], [0], [0], [1], [0, 0, 1, 1], [], []>, transpose_lhs_hint = false} : vector<8192x128xf32>, vector<128x128xf32>, vector<8192x128xf32> -> vector<8192x128xf32>
    %add3A_36 = arith.addf %dot_general3A_35, %transpose3A : vector<8192x128xf32>
    %get3A_37 = arith.constant 0 : index
    %get3A_38 = arith.constant 0 : index
    %get3A_39 = vector.load %arg8[%get3A_37, %get3A_38] : memref<1x128xf32, #tpu.memory_space<vmem>>, vector<1x128xf32>
    %add3A_40 = vector.broadcast %get3A_39 : vector<1x128xf32> to vector<8192x128xf32>
    %add3A_41 = arith.addf %add3A_36, %add3A_40 : vector<8192x128xf32>
    %mul3A_42 = arith.mulf %add3A_41, %add3A_41 : vector<8192x128xf32>
    %get3A_43 = arith.constant 0 : index
    %get3A_44 = arith.constant 0 : index
    %get3A_45 = vector.load %arg5[%get3A_43, %get3A_44] : memref<128x1xf32, #tpu.memory_space<vmem>>, vector<128x1xf32>
    %dot_general3A_46 = arith.constant dense<0.000000e+00> : vector<8192x1xf32>
    %dot_general3A_47 = tpu.matmul %mul3A_42, %get3A_45, %dot_general3A_46 {dimension_numbers = #tpu.dot_dimension_numbers<[1], [0], [0], [1], [0, 0, 1, 1], [], []>, transpose_lhs_hint = false} : vector<8192x128xf32>, vector<128x1xf32>, vector<8192x1xf32> -> vector<8192x1xf32>
    %add3A_48 = arith.constant 9.99999974E-6 : f32
    %add3A_49 = vector.broadcast %add3A_48 : f32 to vector<8192x1xf32>
    %add3A_50 = arith.addf %dot_general3A_47, %add3A_49 : vector<8192x1xf32>
    %rsqrt3A_51 = math.rsqrt %add3A_50 : vector<8192x1xf32>
    %mul3A_52 = vector.broadcast %rsqrt3A_51 : vector<8192x1xf32> to vector<8192x128xf32>
    %mul3A_53 = arith.mulf %add3A_41, %mul3A_52 : vector<8192x128xf32>
    %get3A_54 = arith.constant 0 : index
    %get3A_55 = arith.constant 0 : index
    %get3A_56 = vector.load %arg9[%get3A_54, %get3A_55] : memref<1x128xf32, #tpu.memory_space<vmem>>, vector<1x128xf32>
    %mul3A_57 = vector.broadcast %get3A_56 : vector<1x128xf32> to vector<8192x128xf32>
    %mul3A_58 = arith.mulf %mul3A_53, %mul3A_57 : vector<8192x128xf32>
    %get3A_59 = arith.constant 0 : index
    %get3A_60 = arith.constant 0 : index
    %get3A_61 = vector.load %arg10[%get3A_59, %get3A_60] : memref<1x128xf32, #tpu.memory_space<vmem>>, vector<1x128xf32>
    %add3A_62 = vector.broadcast %get3A_61 : vector<1x128xf32> to vector<8192x128xf32>
    %add3A_63 = arith.addf %mul3A_58, %add3A_62 : vector<8192x128xf32>
    %swap3A = arith.constant 0 : index
    %swap3A_64 = arith.constant 0 : index
    %swap3A_65 = vector.load %arg12[%swap3A, %swap3A_64] : memref<8192x128xf32, #tpu.memory_space<vmem>>, vector<8192x128xf32>
    tpu.vector_store %arg12[%swap3A, %swap3A_64], %add3A_63 {strides = array<i32>} : memref<8192x128xf32, #tpu.memory_space<vmem>>, vector<8192x128xf32>,
    return
  }
  func.func @transform_0(%arg0: i32) -> (i32, i32) {
    %c0_i32 = arith.constant 0 : i32
    %c0_i32_0 = arith.constant 0 : i32
    return %arg0, %c0_i32 : i32, i32
  }
  func.func @transform_1(%arg0: i32) -> (i32, i32) {
    %add3A = arith.constant 30 : i32
    %add3A_0 = arith.addi %arg0, %add3A : i32
    %c0_i32 = arith.constant 0 : i32
    %c0_i32_1 = arith.constant 0 : i32
    return %c0_i32, %add3A_0 : i32, i32
  }
  func.func @transform_2(%arg0: i32) -> (i32, i32) {
    %c0_i32 = arith.constant 0 : i32
    %c0_i32_0 = arith.constant 0 : i32
    %c0_i32_1 = arith.constant 0 : i32
    return %c0_i32, %c0_i32_0 : i32, i32
  }
  func.func @transform_3(%arg0: i32) -> (i32, i32) {
    %c0_i32 = arith.constant 0 : i32
    %c0_i32_0 = arith.constant 0 : i32
    %c0_i32_1 = arith.constant 0 : i32
    return %c0_i32, %c0_i32_0 : i32, i32
  }
  func.func @transform_4(%arg0: i32) -> (i32, i32) {
    %c0_i32 = arith.constant 0 : i32
    %c0_i32_0 = arith.constant 0 : i32
    %c0_i32_1 = arith.constant 0 : i32
    return %c0_i32, %c0_i32_0 : i32, i32
  }
  func.func @transform_5(%arg0: i32) -> (i32, i32) {
    %c0_i32 = arith.constant 0 : i32
    %c0_i32_0 = arith.constant 0 : i32
    %c0_i32_1 = arith.constant 0 : i32
    return %c0_i32, %c0_i32_0 : i32, i32
  }
  func.func @transform_6(%arg0: i32) -> (i32, i32) {
    %c0_i32 = arith.constant 0 : i32
    %c0_i32_0 = arith.constant 0 : i32
    %c0_i32_1 = arith.constant 0 : i32
    return %c0_i32, %c0_i32_0 : i32, i32
  }
  func.func @transform_7(%arg0: i32) -> (i32, i32) {
    %c0_i32 = arith.constant 0 : i32
    %c0_i32_0 = arith.constant 0 : i32
    %c0_i32_1 = arith.constant 0 : i32
    return %c0_i32, %c0_i32_0 : i32, i32
  }
  func.func @transform_8(%arg0: i32) -> (i32, i32) {
    %c0_i32 = arith.constant 0 : i32
    %c0_i32_0 = arith.constant 0 : i32
    %c0_i32_1 = arith.constant 0 : i32
    return %c0_i32, %c0_i32_0 : i32, i32
  }
  func.func @transform_9(%arg0: i32) -> (i32, i32) {
    %c0_i32 = arith.constant 0 : i32
    %c0_i32_0 = arith.constant 0 : i32
    %c0_i32_1 = arith.constant 0 : i32
    return %c0_i32, %c0_i32_0 : i32, i32
  }
  func.func @transform_11(%arg0: i32) -> (i32, i32) {
    %add3A = arith.constant 30 : i32
    %add3A_0 = arith.addi %arg0, %add3A : i32
    %c0_i32 = arith.constant 0 : i32
    %c0_i32_1 = arith.constant 0 : i32
    return %add3A_0, %c0_i32 : i32, i32
  }
}

</mosaic_0001>

<sc_bundles>
// kernel: kernel.10.cloned.1.call-start
scs
__scs_entry_jumppad:
0x0: {  	(pc) =	sbr.rel $0x88, $3  }
0x1: {  	(tag) =	ssettag $0x0;
	lr =	simm.s32 $0x1  }
0x2: {  	[smem:$0x3F94] =	sst lr;
	_ =	strace $0xD0000000  }
0x3: {  	_ = 	snop  }
0x4: {  	_ = 	snop  }
0x5: {  	_ = 	snop  }
0x6: {  	_ = 	snop  }
0x7: {  	_ = 	snop  }
__scs_overlays_trampoline_lowered:
0x8: {  	[smem:$0x3FA3] =	sst s0  }
0x9: {  	[smem:$0x3FA4] =	sst s1  }
0xa: {  	[smem:$0x3FA5] =	sst s2  }
0xb: {  	[smem:$0x3FA6] =	sst s3  }
0xc: {  	[smem:$0x3FA7] =	sst s4  }
0xd: {  	[smem:$0x3FA8] =	sst s5  }
0xe: {  	[smem:$0x3FA9] =	sst s6  }
0xf: {  	[smem:$0x3FAA] =	sst s7  }
0x10: {  	[smem:$0x3FAB] =	sst s8  }
0x11: {  	[smem:$0x3FAC] =	sst s9;
	s0 =	simm.s32 @!p0 $0x0  }
0x12: {  	s1 =	sld [smem:$0x3F92];
	s0 =	simm.s32 @p0 $0x1  }
0x13: {  	[smem:$0x3FAD] =	sst s0;
	s0 =	simm.s32 @!p1 $0x0  }
0x14: {  	s2 =	sld [smem:$0x3F91];
	s0 =	simm.s32 @p1 $0x1  }
0x15: {  	[smem:$0x3FAE] =	sst s0;
	s0 =	simm.s32 @!p2 $0x0  }
0x16: {  	s3 =	sld [smem:$0x3FDB];
	s0 =	simm.s32 @p2 $0x1  }
0x17: {  	s4 =	simm.s32 $0x1BF5;
	[smem:$0x3FB0] =	sst s0  }
0x18: {  	s0 =	sld [smem:$0x3F93];
	_ =	swait.ge [sflag:s4], $0x0  }
0x19: {  	s7 =	sld [smem:$0x3F94]  }
0x1a: {  	s8 =	sadd.s32 $0xFFFFE003, lr  }
0x1b: {  	s9 =	sadd.s32 $0xFFFFFEF7, lr;
	s5 =	simm.s32 $0xFFFFFFFF;
	p2 =	slt.u32 s8, $0xFFFFF086  }
0x1c: {  	p1 =	slt.u32 s9, $0xF7A;
	s5 =	simm.s32 @!p2 $0x0  }
0x1d: {  	s5 =	simm.s32 @p1 $0x1;
	p0 =	seq.s32 s7, s2  }
0x1e: {  	s7 =	smul.u32 @!p0 $0xF7A, s2;
	p2 =	seq.s32 @!p0 s5, $0x0  }
0x1f: {  	s9 =	smul.u32 $0xF7A, s1;
	s8 =	simm.s32 @!p0 $0x1BF5;
	p2 =	por !p2, p0  }
0x20: {  	[sflag:s8] =	ssyncset.s32 @!p0 $0xFFFFF086;
	s6 =	sadd.s32 @!p0 s3, s7;
	s7 =	simm.s32 @!p0 $0x108  }
0x21: {  	s3 =	sadd.s32 s3, s9;
	s6 =	sadd.s32 @!p0 $0x88, s6;
	s7 =	simm.s32 @p2 $0x1082  }
0x22: {  	[simem:s7], [sflag:s8] =	dma.local @!p0 [hbm:s6], $0xF7A  }
0x23: {  	s9 =	sor.u32 $0xD0000000, s2;
	s6 =	simm.s32 $0x108;
	_ =	swait.ge @!p0 [sflag:s8], $0x0  }
0x24: {  	s3 =	sadd.s32 $0x88, s3;
	s6 =	simm.s32 @!p1 $0x1082;
	[sflag:s4] =	ssyncset.s32 $0xFFFFF086  }
0x25: {  	[simem:s6], [sflag:s4] =	dma.local [hbm:s3], $0xF7A  }
0x26: {  	[smem:$0x3F94] =	sst s1;
	(tag) =	ssettag s2;
	_ =	strace s9  }
0x27: {  	s1 =	sld [smem:$0x3FA4]  }
0x28: {  	s2 =	sld [smem:$0x3FA5]  }
0x29: {  	s4 =	sld [smem:$0x3FA7]  }
0x2a: {  	p0 =	seq.s32 s5, $0x0;
	s5 =	sld [smem:$0x3FA8]  }
0x2b: {  	s6 =	sld [smem:$0x3FA9]  }
0x2c: {  	s7 =	sld [smem:$0x3FAA]  }
0x2d: {  	s3 =	simm.s32 $0x108;
	s8 =	sld [smem:$0x3FAB]  }
0x2e: {  	s3 =	simm.s32 @!p0 $0x1082;
	s9 =	sld [smem:$0x3FAC]  }
0x2f: {  	lr =	sadd.s32 s0, s3;
	s0 =	sld [smem:$0x3FA3]  }
0x30: {  	s3 =	sld [smem:$0x3FA6]  }
0x31: {  	[smem:$0x3FAF] =	sst s10  }
0x32: {  	s10 =	sld [smem:$0x3FAD];
	_ =	sdelay $0x3  }
0x33: {  	p0 =	seq.s32 s10, $0x1;
	s10 =	sld [smem:$0x3FAF];
	_ =	sdelay $0x3  }
0x34: {  	[smem:$0x3FAF] =	sst s10  }
0x35: {  	s10 =	sld [smem:$0x3FAE];
	_ =	sdelay $0x3  }
0x36: {  	p1 =	seq.s32 s10, $0x1;
	s10 =	sld [smem:$0x3FAF];
	_ =	sdelay $0x3  }
0x37: {  	[smem:$0x3FAF] =	sst s10  }
0x38: {  	s10 =	sld [smem:$0x3FB0]  }
0x39: {  	_ = 	snop;
	(pc) =	sbr.ind lr, $3  }
0x3a: {  	_ = 	snop  }
0x3b: {  	_ = 	snop  }
0x3c: {  	p2 =	seq.s32 s10, $0x1;
	s10 =	sld [smem:$0x3FAF]  }
0x3d: {  	_ =	shalt  }
0x3e: {  	_ =	shalt  }
0x3f: {  	_ =	shalt  }
0x40: {  	_ =	shalt  }
0x41: {  	_ =	shalt  }
0x42: {  	_ =	shalt  }
0x43: {  	_ =	shalt  }
0x44: {  	_ =	shalt  }
0x45: {  	_ =	shalt  }
0x46: {  	_ =	shalt  }
0x47: {  	_ =	shalt  }
0x48: {  	_ =	shalt  }
0x49: {  	_ =	shalt  }
0x4a: {  	_ =	shalt  }
0x4b: {  	_ =	shalt  }
0x4c: {  	_ =	shalt  }
0x4d: {  	_ =	shalt  }
0x4e: {  	_ =	shalt  }
0x4f: {  	_ =	shalt  }
0x50: {  	_ =	shalt  }
0x51: {  	_ =	shalt  }
0x52: {  	_ =	shalt  }
0x53: {  	_ =	shalt  }
0x54: {  	_ =	shalt  }
0x55: {  	_ =	shalt  }
0x56: {  	_ =	shalt  }
0x57: {  	_ =	shalt  }
0x58: {  	_ =	shalt  }
0x59: {  	_ =	shalt  }
0x5a: {  	_ =	shalt  }
0x5b: {  	_ =	shalt  }
0x5c: {  	_ =	shalt  }
0x5d: {  	_ =	shalt  }
0x5e: {  	_ =	shalt  }
0x5f: {  	_ =	shalt  }
0x60: {  	_ =	shalt  }
0x61: {  	_ =	shalt  }
0x62: {  	_ =	shalt  }
0x63: {  	_ =	shalt  }
0x64: {  	_ =	shalt  }
0x65: {  	_ =	shalt  }
0x66: {  	_ =	shalt  }
0x67: {  	_ =	shalt  }
0x68: {  	_ =	shalt  }
0x69: {  	_ =	shalt  }
0x6a: {  	_ =	shalt  }
0x6b: {  	_ =	shalt  }
0x6c: {  	_ =	shalt  }
0x6d: {  	_ =	shalt  }
0x6e: {  	_ =	shalt  }
0x6f: {  	_ =	shalt  }
0x70: {  	_ =	shalt  }
0x71: {  	_ =	shalt  }
0x72: {  	_ =	shalt  }
0x73: {  	_ =	shalt  }
0x74: {  	_ =	shalt  }
0x75: {  	_ =	shalt  }
0x76: {  	_ =	shalt  }
0x77: {  	_ =	shalt  }
0x78: {  	_ =	shalt  }
0x79: {  	_ =	shalt  }
0x7a: {  	_ =	shalt  }
0x7b: {  	_ =	shalt  }
0x7c: {  	_ =	shalt  }
0x7d: {  	_ =	shalt  }
0x7e: {  	_ =	shalt  }
0x7f: {  	_ =	shalt  }
0x80: {  	_ =	shalt  }
0x81: {  	_ =	shalt  }
0x82: {  	_ =	shalt  }
0x83: {  	_ =	shalt  }
0x84: {  	_ =	shalt  }
0x85: {  	_ =	shalt  }
0x86: {  	_ =	shalt  }
0x87: {  	_ =	shalt  }
.Lfunc_end0:
.L_simem_size_0:
called_computation_lowered:
.L_overlay_start_0:
0x88: {  	s2 =	sld [smem:$0x3FD9]  }
0x89: {  	s3 =	sld [smem:$0x3FFE];
	_ =	sdelay $0x1  }
0x8a: {  	s1 =	srdreg.scid  }
0x8b: {  	s0 =	sand.u32 $0x1, s1  }
0x8c: {  	s17 =	sshll.u32 s0, $0xA;
	s2 =	sadd.s32 s3, s2  }
0x8d: {  	s2 =	sadd.s32 s2, s17  }
0x8e: {  	[smem:$0x3FBB] =	sst s2  }
0x8f: {  	_ = 	snop  }
0x90: {  	s2 =	sld [smem:$0x3FD0];
	(tm) =	ssettm $0x1  }
0x91: {  	s18 =	sld [smem:$0x3FFB];
	_ =	sdelay $0x3  }
0x92: {  	_ =	strace s18  }
0x93: {  	s3 =	sld [smem:$0x3FFC];
	_ =	sdelay $0x3  }
0x94: {  	_ =	strace s3  }
0x95: {  	s3 =	sld [smem:$0x3FFD];
	_ =	sdelay $0x3  }
0x96: {  	_ =	strace s3  }
0x97: {  	_ =	strace $0x8FFFFFFF  }
0x98: {  	s19 =	sld [smem:$0x3FDB];
	_ =	sdelay $0x1  }
0x99: {  	s4 =	simm.s32 $_scs_section_size  }
0x9a: {  	s5 =	simm.s32 $_size__tile_overlayer_lowered;
	s6 =	simm.s32 $_tile_overlayer_lowered  }
0x9b: {  	s22 =	simm.s32 $0x1BFF;
	s21 =	sshll.u32 s6, $0x1;
	s3 =	sadd.s32 s4, s19  }
0x9c: {  	s7 =	simm.s32 $0x0;
	s20 =	sshll.u32 s5, $0x1;
	s5 =	sadd.s32 s21, s3  }
0x9d: {  	[timem:s7], [sflag:s22] =	dma.local [hbm:s5], s20  }
0x9e: {  	_ =	swait.ge [sflag:s22], s20  }
0x9f: {  	s4 =	ssub.s32 $0x0, s20;
	[sflag:s22] =	ssyncset.done $0x0  }
0xa0: {  	[sflag:s22] =	ssyncadd.s32 s4;
	_ =	sdelay $0x1  }
0xa1: {  	s23 =	simm.s32 $0x1B8B  }
0xa2: {  	_ =	swait.ge [sflag:s23], $0x1  }
0xa3: {  	[sflag:s23] =	ssyncset.done $0x0  }
0xa4: {  	s25 =	simm.s32 $0x1B8E;
	s24 =	sld [smem:$0x3FFE];
	[sflag:s23] =	ssyncadd.s32 $0xFFFFFFFF  }
0xa5: {  	s26 =	simm.s32 $execute0_lowered;
	[smem:$0x3FD2] =	sst s25  }
0xa6: {  	s5 =	sshll.u32 s26, $0x1;
	_ =	strace $0x80000046;
	[dreg:$0x1] =	wrdreg $0xFFFFFFFF  }
0xa7: {  	s28 =	simm.s32 $_size_execute0_lowered;
	s3 =	sadd.s32 s3, s5;
	[dreg:$0x0] =	wrdreg $0x0  }
0xa8: {  	s5 =	sshll.u32 s28, $0x1;
	[dreg:$0x2] =	wrdreg s3  }
0xa9: {  	[dreg:$0x3] =	wrdreg s5  }
0xaa: {  	[dreg:$0x4] =	wrdreg $0xC0  }
0xab: {  	_ =	task [dreg:s7], $0x5FFFF  }
0xac: {  	[dreg:$0x1] =	wrdreg $0xFFFFFFFF  }
0xad: {  	[dreg:$0x0] =	wrdreg $0x60  }
0xae: {  	[dreg:$0x2] =	wrdreg s24  }
0xaf: {  	[dreg:$0x3] =	wrdreg s2  }
0xb0: {  	[dreg:$0x4] =	wrdreg $0x9  }
0xb1: {  	_ =	task.clear_ibuf [dreg:s7], $0x5FFFF;
	_ =	strace $0x90000046  }
0xb2: {  	s29 =	simm.s32 $0x9;
	_ =	strace $0x80000048  }
0xb3: {  	_ =	swait.ge [sflag:s29], $0x1  }
0xb4: {  	[sflag:s29] =	ssyncadd.s32 $0xFFFFFFFF  }
0xb5: {  	_ =	strace $0x90000048  }
0xb6: {  	_ =	sfence  }
0xb7: {  	s30 =	sld [smem:$0x0];
	_ =	sdelay $0x2  }
0xb8: {  	s31 =	sshll.u32 s1, $0xD;
	s1 =	sshrl.u32 s1, $0x2  }
0xb9: {  	s3 =	sand.u32 $0x4000, s31;
	s1 =	sadd.s32 s1, s30  }
0xba: {  	s0 =	sor.u32 s3, s0;
	s1 =	sshll.u32 s1, $0x11  }
0xbb: {  	s0 =	sor.u32 s1, s0  }
0xbc: {  	s0 =	sadd.s32 $0x8F2B, s0  }
0xbd: {  	[sflag:s0] =	ssyncadd.remote.s32 $0x1  }
0xbe: {  	_ =	sfence.sel $0xFFFF  }
0xbf: {  	[dreg:$0x0] =	wrdreg $0xFFFFFFFF;
	(pc) =	sbr.abs _section_cstart, $3  }
0xc0: {  	[dreg:$0x1] =	wrdreg $0xFFFFFFFF  }
0xc1: {  	_ =	task.clear_ibuf [dreg:s7], $0x2FFFF;
	_ =	strace $0x9FFFFFFF  }
0xc2: {  	(tm) =	ssettm $0x7FFFFFFF  }
0xc3: {  	_ =	shalt  }
tec
execute0_lowered:
.L_overlay_start_1:
0x0: {  	(tag) =	ssettag $0x1  }
0x1: {  	s0 =	rddreg [dreg:$0x0]  }
0x2: {  	s1 =	srdreg.scid;
	s19 =	stileid.u32  }
0x3: {  	s2 =	rddreg [dreg:$0x1];
	s23 =	simm.s32 $0x0;
	s31 =	simm.s32 $0x9  }
0x4: {  	s30 =	simm.s32 $0xA00;
	s28 =	simm.s32 $0xDC0;
	s29 =	simm.s32 $0xF00  }
0x5: {  	p0 =	por $0x0, $0x0;
	s1 =	sand.u32 $0x1, s1;
	s3 =	sshll.u32 s19, $0x1  }
0x6: {  	[smem:$0x7FF] =	sst s23;
	s6 =	sadd.s32 $0x19CC00, s0;
	s3 =	sor.u32 s1, s3  }
0x7: {  	s22 =	sadd.s32 $0x19CC08, s0;
	s1 =	ssub.s32 $0x2, s1;
	s4 =	smul.u32 $0x140, s3  }
0x8: {  	_ =	strace $0x80000047;
	s20 =	smul.u32 $0xA000, s3;
	s16 =	sshrl.u32 s1, $0x1  }
0x9: {  	s1 =	ssub.s32 s1, s16;
	s16 =	simm.s32 $0xB400;
	s5 =	sadd.s32 s4, s0  }
0xa: {  	s2 =	sadd.s32 s2, s4;
	s24 =	sadd.s32 s6, s20;
	s25 =	sadd.s32 s20, s22  }
0xb: {  	s3 =	sor.u32 $0x1400, s20;
	s7 =	sadd.s32 $0x2800, s20;
	s12 =	sadd.s32 $0x6400, s20  }
0xc: {  	s15 =	sadd.s32 $0x7800, s20;
	s4 =	sadd.s32 $0x8C00, s20;
	[dreg:$0x3] =	wrdreg s2  }
0xd: {  	s1 =	smax.u32 s1, $0x1;
	s21 =	sadd.s32 $0x18B400, s5;
	[dreg:$0x5] =	wrdreg s24  }
0xe: {  	[dreg:$0x6] =	wrdreg s25;
	s26 =	sadd.s32 s6, s3;
	s3 =	sadd.s32 s3, s22  }
0xf: {  	s8 =	sadd.s32 s6, s7;
	s2 =	sadd.s32 $0xC7E00, s0;
	[dreg:$0x4] =	wrdreg s21  }
0x10: {  	s13 =	sadd.s32 s6, s12;
	s14 =	sadd.s32 s12, s22;
	[dreg:$0x7] =	wrdreg s26  }
0x11: {  	s17 =	sadd.s32 s6, s15;
	s18 =	sadd.s32 s15, s22;
	[dreg:$0x8] =	wrdreg s3  }
0x12: {  	s15 =	simm.s32 $0x1400;
	s5 =	simm.s32 $0x80;
	[dreg:$0x9] =	wrdreg s8  }
0x13: {  	s24 =	simm.s32 $0x280;
	s25 =	simm.s32 $0xC80;
	[dreg:$0xf] =	wrdreg s13  }
0x14: {  	s12 =	simm.s32 $0x6;
	p1 =	sne.s32 s1, $0x1;
	[dreg:$0x10] =	wrdreg s14  }
0x15: {  	s1 =	sadd.s32 $0xFFFFFFFF, s1;
	s3 =	sadd.s32 s7, s22;
	[dreg:$0x11] =	wrdreg s17  }
0x16: {  	s7 =	sadd.s32 $0x3C00, s20;
	s8 =	sadd.s32 $0x5000, s20;
	[dreg:$0x12] =	wrdreg s18  }
0x17: {  	s20 =	sadd.s32 s6, s4;
	s21 =	sadd.s32 s4, s22;
	[dreg:$0x16] =	wrdreg s24  }
0x18: {  	s18 =	simm.s32 $0x1;
	s17 =	simm.s32 $0x3;
	[dreg:$0x17] =	wrdreg s25  }
0x19: {  	s4 =	simm.s32 $0x40;
	s14 =	simm.s32 $0x2;
	[dreg:$0xa] =	wrdreg s3  }
0x1a: {  	s13 =	simm.s32 $0x4;
	s26 =	simm.s32 $0x3C0;
	[dreg:$0x13] =	wrdreg s20  }
0x1b: {  	s25 =	simm.s32 $0x640;
	s24 =	simm.s32 $0x1180;
	[dreg:$0x14] =	wrdreg s21  }
0x1c: {  	s9 =	sadd.s32 s6, s7;
	s7 =	sadd.s32 s7, s22;
	[dreg:$0x18] =	wrdreg s26  }
0x1d: {  	s3 =	sadd.s32 $0x4800, s0;
	s10 =	sadd.s32 s6, s8;
	s0 =	rddreg [dreg:$0x3]  }
0x1e: {  	s11 =	sadd.s32 s8, s22;
	s6 =	simm.s32 $0x6400;
	[dreg:$0xb] =	wrdreg s9  }
.Ltmp0:
0x1f: {  	s22 =	simm.s32 $0xB40;
	[dreg:$0xc] =	wrdreg s7;
	(pc) =	sbr.rel @!p1 .LBB2_1-.Ltmp0, $4  }
0x20: {  	s8 =	simm.s32 $0x8;
	s26 =	simm.s32 $0x1040;
	[dreg:$0xd] =	wrdreg s10  }
0x21: {  	s20 =	simm.s32 $0x8C0;
	s21 =	simm.s32 $0x12C0;
	[dreg:$0xe] =	wrdreg s11  }
0x22: {  	s9 =	simm.s32 $0x140;
	[dreg:$0x15] =	wrdreg s22;
	s10 =	simm.s32 $0x10400  }
0x23: {  	s11 =	simm.s32 $0x5;
	s7 =	simm.s32 $0x7;
	s22 =	simm.s32 $0x780  }
0x24: {  	[tilespmem:s23], [sflag:$0x9] =	stream.linear.gather [hbm4b:s0+s23], $0xA00, $0x38;
	[tilespmem:$0x15400] =	vst v63  }
0x25: {  	_ =	swait.ge [sflag:s31], $0xA00  }
0x26: {  	[sflag:s31] =	ssyncset.done $0x0  }
0x27: {  	s19 =	rddreg [dreg:$0x4];
	[sflag:s31] =	ssyncadd.s32 $0xFFFFF600  }
0x28: {  	[tilespmem:s30], [sflag:$0x9] =	stream.linear.gather [hbm4b:s19+s23], $0xA00, $0x38;
	[tilespmem:$0x15400] =	vst v63  }
0x29: {  	_ =	swait.ge [sflag:s31], $0xA00  }
0x2a: {  	[sflag:s31] =	ssyncset.done $0x0  }
0x2b: {  	[sflag:s31] =	ssyncadd.s32 $0xFFFFF600  }
0x2c: {  	[tilespmem:s15], [sflag:$0x1] =	stream.indirect.gather [hbm4b:s2+s9], $0x40, s23, s9, $0xb8;
	[tilespmem:$0x15400] =	vst v63  }
0x2d: {  	_ = 	snop  }
0x2e: {  	[tilespmem:s16], [sflag:$0x3] =	stream.indirect.gather [hbm4b:s3+s9], $0x40, s30, s9, $0xb8;
	[tilespmem:$0x15400] =	vst v63  }
0x2f: {  	_ =	swait.ge [sflag:s18], $0x5000  }
0x30: {  	[sflag:s18] =	ssyncset.done $0x0  }
0x31: {  	[sflag:s18] =	ssyncadd.s32 $0xFFFFB000  }
0x32: {  	_ =	swait.ge [sflag:s17], $0x5000  }
0x33: {  	[sflag:s17] =	ssyncset.done $0x0  }
0x34: {  	s0 =	rddreg [dreg:$0x5];
	[sflag:s17] =	ssyncadd.s32 $0xFFFFB000  }
0x35: {  	[hbm4b:s0+s4] =	stream.strided.scatter [tilespmem:s15], [sflag:$0x5], $0x5000, s5, s4, $0x38;
	[tilespmem:$0x15400] =	vst v63  }
0x36: {  	s19 =	smov.u32 s1;
	s1 =	rddreg [dreg:$0x6]  }
0x37: {  	[hbm4b:s1+s4] =	stream.strided.scatter [tilespmem:s16], [sflag:$0x7], $0x5000, s5, s4, $0x38;
	[tilespmem:$0x15400] =	vst v63  }
0x38: {  	_ = 	snop  }
0x39: {  	[tilespmem:s6], [sflag:$0x2] =	stream.indirect.gather [hbm4b:s2+s9], $0x40, s9, s9, $0xb8;
	[tilespmem:$0x15400] =	vst v63  }
0x3a: {  	s1 =	rddreg [dreg:$0x15]  }
0x3b: {  	[tilespmem:s10], [sflag:$0x4] =	stream.indirect.gather [hbm4b:s3+s9], $0x40, s1, s9, $0xb8;
	[tilespmem:$0x15400] =	vst v63  }
0x3c: {  	_ =	swait.ge [sflag:s14], $0x5000  }
0x3d: {  	[sflag:s14] =	ssyncset.done $0x0  }
0x3e: {  	[sflag:s14] =	ssyncadd.s32 $0xFFFFB000  }
0x3f: {  	_ =	swait.ge [sflag:s13], $0x5000  }
0x40: {  	[sflag:s13] =	ssyncset.done $0x0  }
0x41: {  	s0 =	rddreg [dreg:$0x7];
	[sflag:s13] =	ssyncadd.s32 $0xFFFFB000  }
0x42: {  	[hbm4b:s0+s4] =	stream.strided.scatter [tilespmem:s6], [sflag:$0x6], $0x5000, s5, s4, $0x38;
	[tilespmem:$0x15400] =	vst v63  }
0x43: {  	s1 =	rddreg [dreg:$0x8]  }
0x44: {  	[hbm4b:s1+s4] =	stream.strided.scatter [tilespmem:s10], [sflag:$0x8], $0x5000, s5, s4, $0x38;
	[tilespmem:$0x15400] =	vst v63  }
0x45: {  	_ =	swait.ge [sflag:s11], $0x5000  }
0x46: {  	[sflag:s11] =	ssyncset.done $0x0  }
0x47: {  	[sflag:s11] =	ssyncadd.s32 $0xFFFFB000  }
0x48: {  	_ =	swait.ge [sflag:s7], $0x5000  }
0x49: {  	[sflag:s7] =	ssyncset.done $0x0  }
0x4a: {  	s0 =	rddreg [dreg:$0x16];
	[sflag:s7] =	ssyncadd.s32 $0xFFFFB000  }
0x4b: {  	[tilespmem:s15], [sflag:$0x1] =	stream.indirect.gather [hbm4b:s2+s9], $0x40, s0, s9, $0xb8;
	[tilespmem:$0x15400] =	vst v63  }
0x4c: {  	s1 =	rddreg [dreg:$0x17]  }
0x4d: {  	[tilespmem:s16], [sflag:$0x3] =	stream.indirect.gather [hbm4b:s3+s9], $0x40, s1, s9, $0xb8;
	[tilespmem:$0x15400] =	vst v63  }
0x4e: {  	_ =	swait.ge [sflag:s18], $0x5000  }
0x4f: {  	[sflag:s18] =	ssyncset.done $0x0  }
0x50: {  	[sflag:s18] =	ssyncadd.s32 $0xFFFFB000  }
0x51: {  	_ =	swait.ge [sflag:s17], $0x5000  }
0x52: {  	[sflag:s17] =	ssyncset.done $0x0  }
0x53: {  	s0 =	rddreg [dreg:$0x9];
	[sflag:s17] =	ssyncadd.s32 $0xFFFFB000  }
0x54: {  	[hbm4b:s0+s4] =	stream.strided.scatter [tilespmem:s15], [sflag:$0x5], $0x5000, s5, s4, $0x38;
	[tilespmem:$0x15400] =	vst v63  }
0x55: {  	s1 =	rddreg [dreg:$0xa]  }
0x56: {  	[hbm4b:s1+s4] =	stream.strided.scatter [tilespmem:s16], [sflag:$0x7], $0x5000, s5, s4, $0x38;
	[tilespmem:$0x15400] =	vst v63  }
0x57: {  	_ =	swait.ge [sflag:s12], $0x5000  }
0x58: {  	[sflag:s12] =	ssyncset.done $0x0  }
0x59: {  	[sflag:s12] =	ssyncadd.s32 $0xFFFFB000  }
0x5a: {  	_ =	swait.ge [sflag:s8], $0x5000  }
0x5b: {  	[sflag:s8] =	ssyncset.done $0x0  }
0x5c: {  	s1 =	rddreg [dreg:$0x18];
	[sflag:s8] =	ssyncadd.s32 $0xFFFFB000  }
0x5d: {  	[tilespmem:s6], [sflag:$0x2] =	stream.indirect.gather [hbm4b:s2+s9], $0x40, s1, s9, $0xb8;
	[tilespmem:$0x15400] =	vst v63  }
0x5e: {  	_ = 	snop  }
0x5f: {  	[tilespmem:s10], [sflag:$0x4] =	stream.indirect.gather [hbm4b:s3+s9], $0x40, s28, s9, $0xb8;
	[tilespmem:$0x15400] =	vst v63  }
0x60: {  	_ =	swait.ge [sflag:s14], $0x5000  }
0x61: {  	[sflag:s14] =	ssyncset.done $0x0  }
0x62: {  	[sflag:s14] =	ssyncadd.s32 $0xFFFFB000  }
0x63: {  	_ =	swait.ge [sflag:s13], $0x5000  }
0x64: {  	[sflag:s13] =	ssyncset.done $0x0  }
0x65: {  	s0 =	rddreg [dreg:$0xb];
	[sflag:s13] =	ssyncadd.s32 $0xFFFFB000  }
0x66: {  	[hbm4b:s0+s4] =	stream.strided.scatter [tilespmem:s6], [sflag:$0x6], $0x5000, s5, s4, $0x38;
	[tilespmem:$0x15400] =	vst v63  }
0x67: {  	s1 =	rddreg [dreg:$0xc]  }
0x68: {  	[hbm4b:s1+s4] =	stream.strided.scatter [tilespmem:s10], [sflag:$0x8], $0x5000, s5, s4, $0x38;
	[tilespmem:$0x15400] =	vst v63  }
0x69: {  	_ =	swait.ge [sflag:s11], $0x5000  }
0x6a: {  	[sflag:s11] =	ssyncset.done $0x0  }
0x6b: {  	[sflag:s11] =	ssyncadd.s32 $0xFFFFB000  }
0x6c: {  	_ =	swait.ge [sflag:s7], $0x5000  }
0x6d: {  	[sflag:s7] =	ssyncset.done $0x0  }
0x6e: {  	s1 =	simm.s32 $0x500;
	[sflag:s7] =	ssyncadd.s32 $0xFFFFB000  }
0x6f: {  	[tilespmem:s15], [sflag:$0x1] =	stream.indirect.gather [hbm4b:s2+s9], $0x40, s1, s9, $0xb8;
	[tilespmem:$0x15400] =	vst v63  }
0x70: {  	_ = 	snop  }
0x71: {  	[tilespmem:s16], [sflag:$0x3] =	stream.indirect.gather [hbm4b:s3+s9], $0x40, s29, s9, $0xb8;
	[tilespmem:$0x15400] =	vst v63  }
0x72: {  	_ =	swait.ge [sflag:s18], $0x5000  }
0x73: {  	[sflag:s18] =	ssyncset.done $0x0  }
0x74: {  	[sflag:s18] =	ssyncadd.s32 $0xFFFFB000  }
0x75: {  	_ =	swait.ge [sflag:s17], $0x5000  }
0x76: {  	[sflag:s17] =	ssyncset.done $0x0  }
0x77: {  	s0 =	rddreg [dreg:$0xd];
	[sflag:s17] =	ssyncadd.s32 $0xFFFFB000  }
0x78: {  	[hbm4b:s0+s4] =	stream.strided.scatter [tilespmem:s15], [sflag:$0x5], $0x5000, s5, s4, $0x38;
	[tilespmem:$0x15400] =	vst v63  }
0x79: {  	s1 =	rddreg [dreg:$0xe]  }
0x7a: {  	[hbm4b:s1+s4] =	stream.strided.scatter [tilespmem:s16], [sflag:$0x7], $0x5000, s5, s4, $0x38;
	[tilespmem:$0x15400] =	vst v63  }
0x7b: {  	_ =	swait.ge [sflag:s12], $0x5000  }
0x7c: {  	[sflag:s12] =	ssyncset.done $0x0  }
0x7d: {  	[sflag:s12] =	ssyncadd.s32 $0xFFFFB000  }
0x7e: {  	_ =	swait.ge [sflag:s8], $0x5000  }
0x7f: {  	[sflag:s8] =	ssyncset.done $0x0  }
0x80: {  	[sflag:s8] =	ssyncadd.s32 $0xFFFFB000  }
0x81: {  	[tilespmem:s6], [sflag:$0x2] =	stream.indirect.gather [hbm4b:s2+s9], $0x40, s25, s9, $0xb8;
	[tilespmem:$0x15400] =	vst v63  }
0x82: {  	_ = 	snop  }
0x83: {  	[tilespmem:s10], [sflag:$0x4] =	stream.indirect.gather [hbm4b:s3+s9], $0x40, s26, s9, $0xb8;
	[tilespmem:$0x15400] =	vst v63  }
0x84: {  	_ =	swait.ge [sflag:s14], $0x5000  }
0x85: {  	[sflag:s14] =	ssyncset.done $0x0  }
0x86: {  	[sflag:s14] =	ssyncadd.s32 $0xFFFFB000  }
0x87: {  	_ =	swait.ge [sflag:s13], $0x5000  }
0x88: {  	[sflag:s13] =	ssyncset.done $0x0  }
0x89: {  	s0 =	rddreg [dreg:$0xf];
	[sflag:s13] =	ssyncadd.s32 $0xFFFFB000  }
0x8a: {  	[hbm4b:s0+s4] =	stream.strided.scatter [tilespmem:s6], [sflag:$0x6], $0x5000, s5, s4, $0x38;
	[tilespmem:$0x15400] =	vst v63  }
0x8b: {  	s1 =	rddreg [dreg:$0x10]  }
0x8c: {  	[hbm4b:s1+s4] =	stream.strided.scatter [tilespmem:s10], [sflag:$0x8], $0x5000, s5, s4, $0x38;
	[tilespmem:$0x15400] =	vst v63  }
0x8d: {  	_ =	swait.ge [sflag:s11], $0x5000  }
0x8e: {  	[sflag:s11] =	ssyncset.done $0x0  }
0x8f: {  	[sflag:s11] =	ssyncadd.s32 $0xFFFFB000  }
0x90: {  	_ =	swait.ge [sflag:s7], $0x5000  }
0x91: {  	[sflag:s7] =	ssyncset.done $0x0  }
0x92: {  	[sflag:s7] =	ssyncadd.s32 $0xFFFFB000  }
0x93: {  	[tilespmem:s15], [sflag:$0x1] =	stream.indirect.gather [hbm4b:s2+s9], $0x40, s22, s9, $0xb8;
	[tilespmem:$0x15400] =	vst v63  }
0x94: {  	_ = 	snop  }
0x95: {  	[tilespmem:s16], [sflag:$0x3] =	stream.indirect.gather [hbm4b:s3+s9], $0x40, s24, s9, $0xb8;
	[tilespmem:$0x15400] =	vst v63  }
0x96: {  	_ =	swait.ge [sflag:s18], $0x5000  }
0x97: {  	[sflag:s18] =	ssyncset.done $0x0  }
0x98: {  	[sflag:s18] =	ssyncadd.s32 $0xFFFFB000  }
0x99: {  	_ =	swait.ge [sflag:s17], $0x5000  }
0x9a: {  	[sflag:s17] =	ssyncset.done $0x0  }
0x9b: {  	s0 =	rddreg [dreg:$0x11];
	[sflag:s17] =	ssyncadd.s32 $0xFFFFB000  }
0x9c: {  	[hbm4b:s0+s4] =	stream.strided.scatter [tilespmem:s15], [sflag:$0x5], $0x5000, s5, s4, $0x38;
	[tilespmem:$0x15400] =	vst v63  }
0x9d: {  	s1 =	rddreg [dreg:$0x12]  }
0x9e: {  	[hbm4b:s1+s4] =	stream.strided.scatter [tilespmem:s16], [sflag:$0x7], $0x5000, s5, s4, $0x38;
	[tilespmem:$0x15400] =	vst v63  }
0x9f: {  	_ =	swait.ge [sflag:s12], $0x5000  }
0xa0: {  	[sflag:s12] =	ssyncset.done $0x0  }
0xa1: {  	[sflag:s12] =	ssyncadd.s32 $0xFFFFB000  }
0xa2: {  	_ =	swait.ge [sflag:s8], $0x5000  }
0xa3: {  	[sflag:s8] =	ssyncset.done $0x0  }
0xa4: {  	[sflag:s8] =	ssyncadd.s32 $0xFFFFB000  }
0xa5: {  	[tilespmem:s6], [sflag:$0x2] =	stream.indirect.gather [hbm4b:s2+s9], $0x40, s20, s9, $0xb8;
	[tilespmem:$0x15400] =	vst v63  }
0xa6: {  	_ = 	snop  }
0xa7: {  	[tilespmem:s10], [sflag:$0x4] =	stream.indirect.gather [hbm4b:s3+s9], $0x40, s21, s9, $0xb8;
	[tilespmem:$0x15400] =	vst v63  }
0xa8: {  	_ =	swait.ge [sflag:s14], $0x5000  }
0xa9: {  	[sflag:s14] =	ssyncset.done $0x0  }
0xaa: {  	[sflag:s14] =	ssyncadd.s32 $0xFFFFB000  }
0xab: {  	_ =	swait.ge [sflag:s13], $0x5000  }
0xac: {  	[sflag:s13] =	ssyncset.done $0x0  }
0xad: {  	s0 =	rddreg [dreg:$0x13];
	[sflag:s13] =	ssyncadd.s32 $0xFFFFB000  }
0xae: {  	[hbm4b:s0+s4] =	stream.strided.scatter [tilespmem:s6], [sflag:$0x6], $0x5000, s5, s4, $0x38;
	[tilespmem:$0x15400] =	vst v63  }
0xaf: {  	s1 =	rddreg [dreg:$0x14]  }
0xb0: {  	[hbm4b:s1+s4] =	stream.strided.scatter [tilespmem:s10], [sflag:$0x8], $0x5000, s5, s4, $0x38;
	[tilespmem:$0x15400] =	vst v63  }
0xb1: {  	_ =	swait.ge [sflag:s11], $0x5000  }
0xb2: {  	[sflag:s11] =	ssyncset.done $0x0  }
0xb3: {  	[sflag:s11] =	ssyncadd.s32 $0xFFFFB000  }
0xb4: {  	_ =	swait.ge [sflag:s7], $0x5000  }
0xb5: {  	[sflag:s7] =	ssyncset.done $0x0  }
0xb6: {  	p1 =	sne.s32 s19, $0x1;
	[sflag:s7] =	ssyncadd.s32 $0xFFFFB000  }
.Ltmp1:
0xb7: {  	_ =	swait.ge [sflag:s12], $0x5000;
	(pc) =	sbr.rel @!p1 .LBB2_3-.Ltmp1, $4  }
0xb8: {  	[sflag:s12] =	ssyncset.done $0x0  }
0xb9: {  	[sflag:s12] =	ssyncadd.s32 $0xFFFFB000  }
0xba: {  	p0 =	por $0x1, $0x1;
	_ =	swait.ge [sflag:s8], $0x5000  }
0xbb: {  	s1 =	sadd.s32 $0xFFFFFFFF, s19;
	s0 =	rddreg [dreg:$0x3];
	[sflag:s8] =	ssyncset.done $0x0  }
.LBB2_4:
0xbc: {  	[sflag:s8] =	ssyncadd.s32 $0xFFFFB000  }
0xbd: {  	[tilespmem:s23], [sflag:$0x9] =	stream.linear.gather [hbm4b:s0+s23], $0xA00, $0x38;
	[tilespmem:$0x15400] =	vst v63  }
0xbe: {  	_ =	swait.ge [sflag:s31], $0xA00  }
0xbf: {  	[sflag:s31] =	ssyncset.done $0x0  }
0xc0: {  	s19 =	rddreg [dreg:$0x4];
	[sflag:s31] =	ssyncadd.s32 $0xFFFFF600  }
0xc1: {  	[tilespmem:s30], [sflag:$0x9] =	stream.linear.gather [hbm4b:s19+s23], $0xA00, $0x38;
	[tilespmem:$0x15400] =	vst v63  }
0xc2: {  	_ =	swait.ge [sflag:s31], $0xA00  }
0xc3: {  	[sflag:s31] =	ssyncset.done $0x0  }
0xc4: {  	[sflag:s31] =	ssyncadd.s32 $0xFFFFF600  }
0xc5: {  	[tilespmem:s15], [sflag:$0x1] =	stream.indirect.gather [hbm4b:s2+s9], $0x40, s23, s9, $0xb8;
	[tilespmem:$0x15400] =	vst v63  }
0xc6: {  	_ = 	snop  }
0xc7: {  	[tilespmem:s16], [sflag:$0x3] =	stream.indirect.gather [hbm4b:s3+s9], $0x40, s30, s9, $0xb8;
	[tilespmem:$0x15400] =	vst v63  }
0xc8: {  	_ =	swait.ge [sflag:s18], $0x5000  }
0xc9: {  	[sflag:s18] =	ssyncset.done $0x0  }
0xca: {  	[sflag:s18] =	ssyncadd.s32 $0xFFFFB000  }
0xcb: {  	_ =	swait.ge [sflag:s17], $0x5000  }
0xcc: {  	[sflag:s17] =	ssyncset.done $0x0  }
0xcd: {  	s0 =	rddreg [dreg:$0x5];
	[sflag:s17] =	ssyncadd.s32 $0xFFFFB000  }
0xce: {  	[hbm4b:s0+s4] =	stream.strided.scatter [tilespmem:s15], [sflag:$0x5], $0x5000, s5, s4, $0x38;
	[tilespmem:$0x15400] =	vst v63  }
0xcf: {  	s19 =	rddreg [dreg:$0x6]  }
0xd0: {  	[hbm4b:s19+s4] =	stream.strided.scatter [tilespmem:s16], [sflag:$0x7], $0x5000, s5, s4, $0x38;
	[tilespmem:$0x15400] =	vst v63  }
0xd1: {  	_ = 	snop  }
0xd2: {  	[tilespmem:s6], [sflag:$0x2] =	stream.indirect.gather [hbm4b:s2+s9], $0x40, s9, s9, $0xb8;
	[tilespmem:$0x15400] =	vst v63  }
0xd3: {  	s19 =	rddreg [dreg:$0x15]  }
0xd4: {  	[tilespmem:s10], [sflag:$0x4] =	stream.indirect.gather [hbm4b:s3+s9], $0x40, s19, s9, $0xb8;
	[tilespmem:$0x15400] =	vst v63  }
0xd5: {  	_ =	swait.ge [sflag:s14], $0x5000  }
0xd6: {  	[sflag:s14] =	ssyncset.done $0x0  }
0xd7: {  	[sflag:s14] =	ssyncadd.s32 $0xFFFFB000  }
0xd8: {  	_ =	swait.ge [sflag:s13], $0x5000  }
0xd9: {  	[sflag:s13] =	ssyncset.done $0x0  }
0xda: {  	s0 =	rddreg [dreg:$0x7];
	[sflag:s13] =	ssyncadd.s32 $0xFFFFB000  }
0xdb: {  	[hbm4b:s0+s4] =	stream.strided.scatter [tilespmem:s6], [sflag:$0x6], $0x5000, s5, s4, $0x38;
	[tilespmem:$0x15400] =	vst v63  }
0xdc: {  	s19 =	rddreg [dreg:$0x8]  }
0xdd: {  	[hbm4b:s19+s4] =	stream.strided.scatter [tilespmem:s10], [sflag:$0x8], $0x5000, s5, s4, $0x38;
	[tilespmem:$0x15400] =	vst v63  }
0xde: {  	_ =	swait.ge [sflag:s11], $0x5000  }
0xdf: {  	[sflag:s11] =	ssyncset.done $0x0  }
0xe0: {  	[sflag:s11] =	ssyncadd.s32 $0xFFFFB000  }
0xe1: {  	_ =	swait.ge [sflag:s7], $0x5000  }
0xe2: {  	[sflag:s7] =	ssyncset.done $0x0  }
0xe3: {  	s0 =	rddreg [dreg:$0x16];
	[sflag:s7] =	ssyncadd.s32 $0xFFFFB000  }
0xe4: {  	[tilespmem:s15], [sflag:$0x1] =	stream.indirect.gather [hbm4b:s2+s9], $0x40, s0, s9, $0xb8;
	[tilespmem:$0x15400] =	vst v63  }
0xe5: {  	s19 =	rddreg [dreg:$0x17]  }
0xe6: {  	[tilespmem:s16], [sflag:$0x3] =	stream.indirect.gather [hbm4b:s3+s9], $0x40, s19, s9, $0xb8;
	[tilespmem:$0x15400] =	vst v63  }
0xe7: {  	_ =	swait.ge [sflag:s18], $0x5000  }
0xe8: {  	[sflag:s18] =	ssyncset.done $0x0  }
0xe9: {  	[sflag:s18] =	ssyncadd.s32 $0xFFFFB000  }
0xea: {  	_ =	swait.ge [sflag:s17], $0x5000  }
0xeb: {  	[sflag:s17] =	ssyncset.done $0x0  }
0xec: {  	s0 =	rddreg [dreg:$0x9];
	[sflag:s17] =	ssyncadd.s32 $0xFFFFB000  }
0xed: {  	[hbm4b:s0+s4] =	stream.strided.scatter [tilespmem:s15], [sflag:$0x5], $0x5000, s5, s4, $0x38;
	[tilespmem:$0x15400] =	vst v63  }
0xee: {  	s19 =	rddreg [dreg:$0xa]  }
0xef: {  	[hbm4b:s19+s4] =	stream.strided.scatter [tilespmem:s16], [sflag:$0x7], $0x5000, s5, s4, $0x38;
	[tilespmem:$0x15400] =	vst v63  }
0xf0: {  	_ =	swait.ge [sflag:s12], $0x5000  }
0xf1: {  	[sflag:s12] =	ssyncset.done $0x0  }
0xf2: {  	[sflag:s12] =	ssyncadd.s32 $0xFFFFB000  }
0xf3: {  	_ =	swait.ge [sflag:s8], $0x5000  }
0xf4: {  	[sflag:s8] =	ssyncset.done $0x0  }
0xf5: {  	s19 =	rddreg [dreg:$0x18];
	[sflag:s8] =	ssyncadd.s32 $0xFFFFB000  }
0xf6: {  	[tilespmem:s6], [sflag:$0x2] =	stream.indirect.gather [hbm4b:s2+s9], $0x40, s19, s9, $0xb8;
	[tilespmem:$0x15400] =	vst v63  }
0xf7: {  	_ = 	snop  }
0xf8: {  	[tilespmem:s10], [sflag:$0x4] =	stream.indirect.gather [hbm4b:s3+s9], $0x40, s28, s9, $0xb8;
	[tilespmem:$0x15400] =	vst v63  }
0xf9: {  	_ =	swait.ge [sflag:s14], $0x5000  }
0xfa: {  	[sflag:s14] =	ssyncset.done $0x0  }
0xfb: {  	[sflag:s14] =	ssyncadd.s32 $0xFFFFB000  }
0xfc: {  	_ =	swait.ge [sflag:s13], $0x5000  }
0xfd: {  	[sflag:s13] =	ssyncset.done $0x0  }
0xfe: {  	s0 =	rddreg [dreg:$0xb];
	[sflag:s13] =	ssyncadd.s32 $0xFFFFB000  }
0xff: {  	[hbm4b:s0+s4] =	stream.strided.scatter [tilespmem:s6], [sflag:$0x6], $0x5000, s5, s4, $0x38;
	[tilespmem:$0x15400] =	vst v63  }
0x100: {  	s19 =	rddreg [dreg:$0xc]  }
0x101: {  	[hbm4b:s19+s4] =	stream.strided.scatter [tilespmem:s10], [sflag:$0x8], $0x5000, s5, s4, $0x38;
	[tilespmem:$0x15400] =	vst v63  }
0x102: {  	_ =	swait.ge [sflag:s11], $0x5000  }
0x103: {  	[sflag:s11] =	ssyncset.done $0x0  }
0x104: {  	[sflag:s11] =	ssyncadd.s32 $0xFFFFB000  }
0x105: {  	_ =	swait.ge [sflag:s7], $0x5000  }
0x106: {  	[sflag:s7] =	ssyncset.done $0x0  }
0x107: {  	s19 =	simm.s32 $0x500;
	[sflag:s7] =	ssyncadd.s32 $0xFFFFB000  }
0x108: {  	[tilespmem:s15], [sflag:$0x1] =	stream.indirect.gather [hbm4b:s2+s9], $0x40, s19, s9, $0xb8;
	[tilespmem:$0x15400] =	vst v63  }
0x109: {  	_ = 	snop  }
0x10a: {  	[tilespmem:s16], [sflag:$0x3] =	stream.indirect.gather [hbm4b:s3+s9], $0x40, s29, s9, $0xb8;
	[tilespmem:$0x15400] =	vst v63  }
0x10b: {  	_ =	swait.ge [sflag:s18], $0x5000  }
0x10c: {  	[sflag:s18] =	ssyncset.done $0x0  }
0x10d: {  	[sflag:s18] =	ssyncadd.s32 $0xFFFFB000  }
0x10e: {  	_ =	swait.ge [sflag:s17], $0x5000  }
0x10f: {  	[sflag:s17] =	ssyncset.done $0x0  }
0x110: {  	s0 =	rddreg [dreg:$0xd];
	[sflag:s17] =	ssyncadd.s32 $0xFFFFB000  }
0x111: {  	[hbm4b:s0+s4] =	stream.strided.scatter [tilespmem:s15], [sflag:$0x5], $0x5000, s5, s4, $0x38;
	[tilespmem:$0x15400] =	vst v63  }
0x112: {  	s19 =	rddreg [dreg:$0xe]  }
0x113: {  	[hbm4b:s19+s4] =	stream.strided.scatter [tilespmem:s16], [sflag:$0x7], $0x5000, s5, s4, $0x38;
	[tilespmem:$0x15400] =	vst v63  }
0x114: {  	_ =	swait.ge [sflag:s12], $0x5000  }
0x115: {  	[sflag:s12] =	ssyncset.done $0x0  }
0x116: {  	[sflag:s12] =	ssyncadd.s32 $0xFFFFB000  }
0x117: {  	_ =	swait.ge [sflag:s8], $0x5000  }
0x118: {  	[sflag:s8] =	ssyncset.done $0x0  }
0x119: {  	[sflag:s8] =	ssyncadd.s32 $0xFFFFB000  }
0x11a: {  	[tilespmem:s6], [sflag:$0x2] =	stream.indirect.gather [hbm4b:s2+s9], $0x40, s25, s9, $0xb8;
	[tilespmem:$0x15400] =	vst v63  }
0x11b: {  	_ = 	snop  }
0x11c: {  	[tilespmem:s10], [sflag:$0x4] =	stream.indirect.gather [hbm4b:s3+s9], $0x40, s26, s9, $0xb8;
	[tilespmem:$0x15400] =	vst v63  }
0x11d: {  	_ =	swait.ge [sflag:s14], $0x5000  }
0x11e: {  	[sflag:s14] =	ssyncset.done $0x0  }
0x11f: {  	[sflag:s14] =	ssyncadd.s32 $0xFFFFB000  }
0x120: {  	_ =	swait.ge [sflag:s13], $0x5000  }
0x121: {  	[sflag:s13] =	ssyncset.done $0x0  }
0x122: {  	s0 =	rddreg [dreg:$0xf];
	[sflag:s13] =	ssyncadd.s32 $0xFFFFB000  }
0x123: {  	[hbm4b:s0+s4] =	stream.strided.scatter [tilespmem:s6], [sflag:$0x6], $0x5000, s5, s4, $0x38;
	[tilespmem:$0x15400] =	vst v63  }
0x124: {  	s19 =	rddreg [dreg:$0x10]  }
0x125: {  	[hbm4b:s19+s4] =	stream.strided.scatter [tilespmem:s10], [sflag:$0x8], $0x5000, s5, s4, $0x38;
	[tilespmem:$0x15400] =	vst v63  }
0x126: {  	_ =	swait.ge [sflag:s11], $0x5000  }
0x127: {  	[sflag:s11] =	ssyncset.done $0x0  }
0x128: {  	[sflag:s11] =	ssyncadd.s32 $0xFFFFB000  }
0x129: {  	_ =	swait.ge [sflag:s7], $0x5000  }
0x12a: {  	[sflag:s7] =	ssyncset.done $0x0  }
0x12b: {  	[sflag:s7] =	ssyncadd.s32 $0xFFFFB000  }
0x12c: {  	[tilespmem:s15], [sflag:$0x1] =	stream.indirect.gather [hbm4b:s2+s9], $0x40, s22, s9, $0xb8;
	[tilespmem:$0x15400] =	vst v63  }
0x12d: {  	_ = 	snop  }
0x12e: {  	[tilespmem:s16], [sflag:$0x3] =	stream.indirect.gather [hbm4b:s3+s9], $0x40, s24, s9, $0xb8;
	[tilespmem:$0x15400] =	vst v63  }
0x12f: {  	_ =	swait.ge [sflag:s18], $0x5000  }
0x130: {  	[sflag:s18] =	ssyncset.done $0x0  }
0x131: {  	[sflag:s18] =	ssyncadd.s32 $0xFFFFB000  }
0x132: {  	_ =	swait.ge [sflag:s17], $0x5000  }
0x133: {  	[sflag:s17] =	ssyncset.done $0x0  }
0x134: {  	s0 =	rddreg [dreg:$0x11];
	[sflag:s17] =	ssyncadd.s32 $0xFFFFB000  }
0x135: {  	[hbm4b:s0+s4] =	stream.strided.scatter [tilespmem:s15], [sflag:$0x5], $0x5000, s5, s4, $0x38;
	[tilespmem:$0x15400] =	vst v63  }
0x136: {  	s19 =	rddreg [dreg:$0x12]  }
0x137: {  	[hbm4b:s19+s4] =	stream.strided.scatter [tilespmem:s16], [sflag:$0x7], $0x5000, s5, s4, $0x38;
	[tilespmem:$0x15400] =	vst v63  }
0x138: {  	_ =	swait.ge [sflag:s12], $0x5000  }
0x139: {  	[sflag:s12] =	ssyncset.done $0x0  }
0x13a: {  	[sflag:s12] =	ssyncadd.s32 $0xFFFFB000  }
0x13b: {  	_ =	swait.ge [sflag:s8], $0x5000  }
0x13c: {  	[sflag:s8] =	ssyncset.done $0x0  }
0x13d: {  	[sflag:s8] =	ssyncadd.s32 $0xFFFFB000  }
0x13e: {  	[tilespmem:s6], [sflag:$0x2] =	stream.indirect.gather [hbm4b:s2+s9], $0x40, s20, s9, $0xb8;
	[tilespmem:$0x15400] =	vst v63  }
0x13f: {  	_ = 	snop  }
0x140: {  	[tilespmem:s10], [sflag:$0x4] =	stream.indirect.gather [hbm4b:s3+s9], $0x40, s21, s9, $0xb8;
	[tilespmem:$0x15400] =	vst v63  }
0x141: {  	_ =	swait.ge [sflag:s14], $0x5000  }
0x142: {  	[sflag:s14] =	ssyncset.done $0x0  }
0x143: {  	[sflag:s14] =	ssyncadd.s32 $0xFFFFB000  }
0x144: {  	_ =	swait.ge [sflag:s13], $0x5000  }
0x145: {  	[sflag:s13] =	ssyncset.done $0x0  }
0x146: {  	s0 =	rddreg [dreg:$0x13];
	[sflag:s13] =	ssyncadd.s32 $0xFFFFB000  }
0x147: {  	[hbm4b:s0+s4] =	stream.strided.scatter [tilespmem:s6], [sflag:$0x6], $0x5000, s5, s4, $0x38;
	[tilespmem:$0x15400] =	vst v63  }
0x148: {  	s19 =	rddreg [dreg:$0x14]  }
0x149: {  	[hbm4b:s19+s4] =	stream.strided.scatter [tilespmem:s10], [sflag:$0x8], $0x5000, s5, s4, $0x38;
	[tilespmem:$0x15400] =	vst v63  }
0x14a: {  	_ =	swait.ge [sflag:s11], $0x5000  }
0x14b: {  	[sflag:s11] =	ssyncset.done $0x0  }
0x14c: {  	[sflag:s11] =	ssyncadd.s32 $0xFFFFB000  }
0x14d: {  	_ =	swait.ge [sflag:s7], $0x5000  }
0x14e: {  	[sflag:s7] =	ssyncset.done $0x0  }
0x14f: {  	p1 =	sne.s32 s1, $0x1;
	[sflag:s7] =	ssyncadd.s32 $0xFFFFB000  }
.Ltmp2:
0x150: {  	_ =	swait.ge [sflag:s12], $0x5000;
	(pc) =	sbr.rel @p1 .LBB2_4-.Ltmp2, $4  }
0x151: {  	[sflag:s12] =	ssyncset.done $0x0  }
0x152: {  	[sflag:s12] =	ssyncadd.s32 $0xFFFFB000  }
0x153: {  	_ =	swait.ge [sflag:s8], $0x5000  }
0x154: {  	s1 =	sadd.s32 $0xFFFFFFFF, s1;
	s0 =	rddreg [dreg:$0x3];
	[sflag:s8] =	ssyncset.done $0x0  }
0x155: {  	s21 =	simm.s32 $0xDC0;
	s29 =	simm.s32 $0xF00;
	s28 =	simm.s32 $0x500  }
0x156: {  	s26 =	simm.s32 $0x1040;
	s25 =	simm.s32 $0x640;
	s24 =	simm.s32 $0x1180  }
0x157: {  	s22 =	simm.s32 $0x780;
	s20 =	simm.s32 $0x8C0;
	s19 =	stileid.u32  }
.LBB2_6:
0x158: {  	[sflag:s8] =	ssyncadd.s32 @p0 $0xFFFFB000  }
0x159: {  	[tilespmem:s23], [sflag:$0x9] =	stream.linear.gather [hbm4b:s0+s23], $0xA00, $0x38;
	[tilespmem:$0x15400] =	vst v63  }
0x15a: {  	_ =	swait.ge [sflag:s31], $0xA00  }
0x15b: {  	[sflag:s31] =	ssyncset.done $0x0  }
0x15c: {  	s1 =	rddreg [dreg:$0x4];
	[sflag:s31] =	ssyncadd.s32 $0xFFFFF600  }
0x15d: {  	[tilespmem:s30], [sflag:$0x9] =	stream.linear.gather [hbm4b:s1+s23], $0xA00, $0x38;
	[tilespmem:$0x15400] =	vst v63  }
0x15e: {  	_ =	swait.ge [sflag:s31], $0xA00  }
0x15f: {  	[sflag:s31] =	ssyncset.done $0x0  }
0x160: {  	[sflag:s31] =	ssyncadd.s32 $0xFFFFF600  }
0x161: {  	[tilespmem:s15], [sflag:$0x1] =	stream.indirect.gather [hbm4b:s2+s9], $0x40, s23, s9, $0xb8;
	[tilespmem:$0x15400] =	vst v63  }
0x162: {  	_ = 	snop  }
0x163: {  	[tilespmem:s16], [sflag:$0x3] =	stream.indirect.gather [hbm4b:s3+s9], $0x40, s30, s9, $0xb8;
	[tilespmem:$0x15400] =	vst v63  }
0x164: {  	_ =	swait.ge [sflag:s18], $0x5000  }
0x165: {  	[sflag:s18] =	ssyncset.done $0x0  }
0x166: {  	[sflag:s18] =	ssyncadd.s32 $0xFFFFB000  }
0x167: {  	_ =	swait.ge [sflag:s17], $0x5000  }
0x168: {  	[sflag:s17] =	ssyncset.done $0x0  }
0x169: {  	s31 =	rddreg [dreg:$0x5];
	[sflag:s17] =	ssyncadd.s32 $0xFFFFB000  }
0x16a: {  	[hbm4b:s31+s4] =	stream.strided.scatter [tilespmem:s15], [sflag:$0x5], $0x5000, s5, s4, $0x38;
	[tilespmem:$0x15400] =	vst v63  }
0x16b: {  	s1 =	rddreg [dreg:$0x6]  }
0x16c: {  	[hbm4b:s1+s4] =	stream.strided.scatter [tilespmem:s16], [sflag:$0x7], $0x5000, s5, s4, $0x38;
	[tilespmem:$0x15400] =	vst v63  }
0x16d: {  	_ = 	snop  }
0x16e: {  	[tilespmem:s6], [sflag:$0x2] =	stream.indirect.gather [hbm4b:s2+s9], $0x40, s9, s9, $0xb8;
	[tilespmem:$0x15400] =	vst v63  }
0x16f: {  	s23 =	rddreg [dreg:$0x15]  }
0x170: {  	[tilespmem:s10], [sflag:$0x4] =	stream.indirect.gather [hbm4b:s3+s9], $0x40, s23, s9, $0xb8;
	[tilespmem:$0x15400] =	vst v63  }
0x171: {  	_ =	swait.ge [sflag:s14], $0x5000  }
0x172: {  	[sflag:s14] =	ssyncset.done $0x0  }
0x173: {  	[sflag:s14] =	ssyncadd.s32 $0xFFFFB000  }
0x174: {  	_ =	swait.ge [sflag:s13], $0x5000  }
0x175: {  	[sflag:s13] =	ssyncset.done $0x0  }
0x176: {  	s30 =	rddreg [dreg:$0x7];
	[sflag:s13] =	ssyncadd.s32 $0xFFFFB000  }
0x177: {  	[hbm4b:s30+s4] =	stream.strided.scatter [tilespmem:s6], [sflag:$0x6], $0x5000, s5, s4, $0x38;
	[tilespmem:$0x15400] =	vst v63  }
0x178: {  	s31 =	rddreg [dreg:$0x8]  }
0x179: {  	[hbm4b:s31+s4] =	stream.strided.scatter [tilespmem:s10], [sflag:$0x8], $0x5000, s5, s4, $0x38;
	[tilespmem:$0x15400] =	vst v63  }
0x17a: {  	_ =	swait.ge [sflag:s11], $0x5000  }
0x17b: {  	[sflag:s11] =	ssyncset.done $0x0  }
0x17c: {  	[sflag:s11] =	ssyncadd.s32 $0xFFFFB000  }
0x17d: {  	_ =	swait.ge [sflag:s7], $0x5000  }
0x17e: {  	[sflag:s7] =	ssyncset.done $0x0  }
0x17f: {  	s1 =	rddreg [dreg:$0x16];
	[sflag:s7] =	ssyncadd.s32 $0xFFFFB000  }
0x180: {  	[tilespmem:s15], [sflag:$0x1] =	stream.indirect.gather [hbm4b:s2+s9], $0x40, s1, s9, $0xb8;
	[tilespmem:$0x15400] =	vst v63  }
0x181: {  	s23 =	rddreg [dreg:$0x17]  }
0x182: {  	[tilespmem:s16], [sflag:$0x3] =	stream.indirect.gather [hbm4b:s3+s9], $0x40, s23, s9, $0xb8;
	[tilespmem:$0x15400] =	vst v63  }
0x183: {  	_ =	swait.ge [sflag:s18], $0x5000  }
0x184: {  	[sflag:s18] =	ssyncset.done $0x0  }
0x185: {  	[sflag:s18] =	ssyncadd.s32 $0xFFFFB000  }
0x186: {  	_ =	swait.ge [sflag:s17], $0x5000  }
0x187: {  	[sflag:s17] =	ssyncset.done $0x0  }
0x188: {  	s30 =	rddreg [dreg:$0x9];
	[sflag:s17] =	ssyncadd.s32 $0xFFFFB000  }
0x189: {  	[hbm4b:s30+s4] =	stream.strided.scatter [tilespmem:s15], [sflag:$0x5], $0x5000, s5, s4, $0x38;
	[tilespmem:$0x15400] =	vst v63  }
0x18a: {  	s31 =	rddreg [dreg:$0xa]  }
0x18b: {  	[hbm4b:s31+s4] =	stream.strided.scatter [tilespmem:s16], [sflag:$0x7], $0x5000, s5, s4, $0x38;
	[tilespmem:$0x15400] =	vst v63  }
0x18c: {  	_ =	swait.ge [sflag:s12], $0x5000  }
0x18d: {  	[sflag:s12] =	ssyncset.done $0x0  }
0x18e: {  	[sflag:s12] =	ssyncadd.s32 $0xFFFFB000  }
0x18f: {  	_ =	swait.ge [sflag:s8], $0x5000  }
0x190: {  	[sflag:s8] =	ssyncset.done $0x0  }
0x191: {  	s23 =	rddreg [dreg:$0x18];
	[sflag:s8] =	ssyncadd.s32 $0xFFFFB000  }
0x192: {  	[tilespmem:s6], [sflag:$0x2] =	stream.indirect.gather [hbm4b:s2+s9], $0x40, s23, s9, $0xb8;
	[tilespmem:$0x15400] =	vst v63  }
0x193: {  	_ = 	snop  }
0x194: {  	[tilespmem:s10], [sflag:$0x4] =	stream.indirect.gather [hbm4b:s3+s9], $0x40, s21, s9, $0xb8;
	[tilespmem:$0x15400] =	vst v63  }
0x195: {  	_ =	swait.ge [sflag:s14], $0x5000  }
0x196: {  	[sflag:s14] =	ssyncset.done $0x0  }
0x197: {  	[sflag:s14] =	ssyncadd.s32 $0xFFFFB000  }
0x198: {  	_ =	swait.ge [sflag:s13], $0x5000  }
0x199: {  	[sflag:s13] =	ssyncset.done $0x0  }
0x19a: {  	s30 =	rddreg [dreg:$0xb];
	[sflag:s13] =	ssyncadd.s32 $0xFFFFB000  }
0x19b: {  	[hbm4b:s30+s4] =	stream.strided.scatter [tilespmem:s6], [sflag:$0x6], $0x5000, s5, s4, $0x38;
	[tilespmem:$0x15400] =	vst v63  }
0x19c: {  	s31 =	rddreg [dreg:$0xc]  }
0x19d: {  	[hbm4b:s31+s4] =	stream.strided.scatter [tilespmem:s10], [sflag:$0x8], $0x5000, s5, s4, $0x38;
	[tilespmem:$0x15400] =	vst v63  }
0x19e: {  	_ =	swait.ge [sflag:s11], $0x5000  }
0x19f: {  	[sflag:s11] =	ssyncset.done $0x0  }
0x1a0: {  	[sflag:s11] =	ssyncadd.s32 $0xFFFFB000  }
0x1a1: {  	_ =	swait.ge [sflag:s7], $0x5000  }
0x1a2: {  	[sflag:s7] =	ssyncset.done $0x0  }
0x1a3: {  	[sflag:s7] =	ssyncadd.s32 $0xFFFFB000  }
0x1a4: {  	[tilespmem:s15], [sflag:$0x1] =	stream.indirect.gather [hbm4b:s2+s9], $0x40, s28, s9, $0xb8;
	[tilespmem:$0x15400] =	vst v63  }
0x1a5: {  	_ = 	snop  }
0x1a6: {  	[tilespmem:s16], [sflag:$0x3] =	stream.indirect.gather [hbm4b:s3+s9], $0x40, s29, s9, $0xb8;
	[tilespmem:$0x15400] =	vst v63  }
0x1a7: {  	_ =	swait.ge [sflag:s18], $0x5000  }
0x1a8: {  	[sflag:s18] =	ssyncset.done $0x0  }
0x1a9: {  	[sflag:s18] =	ssyncadd.s32 $0xFFFFB000  }
0x1aa: {  	_ =	swait.ge [sflag:s17], $0x5000  }
0x1ab: {  	[sflag:s17] =	ssyncset.done $0x0  }
0x1ac: {  	s1 =	rddreg [dreg:$0xd];
	[sflag:s17] =	ssyncadd.s32 $0xFFFFB000  }
0x1ad: {  	[hbm4b:s1+s4] =	stream.strided.scatter [tilespmem:s15], [sflag:$0x5], $0x5000, s5, s4, $0x38;
	[tilespmem:$0x15400] =	vst v63  }
0x1ae: {  	s21 =	rddreg [dreg:$0xe]  }
0x1af: {  	[hbm4b:s21+s4] =	stream.strided.scatter [tilespmem:s16], [sflag:$0x7], $0x5000, s5, s4, $0x38;
	[tilespmem:$0x15400] =	vst v63  }
0x1b0: {  	_ =	swait.ge [sflag:s12], $0x5000  }
0x1b1: {  	[sflag:s12] =	ssyncset.done $0x0  }
0x1b2: {  	[sflag:s12] =	ssyncadd.s32 $0xFFFFB000  }
0x1b3: {  	_ =	swait.ge [sflag:s8], $0x5000  }
0x1b4: {  	[sflag:s8] =	ssyncset.done $0x0  }
0x1b5: {  	[sflag:s8] =	ssyncadd.s32 $0xFFFFB000  }
0x1b6: {  	[tilespmem:s6], [sflag:$0x2] =	stream.indirect.gather [hbm4b:s2+s9], $0x40, s25, s9, $0xb8;
	[tilespmem:$0x15400] =	vst v63  }
0x1b7: {  	_ = 	snop  }
0x1b8: {  	[tilespmem:s10], [sflag:$0x4] =	stream.indirect.gather [hbm4b:s3+s9], $0x40, s26, s9, $0xb8;
	[tilespmem:$0x15400] =	vst v63  }
0x1b9: {  	_ =	swait.ge [sflag:s14], $0x5000  }
0x1ba: {  	[sflag:s14] =	ssyncset.done $0x0  }
0x1bb: {  	[sflag:s14] =	ssyncadd.s32 $0xFFFFB000  }
0x1bc: {  	_ =	swait.ge [sflag:s13], $0x5000  }
0x1bd: {  	[sflag:s13] =	ssyncset.done $0x0  }
0x1be: {  	s23 =	rddreg [dreg:$0xf];
	[sflag:s13] =	ssyncadd.s32 $0xFFFFB000  }
0x1bf: {  	[hbm4b:s23+s4] =	stream.strided.scatter [tilespmem:s6], [sflag:$0x6], $0x5000, s5, s4, $0x38;
	[tilespmem:$0x15400] =	vst v63  }
0x1c0: {  	s25 =	rddreg [dreg:$0x10]  }
0x1c1: {  	[hbm4b:s25+s4] =	stream.strided.scatter [tilespmem:s10], [sflag:$0x8], $0x5000, s5, s4, $0x38;
	[tilespmem:$0x15400] =	vst v63  }
0x1c2: {  	_ =	swait.ge [sflag:s11], $0x5000  }
0x1c3: {  	[sflag:s11] =	ssyncset.done $0x0  }
0x1c4: {  	[sflag:s11] =	ssyncadd.s32 $0xFFFFB000  }
0x1c5: {  	_ =	swait.ge [sflag:s7], $0x5000  }
0x1c6: {  	[sflag:s7] =	ssyncset.done $0x0  }
0x1c7: {  	[sflag:s7] =	ssyncadd.s32 $0xFFFFB000  }
0x1c8: {  	[tilespmem:s15], [sflag:$0x1] =	stream.indirect.gather [hbm4b:s2+s9], $0x40, s22, s9, $0xb8;
	[tilespmem:$0x15400] =	vst v63  }
0x1c9: {  	_ = 	snop  }
0x1ca: {  	[tilespmem:s16], [sflag:$0x3] =	stream.indirect.gather [hbm4b:s3+s9], $0x40, s24, s9, $0xb8;
	[tilespmem:$0x15400] =	vst v63  }
0x1cb: {  	_ =	swait.ge [sflag:s18], $0x5000  }
0x1cc: {  	[sflag:s18] =	ssyncset.done $0x0  }
0x1cd: {  	[sflag:s18] =	ssyncadd.s32 $0xFFFFB000  }
0x1ce: {  	_ =	swait.ge [sflag:s17], $0x5000  }
0x1cf: {  	[sflag:s17] =	ssyncset.done $0x0  }
0x1d0: {  	s26 =	rddreg [dreg:$0x11];
	[sflag:s17] =	ssyncadd.s32 $0xFFFFB000  }
0x1d1: {  	[hbm4b:s26+s4] =	stream.strided.scatter [tilespmem:s15], [sflag:$0x5], $0x5000, s5, s4, $0x38;
	[tilespmem:$0x15400] =	vst v63  }
0x1d2: {  	s28 =	rddreg [dreg:$0x12]  }
0x1d3: {  	[hbm4b:s28+s4] =	stream.strided.scatter [tilespmem:s16], [sflag:$0x7], $0x5000, s5, s4, $0x38;
	[tilespmem:$0x15400] =	vst v63  }
0x1d4: {  	_ =	swait.ge [sflag:s12], $0x5000  }
0x1d5: {  	[sflag:s12] =	ssyncset.done $0x0  }
0x1d6: {  	[sflag:s12] =	ssyncadd.s32 $0xFFFFB000  }
0x1d7: {  	_ =	swait.ge [sflag:s8], $0x5000  }
0x1d8: {  	[sflag:s8] =	ssyncset.done $0x0  }
0x1d9: {  	[sflag:s8] =	ssyncadd.s32 $0xFFFFB000  }
0x1da: {  	[tilespmem:s6], [sflag:$0x2] =	stream.indirect.gather [hbm4b:s2+s9], $0x40, s20, s9, $0xb8;
	[tilespmem:$0x15400] =	vst v63  }
0x1db: {  	s29 =	simm.s32 $0x12C0  }
0x1dc: {  	[tilespmem:s10], [sflag:$0x4] =	stream.indirect.gather [hbm4b:s3+s9], $0x40, s29, s9, $0xb8;
	[tilespmem:$0x15400] =	vst v63  }
0x1dd: {  	_ =	swait.ge [sflag:s14], $0x5000  }
0x1de: {  	[sflag:s14] =	ssyncset.done $0x0  }
0x1df: {  	[sflag:s14] =	ssyncadd.s32 $0xFFFFB000  }
0x1e0: {  	_ =	swait.ge [sflag:s13], $0x5000  }
0x1e1: {  	[sflag:s13] =	ssyncset.done $0x0  }
0x1e2: {  	s30 =	rddreg [dreg:$0x13];
	[sflag:s13] =	ssyncadd.s32 $0xFFFFB000  }
0x1e3: {  	[hbm4b:s30+s4] =	stream.strided.scatter [tilespmem:s6], [sflag:$0x6], $0x5000, s5, s4, $0x38;
	[tilespmem:$0x15400] =	vst v63  }
0x1e4: {  	s31 =	rddreg [dreg:$0x14]  }
0x1e5: {  	[hbm4b:s31+s4] =	stream.strided.scatter [tilespmem:s10], [sflag:$0x8], $0x5000, s5, s4, $0x38;
	[tilespmem:$0x15400] =	vst v63  }
0x1e6: {  	_ =	swait.ge [sflag:s11], $0x5000  }
0x1e7: {  	[sflag:s11] =	ssyncset.done $0x0  }
0x1e8: {  	[sflag:s11] =	ssyncadd.s32 $0xFFFFB000  }
0x1e9: {  	_ =	swait.ge [sflag:s7], $0x5000  }
0x1ea: {  	[sflag:s7] =	ssyncset.done $0x0  }
0x1eb: {  	[sflag:s7] =	ssyncadd.s32 $0xFFFFB000  }
0x1ec: {  	_ =	swait.ge [sflag:s12], $0x5000  }
0x1ed: {  	[sflag:s12] =	ssyncset.done $0x0  }
0x1ee: {  	[sflag:s12] =	ssyncadd.s32 $0xFFFFB000  }
0x1ef: {  	_ =	swait.ge [sflag:s8], $0x5000  }
0x1f0: {  	[sflag:s8] =	ssyncset.done $0x0  }
0x1f1: {  	[sflag:s8] =	ssyncadd.s32 $0xFFFFB000  }
0x1f2: {  	_ =	sfence.sel $0x180000  }
0x1f3: {  	[bflag:$0x0] =	sbarrier.arrive $0xFFFF  }
0x1f4: {  	_ =	strace $0x90000047  }
0x1f5: {  	[bflag:$0x2] =	sbarrier.arrive $0xFFFF  }
0x1f6: {  	p0 =	sne.s32 s19, $0x0;
	s0 =	rddreg [dreg:$0x2]  }
0x1f7: {  	s0 =	sadd.s32 @!p0 $0x100000, s0  }
0x1f8: {  	[sflag:s0] =	ssyncadd.tile.s32 @!p0 $0x1;
	_ =	shalt  }
.LBB2_1:
.Ltmp3:
0x1f9: {  	(pc) =	sbr.rel .LBB2_6-.Ltmp3, $4  }
0x1fa: {  	_ = 	snop  }
0x1fb: {  	s21 =	simm.s32 $0xDC0;
	s29 =	simm.s32 $0xF00  }
0x1fc: {  	s28 =	simm.s32 $0x500;
	s26 =	simm.s32 $0x1040;
	s25 =	simm.s32 $0x640  }
0x1fd: {  	s24 =	simm.s32 $0x1180;
	s22 =	simm.s32 $0x780;
	s20 =	simm.s32 $0x8C0  }
.LBB2_3:
.Ltmp4:
0x1fe: {  	(pc) =	sbr.rel .LBB2_6-.Ltmp4, $4  }
0x1ff: {  	_ = 	snop  }
0x200: {  	s21 =	simm.s32 $0xDC0;
	s29 =	simm.s32 $0xF00;
	s28 =	simm.s32 $0x500  }
0x201: {  	s26 =	simm.s32 $0x1040;
	s25 =	simm.s32 $0x640;
	s24 =	simm.s32 $0x1180  }
0x202: {  	s22 =	simm.s32 $0x780;
	s20 =	simm.s32 $0x8C0;
	s19 =	stileid.u32  }
.Lfunc_end2:
_tile_overlayer_lowered:
.L_overlay_start_2:
0x203: {  	(tag) =	ssettag $0x2  }
0x204: {  	s0 =	rddreg [dreg:$0x0];
	s2 =	stileid.u32  }
0x205: {  	s1 =	rddreg [dreg:$0x1];
	p0 =	sne.s32 s2, $0x0  }
0x206: {  	s3 =	rddreg [dreg:$0x2];
	[bflag:$0x3] =	sbarrier.arrive $0xFFFF;
	s2 =	simm.s32 @!p0 $0x1C09  }
0x207: {  	[timem:s3], [sflag:s2] =	dma.local @!p0 [hbm:s0], s1  }
0x208: {  	s0 =	simm.s32 @!p0 $0x9  }
0x209: {  	_ =	swait.ge @!p0 [sflag:s0], s1  }
0x20a: {  	s1 =	ssub.s32 @!p0 $0x0, s1;
	[sflag:s0] =	ssyncset.done @!p0 $0x0  }
0x20b: {  	[sflag:s0] =	ssyncadd.s32 @!p0 s1  }
0x20c: {  	[bflag:$0x3] =	sbarrier.arrive $0xFFFF  }
0x20d: {  	_ =	shalt  }

// kernel: kernel.13.cloned.1.call-start
scs
__scs_entry_jumppad:
0x0: {  	(pc) =	sbr.rel $0x88, $3  }
0x1: {  	(tag) =	ssettag $0x0;
	lr =	simm.s32 $0x1  }
0x2: {  	[smem:$0x3F94] =	sst lr;
	_ =	strace $0xD0000000  }
0x3: {  	_ = 	snop  }
0x4: {  	_ = 	snop  }
0x5: {  	_ = 	snop  }
0x6: {  	_ = 	snop  }
0x7: {  	_ = 	snop  }
__scs_overlays_trampoline_lowered:
0x8: {  	[smem:$0x3FA3] =	sst s0  }
0x9: {  	[smem:$0x3FA4] =	sst s1  }
0xa: {  	[smem:$0x3FA5] =	sst s2  }
0xb: {  	[smem:$0x3FA6] =	sst s3  }
0xc: {  	[smem:$0x3FA7] =	sst s4  }
0xd: {  	[smem:$0x3FA8] =	sst s5  }
0xe: {  	[smem:$0x3FA9] =	sst s6  }
0xf: {  	[smem:$0x3FAA] =	sst s7  }
0x10: {  	[smem:$0x3FAB] =	sst s8  }
0x11: {  	[smem:$0x3FAC] =	sst s9;
	s0 =	simm.s32 @!p0 $0x0  }
0x12: {  	s1 =	sld [smem:$0x3F92];
	s0 =	simm.s32 @p0 $0x1  }
0x13: {  	[smem:$0x3FAD] =	sst s0;
	s0 =	simm.s32 @!p1 $0x0  }
0x14: {  	s2 =	sld [smem:$0x3F91];
	s0 =	simm.s32 @p1 $0x1  }
0x15: {  	[smem:$0x3FAE] =	sst s0;
	s0 =	simm.s32 @!p2 $0x0  }
0x16: {  	s3 =	sld [smem:$0x3FDB];
	s0 =	simm.s32 @p2 $0x1  }
0x17: {  	s4 =	simm.s32 $0x1BF5;
	[smem:$0x3FB0] =	sst s0  }
0x18: {  	s0 =	sld [smem:$0x3F93];
	_ =	swait.ge [sflag:s4], $0x0  }
0x19: {  	s7 =	sld [smem:$0x3F94]  }
0x1a: {  	s8 =	sadd.s32 $0xFFFFE003, lr  }
0x1b: {  	s9 =	sadd.s32 $0xFFFFFEF7, lr;
	s5 =	simm.s32 $0xFFFFFFFF;
	p2 =	slt.u32 s8, $0xFFFFF086  }
0x1c: {  	p1 =	slt.u32 s9, $0xF7A;
	s5 =	simm.s32 @!p2 $0x0  }
0x1d: {  	s5 =	simm.s32 @p1 $0x1;
	p0 =	seq.s32 s7, s2  }
0x1e: {  	s7 =	smul.u32 @!p0 $0xF7A, s2;
	p2 =	seq.s32 @!p0 s5, $0x0  }
0x1f: {  	s9 =	smul.u32 $0xF7A, s1;
	s8 =	simm.s32 @!p0 $0x1BF5;
	p2 =	por !p2, p0  }
0x20: {  	[sflag:s8] =	ssyncset.s32 @!p0 $0xFFFFF086;
	s6 =	sadd.s32 @!p0 s3, s7;
	s7 =	simm.s32 @!p0 $0x108  }
0x21: {  	s3 =	sadd.s32 s3, s9;
	s6 =	sadd.s32 @!p0 $0x88, s6;
	s7 =	simm.s32 @p2 $0x1082  }
0x22: {  	[simem:s7], [sflag:s8] =	dma.local @!p0 [hbm:s6], $0xF7A  }
0x23: {  	s9 =	sor.u32 $0xD0000000, s2;
	s6 =	simm.s32 $0x108;
	_ =	swait.ge @!p0 [sflag:s8], $0x0  }
0x24: {  	s3 =	sadd.s32 $0x88, s3;
	s6 =	simm.s32 @!p1 $0x1082;
	[sflag:s4] =	ssyncset.s32 $0xFFFFF086  }
0x25: {  	[simem:s6], [sflag:s4] =	dma.local [hbm:s3], $0xF7A  }
0x26: {  	[smem:$0x3F94] =	sst s1;
	(tag) =	ssettag s2;
	_ =	strace s9  }
0x27: {  	s1 =	sld [smem:$0x3FA4]  }
0x28: {  	s2 =	sld [smem:$0x3FA5]  }
0x29: {  	s4 =	sld [smem:$0x3FA7]  }
0x2a: {  	p0 =	seq.s32 s5, $0x0;
	s5 =	sld [smem:$0x3FA8]  }
0x2b: {  	s6 =	sld [smem:$0x3FA9]  }
0x2c: {  	s7 =	sld [smem:$0x3FAA]  }
0x2d: {  	s3 =	simm.s32 $0x108;
	s8 =	sld [smem:$0x3FAB]  }
0x2e: {  	s3 =	simm.s32 @!p0 $0x1082;
	s9 =	sld [smem:$0x3FAC]  }
0x2f: {  	lr =	sadd.s32 s0, s3;
	s0 =	sld [smem:$0x3FA3]  }
0x30: {  	s3 =	sld [smem:$0x3FA6]  }
0x31: {  	[smem:$0x3FAF] =	sst s10  }
0x32: {  	s10 =	sld [smem:$0x3FAD];
	_ =	sdelay $0x3  }
0x33: {  	p0 =	seq.s32 s10, $0x1;
	s10 =	sld [smem:$0x3FAF];
	_ =	sdelay $0x3  }
0x34: {  	[smem:$0x3FAF] =	sst s10  }
0x35: {  	s10 =	sld [smem:$0x3FAE];
	_ =	sdelay $0x3  }
0x36: {  	p1 =	seq.s32 s10, $0x1;
	s10 =	sld [smem:$0x3FAF];
	_ =	sdelay $0x3  }
0x37: {  	[smem:$0x3FAF] =	sst s10  }
0x38: {  	s10 =	sld [smem:$0x3FB0]  }
0x39: {  	_ = 	snop;
	(pc) =	sbr.ind lr, $3  }
0x3a: {  	_ = 	snop  }
0x3b: {  	_ = 	snop  }
0x3c: {  	p2 =	seq.s32 s10, $0x1;
	s10 =	sld [smem:$0x3FAF]  }
0x3d: {  	_ =	shalt  }
0x3e: {  	_ =	shalt  }
0x3f: {  	_ =	shalt  }
0x40: {  	_ =	shalt  }
0x41: {  	_ =	shalt  }
0x42: {  	_ =	shalt  }
0x43: {  	_ =	shalt  }
0x44: {  	_ =	shalt  }
0x45: {  	_ =	shalt  }
0x46: {  	_ =	shalt  }
0x47: {  	_ =	shalt  }
0x48: {  	_ =	shalt  }
0x49: {  	_ =	shalt  }
0x4a: {  	_ =	shalt  }
0x4b: {  	_ =	shalt  }
0x4c: {  	_ =	shalt  }
0x4d: {  	_ =	shalt  }
0x4e: {  	_ =	shalt  }
0x4f: {  	_ =	shalt  }
0x50: {  	_ =	shalt  }
0x51: {  	_ =	shalt  }
0x52: {  	_ =	shalt  }
0x53: {  	_ =	shalt  }
0x54: {  	_ =	shalt  }
0x55: {  	_ =	shalt  }
0x56: {  	_ =	shalt  }
0x57: {  	_ =	shalt  }
0x58: {  	_ =	shalt  }
0x59: {  	_ =	shalt  }
0x5a: {  	_ =	shalt  }
0x5b: {  	_ =	shalt  }
0x5c: {  	_ =	shalt  }
0x5d: {  	_ =	shalt  }
0x5e: {  	_ =	shalt  }
0x5f: {  	_ =	shalt  }
0x60: {  	_ =	shalt  }
0x61: {  	_ =	shalt  }
0x62: {  	_ =	shalt  }
0x63: {  	_ =	shalt  }
0x64: {  	_ =	shalt  }
0x65: {  	_ =	shalt  }
0x66: {  	_ =	shalt  }
0x67: {  	_ =	shalt  }
0x68: {  	_ =	shalt  }
0x69: {  	_ =	shalt  }
0x6a: {  	_ =	shalt  }
0x6b: {  	_ =	shalt  }
0x6c: {  	_ =	shalt  }
0x6d: {  	_ =	shalt  }
0x6e: {  	_ =	shalt  }
0x6f: {  	_ =	shalt  }
0x70: {  	_ =	shalt  }
0x71: {  	_ =	shalt  }
0x72: {  	_ =	shalt  }
0x73: {  	_ =	shalt  }
0x74: {  	_ =	shalt  }
0x75: {  	_ =	shalt  }
0x76: {  	_ =	shalt  }
0x77: {  	_ =	shalt  }
0x78: {  	_ =	shalt  }
0x79: {  	_ =	shalt  }
0x7a: {  	_ =	shalt  }
0x7b: {  	_ =	shalt  }
0x7c: {  	_ =	shalt  }
0x7d: {  	_ =	shalt  }
0x7e: {  	_ =	shalt  }
0x7f: {  	_ =	shalt  }
0x80: {  	_ =	shalt  }
0x81: {  	_ =	shalt  }
0x82: {  	_ =	shalt  }
0x83: {  	_ =	shalt  }
0x84: {  	_ =	shalt  }
0x85: {  	_ =	shalt  }
0x86: {  	_ =	shalt  }
0x87: {  	_ =	shalt  }
.Lfunc_end0:
.L_simem_size_0:
called_computation.1_lowered:
.L_overlay_start_0:
0x88: {  	s2 =	sld [smem:$0x3FD9]  }
0x89: {  	s3 =	sld [smem:$0x3FFE];
	_ =	sdelay $0x1  }
0x8a: {  	s1 =	srdreg.scid  }
0x8b: {  	s0 =	sand.u32 $0x1, s1  }
0x8c: {  	s17 =	sshll.u32 s0, $0xA;
	s2 =	sadd.s32 s3, s2  }
0x8d: {  	s2 =	sadd.s32 s2, s17  }
0x8e: {  	[smem:$0x3FBB] =	sst s2  }
0x8f: {  	_ = 	snop  }
0x90: {  	(tm) =	ssettm $0x1  }
0x91: {  	s18 =	sld [smem:$0x3FFB];
	_ =	sdelay $0x3  }
0x92: {  	_ =	strace s18  }
0x93: {  	s2 =	sld [smem:$0x3FFC];
	_ =	sdelay $0x3  }
0x94: {  	_ =	strace s2  }
0x95: {  	s2 =	sld [smem:$0x3FFD];
	_ =	sdelay $0x3  }
0x96: {  	_ =	strace s2  }
0x97: {  	_ =	strace $0x8FFFFFFF  }
0x98: {  	s19 =	sld [smem:$0x3FDB];
	_ =	sdelay $0x1  }
0x99: {  	s20 =	simm.s32 $_scs_section_size  }
0x9a: {  	s4 =	simm.s32 $_size__tile_overlayer_lowered;
	s5 =	simm.s32 $_tile_overlayer_lowered  }
0x9b: {  	s6 =	simm.s32 $0x1BFF;
	s21 =	sshll.u32 s5, $0x1;
	s3 =	sadd.s32 s20, s19  }
0x9c: {  	s22 =	simm.s32 $0x0;
	s4 =	sshll.u32 s4, $0x1;
	s5 =	sadd.s32 s21, s3  }
0x9d: {  	[timem:s22], [sflag:s6] =	dma.local [hbm:s5], s4  }
0x9e: {  	_ =	swait.ge [sflag:s6], s4  }
0x9f: {  	s4 =	ssub.s32 $0x0, s4;
	[sflag:s6] =	ssyncset.done $0x0  }
0xa0: {  	[sflag:s6] =	ssyncadd.s32 s4;
	_ =	sdelay $0x1  }
0xa1: {  	s23 =	simm.s32 $0x1B8B  }
0xa2: {  	_ =	swait.ge [sflag:s23], $0x1  }
0xa3: {  	[sflag:s23] =	ssyncset.done $0x0  }
0xa4: {  	[sflag:s23] =	ssyncadd.s32 $0xFFFFFFFF  }
0xa5: {  	s4 =	sld [smem:$0x0]  }
0xa6: {  	s5 =	sand.u32 $0xFFFFFFFE, s1  }
0xa7: {  	p0 =	sne.s32 s1, s5  }
0xa8: {  	s5 =	sshll.u32 @p0 s5, $0xE  }
0xa9: {  	s5 =	sadd.s32 @p0 $0x11B8D, s5;
	s6 =	sshll.u32 @p0 s4, $0x11  }
0xaa: {  	s5 =	sor.u32 @p0 s6, s5  }
0xab: {  	[sflag:s5] =	ssyncadd.remote.s32 @p0 $0x1;
	_ =	sdelay $0x1  }
0xac: {  	s5 =	simm.s32 @p0 $0x1B8D  }
0xad: {  	_ =	swait.eq @p0 [sflag:s5], $0x1  }
0xae: {  	[sflag:s5] =	ssyncadd.s32 @p0 $0xFFFFFFFF  }
0xaf: {  	s6 =	sshll.u32 @!p0 s1, $0xE  }
0xb0: {  	s6 =	sor.u32 @!p0 $0x4000, s6;
	s5 =	simm.s32 @!p0 $0x1B8D  }
0xb1: {  	s4 =	sshll.u32 @!p0 s4, $0x11;
	s6 =	sadd.s32 @!p0 $0x11B8D, s6;
	_ =	swait.eq @!p0 [sflag:s5], $0x1  }
0xb2: {  	s4 =	sor.u32 @!p0 s4, s6;
	[sflag:s5] =	ssyncadd.s32 @!p0 $0xFFFFFFFF  }
0xb3: {  	s25 =	simm.s32 $0x1B8E;
	s24 =	sld [smem:$0x3FFE];
	[sflag:s4] =	ssyncadd.remote.s32 @!p0 $0x1  }
0xb4: {  	s26 =	simm.s32 $execute0_lowered;
	[smem:$0x3FD2] =	sst s25  }
0xb5: {  	s5 =	sshll.u32 s26, $0x1;
	_ =	strace $0x80000049;
	[dreg:$0x1] =	wrdreg $0xFFFFFFFF  }
0xb6: {  	s28 =	simm.s32 $_size_execute0_lowered;
	s3 =	sadd.s32 s3, s5;
	[dreg:$0x0] =	wrdreg $0x0  }
0xb7: {  	s5 =	sshll.u32 s28, $0x1;
	[dreg:$0x2] =	wrdreg s3  }
0xb8: {  	[dreg:$0x3] =	wrdreg s5  }
0xb9: {  	[dreg:$0x4] =	wrdreg $0xC0  }
0xba: {  	_ =	task [dreg:s22], $0x5FFFF  }
0xbb: {  	[dreg:$0x1] =	wrdreg $0xFFFFFFFF  }
0xbc: {  	[dreg:$0x0] =	wrdreg $0x60  }
0xbd: {  	[dreg:$0x2] =	wrdreg s24  }
0xbe: {  	[dreg:$0x3] =	wrdreg $0xA  }
0xbf: {  	_ =	task.clear_ibuf [dreg:s22], $0x4FFFF;
	_ =	strace $0x90000049  }
0xc0: {  	s29 =	simm.s32 $0xA;
	_ =	strace $0x8000004B  }
0xc1: {  	_ =	swait.ge [sflag:s29], $0x1  }
0xc2: {  	[sflag:s29] =	ssyncadd.s32 $0xFFFFFFFF  }
0xc3: {  	_ =	strace $0x9000004B  }
0xc4: {  	_ =	sfence  }
0xc5: {  	s30 =	sld [smem:$0x0];
	_ =	sdelay $0x2  }
0xc6: {  	s31 =	sshll.u32 s1, $0xD;
	s1 =	sshrl.u32 s1, $0x2  }
0xc7: {  	s4 =	sand.u32 $0x4000, s31;
	s1 =	sadd.s32 s1, s30  }
0xc8: {  	s0 =	sor.u32 s4, s0;
	s1 =	sshll.u32 s1, $0x11  }
0xc9: {  	s0 =	sor.u32 s1, s0  }
0xca: {  	s0 =	sadd.s32 $0x8F2B, s0  }
0xcb: {  	[sflag:s0] =	ssyncadd.remote.s32 $0x1  }
0xcc: {  	_ =	sfence.sel $0xFFFF  }
0xcd: {  	[dreg:$0x0] =	wrdreg $0xFFFFFFFF;
	(pc) =	sbr.abs _section_cstart, $3  }
0xce: {  	[dreg:$0x1] =	wrdreg $0xFFFFFFFF  }
0xcf: {  	_ =	task.clear_ibuf [dreg:s22], $0x2FFFF;
	_ =	strace $0x9FFFFFFF  }
0xd0: {  	(tm) =	ssettm $0x7FFFFFFF  }
0xd1: {  	_ =	shalt  }
tec
execute0_lowered:
.L_overlay_start_1:
0x0: {  	(tag) =	ssettag $0x1  }
0x1: {  	s0 =	srdreg.scid;
	s19 =	stileid.u32  }
0x2: {  	s3 =	rddreg [dreg:$0x0];
	s23 =	simm.s32 $0x0;
	s31 =	simm.s32 $0x9  }
0x3: {  	s30 =	simm.s32 $0xA00;
	s0 =	sand.u32 $0x1, s0;
	s1 =	sshll.u32 s19, $0x1  }
0x4: {  	s28 =	simm.s32 $0xDC0;
	s29 =	simm.s32 $0xF00;
	s1 =	sor.u32 s0, s1  }
0x5: {  	p0 =	por $0x0, $0x0;
	s5 =	sadd.s32 $0x2DCC00, s3;
	s2 =	smul.u32 $0x140, s1  }
0x6: {  	[smem:$0x7FF] =	sst s23;
	s22 =	sadd.s32 $0x2DCC08, s3;
	s1 =	smul.u32 $0xA000, s1  }
0x7: {  	_ =	strace $0x8000004A;
	s0 =	ssub.s32 $0x2, s0;
	s2 =	sadd.s32 s2, s3  }
0x8: {  	s24 =	sadd.s32 s5, s1;
	s25 =	sadd.s32 s1, s22;
	s6 =	sor.u32 $0x1400, s1  }
0x9: {  	s8 =	sadd.s32 $0x2800, s1;
	s12 =	sadd.s32 $0x5000, s1;
	[dreg:$0x4] =	wrdreg s24  }
0xa: {  	s15 =	sadd.s32 $0x6400, s1;
	s4 =	sadd.s32 $0x195400, s2;
	[dreg:$0x5] =	wrdreg s25  }
0xb: {  	s18 =	sadd.s32 $0x7800, s1;
	s2 =	sadd.s32 $0x18DC00, s2;
	[dreg:$0x2] =	wrdreg s4  }
0xc: {  	s26 =	sadd.s32 s5, s6;
	s7 =	sadd.s32 s6, s22;
	[dreg:$0x3] =	wrdreg s2  }
0xd: {  	s9 =	sadd.s32 s5, s8;
	s6 =	sadd.s32 s8, s22;
	[dreg:$0x6] =	wrdreg s26  }
0xe: {  	s13 =	sadd.s32 s5, s12;
	s14 =	sadd.s32 s12, s22;
	[dreg:$0x7] =	wrdreg s7  }
0xf: {  	s16 =	sadd.s32 s5, s15;
	s17 =	sadd.s32 s15, s22;
	[dreg:$0x8] =	wrdreg s9  }
0x10: {  	s8 =	sshrl.u32 s0, $0x1;
	s20 =	sadd.s32 s5, s18;
	[dreg:$0x9] =	wrdreg s6  }
0x11: {  	s21 =	sadd.s32 s18, s22;
	s15 =	simm.s32 $0x1400;
	[dreg:$0xc] =	wrdreg s13  }
0x12: {  	s18 =	simm.s32 $0x1;
	s24 =	simm.s32 $0x280;
	[dreg:$0xd] =	wrdreg s14  }
0x13: {  	s25 =	simm.s32 $0xC80;
	s12 =	simm.s32 $0x6;
	[dreg:$0xe] =	wrdreg s16  }
0x14: {  	s7 =	sadd.s32 $0x3C00, s1;
	s2 =	sadd.s32 $0xC7E00, s3;
	[dreg:$0xf] =	wrdreg s17  }
0x15: {  	s3 =	sadd.s32 $0x4800, s3;
	[dreg:$0x10] =	wrdreg s20;
	s1 =	sadd.s32 $0x8C00, s1  }
0x16: {  	s0 =	ssub.s32 s0, s8;
	[dreg:$0x11] =	wrdreg s21;
	s9 =	simm.s32 $0x140  }
0x17: {  	s16 =	simm.s32 $0xB400;
	s17 =	simm.s32 $0x3;
	s4 =	simm.s32 $0x40  }
0x18: {  	s6 =	simm.s32 $0x6400;
	s14 =	simm.s32 $0x2;
	[dreg:$0x15] =	wrdreg s24  }
0x19: {  	s13 =	simm.s32 $0x4;
	[dreg:$0x16] =	wrdreg s25;
	s26 =	simm.s32 $0x3C0  }
0x1a: {  	s8 =	simm.s32 $0x8;
	s25 =	simm.s32 $0x640;
	s24 =	simm.s32 $0x1180  }
0x1b: {  	s20 =	simm.s32 $0x8C0;
	s21 =	simm.s32 $0x12C0;
	s10 =	sadd.s32 s5, s7  }
0x1c: {  	s11 =	sadd.s32 s7, s22;
	s0 =	smax.u32 s0, $0x1;
	[dreg:$0x17] =	wrdreg s26  }
0x1d: {  	s5 =	sadd.s32 s5, s1;
	[dreg:$0xa] =	wrdreg s10;
	p1 =	sne.s32 s0, $0x1  }
.Ltmp0:
0x1e: {  	s1 =	sadd.s32 s1, s22;
	[dreg:$0xb] =	wrdreg s11;
	(pc) =	sbr.rel @!p1 .LBB2_1-.Ltmp0, $4  }
0x1f: {  	s22 =	simm.s32 $0xB40;
	s7 =	simm.s32 $0x7;
	[dreg:$0x12] =	wrdreg s5  }
0x20: {  	s26 =	simm.s32 $0x1040;
	[dreg:$0x13] =	wrdreg s1;
	s5 =	simm.s32 $0x80  }
0x21: {  	[dreg:$0x14] =	wrdreg s22;
	s10 =	simm.s32 $0x10400;
	s11 =	simm.s32 $0x5  }
0x22: {  	s1 =	sadd.s32 $0xFFFFFFFF, s0;
	s22 =	simm.s32 $0x780;
	s0 =	rddreg [dreg:$0x2]  }
0x23: {  	[tilespmem:s23], [sflag:$0x9] =	stream.linear.gather [hbm4b:s0+s23], $0xA00, $0x38;
	[tilespmem:$0x15400] =	vst v63  }
0x24: {  	_ =	swait.ge [sflag:s31], $0xA00  }
0x25: {  	[sflag:s31] =	ssyncset.done $0x0  }
0x26: {  	s19 =	rddreg [dreg:$0x3];
	[sflag:s31] =	ssyncadd.s32 $0xFFFFF600  }
0x27: {  	[tilespmem:s30], [sflag:$0x9] =	stream.linear.gather [hbm4b:s19+s23], $0xA00, $0x38;
	[tilespmem:$0x15400] =	vst v63  }
0x28: {  	_ =	swait.ge [sflag:s31], $0xA00  }
0x29: {  	[sflag:s31] =	ssyncset.done $0x0  }
0x2a: {  	[sflag:s31] =	ssyncadd.s32 $0xFFFFF600  }
0x2b: {  	[tilespmem:s15], [sflag:$0x1] =	stream.indirect.gather [hbm4b:s2+s9], $0x40, s23, s9, $0xb8;
	[tilespmem:$0x15400] =	vst v63  }
0x2c: {  	_ = 	snop  }
0x2d: {  	[tilespmem:s16], [sflag:$0x3] =	stream.indirect.gather [hbm4b:s3+s9], $0x40, s30, s9, $0xb8;
	[tilespmem:$0x15400] =	vst v63  }
0x2e: {  	_ =	swait.ge [sflag:s18], $0x5000  }
0x2f: {  	[sflag:s18] =	ssyncset.done $0x0  }
0x30: {  	[sflag:s18] =	ssyncadd.s32 $0xFFFFB000  }
0x31: {  	_ =	swait.ge [sflag:s17], $0x5000  }
0x32: {  	[sflag:s17] =	ssyncset.done $0x0  }
0x33: {  	s0 =	rddreg [dreg:$0x4];
	[sflag:s17] =	ssyncadd.s32 $0xFFFFB000  }
0x34: {  	[hbm4b:s0+s4] =	stream.strided.scatter [tilespmem:s15], [sflag:$0x5], $0x5000, s5, s4, $0x38;
	[tilespmem:$0x15400] =	vst v63  }
0x35: {  	s19 =	smov.u32 s1;
	s1 =	rddreg [dreg:$0x5]  }
0x36: {  	[hbm4b:s1+s4] =	stream.strided.scatter [tilespmem:s16], [sflag:$0x7], $0x5000, s5, s4, $0x38;
	[tilespmem:$0x15400] =	vst v63  }
0x37: {  	_ = 	snop  }
0x38: {  	[tilespmem:s6], [sflag:$0x2] =	stream.indirect.gather [hbm4b:s2+s9], $0x40, s9, s9, $0xb8;
	[tilespmem:$0x15400] =	vst v63  }
0x39: {  	s1 =	rddreg [dreg:$0x14]  }
0x3a: {  	[tilespmem:s10], [sflag:$0x4] =	stream.indirect.gather [hbm4b:s3+s9], $0x40, s1, s9, $0xb8;
	[tilespmem:$0x15400] =	vst v63  }
0x3b: {  	_ =	swait.ge [sflag:s14], $0x5000  }
0x3c: {  	[sflag:s14] =	ssyncset.done $0x0  }
0x3d: {  	[sflag:s14] =	ssyncadd.s32 $0xFFFFB000  }
0x3e: {  	_ =	swait.ge [sflag:s13], $0x5000  }
0x3f: {  	[sflag:s13] =	ssyncset.done $0x0  }
0x40: {  	s0 =	rddreg [dreg:$0x6];
	[sflag:s13] =	ssyncadd.s32 $0xFFFFB000  }
0x41: {  	[hbm4b:s0+s4] =	stream.strided.scatter [tilespmem:s6], [sflag:$0x6], $0x5000, s5, s4, $0x38;
	[tilespmem:$0x15400] =	vst v63  }
0x42: {  	s1 =	rddreg [dreg:$0x7]  }
0x43: {  	[hbm4b:s1+s4] =	stream.strided.scatter [tilespmem:s10], [sflag:$0x8], $0x5000, s5, s4, $0x38;
	[tilespmem:$0x15400] =	vst v63  }
0x44: {  	_ =	swait.ge [sflag:s11], $0x5000  }
0x45: {  	[sflag:s11] =	ssyncset.done $0x0  }
0x46: {  	[sflag:s11] =	ssyncadd.s32 $0xFFFFB000  }
0x47: {  	_ =	swait.ge [sflag:s7], $0x5000  }
0x48: {  	[sflag:s7] =	ssyncset.done $0x0  }
0x49: {  	s0 =	rddreg [dreg:$0x15];
	[sflag:s7] =	ssyncadd.s32 $0xFFFFB000  }
0x4a: {  	[tilespmem:s15], [sflag:$0x1] =	stream.indirect.gather [hbm4b:s2+s9], $0x40, s0, s9, $0xb8;
	[tilespmem:$0x15400] =	vst v63  }
0x4b: {  	s1 =	rddreg [dreg:$0x16]  }
0x4c: {  	[tilespmem:s16], [sflag:$0x3] =	stream.indirect.gather [hbm4b:s3+s9], $0x40, s1, s9, $0xb8;
	[tilespmem:$0x15400] =	vst v63  }
0x4d: {  	_ =	swait.ge [sflag:s18], $0x5000  }
0x4e: {  	[sflag:s18] =	ssyncset.done $0x0  }
0x4f: {  	[sflag:s18] =	ssyncadd.s32 $0xFFFFB000  }
0x50: {  	_ =	swait.ge [sflag:s17], $0x5000  }
0x51: {  	[sflag:s17] =	ssyncset.done $0x0  }
0x52: {  	s0 =	rddreg [dreg:$0x8];
	[sflag:s17] =	ssyncadd.s32 $0xFFFFB000  }
0x53: {  	[hbm4b:s0+s4] =	stream.strided.scatter [tilespmem:s15], [sflag:$0x5], $0x5000, s5, s4, $0x38;
	[tilespmem:$0x15400] =	vst v63  }
0x54: {  	s1 =	rddreg [dreg:$0x9]  }
0x55: {  	[hbm4b:s1+s4] =	stream.strided.scatter [tilespmem:s16], [sflag:$0x7], $0x5000, s5, s4, $0x38;
	[tilespmem:$0x15400] =	vst v63  }
0x56: {  	_ =	swait.ge [sflag:s12], $0x5000  }
0x57: {  	[sflag:s12] =	ssyncset.done $0x0  }
0x58: {  	[sflag:s12] =	ssyncadd.s32 $0xFFFFB000  }
0x59: {  	_ =	swait.ge [sflag:s8], $0x5000  }
0x5a: {  	[sflag:s8] =	ssyncset.done $0x0  }
0x5b: {  	s1 =	rddreg [dreg:$0x17];
	[sflag:s8] =	ssyncadd.s32 $0xFFFFB000  }
0x5c: {  	[tilespmem:s6], [sflag:$0x2] =	stream.indirect.gather [hbm4b:s2+s9], $0x40, s1, s9, $0xb8;
	[tilespmem:$0x15400] =	vst v63  }
0x5d: {  	_ = 	snop  }
0x5e: {  	[tilespmem:s10], [sflag:$0x4] =	stream.indirect.gather [hbm4b:s3+s9], $0x40, s28, s9, $0xb8;
	[tilespmem:$0x15400] =	vst v63  }
0x5f: {  	_ =	swait.ge [sflag:s14], $0x5000  }
0x60: {  	[sflag:s14] =	ssyncset.done $0x0  }
0x61: {  	[sflag:s14] =	ssyncadd.s32 $0xFFFFB000  }
0x62: {  	_ =	swait.ge [sflag:s13], $0x5000  }
0x63: {  	[sflag:s13] =	ssyncset.done $0x0  }
0x64: {  	s0 =	rddreg [dreg:$0xa];
	[sflag:s13] =	ssyncadd.s32 $0xFFFFB000  }
0x65: {  	[hbm4b:s0+s4] =	stream.strided.scatter [tilespmem:s6], [sflag:$0x6], $0x5000, s5, s4, $0x38;
	[tilespmem:$0x15400] =	vst v63  }
0x66: {  	s1 =	rddreg [dreg:$0xb]  }
0x67: {  	[hbm4b:s1+s4] =	stream.strided.scatter [tilespmem:s10], [sflag:$0x8], $0x5000, s5, s4, $0x38;
	[tilespmem:$0x15400] =	vst v63  }
0x68: {  	_ =	swait.ge [sflag:s11], $0x5000  }
0x69: {  	[sflag:s11] =	ssyncset.done $0x0  }
0x6a: {  	[sflag:s11] =	ssyncadd.s32 $0xFFFFB000  }
0x6b: {  	_ =	swait.ge [sflag:s7], $0x5000  }
0x6c: {  	[sflag:s7] =	ssyncset.done $0x0  }
0x6d: {  	s1 =	simm.s32 $0x500;
	[sflag:s7] =	ssyncadd.s32 $0xFFFFB000  }
0x6e: {  	[tilespmem:s15], [sflag:$0x1] =	stream.indirect.gather [hbm4b:s2+s9], $0x40, s1, s9, $0xb8;
	[tilespmem:$0x15400] =	vst v63  }
0x6f: {  	_ = 	snop  }
0x70: {  	[tilespmem:s16], [sflag:$0x3] =	stream.indirect.gather [hbm4b:s3+s9], $0x40, s29, s9, $0xb8;
	[tilespmem:$0x15400] =	vst v63  }
0x71: {  	_ =	swait.ge [sflag:s18], $0x5000  }
0x72: {  	[sflag:s18] =	ssyncset.done $0x0  }
0x73: {  	[sflag:s18] =	ssyncadd.s32 $0xFFFFB000  }
0x74: {  	_ =	swait.ge [sflag:s17], $0x5000  }
0x75: {  	[sflag:s17] =	ssyncset.done $0x0  }
0x76: {  	s0 =	rddreg [dreg:$0xc];
	[sflag:s17] =	ssyncadd.s32 $0xFFFFB000  }
0x77: {  	[hbm4b:s0+s4] =	stream.strided.scatter [tilespmem:s15], [sflag:$0x5], $0x5000, s5, s4, $0x38;
	[tilespmem:$0x15400] =	vst v63  }
0x78: {  	s1 =	rddreg [dreg:$0xd]  }
0x79: {  	[hbm4b:s1+s4] =	stream.strided.scatter [tilespmem:s16], [sflag:$0x7], $0x5000, s5, s4, $0x38;
	[tilespmem:$0x15400] =	vst v63  }
0x7a: {  	_ =	swait.ge [sflag:s12], $0x5000  }
0x7b: {  	[sflag:s12] =	ssyncset.done $0x0  }
0x7c: {  	[sflag:s12] =	ssyncadd.s32 $0xFFFFB000  }
0x7d: {  	_ =	swait.ge [sflag:s8], $0x5000  }
0x7e: {  	[sflag:s8] =	ssyncset.done $0x0  }
0x7f: {  	[sflag:s8] =	ssyncadd.s32 $0xFFFFB000  }
0x80: {  	[tilespmem:s6], [sflag:$0x2] =	stream.indirect.gather [hbm4b:s2+s9], $0x40, s25, s9, $0xb8;
	[tilespmem:$0x15400] =	vst v63  }
0x81: {  	_ = 	snop  }
0x82: {  	[tilespmem:s10], [sflag:$0x4] =	stream.indirect.gather [hbm4b:s3+s9], $0x40, s26, s9, $0xb8;
	[tilespmem:$0x15400] =	vst v63  }
0x83: {  	_ =	swait.ge [sflag:s14], $0x5000  }
0x84: {  	[sflag:s14] =	ssyncset.done $0x0  }
0x85: {  	[sflag:s14] =	ssyncadd.s32 $0xFFFFB000  }
0x86: {  	_ =	swait.ge [sflag:s13], $0x5000  }
0x87: {  	[sflag:s13] =	ssyncset.done $0x0  }
0x88: {  	s0 =	rddreg [dreg:$0xe];
	[sflag:s13] =	ssyncadd.s32 $0xFFFFB000  }
0x89: {  	[hbm4b:s0+s4] =	stream.strided.scatter [tilespmem:s6], [sflag:$0x6], $0x5000, s5, s4, $0x38;
	[tilespmem:$0x15400] =	vst v63  }
0x8a: {  	s1 =	rddreg [dreg:$0xf]  }
0x8b: {  	[hbm4b:s1+s4] =	stream.strided.scatter [tilespmem:s10], [sflag:$0x8], $0x5000, s5, s4, $0x38;
	[tilespmem:$0x15400] =	vst v63  }
0x8c: {  	_ =	swait.ge [sflag:s11], $0x5000  }
0x8d: {  	[sflag:s11] =	ssyncset.done $0x0  }
0x8e: {  	[sflag:s11] =	ssyncadd.s32 $0xFFFFB000  }
0x8f: {  	_ =	swait.ge [sflag:s7], $0x5000  }
0x90: {  	[sflag:s7] =	ssyncset.done $0x0  }
0x91: {  	[sflag:s7] =	ssyncadd.s32 $0xFFFFB000  }
0x92: {  	[tilespmem:s15], [sflag:$0x1] =	stream.indirect.gather [hbm4b:s2+s9], $0x40, s22, s9, $0xb8;
	[tilespmem:$0x15400] =	vst v63  }
0x93: {  	_ = 	snop  }
0x94: {  	[tilespmem:s16], [sflag:$0x3] =	stream.indirect.gather [hbm4b:s3+s9], $0x40, s24, s9, $0xb8;
	[tilespmem:$0x15400] =	vst v63  }
0x95: {  	_ =	swait.ge [sflag:s18], $0x5000  }
0x96: {  	[sflag:s18] =	ssyncset.done $0x0  }
0x97: {  	[sflag:s18] =	ssyncadd.s32 $0xFFFFB000  }
0x98: {  	_ =	swait.ge [sflag:s17], $0x5000  }
0x99: {  	[sflag:s17] =	ssyncset.done $0x0  }
0x9a: {  	s0 =	rddreg [dreg:$0x10];
	[sflag:s17] =	ssyncadd.s32 $0xFFFFB000  }
0x9b: {  	[hbm4b:s0+s4] =	stream.strided.scatter [tilespmem:s15], [sflag:$0x5], $0x5000, s5, s4, $0x38;
	[tilespmem:$0x15400] =	vst v63  }
0x9c: {  	s1 =	rddreg [dreg:$0x11]  }
0x9d: {  	[hbm4b:s1+s4] =	stream.strided.scatter [tilespmem:s16], [sflag:$0x7], $0x5000, s5, s4, $0x38;
	[tilespmem:$0x15400] =	vst v63  }
0x9e: {  	_ =	swait.ge [sflag:s12], $0x5000  }
0x9f: {  	[sflag:s12] =	ssyncset.done $0x0  }
0xa0: {  	[sflag:s12] =	ssyncadd.s32 $0xFFFFB000  }
0xa1: {  	_ =	swait.ge [sflag:s8], $0x5000  }
0xa2: {  	[sflag:s8] =	ssyncset.done $0x0  }
0xa3: {  	[sflag:s8] =	ssyncadd.s32 $0xFFFFB000  }
0xa4: {  	[tilespmem:s6], [sflag:$0x2] =	stream.indirect.gather [hbm4b:s2+s9], $0x40, s20, s9, $0xb8;
	[tilespmem:$0x15400] =	vst v63  }
0xa5: {  	_ = 	snop  }
0xa6: {  	[tilespmem:s10], [sflag:$0x4] =	stream.indirect.gather [hbm4b:s3+s9], $0x40, s21, s9, $0xb8;
	[tilespmem:$0x15400] =	vst v63  }
0xa7: {  	_ =	swait.ge [sflag:s14], $0x5000  }
0xa8: {  	[sflag:s14] =	ssyncset.done $0x0  }
0xa9: {  	[sflag:s14] =	ssyncadd.s32 $0xFFFFB000  }
0xaa: {  	_ =	swait.ge [sflag:s13], $0x5000  }
0xab: {  	[sflag:s13] =	ssyncset.done $0x0  }
0xac: {  	s0 =	rddreg [dreg:$0x12];
	[sflag:s13] =	ssyncadd.s32 $0xFFFFB000  }
0xad: {  	[hbm4b:s0+s4] =	stream.strided.scatter [tilespmem:s6], [sflag:$0x6], $0x5000, s5, s4, $0x38;
	[tilespmem:$0x15400] =	vst v63  }
0xae: {  	s1 =	rddreg [dreg:$0x13]  }
0xaf: {  	[hbm4b:s1+s4] =	stream.strided.scatter [tilespmem:s10], [sflag:$0x8], $0x5000, s5, s4, $0x38;
	[tilespmem:$0x15400] =	vst v63  }
0xb0: {  	_ =	swait.ge [sflag:s11], $0x5000  }
0xb1: {  	[sflag:s11] =	ssyncset.done $0x0  }
0xb2: {  	[sflag:s11] =	ssyncadd.s32 $0xFFFFB000  }
0xb3: {  	_ =	swait.ge [sflag:s7], $0x5000  }
0xb4: {  	[sflag:s7] =	ssyncset.done $0x0  }
0xb5: {  	p1 =	sne.s32 s19, $0x1;
	[sflag:s7] =	ssyncadd.s32 $0xFFFFB000  }
.Ltmp1:
0xb6: {  	_ =	swait.ge [sflag:s12], $0x5000;
	(pc) =	sbr.rel @!p1 .LBB2_3-.Ltmp1, $4  }
0xb7: {  	[sflag:s12] =	ssyncset.done $0x0  }
0xb8: {  	[sflag:s12] =	ssyncadd.s32 $0xFFFFB000  }
0xb9: {  	p0 =	por $0x1, $0x1;
	_ =	swait.ge [sflag:s8], $0x5000  }
0xba: {  	s1 =	sadd.s32 $0xFFFFFFFF, s19;
	s0 =	rddreg [dreg:$0x2];
	[sflag:s8] =	ssyncset.done $0x0  }
.LBB2_4:
0xbb: {  	[sflag:s8] =	ssyncadd.s32 $0xFFFFB000  }
0xbc: {  	[tilespmem:s23], [sflag:$0x9] =	stream.linear.gather [hbm4b:s0+s23], $0xA00, $0x38;
	[tilespmem:$0x15400] =	vst v63  }
0xbd: {  	_ =	swait.ge [sflag:s31], $0xA00  }
0xbe: {  	[sflag:s31] =	ssyncset.done $0x0  }
0xbf: {  	s19 =	rddreg [dreg:$0x3];
	[sflag:s31] =	ssyncadd.s32 $0xFFFFF600  }
0xc0: {  	[tilespmem:s30], [sflag:$0x9] =	stream.linear.gather [hbm4b:s19+s23], $0xA00, $0x38;
	[tilespmem:$0x15400] =	vst v63  }
0xc1: {  	_ =	swait.ge [sflag:s31], $0xA00  }
0xc2: {  	[sflag:s31] =	ssyncset.done $0x0  }
0xc3: {  	[sflag:s31] =	ssyncadd.s32 $0xFFFFF600  }
0xc4: {  	[tilespmem:s15], [sflag:$0x1] =	stream.indirect.gather [hbm4b:s2+s9], $0x40, s23, s9, $0xb8;
	[tilespmem:$0x15400] =	vst v63  }
0xc5: {  	_ = 	snop  }
0xc6: {  	[tilespmem:s16], [sflag:$0x3] =	stream.indirect.gather [hbm4b:s3+s9], $0x40, s30, s9, $0xb8;
	[tilespmem:$0x15400] =	vst v63  }
0xc7: {  	_ =	swait.ge [sflag:s18], $0x5000  }
0xc8: {  	[sflag:s18] =	ssyncset.done $0x0  }
0xc9: {  	[sflag:s18] =	ssyncadd.s32 $0xFFFFB000  }
0xca: {  	_ =	swait.ge [sflag:s17], $0x5000  }
0xcb: {  	[sflag:s17] =	ssyncset.done $0x0  }
0xcc: {  	s0 =	rddreg [dreg:$0x4];
	[sflag:s17] =	ssyncadd.s32 $0xFFFFB000  }
0xcd: {  	[hbm4b:s0+s4] =	stream.strided.scatter [tilespmem:s15], [sflag:$0x5], $0x5000, s5, s4, $0x38;
	[tilespmem:$0x15400] =	vst v63  }
0xce: {  	s19 =	rddreg [dreg:$0x5]  }
0xcf: {  	[hbm4b:s19+s4] =	stream.strided.scatter [tilespmem:s16], [sflag:$0x7], $0x5000, s5, s4, $0x38;
	[tilespmem:$0x15400] =	vst v63  }
0xd0: {  	_ = 	snop  }
0xd1: {  	[tilespmem:s6], [sflag:$0x2] =	stream.indirect.gather [hbm4b:s2+s9], $0x40, s9, s9, $0xb8;
	[tilespmem:$0x15400] =	vst v63  }
0xd2: {  	s19 =	rddreg [dreg:$0x14]  }
0xd3: {  	[tilespmem:s10], [sflag:$0x4] =	stream.indirect.gather [hbm4b:s3+s9], $0x40, s19, s9, $0xb8;
	[tilespmem:$0x15400] =	vst v63  }
0xd4: {  	_ =	swait.ge [sflag:s14], $0x5000  }
0xd5: {  	[sflag:s14] =	ssyncset.done $0x0  }
0xd6: {  	[sflag:s14] =	ssyncadd.s32 $0xFFFFB000  }
0xd7: {  	_ =	swait.ge [sflag:s13], $0x5000  }
0xd8: {  	[sflag:s13] =	ssyncset.done $0x0  }
0xd9: {  	s0 =	rddreg [dreg:$0x6];
	[sflag:s13] =	ssyncadd.s32 $0xFFFFB000  }
0xda: {  	[hbm4b:s0+s4] =	stream.strided.scatter [tilespmem:s6], [sflag:$0x6], $0x5000, s5, s4, $0x38;
	[tilespmem:$0x15400] =	vst v63  }
0xdb: {  	s19 =	rddreg [dreg:$0x7]  }
0xdc: {  	[hbm4b:s19+s4] =	stream.strided.scatter [tilespmem:s10], [sflag:$0x8], $0x5000, s5, s4, $0x38;
	[tilespmem:$0x15400] =	vst v63  }
0xdd: {  	_ =	swait.ge [sflag:s11], $0x5000  }
0xde: {  	[sflag:s11] =	ssyncset.done $0x0  }
0xdf: {  	[sflag:s11] =	ssyncadd.s32 $0xFFFFB000  }
0xe0: {  	_ =	swait.ge [sflag:s7], $0x5000  }
0xe1: {  	[sflag:s7] =	ssyncset.done $0x0  }
0xe2: {  	s0 =	rddreg [dreg:$0x15];
	[sflag:s7] =	ssyncadd.s32 $0xFFFFB000  }
0xe3: {  	[tilespmem:s15], [sflag:$0x1] =	stream.indirect.gather [hbm4b:s2+s9], $0x40, s0, s9, $0xb8;
	[tilespmem:$0x15400] =	vst v63  }
0xe4: {  	s19 =	rddreg [dreg:$0x16]  }
0xe5: {  	[tilespmem:s16], [sflag:$0x3] =	stream.indirect.gather [hbm4b:s3+s9], $0x40, s19, s9, $0xb8;
	[tilespmem:$0x15400] =	vst v63  }
0xe6: {  	_ =	swait.ge [sflag:s18], $0x5000  }
0xe7: {  	[sflag:s18] =	ssyncset.done $0x0  }
0xe8: {  	[sflag:s18] =	ssyncadd.s32 $0xFFFFB000  }
0xe9: {  	_ =	swait.ge [sflag:s17], $0x5000  }
0xea: {  	[sflag:s17] =	ssyncset.done $0x0  }
0xeb: {  	s0 =	rddreg [dreg:$0x8];
	[sflag:s17] =	ssyncadd.s32 $0xFFFFB000  }
0xec: {  	[hbm4b:s0+s4] =	stream.strided.scatter [tilespmem:s15], [sflag:$0x5], $0x5000, s5, s4, $0x38;
	[tilespmem:$0x15400] =	vst v63  }
0xed: {  	s19 =	rddreg [dreg:$0x9]  }
0xee: {  	[hbm4b:s19+s4] =	stream.strided.scatter [tilespmem:s16], [sflag:$0x7], $0x5000, s5, s4, $0x38;
	[tilespmem:$0x15400] =	vst v63  }
0xef: {  	_ =	swait.ge [sflag:s12], $0x5000  }
0xf0: {  	[sflag:s12] =	ssyncset.done $0x0  }
0xf1: {  	[sflag:s12] =	ssyncadd.s32 $0xFFFFB000  }
0xf2: {  	_ =	swait.ge [sflag:s8], $0x5000  }
0xf3: {  	[sflag:s8] =	ssyncset.done $0x0  }
0xf4: {  	s19 =	rddreg [dreg:$0x17];
	[sflag:s8] =	ssyncadd.s32 $0xFFFFB000  }
0xf5: {  	[tilespmem:s6], [sflag:$0x2] =	stream.indirect.gather [hbm4b:s2+s9], $0x40, s19, s9, $0xb8;
	[tilespmem:$0x15400] =	vst v63  }
0xf6: {  	_ = 	snop  }
0xf7: {  	[tilespmem:s10], [sflag:$0x4] =	stream.indirect.gather [hbm4b:s3+s9], $0x40, s28, s9, $0xb8;
	[tilespmem:$0x15400] =	vst v63  }
0xf8: {  	_ =	swait.ge [sflag:s14], $0x5000  }
0xf9: {  	[sflag:s14] =	ssyncset.done $0x0  }
0xfa: {  	[sflag:s14] =	ssyncadd.s32 $0xFFFFB000  }
0xfb: {  	_ =	swait.ge [sflag:s13], $0x5000  }
0xfc: {  	[sflag:s13] =	ssyncset.done $0x0  }
0xfd: {  	s0 =	rddreg [dreg:$0xa];
	[sflag:s13] =	ssyncadd.s32 $0xFFFFB000  }
0xfe: {  	[hbm4b:s0+s4] =	stream.strided.scatter [tilespmem:s6], [sflag:$0x6], $0x5000, s5, s4, $0x38;
	[tilespmem:$0x15400] =	vst v63  }
0xff: {  	s19 =	rddreg [dreg:$0xb]  }
0x100: {  	[hbm4b:s19+s4] =	stream.strided.scatter [tilespmem:s10], [sflag:$0x8], $0x5000, s5, s4, $0x38;
	[tilespmem:$0x15400] =	vst v63  }
0x101: {  	_ =	swait.ge [sflag:s11], $0x5000  }
0x102: {  	[sflag:s11] =	ssyncset.done $0x0  }
0x103: {  	[sflag:s11] =	ssyncadd.s32 $0xFFFFB000  }
0x104: {  	_ =	swait.ge [sflag:s7], $0x5000  }
0x105: {  	[sflag:s7] =	ssyncset.done $0x0  }
0x106: {  	s19 =	simm.s32 $0x500;
	[sflag:s7] =	ssyncadd.s32 $0xFFFFB000  }
0x107: {  	[tilespmem:s15], [sflag:$0x1] =	stream.indirect.gather [hbm4b:s2+s9], $0x40, s19, s9, $0xb8;
	[tilespmem:$0x15400] =	vst v63  }
0x108: {  	_ = 	snop  }
0x109: {  	[tilespmem:s16], [sflag:$0x3] =	stream.indirect.gather [hbm4b:s3+s9], $0x40, s29, s9, $0xb8;
	[tilespmem:$0x15400] =	vst v63  }
0x10a: {  	_ =	swait.ge [sflag:s18], $0x5000  }
0x10b: {  	[sflag:s18] =	ssyncset.done $0x0  }
0x10c: {  	[sflag:s18] =	ssyncadd.s32 $0xFFFFB000  }
0x10d: {  	_ =	swait.ge [sflag:s17], $0x5000  }
0x10e: {  	[sflag:s17] =	ssyncset.done $0x0  }
0x10f: {  	s0 =	rddreg [dreg:$0xc];
	[sflag:s17] =	ssyncadd.s32 $0xFFFFB000  }
0x110: {  	[hbm4b:s0+s4] =	stream.strided.scatter [tilespmem:s15], [sflag:$0x5], $0x5000, s5, s4, $0x38;
	[tilespmem:$0x15400] =	vst v63  }
0x111: {  	s19 =	rddreg [dreg:$0xd]  }
0x112: {  	[hbm4b:s19+s4] =	stream.strided.scatter [tilespmem:s16], [sflag:$0x7], $0x5000, s5, s4, $0x38;
	[tilespmem:$0x15400] =	vst v63  }
0x113: {  	_ =	swait.ge [sflag:s12], $0x5000  }
0x114: {  	[sflag:s12] =	ssyncset.done $0x0  }
0x115: {  	[sflag:s12] =	ssyncadd.s32 $0xFFFFB000  }
0x116: {  	_ =	swait.ge [sflag:s8], $0x5000  }
0x117: {  	[sflag:s8] =	ssyncset.done $0x0  }
0x118: {  	[sflag:s8] =	ssyncadd.s32 $0xFFFFB000  }
0x119: {  	[tilespmem:s6], [sflag:$0x2] =	stream.indirect.gather [hbm4b:s2+s9], $0x40, s25, s9, $0xb8;
	[tilespmem:$0x15400] =	vst v63  }
0x11a: {  	_ = 	snop  }
0x11b: {  	[tilespmem:s10], [sflag:$0x4] =	stream.indirect.gather [hbm4b:s3+s9], $0x40, s26, s9, $0xb8;
	[tilespmem:$0x15400] =	vst v63  }
0x11c: {  	_ =	swait.ge [sflag:s14], $0x5000  }
0x11d: {  	[sflag:s14] =	ssyncset.done $0x0  }
0x11e: {  	[sflag:s14] =	ssyncadd.s32 $0xFFFFB000  }
0x11f: {  	_ =	swait.ge [sflag:s13], $0x5000  }
0x120: {  	[sflag:s13] =	ssyncset.done $0x0  }
0x121: {  	s0 =	rddreg [dreg:$0xe];
	[sflag:s13] =	ssyncadd.s32 $0xFFFFB000  }
0x122: {  	[hbm4b:s0+s4] =	stream.strided.scatter [tilespmem:s6], [sflag:$0x6], $0x5000, s5, s4, $0x38;
	[tilespmem:$0x15400] =	vst v63  }
0x123: {  	s19 =	rddreg [dreg:$0xf]  }
0x124: {  	[hbm4b:s19+s4] =	stream.strided.scatter [tilespmem:s10], [sflag:$0x8], $0x5000, s5, s4, $0x38;
	[tilespmem:$0x15400] =	vst v63  }
0x125: {  	_ =	swait.ge [sflag:s11], $0x5000  }
0x126: {  	[sflag:s11] =	ssyncset.done $0x0  }
0x127: {  	[sflag:s11] =	ssyncadd.s32 $0xFFFFB000  }
0x128: {  	_ =	swait.ge [sflag:s7], $0x5000  }
0x129: {  	[sflag:s7] =	ssyncset.done $0x0  }
0x12a: {  	[sflag:s7] =	ssyncadd.s32 $0xFFFFB000  }
0x12b: {  	[tilespmem:s15], [sflag:$0x1] =	stream.indirect.gather [hbm4b:s2+s9], $0x40, s22, s9, $0xb8;
	[tilespmem:$0x15400] =	vst v63  }
0x12c: {  	_ = 	snop  }
0x12d: {  	[tilespmem:s16], [sflag:$0x3] =	stream.indirect.gather [hbm4b:s3+s9], $0x40, s24, s9, $0xb8;
	[tilespmem:$0x15400] =	vst v63  }
0x12e: {  	_ =	swait.ge [sflag:s18], $0x5000  }
0x12f: {  	[sflag:s18] =	ssyncset.done $0x0  }
0x130: {  	[sflag:s18] =	ssyncadd.s32 $0xFFFFB000  }
0x131: {  	_ =	swait.ge [sflag:s17], $0x5000  }
0x132: {  	[sflag:s17] =	ssyncset.done $0x0  }
0x133: {  	s0 =	rddreg [dreg:$0x10];
	[sflag:s17] =	ssyncadd.s32 $0xFFFFB000  }
0x134: {  	[hbm4b:s0+s4] =	stream.strided.scatter [tilespmem:s15], [sflag:$0x5], $0x5000, s5, s4, $0x38;
	[tilespmem:$0x15400] =	vst v63  }
0x135: {  	s19 =	rddreg [dreg:$0x11]  }
0x136: {  	[hbm4b:s19+s4] =	stream.strided.scatter [tilespmem:s16], [sflag:$0x7], $0x5000, s5, s4, $0x38;
	[tilespmem:$0x15400] =	vst v63  }
0x137: {  	_ =	swait.ge [sflag:s12], $0x5000  }
0x138: {  	[sflag:s12] =	ssyncset.done $0x0  }
0x139: {  	[sflag:s12] =	ssyncadd.s32 $0xFFFFB000  }
0x13a: {  	_ =	swait.ge [sflag:s8], $0x5000  }
0x13b: {  	[sflag:s8] =	ssyncset.done $0x0  }
0x13c: {  	[sflag:s8] =	ssyncadd.s32 $0xFFFFB000  }
0x13d: {  	[tilespmem:s6], [sflag:$0x2] =	stream.indirect.gather [hbm4b:s2+s9], $0x40, s20, s9, $0xb8;
	[tilespmem:$0x15400] =	vst v63  }
0x13e: {  	_ = 	snop  }
0x13f: {  	[tilespmem:s10], [sflag:$0x4] =	stream.indirect.gather [hbm4b:s3+s9], $0x40, s21, s9, $0xb8;
	[tilespmem:$0x15400] =	vst v63  }
0x140: {  	_ =	swait.ge [sflag:s14], $0x5000  }
0x141: {  	[sflag:s14] =	ssyncset.done $0x0  }
0x142: {  	[sflag:s14] =	ssyncadd.s32 $0xFFFFB000  }
0x143: {  	_ =	swait.ge [sflag:s13], $0x5000  }
0x144: {  	[sflag:s13] =	ssyncset.done $0x0  }
0x145: {  	s0 =	rddreg [dreg:$0x12];
	[sflag:s13] =	ssyncadd.s32 $0xFFFFB000  }
0x146: {  	[hbm4b:s0+s4] =	stream.strided.scatter [tilespmem:s6], [sflag:$0x6], $0x5000, s5, s4, $0x38;
	[tilespmem:$0x15400] =	vst v63  }
0x147: {  	s19 =	rddreg [dreg:$0x13]  }
0x148: {  	[hbm4b:s19+s4] =	stream.strided.scatter [tilespmem:s10], [sflag:$0x8], $0x5000, s5, s4, $0x38;
	[tilespmem:$0x15400] =	vst v63  }
0x149: {  	_ =	swait.ge [sflag:s11], $0x5000  }
0x14a: {  	[sflag:s11] =	ssyncset.done $0x0  }
0x14b: {  	[sflag:s11] =	ssyncadd.s32 $0xFFFFB000  }
0x14c: {  	_ =	swait.ge [sflag:s7], $0x5000  }
0x14d: {  	[sflag:s7] =	ssyncset.done $0x0  }
0x14e: {  	p1 =	sne.s32 s1, $0x1;
	[sflag:s7] =	ssyncadd.s32 $0xFFFFB000  }
.Ltmp2:
0x14f: {  	_ =	swait.ge [sflag:s12], $0x5000;
	(pc) =	sbr.rel @p1 .LBB2_4-.Ltmp2, $4  }
0x150: {  	[sflag:s12] =	ssyncset.done $0x0  }
0x151: {  	[sflag:s12] =	ssyncadd.s32 $0xFFFFB000  }
0x152: {  	_ =	swait.ge [sflag:s8], $0x5000  }
0x153: {  	s1 =	sadd.s32 $0xFFFFFFFF, s1;
	s0 =	rddreg [dreg:$0x2];
	[sflag:s8] =	ssyncset.done $0x0  }
0x154: {  	s21 =	simm.s32 $0xDC0;
	s29 =	simm.s32 $0xF00;
	s28 =	simm.s32 $0x500  }
0x155: {  	s26 =	simm.s32 $0x1040;
	s25 =	simm.s32 $0x640;
	s24 =	simm.s32 $0x1180  }
0x156: {  	s22 =	simm.s32 $0x780;
	s20 =	simm.s32 $0x8C0;
	s19 =	stileid.u32  }
.LBB2_6:
0x157: {  	[sflag:s8] =	ssyncadd.s32 @p0 $0xFFFFB000  }
0x158: {  	[tilespmem:s23], [sflag:$0x9] =	stream.linear.gather [hbm4b:s0+s23], $0xA00, $0x38;
	[tilespmem:$0x15400] =	vst v63  }
0x159: {  	_ =	swait.ge [sflag:s31], $0xA00  }
0x15a: {  	[sflag:s31] =	ssyncset.done $0x0  }
0x15b: {  	s1 =	rddreg [dreg:$0x3];
	[sflag:s31] =	ssyncadd.s32 $0xFFFFF600  }
0x15c: {  	[tilespmem:s30], [sflag:$0x9] =	stream.linear.gather [hbm4b:s1+s23], $0xA00, $0x38;
	[tilespmem:$0x15400] =	vst v63  }
0x15d: {  	_ =	swait.ge [sflag:s31], $0xA00  }
0x15e: {  	[sflag:s31] =	ssyncset.done $0x0  }
0x15f: {  	[sflag:s31] =	ssyncadd.s32 $0xFFFFF600  }
0x160: {  	[tilespmem:s15], [sflag:$0x1] =	stream.indirect.gather [hbm4b:s2+s9], $0x40, s23, s9, $0xb8;
	[tilespmem:$0x15400] =	vst v63  }
0x161: {  	_ = 	snop  }
0x162: {  	[tilespmem:s16], [sflag:$0x3] =	stream.indirect.gather [hbm4b:s3+s9], $0x40, s30, s9, $0xb8;
	[tilespmem:$0x15400] =	vst v63  }
0x163: {  	_ =	swait.ge [sflag:s18], $0x5000  }
0x164: {  	[sflag:s18] =	ssyncset.done $0x0  }
0x165: {  	[sflag:s18] =	ssyncadd.s32 $0xFFFFB000  }
0x166: {  	_ =	swait.ge [sflag:s17], $0x5000  }
0x167: {  	[sflag:s17] =	ssyncset.done $0x0  }
0x168: {  	s31 =	rddreg [dreg:$0x4];
	[sflag:s17] =	ssyncadd.s32 $0xFFFFB000  }
0x169: {  	[hbm4b:s31+s4] =	stream.strided.scatter [tilespmem:s15], [sflag:$0x5], $0x5000, s5, s4, $0x38;
	[tilespmem:$0x15400] =	vst v63  }
0x16a: {  	s1 =	rddreg [dreg:$0x5]  }
0x16b: {  	[hbm4b:s1+s4] =	stream.strided.scatter [tilespmem:s16], [sflag:$0x7], $0x5000, s5, s4, $0x38;
	[tilespmem:$0x15400] =	vst v63  }
0x16c: {  	_ = 	snop  }
0x16d: {  	[tilespmem:s6], [sflag:$0x2] =	stream.indirect.gather [hbm4b:s2+s9], $0x40, s9, s9, $0xb8;
	[tilespmem:$0x15400] =	vst v63  }
0x16e: {  	s23 =	rddreg [dreg:$0x14]  }
0x16f: {  	[tilespmem:s10], [sflag:$0x4] =	stream.indirect.gather [hbm4b:s3+s9], $0x40, s23, s9, $0xb8;
	[tilespmem:$0x15400] =	vst v63  }
0x170: {  	_ =	swait.ge [sflag:s14], $0x5000  }
0x171: {  	[sflag:s14] =	ssyncset.done $0x0  }
0x172: {  	[sflag:s14] =	ssyncadd.s32 $0xFFFFB000  }
0x173: {  	_ =	swait.ge [sflag:s13], $0x5000  }
0x174: {  	[sflag:s13] =	ssyncset.done $0x0  }
0x175: {  	s30 =	rddreg [dreg:$0x6];
	[sflag:s13] =	ssyncadd.s32 $0xFFFFB000  }
0x176: {  	[hbm4b:s30+s4] =	stream.strided.scatter [tilespmem:s6], [sflag:$0x6], $0x5000, s5, s4, $0x38;
	[tilespmem:$0x15400] =	vst v63  }
0x177: {  	s31 =	rddreg [dreg:$0x7]  }
0x178: {  	[hbm4b:s31+s4] =	stream.strided.scatter [tilespmem:s10], [sflag:$0x8], $0x5000, s5, s4, $0x38;
	[tilespmem:$0x15400] =	vst v63  }
0x179: {  	_ =	swait.ge [sflag:s11], $0x5000  }
0x17a: {  	[sflag:s11] =	ssyncset.done $0x0  }
0x17b: {  	[sflag:s11] =	ssyncadd.s32 $0xFFFFB000  }
0x17c: {  	_ =	swait.ge [sflag:s7], $0x5000  }
0x17d: {  	[sflag:s7] =	ssyncset.done $0x0  }
0x17e: {  	s1 =	rddreg [dreg:$0x15];
	[sflag:s7] =	ssyncadd.s32 $0xFFFFB000  }
0x17f: {  	[tilespmem:s15], [sflag:$0x1] =	stream.indirect.gather [hbm4b:s2+s9], $0x40, s1, s9, $0xb8;
	[tilespmem:$0x15400] =	vst v63  }
0x180: {  	s23 =	rddreg [dreg:$0x16]  }
0x181: {  	[tilespmem:s16], [sflag:$0x3] =	stream.indirect.gather [hbm4b:s3+s9], $0x40, s23, s9, $0xb8;
	[tilespmem:$0x15400] =	vst v63  }
0x182: {  	_ =	swait.ge [sflag:s18], $0x5000  }
0x183: {  	[sflag:s18] =	ssyncset.done $0x0  }
0x184: {  	[sflag:s18] =	ssyncadd.s32 $0xFFFFB000  }
0x185: {  	_ =	swait.ge [sflag:s17], $0x5000  }
0x186: {  	[sflag:s17] =	ssyncset.done $0x0  }
0x187: {  	s30 =	rddreg [dreg:$0x8];
	[sflag:s17] =	ssyncadd.s32 $0xFFFFB000  }
0x188: {  	[hbm4b:s30+s4] =	stream.strided.scatter [tilespmem:s15], [sflag:$0x5], $0x5000, s5, s4, $0x38;
	[tilespmem:$0x15400] =	vst v63  }
0x189: {  	s31 =	rddreg [dreg:$0x9]  }
0x18a: {  	[hbm4b:s31+s4] =	stream.strided.scatter [tilespmem:s16], [sflag:$0x7], $0x5000, s5, s4, $0x38;
	[tilespmem:$0x15400] =	vst v63  }
0x18b: {  	_ =	swait.ge [sflag:s12], $0x5000  }
0x18c: {  	[sflag:s12] =	ssyncset.done $0x0  }
0x18d: {  	[sflag:s12] =	ssyncadd.s32 $0xFFFFB000  }
0x18e: {  	_ =	swait.ge [sflag:s8], $0x5000  }
0x18f: {  	[sflag:s8] =	ssyncset.done $0x0  }
0x190: {  	s23 =	rddreg [dreg:$0x17];
	[sflag:s8] =	ssyncadd.s32 $0xFFFFB000  }
0x191: {  	[tilespmem:s6], [sflag:$0x2] =	stream.indirect.gather [hbm4b:s2+s9], $0x40, s23, s9, $0xb8;
	[tilespmem:$0x15400] =	vst v63  }
0x192: {  	_ = 	snop  }
0x193: {  	[tilespmem:s10], [sflag:$0x4] =	stream.indirect.gather [hbm4b:s3+s9], $0x40, s21, s9, $0xb8;
	[tilespmem:$0x15400] =	vst v63  }
0x194: {  	_ =	swait.ge [sflag:s14], $0x5000  }
0x195: {  	[sflag:s14] =	ssyncset.done $0x0  }
0x196: {  	[sflag:s14] =	ssyncadd.s32 $0xFFFFB000  }
0x197: {  	_ =	swait.ge [sflag:s13], $0x5000  }
0x198: {  	[sflag:s13] =	ssyncset.done $0x0  }
0x199: {  	s30 =	rddreg [dreg:$0xa];
	[sflag:s13] =	ssyncadd.s32 $0xFFFFB000  }
0x19a: {  	[hbm4b:s30+s4] =	stream.strided.scatter [tilespmem:s6], [sflag:$0x6], $0x5000, s5, s4, $0x38;
	[tilespmem:$0x15400] =	vst v63  }
0x19b: {  	s31 =	rddreg [dreg:$0xb]  }
0x19c: {  	[hbm4b:s31+s4] =	stream.strided.scatter [tilespmem:s10], [sflag:$0x8], $0x5000, s5, s4, $0x38;
	[tilespmem:$0x15400] =	vst v63  }
0x19d: {  	_ =	swait.ge [sflag:s11], $0x5000  }
0x19e: {  	[sflag:s11] =	ssyncset.done $0x0  }
0x19f: {  	[sflag:s11] =	ssyncadd.s32 $0xFFFFB000  }
0x1a0: {  	_ =	swait.ge [sflag:s7], $0x5000  }
0x1a1: {  	[sflag:s7] =	ssyncset.done $0x0  }
0x1a2: {  	[sflag:s7] =	ssyncadd.s32 $0xFFFFB000  }
0x1a3: {  	[tilespmem:s15], [sflag:$0x1] =	stream.indirect.gather [hbm4b:s2+s9], $0x40, s28, s9, $0xb8;
	[tilespmem:$0x15400] =	vst v63  }
0x1a4: {  	_ = 	snop  }
0x1a5: {  	[tilespmem:s16], [sflag:$0x3] =	stream.indirect.gather [hbm4b:s3+s9], $0x40, s29, s9, $0xb8;
	[tilespmem:$0x15400] =	vst v63  }
0x1a6: {  	_ =	swait.ge [sflag:s18], $0x5000  }
0x1a7: {  	[sflag:s18] =	ssyncset.done $0x0  }
0x1a8: {  	[sflag:s18] =	ssyncadd.s32 $0xFFFFB000  }
0x1a9: {  	_ =	swait.ge [sflag:s17], $0x5000  }
0x1aa: {  	[sflag:s17] =	ssyncset.done $0x0  }
0x1ab: {  	s1 =	rddreg [dreg:$0xc];
	[sflag:s17] =	ssyncadd.s32 $0xFFFFB000  }
0x1ac: {  	[hbm4b:s1+s4] =	stream.strided.scatter [tilespmem:s15], [sflag:$0x5], $0x5000, s5, s4, $0x38;
	[tilespmem:$0x15400] =	vst v63  }
0x1ad: {  	s21 =	rddreg [dreg:$0xd]  }
0x1ae: {  	[hbm4b:s21+s4] =	stream.strided.scatter [tilespmem:s16], [sflag:$0x7], $0x5000, s5, s4, $0x38;
	[tilespmem:$0x15400] =	vst v63  }
0x1af: {  	_ =	swait.ge [sflag:s12], $0x5000  }
0x1b0: {  	[sflag:s12] =	ssyncset.done $0x0  }
0x1b1: {  	[sflag:s12] =	ssyncadd.s32 $0xFFFFB000  }
0x1b2: {  	_ =	swait.ge [sflag:s8], $0x5000  }
0x1b3: {  	[sflag:s8] =	ssyncset.done $0x0  }
0x1b4: {  	[sflag:s8] =	ssyncadd.s32 $0xFFFFB000  }
0x1b5: {  	[tilespmem:s6], [sflag:$0x2] =	stream.indirect.gather [hbm4b:s2+s9], $0x40, s25, s9, $0xb8;
	[tilespmem:$0x15400] =	vst v63  }
0x1b6: {  	_ = 	snop  }
0x1b7: {  	[tilespmem:s10], [sflag:$0x4] =	stream.indirect.gather [hbm4b:s3+s9], $0x40, s26, s9, $0xb8;
	[tilespmem:$0x15400] =	vst v63  }
0x1b8: {  	_ =	swait.ge [sflag:s14], $0x5000  }
0x1b9: {  	[sflag:s14] =	ssyncset.done $0x0  }
0x1ba: {  	[sflag:s14] =	ssyncadd.s32 $0xFFFFB000  }
0x1bb: {  	_ =	swait.ge [sflag:s13], $0x5000  }
0x1bc: {  	[sflag:s13] =	ssyncset.done $0x0  }
0x1bd: {  	s23 =	rddreg [dreg:$0xe];
	[sflag:s13] =	ssyncadd.s32 $0xFFFFB000  }
0x1be: {  	[hbm4b:s23+s4] =	stream.strided.scatter [tilespmem:s6], [sflag:$0x6], $0x5000, s5, s4, $0x38;
	[tilespmem:$0x15400] =	vst v63  }
0x1bf: {  	s25 =	rddreg [dreg:$0xf]  }
0x1c0: {  	[hbm4b:s25+s4] =	stream.strided.scatter [tilespmem:s10], [sflag:$0x8], $0x5000, s5, s4, $0x38;
	[tilespmem:$0x15400] =	vst v63  }
0x1c1: {  	_ =	swait.ge [sflag:s11], $0x5000  }
0x1c2: {  	[sflag:s11] =	ssyncset.done $0x0  }
0x1c3: {  	[sflag:s11] =	ssyncadd.s32 $0xFFFFB000  }
0x1c4: {  	_ =	swait.ge [sflag:s7], $0x5000  }
0x1c5: {  	[sflag:s7] =	ssyncset.done $0x0  }
0x1c6: {  	[sflag:s7] =	ssyncadd.s32 $0xFFFFB000  }
0x1c7: {  	[tilespmem:s15], [sflag:$0x1] =	stream.indirect.gather [hbm4b:s2+s9], $0x40, s22, s9, $0xb8;
	[tilespmem:$0x15400] =	vst v63  }
0x1c8: {  	_ = 	snop  }
0x1c9: {  	[tilespmem:s16], [sflag:$0x3] =	stream.indirect.gather [hbm4b:s3+s9], $0x40, s24, s9, $0xb8;
	[tilespmem:$0x15400] =	vst v63  }
0x1ca: {  	_ =	swait.ge [sflag:s18], $0x5000  }
0x1cb: {  	[sflag:s18] =	ssyncset.done $0x0  }
0x1cc: {  	[sflag:s18] =	ssyncadd.s32 $0xFFFFB000  }
0x1cd: {  	_ =	swait.ge [sflag:s17], $0x5000  }
0x1ce: {  	[sflag:s17] =	ssyncset.done $0x0  }
0x1cf: {  	s26 =	rddreg [dreg:$0x10];
	[sflag:s17] =	ssyncadd.s32 $0xFFFFB000  }
0x1d0: {  	[hbm4b:s26+s4] =	stream.strided.scatter [tilespmem:s15], [sflag:$0x5], $0x5000, s5, s4, $0x38;
	[tilespmem:$0x15400] =	vst v63  }
0x1d1: {  	s28 =	rddreg [dreg:$0x11]  }
0x1d2: {  	[hbm4b:s28+s4] =	stream.strided.scatter [tilespmem:s16], [sflag:$0x7], $0x5000, s5, s4, $0x38;
	[tilespmem:$0x15400] =	vst v63  }
0x1d3: {  	_ =	swait.ge [sflag:s12], $0x5000  }
0x1d4: {  	[sflag:s12] =	ssyncset.done $0x0  }
0x1d5: {  	[sflag:s12] =	ssyncadd.s32 $0xFFFFB000  }
0x1d6: {  	_ =	swait.ge [sflag:s8], $0x5000  }
0x1d7: {  	[sflag:s8] =	ssyncset.done $0x0  }
0x1d8: {  	[sflag:s8] =	ssyncadd.s32 $0xFFFFB000  }
0x1d9: {  	[tilespmem:s6], [sflag:$0x2] =	stream.indirect.gather [hbm4b:s2+s9], $0x40, s20, s9, $0xb8;
	[tilespmem:$0x15400] =	vst v63  }
0x1da: {  	s29 =	simm.s32 $0x12C0  }
0x1db: {  	[tilespmem:s10], [sflag:$0x4] =	stream.indirect.gather [hbm4b:s3+s9], $0x40, s29, s9, $0xb8;
	[tilespmem:$0x15400] =	vst v63  }
0x1dc: {  	_ =	swait.ge [sflag:s14], $0x5000  }
0x1dd: {  	[sflag:s14] =	ssyncset.done $0x0  }
0x1de: {  	[sflag:s14] =	ssyncadd.s32 $0xFFFFB000  }
0x1df: {  	_ =	swait.ge [sflag:s13], $0x5000  }
0x1e0: {  	[sflag:s13] =	ssyncset.done $0x0  }
0x1e1: {  	s30 =	rddreg [dreg:$0x12];
	[sflag:s13] =	ssyncadd.s32 $0xFFFFB000  }
0x1e2: {  	[hbm4b:s30+s4] =	stream.strided.scatter [tilespmem:s6], [sflag:$0x6], $0x5000, s5, s4, $0x38;
	[tilespmem:$0x15400] =	vst v63  }
0x1e3: {  	s31 =	rddreg [dreg:$0x13]  }
0x1e4: {  	[hbm4b:s31+s4] =	stream.strided.scatter [tilespmem:s10], [sflag:$0x8], $0x5000, s5, s4, $0x38;
	[tilespmem:$0x15400] =	vst v63  }
0x1e5: {  	_ =	swait.ge [sflag:s11], $0x5000  }
0x1e6: {  	[sflag:s11] =	ssyncset.done $0x0  }
0x1e7: {  	[sflag:s11] =	ssyncadd.s32 $0xFFFFB000  }
0x1e8: {  	_ =	swait.ge [sflag:s7], $0x5000  }
0x1e9: {  	[sflag:s7] =	ssyncset.done $0x0  }
0x1ea: {  	[sflag:s7] =	ssyncadd.s32 $0xFFFFB000  }
0x1eb: {  	_ =	swait.ge [sflag:s12], $0x5000  }
0x1ec: {  	[sflag:s12] =	ssyncset.done $0x0  }
0x1ed: {  	[sflag:s12] =	ssyncadd.s32 $0xFFFFB000  }
0x1ee: {  	_ =	swait.ge [sflag:s8], $0x5000  }
0x1ef: {  	[sflag:s8] =	ssyncset.done $0x0  }
0x1f0: {  	[sflag:s8] =	ssyncadd.s32 $0xFFFFB000  }
0x1f1: {  	_ =	sfence.sel $0x180000  }
0x1f2: {  	[bflag:$0x0] =	sbarrier.arrive $0xFFFF  }
0x1f3: {  	_ =	strace $0x9000004A  }
0x1f4: {  	[bflag:$0x2] =	sbarrier.arrive $0xFFFF  }
0x1f5: {  	p0 =	sne.s32 s19, $0x0;
	s0 =	rddreg [dreg:$0x1]  }
0x1f6: {  	s0 =	sadd.s32 @!p0 $0x100000, s0  }
0x1f7: {  	[sflag:s0] =	ssyncadd.tile.s32 @!p0 $0x1;
	_ =	shalt  }
.LBB2_1:
.Ltmp3:
0x1f8: {  	(pc) =	sbr.rel .LBB2_6-.Ltmp3, $4  }
0x1f9: {  	_ = 	snop  }
0x1fa: {  	s21 =	simm.s32 $0xDC0;
	s29 =	simm.s32 $0xF00  }
0x1fb: {  	s28 =	simm.s32 $0x500;
	s26 =	simm.s32 $0x1040;
	s25 =	simm.s32 $0x640  }
0x1fc: {  	s24 =	simm.s32 $0x1180;
	s22 =	simm.s32 $0x780;
	s20 =	simm.s32 $0x8C0  }
.LBB2_3:
.Ltmp4:
0x1fd: {  	(pc) =	sbr.rel .LBB2_6-.Ltmp4, $4  }
0x1fe: {  	_ = 	snop  }
0x1ff: {  	s21 =	simm.s32 $0xDC0;
	s29 =	simm.s32 $0xF00;
	s28 =	simm.s32 $0x500  }
0x200: {  	s26 =	simm.s32 $0x1040;
	s25 =	simm.s32 $0x640;
	s24 =	simm.s32 $0x1180  }
0x201: {  	s22 =	simm.s32 $0x780;
	s20 =	simm.s32 $0x8C0;
	s19 =	stileid.u32  }
.Lfunc_end2:
_tile_overlayer_lowered:
.L_overlay_start_2:
0x202: {  	(tag) =	ssettag $0x2  }
0x203: {  	s0 =	rddreg [dreg:$0x0];
	s2 =	stileid.u32  }
0x204: {  	s1 =	rddreg [dreg:$0x1];
	p0 =	sne.s32 s2, $0x0  }
0x205: {  	s3 =	rddreg [dreg:$0x2];
	[bflag:$0x3] =	sbarrier.arrive $0xFFFF;
	s2 =	simm.s32 @!p0 $0x1C09  }
0x206: {  	[timem:s3], [sflag:s2] =	dma.local @!p0 [hbm:s0], s1  }
0x207: {  	s0 =	simm.s32 @!p0 $0x9  }
0x208: {  	_ =	swait.ge @!p0 [sflag:s0], s1  }
0x209: {  	s1 =	ssub.s32 @!p0 $0x0, s1;
	[sflag:s0] =	ssyncset.done @!p0 $0x0  }
0x20a: {  	[sflag:s0] =	ssyncadd.s32 @!p0 s1  }
0x20b: {  	[bflag:$0x3] =	sbarrier.arrive $0xFFFF  }
0x20c: {  	_ =	shalt  }

// kernel: kernel.16.cloned.1.call-start
scs
__scs_entry_jumppad:
0x0: {  	(pc) =	sbr.rel $0x88, $3  }
0x1: {  	(tag) =	ssettag $0x0;
	lr =	simm.s32 $0x1  }
0x2: {  	[smem:$0x3F94] =	sst lr;
	_ =	strace $0xD0000000  }
0x3: {  	_ = 	snop  }
0x4: {  	_ = 	snop  }
0x5: {  	_ = 	snop  }
0x6: {  	_ = 	snop  }
0x7: {  	_ = 	snop  }
__scs_overlays_trampoline_lowered:
0x8: {  	[smem:$0x3FA3] =	sst s0  }
0x9: {  	[smem:$0x3FA4] =	sst s1  }
0xa: {  	[smem:$0x3FA5] =	sst s2  }
0xb: {  	[smem:$0x3FA6] =	sst s3  }
0xc: {  	[smem:$0x3FA7] =	sst s4  }
0xd: {  	[smem:$0x3FA8] =	sst s5  }
0xe: {  	[smem:$0x3FA9] =	sst s6  }
0xf: {  	[smem:$0x3FAA] =	sst s7  }
0x10: {  	[smem:$0x3FAB] =	sst s8  }
0x11: {  	[smem:$0x3FAC] =	sst s9;
	s0 =	simm.s32 @!p0 $0x0  }
0x12: {  	s1 =	sld [smem:$0x3F92];
	s0 =	simm.s32 @p0 $0x1  }
0x13: {  	[smem:$0x3FAD] =	sst s0;
	s0 =	simm.s32 @!p1 $0x0  }
0x14: {  	s2 =	sld [smem:$0x3F91];
	s0 =	simm.s32 @p1 $0x1  }
0x15: {  	[smem:$0x3FAE] =	sst s0;
	s0 =	simm.s32 @!p2 $0x0  }
0x16: {  	s3 =	sld [smem:$0x3FDB];
	s0 =	simm.s32 @p2 $0x1  }
0x17: {  	s4 =	simm.s32 $0x1BF5;
	[smem:$0x3FB0] =	sst s0  }
0x18: {  	s0 =	sld [smem:$0x3F93];
	_ =	swait.ge [sflag:s4], $0x0  }
0x19: {  	s7 =	sld [smem:$0x3F94]  }
0x1a: {  	s8 =	sadd.s32 $0xFFFFE003, lr  }
0x1b: {  	s9 =	sadd.s32 $0xFFFFFEF7, lr;
	s5 =	simm.s32 $0xFFFFFFFF;
	p2 =	slt.u32 s8, $0xFFFFF086  }
0x1c: {  	p1 =	slt.u32 s9, $0xF7A;
	s5 =	simm.s32 @!p2 $0x0  }
0x1d: {  	s5 =	simm.s32 @p1 $0x1;
	p0 =	seq.s32 s7, s2  }
0x1e: {  	s7 =	smul.u32 @!p0 $0xF7A, s2;
	p2 =	seq.s32 @!p0 s5, $0x0  }
0x1f: {  	s9 =	smul.u32 $0xF7A, s1;
	s8 =	simm.s32 @!p0 $0x1BF5;
	p2 =	por !p2, p0  }
0x20: {  	[sflag:s8] =	ssyncset.s32 @!p0 $0xFFFFF086;
	s6 =	sadd.s32 @!p0 s3, s7;
	s7 =	simm.s32 @!p0 $0x108  }
0x21: {  	s3 =	sadd.s32 s3, s9;
	s6 =	sadd.s32 @!p0 $0x88, s6;
	s7 =	simm.s32 @p2 $0x1082  }
0x22: {  	[simem:s7], [sflag:s8] =	dma.local @!p0 [hbm:s6], $0xF7A  }
0x23: {  	s9 =	sor.u32 $0xD0000000, s2;
	s6 =	simm.s32 $0x108;
	_ =	swait.ge @!p0 [sflag:s8], $0x0  }
0x24: {  	s3 =	sadd.s32 $0x88, s3;
	s6 =	simm.s32 @!p1 $0x1082;
	[sflag:s4] =	ssyncset.s32 $0xFFFFF086  }
0x25: {  	[simem:s6], [sflag:s4] =	dma.local [hbm:s3], $0xF7A  }
0x26: {  	[smem:$0x3F94] =	sst s1;
	(tag) =	ssettag s2;
	_ =	strace s9  }
0x27: {  	s1 =	sld [smem:$0x3FA4]  }
0x28: {  	s2 =	sld [smem:$0x3FA5]  }
0x29: {  	s4 =	sld [smem:$0x3FA7]  }
0x2a: {  	p0 =	seq.s32 s5, $0x0;
	s5 =	sld [smem:$0x3FA8]  }
0x2b: {  	s6 =	sld [smem:$0x3FA9]  }
0x2c: {  	s7 =	sld [smem:$0x3FAA]  }
0x2d: {  	s3 =	simm.s32 $0x108;
	s8 =	sld [smem:$0x3FAB]  }
0x2e: {  	s3 =	simm.s32 @!p0 $0x1082;
	s9 =	sld [smem:$0x3FAC]  }
0x2f: {  	lr =	sadd.s32 s0, s3;
	s0 =	sld [smem:$0x3FA3]  }
0x30: {  	s3 =	sld [smem:$0x3FA6]  }
0x31: {  	[smem:$0x3FAF] =	sst s10  }
0x32: {  	s10 =	sld [smem:$0x3FAD];
	_ =	sdelay $0x3  }
0x33: {  	p0 =	seq.s32 s10, $0x1;
	s10 =	sld [smem:$0x3FAF];
	_ =	sdelay $0x3  }
0x34: {  	[smem:$0x3FAF] =	sst s10  }
0x35: {  	s10 =	sld [smem:$0x3FAE];
	_ =	sdelay $0x3  }
0x36: {  	p1 =	seq.s32 s10, $0x1;
	s10 =	sld [smem:$0x3FAF];
	_ =	sdelay $0x3  }
0x37: {  	[smem:$0x3FAF] =	sst s10  }
0x38: {  	s10 =	sld [smem:$0x3FB0]  }
0x39: {  	_ = 	snop;
	(pc) =	sbr.ind lr, $3  }
0x3a: {  	_ = 	snop  }
0x3b: {  	_ = 	snop  }
0x3c: {  	p2 =	seq.s32 s10, $0x1;
	s10 =	sld [smem:$0x3FAF]  }
0x3d: {  	_ =	shalt  }
0x3e: {  	_ =	shalt  }
0x3f: {  	_ =	shalt  }
0x40: {  	_ =	shalt  }
0x41: {  	_ =	shalt  }
0x42: {  	_ =	shalt  }
0x43: {  	_ =	shalt  }
0x44: {  	_ =	shalt  }
0x45: {  	_ =	shalt  }
0x46: {  	_ =	shalt  }
0x47: {  	_ =	shalt  }
0x48: {  	_ =	shalt  }
0x49: {  	_ =	shalt  }
0x4a: {  	_ =	shalt  }
0x4b: {  	_ =	shalt  }
0x4c: {  	_ =	shalt  }
0x4d: {  	_ =	shalt  }
0x4e: {  	_ =	shalt  }
0x4f: {  	_ =	shalt  }
0x50: {  	_ =	shalt  }
0x51: {  	_ =	shalt  }
0x52: {  	_ =	shalt  }
0x53: {  	_ =	shalt  }
0x54: {  	_ =	shalt  }
0x55: {  	_ =	shalt  }
0x56: {  	_ =	shalt  }
0x57: {  	_ =	shalt  }
0x58: {  	_ =	shalt  }
0x59: {  	_ =	shalt  }
0x5a: {  	_ =	shalt  }
0x5b: {  	_ =	shalt  }
0x5c: {  	_ =	shalt  }
0x5d: {  	_ =	shalt  }
0x5e: {  	_ =	shalt  }
0x5f: {  	_ =	shalt  }
0x60: {  	_ =	shalt  }
0x61: {  	_ =	shalt  }
0x62: {  	_ =	shalt  }
0x63: {  	_ =	shalt  }
0x64: {  	_ =	shalt  }
0x65: {  	_ =	shalt  }
0x66: {  	_ =	shalt  }
0x67: {  	_ =	shalt  }
0x68: {  	_ =	shalt  }
0x69: {  	_ =	shalt  }
0x6a: {  	_ =	shalt  }
0x6b: {  	_ =	shalt  }
0x6c: {  	_ =	shalt  }
0x6d: {  	_ =	shalt  }
0x6e: {  	_ =	shalt  }
0x6f: {  	_ =	shalt  }
0x70: {  	_ =	shalt  }
0x71: {  	_ =	shalt  }
0x72: {  	_ =	shalt  }
0x73: {  	_ =	shalt  }
0x74: {  	_ =	shalt  }
0x75: {  	_ =	shalt  }
0x76: {  	_ =	shalt  }
0x77: {  	_ =	shalt  }
0x78: {  	_ =	shalt  }
0x79: {  	_ =	shalt  }
0x7a: {  	_ =	shalt  }
0x7b: {  	_ =	shalt  }
0x7c: {  	_ =	shalt  }
0x7d: {  	_ =	shalt  }
0x7e: {  	_ =	shalt  }
0x7f: {  	_ =	shalt  }
0x80: {  	_ =	shalt  }
0x81: {  	_ =	shalt  }
0x82: {  	_ =	shalt  }
0x83: {  	_ =	shalt  }
0x84: {  	_ =	shalt  }
0x85: {  	_ =	shalt  }
0x86: {  	_ =	shalt  }
0x87: {  	_ =	shalt  }
.Lfunc_end0:
.L_simem_size_0:
called_computation.2_lowered:
.L_overlay_start_0:
0x88: {  	s2 =	sld [smem:$0x3FD9]  }
0x89: {  	s3 =	sld [smem:$0x3FFE];
	_ =	sdelay $0x1  }
0x8a: {  	s1 =	srdreg.scid  }
0x8b: {  	s0 =	sand.u32 $0x1, s1  }
0x8c: {  	s17 =	sshll.u32 s0, $0xA;
	s2 =	sadd.s32 s3, s2  }
0x8d: {  	s2 =	sadd.s32 s2, s17  }
0x8e: {  	[smem:$0x3FBB] =	sst s2  }
0x8f: {  	_ = 	snop  }
0x90: {  	(tm) =	ssettm $0x1  }
0x91: {  	s18 =	sld [smem:$0x3FFB];
	_ =	sdelay $0x3  }
0x92: {  	_ =	strace s18  }
0x93: {  	s2 =	sld [smem:$0x3FFC];
	_ =	sdelay $0x3  }
0x94: {  	_ =	strace s2  }
0x95: {  	s2 =	sld [smem:$0x3FFD];
	_ =	sdelay $0x3  }
0x96: {  	_ =	strace s2  }
0x97: {  	_ =	strace $0x8FFFFFFF  }
0x98: {  	s19 =	sld [smem:$0x3FDB];
	_ =	sdelay $0x1  }
0x99: {  	s20 =	simm.s32 $_scs_section_size  }
0x9a: {  	s4 =	simm.s32 $_size__tile_overlayer_lowered;
	s5 =	simm.s32 $_tile_overlayer_lowered  }
0x9b: {  	s6 =	simm.s32 $0x1BFF;
	s21 =	sshll.u32 s5, $0x1;
	s3 =	sadd.s32 s20, s19  }
0x9c: {  	s22 =	simm.s32 $0x0;
	s4 =	sshll.u32 s4, $0x1;
	s5 =	sadd.s32 s21, s3  }
0x9d: {  	[timem:s22], [sflag:s6] =	dma.local [hbm:s5], s4  }
0x9e: {  	_ =	swait.ge [sflag:s6], s4  }
0x9f: {  	s4 =	ssub.s32 $0x0, s4;
	[sflag:s6] =	ssyncset.done $0x0  }
0xa0: {  	[sflag:s6] =	ssyncadd.s32 s4;
	_ =	sdelay $0x1  }
0xa1: {  	s23 =	simm.s32 $0x1B8B  }
0xa2: {  	_ =	swait.ge [sflag:s23], $0x1  }
0xa3: {  	[sflag:s23] =	ssyncset.done $0x0  }
0xa4: {  	[sflag:s23] =	ssyncadd.s32 $0xFFFFFFFF  }
0xa5: {  	s4 =	sld [smem:$0x0]  }
0xa6: {  	s5 =	sand.u32 $0xFFFFFFFE, s1  }
0xa7: {  	p0 =	sne.s32 s1, s5  }
0xa8: {  	s5 =	sshll.u32 @p0 s5, $0xE  }
0xa9: {  	s5 =	sadd.s32 @p0 $0x11B8D, s5;
	s6 =	sshll.u32 @p0 s4, $0x11  }
0xaa: {  	s5 =	sor.u32 @p0 s6, s5  }
0xab: {  	[sflag:s5] =	ssyncadd.remote.s32 @p0 $0x1;
	_ =	sdelay $0x1  }
0xac: {  	s5 =	simm.s32 @p0 $0x1B8D  }
0xad: {  	_ =	swait.eq @p0 [sflag:s5], $0x1  }
0xae: {  	[sflag:s5] =	ssyncadd.s32 @p0 $0xFFFFFFFF  }
0xaf: {  	s6 =	sshll.u32 @!p0 s1, $0xE  }
0xb0: {  	s6 =	sor.u32 @!p0 $0x4000, s6;
	s5 =	simm.s32 @!p0 $0x1B8D  }
0xb1: {  	s4 =	sshll.u32 @!p0 s4, $0x11;
	s6 =	sadd.s32 @!p0 $0x11B8D, s6;
	_ =	swait.eq @!p0 [sflag:s5], $0x1  }
0xb2: {  	s4 =	sor.u32 @!p0 s4, s6;
	[sflag:s5] =	ssyncadd.s32 @!p0 $0xFFFFFFFF  }
0xb3: {  	s25 =	simm.s32 $0x1B8E;
	s24 =	sld [smem:$0x3FFE];
	[sflag:s4] =	ssyncadd.remote.s32 @!p0 $0x1  }
0xb4: {  	s26 =	simm.s32 $execute0_lowered;
	[smem:$0x3FD2] =	sst s25  }
0xb5: {  	s5 =	sshll.u32 s26, $0x1;
	_ =	strace $0x8000004C;
	[dreg:$0x1] =	wrdreg $0xFFFFFFFF  }
0xb6: {  	s28 =	simm.s32 $_size_execute0_lowered;
	s3 =	sadd.s32 s3, s5;
	[dreg:$0x0] =	wrdreg $0x0  }
0xb7: {  	s5 =	sshll.u32 s28, $0x1;
	[dreg:$0x2] =	wrdreg s3  }
0xb8: {  	[dreg:$0x3] =	wrdreg s5  }
0xb9: {  	[dreg:$0x4] =	wrdreg $0xC0  }
0xba: {  	_ =	task [dreg:s22], $0x5FFFF  }
0xbb: {  	[dreg:$0x1] =	wrdreg $0xFFFFFFFF  }
0xbc: {  	[dreg:$0x0] =	wrdreg $0x60  }
0xbd: {  	[dreg:$0x2] =	wrdreg s24  }
0xbe: {  	[dreg:$0x3] =	wrdreg $0xB  }
0xbf: {  	_ =	task.clear_ibuf [dreg:s22], $0x4FFFF;
	_ =	strace $0x9000004C  }
0xc0: {  	s29 =	simm.s32 $0xB;
	_ =	strace $0x8000004E  }
0xc1: {  	_ =	swait.ge [sflag:s29], $0x1  }
0xc2: {  	[sflag:s29] =	ssyncadd.s32 $0xFFFFFFFF  }
0xc3: {  	_ =	strace $0x9000004E  }
0xc4: {  	_ =	sfence  }
0xc5: {  	s30 =	sld [smem:$0x0];
	_ =	sdelay $0x2  }
0xc6: {  	s31 =	sshll.u32 s1, $0xD;
	s1 =	sshrl.u32 s1, $0x2  }
0xc7: {  	s4 =	sand.u32 $0x4000, s31;
	s1 =	sadd.s32 s1, s30  }
0xc8: {  	s0 =	sor.u32 s4, s0;
	s1 =	sshll.u32 s1, $0x11  }
0xc9: {  	s0 =	sor.u32 s1, s0  }
0xca: {  	s0 =	sadd.s32 $0x8F2B, s0  }
0xcb: {  	[sflag:s0] =	ssyncadd.remote.s32 $0x1  }
0xcc: {  	_ =	sfence.sel $0xFFFF  }
0xcd: {  	[dreg:$0x0] =	wrdreg $0xFFFFFFFF;
	(pc) =	sbr.abs _section_cstart, $3  }
0xce: {  	[dreg:$0x1] =	wrdreg $0xFFFFFFFF  }
0xcf: {  	_ =	task.clear_ibuf [dreg:s22], $0x2FFFF;
	_ =	strace $0x9FFFFFFF  }
0xd0: {  	(tm) =	ssettm $0x7FFFFFFF  }
0xd1: {  	_ =	shalt  }
tec
execute0_lowered:
.L_overlay_start_1:
0x0: {  	(tag) =	ssettag $0x1  }
0x1: {  	s0 =	srdreg.scid;
	s19 =	stileid.u32  }
0x2: {  	s3 =	rddreg [dreg:$0x0];
	s23 =	simm.s32 $0x0;
	s31 =	simm.s32 $0x9  }
0x3: {  	s30 =	simm.s32 $0xA00;
	s0 =	sand.u32 $0x1, s0;
	s1 =	sshll.u32 s19, $0x1  }
0x4: {  	s28 =	simm.s32 $0xDC0;
	s29 =	simm.s32 $0xF00;
	s1 =	sor.u32 s0, s1  }
0x5: {  	p0 =	por $0x0, $0x0;
	s5 =	sadd.s32 $0x41CC00, s3;
	s2 =	smul.u32 $0x140, s1  }
0x6: {  	[smem:$0x7FF] =	sst s23;
	s22 =	sadd.s32 $0x41CC08, s3;
	s1 =	smul.u32 $0xA000, s1  }
0x7: {  	_ =	strace $0x8000004D;
	s0 =	ssub.s32 $0x2, s0;
	s2 =	sadd.s32 s2, s3  }
0x8: {  	s24 =	sadd.s32 s5, s1;
	s25 =	sadd.s32 s1, s22;
	s6 =	sor.u32 $0x1400, s1  }
0x9: {  	s8 =	sadd.s32 $0x2800, s1;
	s12 =	sadd.s32 $0x5000, s1;
	[dreg:$0x4] =	wrdreg s24  }
0xa: {  	s15 =	sadd.s32 $0x6400, s1;
	s4 =	sadd.s32 $0x197C00, s2;
	[dreg:$0x5] =	wrdreg s25  }
0xb: {  	s18 =	sadd.s32 $0x7800, s1;
	s2 =	sadd.s32 $0x190400, s2;
	[dreg:$0x2] =	wrdreg s4  }
0xc: {  	s26 =	sadd.s32 s5, s6;
	s7 =	sadd.s32 s6, s22;
	[dreg:$0x3] =	wrdreg s2  }
0xd: {  	s9 =	sadd.s32 s5, s8;
	s6 =	sadd.s32 s8, s22;
	[dreg:$0x6] =	wrdreg s26  }
0xe: {  	s13 =	sadd.s32 s5, s12;
	s14 =	sadd.s32 s12, s22;
	[dreg:$0x7] =	wrdreg s7  }
0xf: {  	s16 =	sadd.s32 s5, s15;
	s17 =	sadd.s32 s15, s22;
	[dreg:$0x8] =	wrdreg s9  }
0x10: {  	s8 =	sshrl.u32 s0, $0x1;
	s20 =	sadd.s32 s5, s18;
	[dreg:$0x9] =	wrdreg s6  }
0x11: {  	s21 =	sadd.s32 s18, s22;
	s15 =	simm.s32 $0x1400;
	[dreg:$0xc] =	wrdreg s13  }
0x12: {  	s18 =	simm.s32 $0x1;
	s24 =	simm.s32 $0x280;
	[dreg:$0xd] =	wrdreg s14  }
0x13: {  	s25 =	simm.s32 $0xC80;
	s12 =	simm.s32 $0x6;
	[dreg:$0xe] =	wrdreg s16  }
0x14: {  	s7 =	sadd.s32 $0x3C00, s1;
	s2 =	sadd.s32 $0xC7E00, s3;
	[dreg:$0xf] =	wrdreg s17  }
0x15: {  	s3 =	sadd.s32 $0x4800, s3;
	[dreg:$0x10] =	wrdreg s20;
	s1 =	sadd.s32 $0x8C00, s1  }
0x16: {  	s0 =	ssub.s32 s0, s8;
	[dreg:$0x11] =	wrdreg s21;
	s9 =	simm.s32 $0x140  }
0x17: {  	s16 =	simm.s32 $0xB400;
	s17 =	simm.s32 $0x3;
	s4 =	simm.s32 $0x40  }
0x18: {  	s6 =	simm.s32 $0x6400;
	s14 =	simm.s32 $0x2;
	[dreg:$0x15] =	wrdreg s24  }
0x19: {  	s13 =	simm.s32 $0x4;
	[dreg:$0x16] =	wrdreg s25;
	s26 =	simm.s32 $0x3C0  }
0x1a: {  	s8 =	simm.s32 $0x8;
	s25 =	simm.s32 $0x640;
	s24 =	simm.s32 $0x1180  }
0x1b: {  	s20 =	simm.s32 $0x8C0;
	s21 =	simm.s32 $0x12C0;
	s10 =	sadd.s32 s5, s7  }
0x1c: {  	s11 =	sadd.s32 s7, s22;
	s0 =	smax.u32 s0, $0x1;
	[dreg:$0x17] =	wrdreg s26  }
0x1d: {  	s5 =	sadd.s32 s5, s1;
	[dreg:$0xa] =	wrdreg s10;
	p1 =	sne.s32 s0, $0x1  }
.Ltmp0:
0x1e: {  	s1 =	sadd.s32 s1, s22;
	[dreg:$0xb] =	wrdreg s11;
	(pc) =	sbr.rel @!p1 .LBB2_1-.Ltmp0, $4  }
0x1f: {  	s22 =	simm.s32 $0xB40;
	s7 =	simm.s32 $0x7;
	[dreg:$0x12] =	wrdreg s5  }
0x20: {  	s26 =	simm.s32 $0x1040;
	[dreg:$0x13] =	wrdreg s1;
	s5 =	simm.s32 $0x80  }
0x21: {  	[dreg:$0x14] =	wrdreg s22;
	s10 =	simm.s32 $0x10400;
	s11 =	simm.s32 $0x5  }
0x22: {  	s1 =	sadd.s32 $0xFFFFFFFF, s0;
	s22 =	simm.s32 $0x780;
	s0 =	rddreg [dreg:$0x2]  }
0x23: {  	[tilespmem:s23], [sflag:$0x9] =	stream.linear.gather [hbm4b:s0+s23], $0xA00, $0x38;
	[tilespmem:$0x15400] =	vst v63  }
0x24: {  	_ =	swait.ge [sflag:s31], $0xA00  }
0x25: {  	[sflag:s31] =	ssyncset.done $0x0  }
0x26: {  	s19 =	rddreg [dreg:$0x3];
	[sflag:s31] =	ssyncadd.s32 $0xFFFFF600  }
0x27: {  	[tilespmem:s30], [sflag:$0x9] =	stream.linear.gather [hbm4b:s19+s23], $0xA00, $0x38;
	[tilespmem:$0x15400] =	vst v63  }
0x28: {  	_ =	swait.ge [sflag:s31], $0xA00  }
0x29: {  	[sflag:s31] =	ssyncset.done $0x0  }
0x2a: {  	[sflag:s31] =	ssyncadd.s32 $0xFFFFF600  }
0x2b: {  	[tilespmem:s15], [sflag:$0x1] =	stream.indirect.gather [hbm4b:s2+s9], $0x40, s23, s9, $0xb8;
	[tilespmem:$0x15400] =	vst v63  }
0x2c: {  	_ = 	snop  }
0x2d: {  	[tilespmem:s16], [sflag:$0x3] =	stream.indirect.gather [hbm4b:s3+s9], $0x40, s30, s9, $0xb8;
	[tilespmem:$0x15400] =	vst v63  }
0x2e: {  	_ =	swait.ge [sflag:s18], $0x5000  }
0x2f: {  	[sflag:s18] =	ssyncset.done $0x0  }
0x30: {  	[sflag:s18] =	ssyncadd.s32 $0xFFFFB000  }
0x31: {  	_ =	swait.ge [sflag:s17], $0x5000  }
0x32: {  	[sflag:s17] =	ssyncset.done $0x0  }
0x33: {  	s0 =	rddreg [dreg:$0x4];
	[sflag:s17] =	ssyncadd.s32 $0xFFFFB000  }
0x34: {  	[hbm4b:s0+s4] =	stream.strided.scatter [tilespmem:s15], [sflag:$0x5], $0x5000, s5, s4, $0x38;
	[tilespmem:$0x15400] =	vst v63  }
0x35: {  	s19 =	smov.u32 s1;
	s1 =	rddreg [dreg:$0x5]  }
0x36: {  	[hbm4b:s1+s4] =	stream.strided.scatter [tilespmem:s16], [sflag:$0x7], $0x5000, s5, s4, $0x38;
	[tilespmem:$0x15400] =	vst v63  }
0x37: {  	_ = 	snop  }
0x38: {  	[tilespmem:s6], [sflag:$0x2] =	stream.indirect.gather [hbm4b:s2+s9], $0x40, s9, s9, $0xb8;
	[tilespmem:$0x15400] =	vst v63  }
0x39: {  	s1 =	rddreg [dreg:$0x14]  }
0x3a: {  	[tilespmem:s10], [sflag:$0x4] =	stream.indirect.gather [hbm4b:s3+s9], $0x40, s1, s9, $0xb8;
	[tilespmem:$0x15400] =	vst v63  }
0x3b: {  	_ =	swait.ge [sflag:s14], $0x5000  }
0x3c: {  	[sflag:s14] =	ssyncset.done $0x0  }
0x3d: {  	[sflag:s14] =	ssyncadd.s32 $0xFFFFB000  }
0x3e: {  	_ =	swait.ge [sflag:s13], $0x5000  }
0x3f: {  	[sflag:s13] =	ssyncset.done $0x0  }
0x40: {  	s0 =	rddreg [dreg:$0x6];
	[sflag:s13] =	ssyncadd.s32 $0xFFFFB000  }
0x41: {  	[hbm4b:s0+s4] =	stream.strided.scatter [tilespmem:s6], [sflag:$0x6], $0x5000, s5, s4, $0x38;
	[tilespmem:$0x15400] =	vst v63  }
0x42: {  	s1 =	rddreg [dreg:$0x7]  }
0x43: {  	[hbm4b:s1+s4] =	stream.strided.scatter [tilespmem:s10], [sflag:$0x8], $0x5000, s5, s4, $0x38;
	[tilespmem:$0x15400] =	vst v63  }
0x44: {  	_ =	swait.ge [sflag:s11], $0x5000  }
0x45: {  	[sflag:s11] =	ssyncset.done $0x0  }
0x46: {  	[sflag:s11] =	ssyncadd.s32 $0xFFFFB000  }
0x47: {  	_ =	swait.ge [sflag:s7], $0x5000  }
0x48: {  	[sflag:s7] =	ssyncset.done $0x0  }
0x49: {  	s0 =	rddreg [dreg:$0x15];
	[sflag:s7] =	ssyncadd.s32 $0xFFFFB000  }
0x4a: {  	[tilespmem:s15], [sflag:$0x1] =	stream.indirect.gather [hbm4b:s2+s9], $0x40, s0, s9, $0xb8;
	[tilespmem:$0x15400] =	vst v63  }
0x4b: {  	s1 =	rddreg [dreg:$0x16]  }
0x4c: {  	[tilespmem:s16], [sflag:$0x3] =	stream.indirect.gather [hbm4b:s3+s9], $0x40, s1, s9, $0xb8;
	[tilespmem:$0x15400] =	vst v63  }
0x4d: {  	_ =	swait.ge [sflag:s18], $0x5000  }
0x4e: {  	[sflag:s18] =	ssyncset.done $0x0  }
0x4f: {  	[sflag:s18] =	ssyncadd.s32 $0xFFFFB000  }
0x50: {  	_ =	swait.ge [sflag:s17], $0x5000  }
0x51: {  	[sflag:s17] =	ssyncset.done $0x0  }
0x52: {  	s0 =	rddreg [dreg:$0x8];
	[sflag:s17] =	ssyncadd.s32 $0xFFFFB000  }
0x53: {  	[hbm4b:s0+s4] =	stream.strided.scatter [tilespmem:s15], [sflag:$0x5], $0x5000, s5, s4, $0x38;
	[tilespmem:$0x15400] =	vst v63  }
0x54: {  	s1 =	rddreg [dreg:$0x9]  }
0x55: {  	[hbm4b:s1+s4] =	stream.strided.scatter [tilespmem:s16], [sflag:$0x7], $0x5000, s5, s4, $0x38;
	[tilespmem:$0x15400] =	vst v63  }
0x56: {  	_ =	swait.ge [sflag:s12], $0x5000  }
0x57: {  	[sflag:s12] =	ssyncset.done $0x0  }
0x58: {  	[sflag:s12] =	ssyncadd.s32 $0xFFFFB000  }
0x59: {  	_ =	swait.ge [sflag:s8], $0x5000  }
0x5a: {  	[sflag:s8] =	ssyncset.done $0x0  }
0x5b: {  	s1 =	rddreg [dreg:$0x17];
	[sflag:s8] =	ssyncadd.s32 $0xFFFFB000  }
0x5c: {  	[tilespmem:s6], [sflag:$0x2] =	stream.indirect.gather [hbm4b:s2+s9], $0x40, s1, s9, $0xb8;
	[tilespmem:$0x15400] =	vst v63  }
0x5d: {  	_ = 	snop  }
0x5e: {  	[tilespmem:s10], [sflag:$0x4] =	stream.indirect.gather [hbm4b:s3+s9], $0x40, s28, s9, $0xb8;
	[tilespmem:$0x15400] =	vst v63  }
0x5f: {  	_ =	swait.ge [sflag:s14], $0x5000  }
0x60: {  	[sflag:s14] =	ssyncset.done $0x0  }
0x61: {  	[sflag:s14] =	ssyncadd.s32 $0xFFFFB000  }
0x62: {  	_ =	swait.ge [sflag:s13], $0x5000  }
0x63: {  	[sflag:s13] =	ssyncset.done $0x0  }
0x64: {  	s0 =	rddreg [dreg:$0xa];
	[sflag:s13] =	ssyncadd.s32 $0xFFFFB000  }
0x65: {  	[hbm4b:s0+s4] =	stream.strided.scatter [tilespmem:s6], [sflag:$0x6], $0x5000, s5, s4, $0x38;
	[tilespmem:$0x15400] =	vst v63  }
0x66: {  	s1 =	rddreg [dreg:$0xb]  }
0x67: {  	[hbm4b:s1+s4] =	stream.strided.scatter [tilespmem:s10], [sflag:$0x8], $0x5000, s5, s4, $0x38;
	[tilespmem:$0x15400] =	vst v63  }
0x68: {  	_ =	swait.ge [sflag:s11], $0x5000  }
0x69: {  	[sflag:s11] =	ssyncset.done $0x0  }
0x6a: {  	[sflag:s11] =	ssyncadd.s32 $0xFFFFB000  }
0x6b: {  	_ =	swait.ge [sflag:s7], $0x5000  }
0x6c: {  	[sflag:s7] =	ssyncset.done $0x0  }
0x6d: {  	s1 =	simm.s32 $0x500;
	[sflag:s7] =	ssyncadd.s32 $0xFFFFB000  }
0x6e: {  	[tilespmem:s15], [sflag:$0x1] =	stream.indirect.gather [hbm4b:s2+s9], $0x40, s1, s9, $0xb8;
	[tilespmem:$0x15400] =	vst v63  }
0x6f: {  	_ = 	snop  }
0x70: {  	[tilespmem:s16], [sflag:$0x3] =	stream.indirect.gather [hbm4b:s3+s9], $0x40, s29, s9, $0xb8;
	[tilespmem:$0x15400] =	vst v63  }
0x71: {  	_ =	swait.ge [sflag:s18], $0x5000  }
0x72: {  	[sflag:s18] =	ssyncset.done $0x0  }
0x73: {  	[sflag:s18] =	ssyncadd.s32 $0xFFFFB000  }
0x74: {  	_ =	swait.ge [sflag:s17], $0x5000  }
0x75: {  	[sflag:s17] =	ssyncset.done $0x0  }
0x76: {  	s0 =	rddreg [dreg:$0xc];
	[sflag:s17] =	ssyncadd.s32 $0xFFFFB000  }
0x77: {  	[hbm4b:s0+s4] =	stream.strided.scatter [tilespmem:s15], [sflag:$0x5], $0x5000, s5, s4, $0x38;
	[tilespmem:$0x15400] =	vst v63  }
0x78: {  	s1 =	rddreg [dreg:$0xd]  }
0x79: {  	[hbm4b:s1+s4] =	stream.strided.scatter [tilespmem:s16], [sflag:$0x7], $0x5000, s5, s4, $0x38;
	[tilespmem:$0x15400] =	vst v63  }
0x7a: {  	_ =	swait.ge [sflag:s12], $0x5000  }
0x7b: {  	[sflag:s12] =	ssyncset.done $0x0  }
0x7c: {  	[sflag:s12] =	ssyncadd.s32 $0xFFFFB000  }
0x7d: {  	_ =	swait.ge [sflag:s8], $0x5000  }
0x7e: {  	[sflag:s8] =	ssyncset.done $0x0  }
0x7f: {  	[sflag:s8] =	ssyncadd.s32 $0xFFFFB000  }
0x80: {  	[tilespmem:s6], [sflag:$0x2] =	stream.indirect.gather [hbm4b:s2+s9], $0x40, s25, s9, $0xb8;
	[tilespmem:$0x15400] =	vst v63  }
0x81: {  	_ = 	snop  }
0x82: {  	[tilespmem:s10], [sflag:$0x4] =	stream.indirect.gather [hbm4b:s3+s9], $0x40, s26, s9, $0xb8;
	[tilespmem:$0x15400] =	vst v63  }
0x83: {  	_ =	swait.ge [sflag:s14], $0x5000  }
0x84: {  	[sflag:s14] =	ssyncset.done $0x0  }
0x85: {  	[sflag:s14] =	ssyncadd.s32 $0xFFFFB000  }
0x86: {  	_ =	swait.ge [sflag:s13], $0x5000  }
0x87: {  	[sflag:s13] =	ssyncset.done $0x0  }
0x88: {  	s0 =	rddreg [dreg:$0xe];
	[sflag:s13] =	ssyncadd.s32 $0xFFFFB000  }
0x89: {  	[hbm4b:s0+s4] =	stream.strided.scatter [tilespmem:s6], [sflag:$0x6], $0x5000, s5, s4, $0x38;
	[tilespmem:$0x15400] =	vst v63  }
0x8a: {  	s1 =	rddreg [dreg:$0xf]  }
0x8b: {  	[hbm4b:s1+s4] =	stream.strided.scatter [tilespmem:s10], [sflag:$0x8], $0x5000, s5, s4, $0x38;
	[tilespmem:$0x15400] =	vst v63  }
0x8c: {  	_ =	swait.ge [sflag:s11], $0x5000  }
0x8d: {  	[sflag:s11] =	ssyncset.done $0x0  }
0x8e: {  	[sflag:s11] =	ssyncadd.s32 $0xFFFFB000  }
0x8f: {  	_ =	swait.ge [sflag:s7], $0x5000  }
0x90: {  	[sflag:s7] =	ssyncset.done $0x0  }
0x91: {  	[sflag:s7] =	ssyncadd.s32 $0xFFFFB000  }
0x92: {  	[tilespmem:s15], [sflag:$0x1] =	stream.indirect.gather [hbm4b:s2+s9], $0x40, s22, s9, $0xb8;
	[tilespmem:$0x15400] =	vst v63  }
0x93: {  	_ = 	snop  }
0x94: {  	[tilespmem:s16], [sflag:$0x3] =	stream.indirect.gather [hbm4b:s3+s9], $0x40, s24, s9, $0xb8;
	[tilespmem:$0x15400] =	vst v63  }
0x95: {  	_ =	swait.ge [sflag:s18], $0x5000  }
0x96: {  	[sflag:s18] =	ssyncset.done $0x0  }
0x97: {  	[sflag:s18] =	ssyncadd.s32 $0xFFFFB000  }
0x98: {  	_ =	swait.ge [sflag:s17], $0x5000  }
0x99: {  	[sflag:s17] =	ssyncset.done $0x0  }
0x9a: {  	s0 =	rddreg [dreg:$0x10];
	[sflag:s17] =	ssyncadd.s32 $0xFFFFB000  }
0x9b: {  	[hbm4b:s0+s4] =	stream.strided.scatter [tilespmem:s15], [sflag:$0x5], $0x5000, s5, s4, $0x38;
	[tilespmem:$0x15400] =	vst v63  }
0x9c: {  	s1 =	rddreg [dreg:$0x11]  }
0x9d: {  	[hbm4b:s1+s4] =	stream.strided.scatter [tilespmem:s16], [sflag:$0x7], $0x5000, s5, s4, $0x38;
	[tilespmem:$0x15400] =	vst v63  }
0x9e: {  	_ =	swait.ge [sflag:s12], $0x5000  }
0x9f: {  	[sflag:s12] =	ssyncset.done $0x0  }
0xa0: {  	[sflag:s12] =	ssyncadd.s32 $0xFFFFB000  }
0xa1: {  	_ =	swait.ge [sflag:s8], $0x5000  }
0xa2: {  	[sflag:s8] =	ssyncset.done $0x0  }
0xa3: {  	[sflag:s8] =	ssyncadd.s32 $0xFFFFB000  }
0xa4: {  	[tilespmem:s6], [sflag:$0x2] =	stream.indirect.gather [hbm4b:s2+s9], $0x40, s20, s9, $0xb8;
	[tilespmem:$0x15400] =	vst v63  }
0xa5: {  	_ = 	snop  }
0xa6: {  	[tilespmem:s10], [sflag:$0x4] =	stream.indirect.gather [hbm4b:s3+s9], $0x40, s21, s9, $0xb8;
	[tilespmem:$0x15400] =	vst v63  }
0xa7: {  	_ =	swait.ge [sflag:s14], $0x5000  }
0xa8: {  	[sflag:s14] =	ssyncset.done $0x0  }
0xa9: {  	[sflag:s14] =	ssyncadd.s32 $0xFFFFB000  }
0xaa: {  	_ =	swait.ge [sflag:s13], $0x5000  }
0xab: {  	[sflag:s13] =	ssyncset.done $0x0  }
0xac: {  	s0 =	rddreg [dreg:$0x12];
	[sflag:s13] =	ssyncadd.s32 $0xFFFFB000  }
0xad: {  	[hbm4b:s0+s4] =	stream.strided.scatter [tilespmem:s6], [sflag:$0x6], $0x5000, s5, s4, $0x38;
	[tilespmem:$0x15400] =	vst v63  }
0xae: {  	s1 =	rddreg [dreg:$0x13]  }
0xaf: {  	[hbm4b:s1+s4] =	stream.strided.scatter [tilespmem:s10], [sflag:$0x8], $0x5000, s5, s4, $0x38;
	[tilespmem:$0x15400] =	vst v63  }
0xb0: {  	_ =	swait.ge [sflag:s11], $0x5000  }
0xb1: {  	[sflag:s11] =	ssyncset.done $0x0  }
0xb2: {  	[sflag:s11] =	ssyncadd.s32 $0xFFFFB000  }
0xb3: {  	_ =	swait.ge [sflag:s7], $0x5000  }
0xb4: {  	[sflag:s7] =	ssyncset.done $0x0  }
0xb5: {  	p1 =	sne.s32 s19, $0x1;
	[sflag:s7] =	ssyncadd.s32 $0xFFFFB000  }
.Ltmp1:
0xb6: {  	_ =	swait.ge [sflag:s12], $0x5000;
	(pc) =	sbr.rel @!p1 .LBB2_3-.Ltmp1, $4  }
0xb7: {  	[sflag:s12] =	ssyncset.done $0x0  }
0xb8: {  	[sflag:s12] =	ssyncadd.s32 $0xFFFFB000  }
0xb9: {  	p0 =	por $0x1, $0x1;
	_ =	swait.ge [sflag:s8], $0x5000  }
0xba: {  	s1 =	sadd.s32 $0xFFFFFFFF, s19;
	s0 =	rddreg [dreg:$0x2];
	[sflag:s8] =	ssyncset.done $0x0  }
.LBB2_4:
0xbb: {  	[sflag:s8] =	ssyncadd.s32 $0xFFFFB000  }
0xbc: {  	[tilespmem:s23], [sflag:$0x9] =	stream.linear.gather [hbm4b:s0+s23], $0xA00, $0x38;
	[tilespmem:$0x15400] =	vst v63  }
0xbd: {  	_ =	swait.ge [sflag:s31], $0xA00  }
0xbe: {  	[sflag:s31] =	ssyncset.done $0x0  }
0xbf: {  	s19 =	rddreg [dreg:$0x3];
	[sflag:s31] =	ssyncadd.s32 $0xFFFFF600  }
0xc0: {  	[tilespmem:s30], [sflag:$0x9] =	stream.linear.gather [hbm4b:s19+s23], $0xA00, $0x38;
	[tilespmem:$0x15400] =	vst v63  }
0xc1: {  	_ =	swait.ge [sflag:s31], $0xA00  }
0xc2: {  	[sflag:s31] =	ssyncset.done $0x0  }
0xc3: {  	[sflag:s31] =	ssyncadd.s32 $0xFFFFF600  }
0xc4: {  	[tilespmem:s15], [sflag:$0x1] =	stream.indirect.gather [hbm4b:s2+s9], $0x40, s23, s9, $0xb8;
	[tilespmem:$0x15400] =	vst v63  }
0xc5: {  	_ = 	snop  }
0xc6: {  	[tilespmem:s16], [sflag:$0x3] =	stream.indirect.gather [hbm4b:s3+s9], $0x40, s30, s9, $0xb8;
	[tilespmem:$0x15400] =	vst v63  }
0xc7: {  	_ =	swait.ge [sflag:s18], $0x5000  }
0xc8: {  	[sflag:s18] =	ssyncset.done $0x0  }
0xc9: {  	[sflag:s18] =	ssyncadd.s32 $0xFFFFB000  }
0xca: {  	_ =	swait.ge [sflag:s17], $0x5000  }
0xcb: {  	[sflag:s17] =	ssyncset.done $0x0  }
0xcc: {  	s0 =	rddreg [dreg:$0x4];
	[sflag:s17] =	ssyncadd.s32 $0xFFFFB000  }
0xcd: {  	[hbm4b:s0+s4] =	stream.strided.scatter [tilespmem:s15], [sflag:$0x5], $0x5000, s5, s4, $0x38;
	[tilespmem:$0x15400] =	vst v63  }
0xce: {  	s19 =	rddreg [dreg:$0x5]  }
0xcf: {  	[hbm4b:s19+s4] =	stream.strided.scatter [tilespmem:s16], [sflag:$0x7], $0x5000, s5, s4, $0x38;
	[tilespmem:$0x15400] =	vst v63  }
0xd0: {  	_ = 	snop  }
0xd1: {  	[tilespmem:s6], [sflag:$0x2] =	stream.indirect.gather [hbm4b:s2+s9], $0x40, s9, s9, $0xb8;
	[tilespmem:$0x15400] =	vst v63  }
0xd2: {  	s19 =	rddreg [dreg:$0x14]  }
0xd3: {  	[tilespmem:s10], [sflag:$0x4] =	stream.indirect.gather [hbm4b:s3+s9], $0x40, s19, s9, $0xb8;
	[tilespmem:$0x15400] =	vst v63  }
0xd4: {  	_ =	swait.ge [sflag:s14], $0x5000  }
0xd5: {  	[sflag:s14] =	ssyncset.done $0x0  }
0xd6: {  	[sflag:s14] =	ssyncadd.s32 $0xFFFFB000  }
0xd7: {  	_ =	swait.ge [sflag:s13], $0x5000  }
0xd8: {  	[sflag:s13] =	ssyncset.done $0x0  }
0xd9: {  	s0 =	rddreg [dreg:$0x6];
	[sflag:s13] =	ssyncadd.s32 $0xFFFFB000  }
0xda: {  	[hbm4b:s0+s4] =	stream.strided.scatter [tilespmem:s6], [sflag:$0x6], $0x5000, s5, s4, $0x38;
	[tilespmem:$0x15400] =	vst v63  }
0xdb: {  	s19 =	rddreg [dreg:$0x7]  }
0xdc: {  	[hbm4b:s19+s4] =	stream.strided.scatter [tilespmem:s10], [sflag:$0x8], $0x5000, s5, s4, $0x38;
	[tilespmem:$0x15400] =	vst v63  }
0xdd: {  	_ =	swait.ge [sflag:s11], $0x5000  }
0xde: {  	[sflag:s11] =	ssyncset.done $0x0  }
0xdf: {  	[sflag:s11] =	ssyncadd.s32 $0xFFFFB000  }
0xe0: {  	_ =	swait.ge [sflag:s7], $0x5000  }
0xe1: {  	[sflag:s7] =	ssyncset.done $0x0  }
0xe2: {  	s0 =	rddreg [dreg:$0x15];
	[sflag:s7] =	ssyncadd.s32 $0xFFFFB000  }
0xe3: {  	[tilespmem:s15], [sflag:$0x1] =	stream.indirect.gather [hbm4b:s2+s9], $0x40, s0, s9, $0xb8;
	[tilespmem:$0x15400] =	vst v63  }
0xe4: {  	s19 =	rddreg [dreg:$0x16]  }
0xe5: {  	[tilespmem:s16], [sflag:$0x3] =	stream.indirect.gather [hbm4b:s3+s9], $0x40, s19, s9, $0xb8;
	[tilespmem:$0x15400] =	vst v63  }
0xe6: {  	_ =	swait.ge [sflag:s18], $0x5000  }
0xe7: {  	[sflag:s18] =	ssyncset.done $0x0  }
0xe8: {  	[sflag:s18] =	ssyncadd.s32 $0xFFFFB000  }
0xe9: {  	_ =	swait.ge [sflag:s17], $0x5000  }
0xea: {  	[sflag:s17] =	ssyncset.done $0x0  }
0xeb: {  	s0 =	rddreg [dreg:$0x8];
	[sflag:s17] =	ssyncadd.s32 $0xFFFFB000  }
0xec: {  	[hbm4b:s0+s4] =	stream.strided.scatter [tilespmem:s15], [sflag:$0x5], $0x5000, s5, s4, $0x38;
	[tilespmem:$0x15400] =	vst v63  }
0xed: {  	s19 =	rddreg [dreg:$0x9]  }
0xee: {  	[hbm4b:s19+s4] =	stream.strided.scatter [tilespmem:s16], [sflag:$0x7], $0x5000, s5, s4, $0x38;
	[tilespmem:$0x15400] =	vst v63  }
0xef: {  	_ =	swait.ge [sflag:s12], $0x5000  }
0xf0: {  	[sflag:s12] =	ssyncset.done $0x0  }
0xf1: {  	[sflag:s12] =	ssyncadd.s32 $0xFFFFB000  }
0xf2: {  	_ =	swait.ge [sflag:s8], $0x5000  }
0xf3: {  	[sflag:s8] =	ssyncset.done $0x0  }
0xf4: {  	s19 =	rddreg [dreg:$0x17];
	[sflag:s8] =	ssyncadd.s32 $0xFFFFB000  }
0xf5: {  	[tilespmem:s6], [sflag:$0x2] =	stream.indirect.gather [hbm4b:s2+s9], $0x40, s19, s9, $0xb8;
	[tilespmem:$0x15400] =	vst v63  }
0xf6: {  	_ = 	snop  }
0xf7: {  	[tilespmem:s10], [sflag:$0x4] =	stream.indirect.gather [hbm4b:s3+s9], $0x40, s28, s9, $0xb8;
	[tilespmem:$0x15400] =	vst v63  }
0xf8: {  	_ =	swait.ge [sflag:s14], $0x5000  }
0xf9: {  	[sflag:s14] =	ssyncset.done $0x0  }
0xfa: {  	[sflag:s14] =	ssyncadd.s32 $0xFFFFB000  }
0xfb: {  	_ =	swait.ge [sflag:s13], $0x5000  }
0xfc: {  	[sflag:s13] =	ssyncset.done $0x0  }
0xfd: {  	s0 =	rddreg [dreg:$0xa];
	[sflag:s13] =	ssyncadd.s32 $0xFFFFB000  }
0xfe: {  	[hbm4b:s0+s4] =	stream.strided.scatter [tilespmem:s6], [sflag:$0x6], $0x5000, s5, s4, $0x38;
	[tilespmem:$0x15400] =	vst v63  }
0xff: {  	s19 =	rddreg [dreg:$0xb]  }
0x100: {  	[hbm4b:s19+s4] =	stream.strided.scatter [tilespmem:s10], [sflag:$0x8], $0x5000, s5, s4, $0x38;
	[tilespmem:$0x15400] =	vst v63  }
0x101: {  	_ =	swait.ge [sflag:s11], $0x5000  }
0x102: {  	[sflag:s11] =	ssyncset.done $0x0  }
0x103: {  	[sflag:s11] =	ssyncadd.s32 $0xFFFFB000  }
0x104: {  	_ =	swait.ge [sflag:s7], $0x5000  }
0x105: {  	[sflag:s7] =	ssyncset.done $0x0  }
0x106: {  	s19 =	simm.s32 $0x500;
	[sflag:s7] =	ssyncadd.s32 $0xFFFFB000  }
0x107: {  	[tilespmem:s15], [sflag:$0x1] =	stream.indirect.gather [hbm4b:s2+s9], $0x40, s19, s9, $0xb8;
	[tilespmem:$0x15400] =	vst v63  }
0x108: {  	_ = 	snop  }
0x109: {  	[tilespmem:s16], [sflag:$0x3] =	stream.indirect.gather [hbm4b:s3+s9], $0x40, s29, s9, $0xb8;
	[tilespmem:$0x15400] =	vst v63  }
0x10a: {  	_ =	swait.ge [sflag:s18], $0x5000  }
0x10b: {  	[sflag:s18] =	ssyncset.done $0x0  }
0x10c: {  	[sflag:s18] =	ssyncadd.s32 $0xFFFFB000  }
0x10d: {  	_ =	swait.ge [sflag:s17], $0x5000  }
0x10e: {  	[sflag:s17] =	ssyncset.done $0x0  }
0x10f: {  	s0 =	rddreg [dreg:$0xc];
	[sflag:s17] =	ssyncadd.s32 $0xFFFFB000  }
0x110: {  	[hbm4b:s0+s4] =	stream.strided.scatter [tilespmem:s15], [sflag:$0x5], $0x5000, s5, s4, $0x38;
	[tilespmem:$0x15400] =	vst v63  }
0x111: {  	s19 =	rddreg [dreg:$0xd]  }
0x112: {  	[hbm4b:s19+s4] =	stream.strided.scatter [tilespmem:s16], [sflag:$0x7], $0x5000, s5, s4, $0x38;
	[tilespmem:$0x15400] =	vst v63  }
0x113: {  	_ =	swait.ge [sflag:s12], $0x5000  }
0x114: {  	[sflag:s12] =	ssyncset.done $0x0  }
0x115: {  	[sflag:s12] =	ssyncadd.s32 $0xFFFFB000  }
0x116: {  	_ =	swait.ge [sflag:s8], $0x5000  }
0x117: {  	[sflag:s8] =	ssyncset.done $0x0  }
0x118: {  	[sflag:s8] =	ssyncadd.s32 $0xFFFFB000  }
0x119: {  	[tilespmem:s6], [sflag:$0x2] =	stream.indirect.gather [hbm4b:s2+s9], $0x40, s25, s9, $0xb8;
	[tilespmem:$0x15400] =	vst v63  }
0x11a: {  	_ = 	snop  }
0x11b: {  	[tilespmem:s10], [sflag:$0x4] =	stream.indirect.gather [hbm4b:s3+s9], $0x40, s26, s9, $0xb8;
	[tilespmem:$0x15400] =	vst v63  }
0x11c: {  	_ =	swait.ge [sflag:s14], $0x5000  }
0x11d: {  	[sflag:s14] =	ssyncset.done $0x0  }
0x11e: {  	[sflag:s14] =	ssyncadd.s32 $0xFFFFB000  }
0x11f: {  	_ =	swait.ge [sflag:s13], $0x5000  }
0x120: {  	[sflag:s13] =	ssyncset.done $0x0  }
0x121: {  	s0 =	rddreg [dreg:$0xe];
	[sflag:s13] =	ssyncadd.s32 $0xFFFFB000  }
0x122: {  	[hbm4b:s0+s4] =	stream.strided.scatter [tilespmem:s6], [sflag:$0x6], $0x5000, s5, s4, $0x38;
	[tilespmem:$0x15400] =	vst v63  }
0x123: {  	s19 =	rddreg [dreg:$0xf]  }
0x124: {  	[hbm4b:s19+s4] =	stream.strided.scatter [tilespmem:s10], [sflag:$0x8], $0x5000, s5, s4, $0x38;
	[tilespmem:$0x15400] =	vst v63  }
0x125: {  	_ =	swait.ge [sflag:s11], $0x5000  }
0x126: {  	[sflag:s11] =	ssyncset.done $0x0  }
0x127: {  	[sflag:s11] =	ssyncadd.s32 $0xFFFFB000  }
0x128: {  	_ =	swait.ge [sflag:s7], $0x5000  }
0x129: {  	[sflag:s7] =	ssyncset.done $0x0  }
0x12a: {  	[sflag:s7] =	ssyncadd.s32 $0xFFFFB000  }
0x12b: {  	[tilespmem:s15], [sflag:$0x1] =	stream.indirect.gather [hbm4b:s2+s9], $0x40, s22, s9, $0xb8;
	[tilespmem:$0x15400] =	vst v63  }
0x12c: {  	_ = 	snop  }
0x12d: {  	[tilespmem:s16], [sflag:$0x3] =	stream.indirect.gather [hbm4b:s3+s9], $0x40, s24, s9, $0xb8;
	[tilespmem:$0x15400] =	vst v63  }
0x12e: {  	_ =	swait.ge [sflag:s18], $0x5000  }
0x12f: {  	[sflag:s18] =	ssyncset.done $0x0  }
0x130: {  	[sflag:s18] =	ssyncadd.s32 $0xFFFFB000  }
0x131: {  	_ =	swait.ge [sflag:s17], $0x5000  }
0x132: {  	[sflag:s17] =	ssyncset.done $0x0  }
0x133: {  	s0 =	rddreg [dreg:$0x10];
	[sflag:s17] =	ssyncadd.s32 $0xFFFFB000  }
0x134: {  	[hbm4b:s0+s4] =	stream.strided.scatter [tilespmem:s15], [sflag:$0x5], $0x5000, s5, s4, $0x38;
	[tilespmem:$0x15400] =	vst v63  }
0x135: {  	s19 =	rddreg [dreg:$0x11]  }
0x136: {  	[hbm4b:s19+s4] =	stream.strided.scatter [tilespmem:s16], [sflag:$0x7], $0x5000, s5, s4, $0x38;
	[tilespmem:$0x15400] =	vst v63  }
0x137: {  	_ =	swait.ge [sflag:s12], $0x5000  }
0x138: {  	[sflag:s12] =	ssyncset.done $0x0  }
0x139: {  	[sflag:s12] =	ssyncadd.s32 $0xFFFFB000  }
0x13a: {  	_ =	swait.ge [sflag:s8], $0x5000  }
0x13b: {  	[sflag:s8] =	ssyncset.done $0x0  }
0x13c: {  	[sflag:s8] =	ssyncadd.s32 $0xFFFFB000  }
0x13d: {  	[tilespmem:s6], [sflag:$0x2] =	stream.indirect.gather [hbm4b:s2+s9], $0x40, s20, s9, $0xb8;
	[tilespmem:$0x15400] =	vst v63  }
0x13e: {  	_ = 	snop  }
0x13f: {  	[tilespmem:s10], [sflag:$0x4] =	stream.indirect.gather [hbm4b:s3+s9], $0x40, s21, s9, $0xb8;
	[tilespmem:$0x15400] =	vst v63  }
0x140: {  	_ =	swait.ge [sflag:s14], $0x5000  }
0x141: {  	[sflag:s14] =	ssyncset.done $0x0  }
0x142: {  	[sflag:s14] =	ssyncadd.s32 $0xFFFFB000  }
0x143: {  	_ =	swait.ge [sflag:s13], $0x5000  }
0x144: {  	[sflag:s13] =	ssyncset.done $0x0  }
0x145: {  	s0 =	rddreg [dreg:$0x12];
	[sflag:s13] =	ssyncadd.s32 $0xFFFFB000  }
0x146: {  	[hbm4b:s0+s4] =	stream.strided.scatter [tilespmem:s6], [sflag:$0x6], $0x5000, s5, s4, $0x38;
	[tilespmem:$0x15400] =	vst v63  }
0x147: {  	s19 =	rddreg [dreg:$0x13]  }
0x148: {  	[hbm4b:s19+s4] =	stream.strided.scatter [tilespmem:s10], [sflag:$0x8], $0x5000, s5, s4, $0x38;
	[tilespmem:$0x15400] =	vst v63  }
0x149: {  	_ =	swait.ge [sflag:s11], $0x5000  }
0x14a: {  	[sflag:s11] =	ssyncset.done $0x0  }
0x14b: {  	[sflag:s11] =	ssyncadd.s32 $0xFFFFB000  }
0x14c: {  	_ =	swait.ge [sflag:s7], $0x5000  }
0x14d: {  	[sflag:s7] =	ssyncset.done $0x0  }
0x14e: {  	p1 =	sne.s32 s1, $0x1;
	[sflag:s7] =	ssyncadd.s32 $0xFFFFB000  }
.Ltmp2:
0x14f: {  	_ =	swait.ge [sflag:s12], $0x5000;
	(pc) =	sbr.rel @p1 .LBB2_4-.Ltmp2, $4  }
0x150: {  	[sflag:s12] =	ssyncset.done $0x0  }
0x151: {  	[sflag:s12] =	ssyncadd.s32 $0xFFFFB000  }
0x152: {  	_ =	swait.ge [sflag:s8], $0x5000  }
0x153: {  	s1 =	sadd.s32 $0xFFFFFFFF, s1;
	s0 =	rddreg [dreg:$0x2];
	[sflag:s8] =	ssyncset.done $0x0  }
0x154: {  	s21 =	simm.s32 $0xDC0;
	s29 =	simm.s32 $0xF00;
	s28 =	simm.s32 $0x500  }
0x155: {  	s26 =	simm.s32 $0x1040;
	s25 =	simm.s32 $0x640;
	s24 =	simm.s32 $0x1180  }
0x156: {  	s22 =	simm.s32 $0x780;
	s20 =	simm.s32 $0x8C0;
	s19 =	stileid.u32  }
.LBB2_6:
0x157: {  	[sflag:s8] =	ssyncadd.s32 @p0 $0xFFFFB000  }
0x158: {  	[tilespmem:s23], [sflag:$0x9] =	stream.linear.gather [hbm4b:s0+s23], $0xA00, $0x38;
	[tilespmem:$0x15400] =	vst v63  }
0x159: {  	_ =	swait.ge [sflag:s31], $0xA00  }
0x15a: {  	[sflag:s31] =	ssyncset.done $0x0  }
0x15b: {  	s1 =	rddreg [dreg:$0x3];
	[sflag:s31] =	ssyncadd.s32 $0xFFFFF600  }
0x15c: {  	[tilespmem:s30], [sflag:$0x9] =	stream.linear.gather [hbm4b:s1+s23], $0xA00, $0x38;
	[tilespmem:$0x15400] =	vst v63  }
0x15d: {  	_ =	swait.ge [sflag:s31], $0xA00  }
0x15e: {  	[sflag:s31] =	ssyncset.done $0x0  }
0x15f: {  	[sflag:s31] =	ssyncadd.s32 $0xFFFFF600  }
0x160: {  	[tilespmem:s15], [sflag:$0x1] =	stream.indirect.gather [hbm4b:s2+s9], $0x40, s23, s9, $0xb8;
	[tilespmem:$0x15400] =	vst v63  }
0x161: {  	_ = 	snop  }
0x162: {  	[tilespmem:s16], [sflag:$0x3] =	stream.indirect.gather [hbm4b:s3+s9], $0x40, s30, s9, $0xb8;
	[tilespmem:$0x15400] =	vst v63  }
0x163: {  	_ =	swait.ge [sflag:s18], $0x5000  }
0x164: {  	[sflag:s18] =	ssyncset.done $0x0  }
0x165: {  	[sflag:s18] =	ssyncadd.s32 $0xFFFFB000  }
0x166: {  	_ =	swait.ge [sflag:s17], $0x5000  }
0x167: {  	[sflag:s17] =	ssyncset.done $0x0  }
0x168: {  	s31 =	rddreg [dreg:$0x4];
	[sflag:s17] =	ssyncadd.s32 $0xFFFFB000  }
0x169: {  	[hbm4b:s31+s4] =	stream.strided.scatter [tilespmem:s15], [sflag:$0x5], $0x5000, s5, s4, $0x38;
	[tilespmem:$0x15400] =	vst v63  }
0x16a: {  	s1 =	rddreg [dreg:$0x5]  }
0x16b: {  	[hbm4b:s1+s4] =	stream.strided.scatter [tilespmem:s16], [sflag:$0x7], $0x5000, s5, s4, $0x38;
	[tilespmem:$0x15400] =	vst v63  }
0x16c: {  	_ = 	snop  }
0x16d: {  	[tilespmem:s6], [sflag:$0x2] =	stream.indirect.gather [hbm4b:s2+s9], $0x40, s9, s9, $0xb8;
	[tilespmem:$0x15400] =	vst v63  }
0x16e: {  	s23 =	rddreg [dreg:$0x14]  }
0x16f: {  	[tilespmem:s10], [sflag:$0x4] =	stream.indirect.gather [hbm4b:s3+s9], $0x40, s23, s9, $0xb8;
	[tilespmem:$0x15400] =	vst v63  }
0x170: {  	_ =	swait.ge [sflag:s14], $0x5000  }
0x171: {  	[sflag:s14] =	ssyncset.done $0x0  }
0x172: {  	[sflag:s14] =	ssyncadd.s32 $0xFFFFB000  }
0x173: {  	_ =	swait.ge [sflag:s13], $0x5000  }
0x174: {  	[sflag:s13] =	ssyncset.done $0x0  }
0x175: {  	s30 =	rddreg [dreg:$0x6];
	[sflag:s13] =	ssyncadd.s32 $0xFFFFB000  }
0x176: {  	[hbm4b:s30+s4] =	stream.strided.scatter [tilespmem:s6], [sflag:$0x6], $0x5000, s5, s4, $0x38;
	[tilespmem:$0x15400] =	vst v63  }
0x177: {  	s31 =	rddreg [dreg:$0x7]  }
0x178: {  	[hbm4b:s31+s4] =	stream.strided.scatter [tilespmem:s10], [sflag:$0x8], $0x5000, s5, s4, $0x38;
	[tilespmem:$0x15400] =	vst v63  }
0x179: {  	_ =	swait.ge [sflag:s11], $0x5000  }
0x17a: {  	[sflag:s11] =	ssyncset.done $0x0  }
0x17b: {  	[sflag:s11] =	ssyncadd.s32 $0xFFFFB000  }
0x17c: {  	_ =	swait.ge [sflag:s7], $0x5000  }
0x17d: {  	[sflag:s7] =	ssyncset.done $0x0  }
0x17e: {  	s1 =	rddreg [dreg:$0x15];
	[sflag:s7] =	ssyncadd.s32 $0xFFFFB000  }
0x17f: {  	[tilespmem:s15], [sflag:$0x1] =	stream.indirect.gather [hbm4b:s2+s9], $0x40, s1, s9, $0xb8;
	[tilespmem:$0x15400] =	vst v63  }
0x180: {  	s23 =	rddreg [dreg:$0x16]  }
0x181: {  	[tilespmem:s16], [sflag:$0x3] =	stream.indirect.gather [hbm4b:s3+s9], $0x40, s23, s9, $0xb8;
	[tilespmem:$0x15400] =	vst v63  }
0x182: {  	_ =	swait.ge [sflag:s18], $0x5000  }
0x183: {  	[sflag:s18] =	ssyncset.done $0x0  }
0x184: {  	[sflag:s18] =	ssyncadd.s32 $0xFFFFB000  }
0x185: {  	_ =	swait.ge [sflag:s17], $0x5000  }
0x186: {  	[sflag:s17] =	ssyncset.done $0x0  }
0x187: {  	s30 =	rddreg [dreg:$0x8];
	[sflag:s17] =	ssyncadd.s32 $0xFFFFB000  }
0x188: {  	[hbm4b:s30+s4] =	stream.strided.scatter [tilespmem:s15], [sflag:$0x5], $0x5000, s5, s4, $0x38;
	[tilespmem:$0x15400] =	vst v63  }
0x189: {  	s31 =	rddreg [dreg:$0x9]  }
0x18a: {  	[hbm4b:s31+s4] =	stream.strided.scatter [tilespmem:s16], [sflag:$0x7], $0x5000, s5, s4, $0x38;
	[tilespmem:$0x15400] =	vst v63  }
0x18b: {  	_ =	swait.ge [sflag:s12], $0x5000  }
0x18c: {  	[sflag:s12] =	ssyncset.done $0x0  }
0x18d: {  	[sflag:s12] =	ssyncadd.s32 $0xFFFFB000  }
0x18e: {  	_ =	swait.ge [sflag:s8], $0x5000  }
0x18f: {  	[sflag:s8] =	ssyncset.done $0x0  }
0x190: {  	s23 =	rddreg [dreg:$0x17];
	[sflag:s8] =	ssyncadd.s32 $0xFFFFB000  }
0x191: {  	[tilespmem:s6], [sflag:$0x2] =	stream.indirect.gather [hbm4b:s2+s9], $0x40, s23, s9, $0xb8;
	[tilespmem:$0x15400] =	vst v63  }
0x192: {  	_ = 	snop  }
0x193: {  	[tilespmem:s10], [sflag:$0x4] =	stream.indirect.gather [hbm4b:s3+s9], $0x40, s21, s9, $0xb8;
	[tilespmem:$0x15400] =	vst v63  }
0x194: {  	_ =	swait.ge [sflag:s14], $0x5000  }
0x195: {  	[sflag:s14] =	ssyncset.done $0x0  }
0x196: {  	[sflag:s14] =	ssyncadd.s32 $0xFFFFB000  }
0x197: {  	_ =	swait.ge [sflag:s13], $0x5000  }
0x198: {  	[sflag:s13] =	ssyncset.done $0x0  }
0x199: {  	s30 =	rddreg [dreg:$0xa];
	[sflag:s13] =	ssyncadd.s32 $0xFFFFB000  }
0x19a: {  	[hbm4b:s30+s4] =	stream.strided.scatter [tilespmem:s6], [sflag:$0x6], $0x5000, s5, s4, $0x38;
	[tilespmem:$0x15400] =	vst v63  }
0x19b: {  	s31 =	rddreg [dreg:$0xb]  }
0x19c: {  	[hbm4b:s31+s4] =	stream.strided.scatter [tilespmem:s10], [sflag:$0x8], $0x5000, s5, s4, $0x38;
	[tilespmem:$0x15400] =	vst v63  }
0x19d: {  	_ =	swait.ge [sflag:s11], $0x5000  }
0x19e: {  	[sflag:s11] =	ssyncset.done $0x0  }
0x19f: {  	[sflag:s11] =	ssyncadd.s32 $0xFFFFB000  }
0x1a0: {  	_ =	swait.ge [sflag:s7], $0x5000  }
0x1a1: {  	[sflag:s7] =	ssyncset.done $0x0  }
0x1a2: {  	[sflag:s7] =	ssyncadd.s32 $0xFFFFB000  }
0x1a3: {  	[tilespmem:s15], [sflag:$0x1] =	stream.indirect.gather [hbm4b:s2+s9], $0x40, s28, s9, $0xb8;
	[tilespmem:$0x15400] =	vst v63  }
0x1a4: {  	_ = 	snop  }
0x1a5: {  	[tilespmem:s16], [sflag:$0x3] =	stream.indirect.gather [hbm4b:s3+s9], $0x40, s29, s9, $0xb8;
	[tilespmem:$0x15400] =	vst v63  }
0x1a6: {  	_ =	swait.ge [sflag:s18], $0x5000  }
0x1a7: {  	[sflag:s18] =	ssyncset.done $0x0  }
0x1a8: {  	[sflag:s18] =	ssyncadd.s32 $0xFFFFB000  }
0x1a9: {  	_ =	swait.ge [sflag:s17], $0x5000  }
0x1aa: {  	[sflag:s17] =	ssyncset.done $0x0  }
0x1ab: {  	s1 =	rddreg [dreg:$0xc];
	[sflag:s17] =	ssyncadd.s32 $0xFFFFB000  }
0x1ac: {  	[hbm4b:s1+s4] =	stream.strided.scatter [tilespmem:s15], [sflag:$0x5], $0x5000, s5, s4, $0x38;
	[tilespmem:$0x15400] =	vst v63  }
0x1ad: {  	s21 =	rddreg [dreg:$0xd]  }
0x1ae: {  	[hbm4b:s21+s4] =	stream.strided.scatter [tilespmem:s16], [sflag:$0x7], $0x5000, s5, s4, $0x38;
	[tilespmem:$0x15400] =	vst v63  }
0x1af: {  	_ =	swait.ge [sflag:s12], $0x5000  }
0x1b0: {  	[sflag:s12] =	ssyncset.done $0x0  }
0x1b1: {  	[sflag:s12] =	ssyncadd.s32 $0xFFFFB000  }
0x1b2: {  	_ =	swait.ge [sflag:s8], $0x5000  }
0x1b3: {  	[sflag:s8] =	ssyncset.done $0x0  }
0x1b4: {  	[sflag:s8] =	ssyncadd.s32 $0xFFFFB000  }
0x1b5: {  	[tilespmem:s6], [sflag:$0x2] =	stream.indirect.gather [hbm4b:s2+s9], $0x40, s25, s9, $0xb8;
	[tilespmem:$0x15400] =	vst v63  }
0x1b6: {  	_ = 	snop  }
0x1b7: {  	[tilespmem:s10], [sflag:$0x4] =	stream.indirect.gather [hbm4b:s3+s9], $0x40, s26, s9, $0xb8;
	[tilespmem:$0x15400] =	vst v63  }
0x1b8: {  	_ =	swait.ge [sflag:s14], $0x5000  }
0x1b9: {  	[sflag:s14] =	ssyncset.done $0x0  }
0x1ba: {  	[sflag:s14] =	ssyncadd.s32 $0xFFFFB000  }
0x1bb: {  	_ =	swait.ge [sflag:s13], $0x5000  }
0x1bc: {  	[sflag:s13] =	ssyncset.done $0x0  }
0x1bd: {  	s23 =	rddreg [dreg:$0xe];
	[sflag:s13] =	ssyncadd.s32 $0xFFFFB000  }
0x1be: {  	[hbm4b:s23+s4] =	stream.strided.scatter [tilespmem:s6], [sflag:$0x6], $0x5000, s5, s4, $0x38;
	[tilespmem:$0x15400] =	vst v63  }
0x1bf: {  	s25 =	rddreg [dreg:$0xf]  }
0x1c0: {  	[hbm4b:s25+s4] =	stream.strided.scatter [tilespmem:s10], [sflag:$0x8], $0x5000, s5, s4, $0x38;
	[tilespmem:$0x15400] =	vst v63  }
0x1c1: {  	_ =	swait.ge [sflag:s11], $0x5000  }
0x1c2: {  	[sflag:s11] =	ssyncset.done $0x0  }
0x1c3: {  	[sflag:s11] =	ssyncadd.s32 $0xFFFFB000  }
0x1c4: {  	_ =	swait.ge [sflag:s7], $0x5000  }
0x1c5: {  	[sflag:s7] =	ssyncset.done $0x0  }
0x1c6: {  	[sflag:s7] =	ssyncadd.s32 $0xFFFFB000  }
0x1c7: {  	[tilespmem:s15], [sflag:$0x1] =	stream.indirect.gather [hbm4b:s2+s9], $0x40, s22, s9, $0xb8;
	[tilespmem:$0x15400] =	vst v63  }
0x1c8: {  	_ = 	snop  }
0x1c9: {  	[tilespmem:s16], [sflag:$0x3] =	stream.indirect.gather [hbm4b:s3+s9], $0x40, s24, s9, $0xb8;
	[tilespmem:$0x15400] =	vst v63  }
0x1ca: {  	_ =	swait.ge [sflag:s18], $0x5000  }
0x1cb: {  	[sflag:s18] =	ssyncset.done $0x0  }
0x1cc: {  	[sflag:s18] =	ssyncadd.s32 $0xFFFFB000  }
0x1cd: {  	_ =	swait.ge [sflag:s17], $0x5000  }
0x1ce: {  	[sflag:s17] =	ssyncset.done $0x0  }
0x1cf: {  	s26 =	rddreg [dreg:$0x10];
	[sflag:s17] =	ssyncadd.s32 $0xFFFFB000  }
0x1d0: {  	[hbm4b:s26+s4] =	stream.strided.scatter [tilespmem:s15], [sflag:$0x5], $0x5000, s5, s4, $0x38;
	[tilespmem:$0x15400] =	vst v63  }
0x1d1: {  	s28 =	rddreg [dreg:$0x11]  }
0x1d2: {  	[hbm4b:s28+s4] =	stream.strided.scatter [tilespmem:s16], [sflag:$0x7], $0x5000, s5, s4, $0x38;
	[tilespmem:$0x15400] =	vst v63  }
0x1d3: {  	_ =	swait.ge [sflag:s12], $0x5000  }
0x1d4: {  	[sflag:s12] =	ssyncset.done $0x0  }
0x1d5: {  	[sflag:s12] =	ssyncadd.s32 $0xFFFFB000  }
0x1d6: {  	_ =	swait.ge [sflag:s8], $0x5000  }
0x1d7: {  	[sflag:s8] =	ssyncset.done $0x0  }
0x1d8: {  	[sflag:s8] =	ssyncadd.s32 $0xFFFFB000  }
0x1d9: {  	[tilespmem:s6], [sflag:$0x2] =	stream.indirect.gather [hbm4b:s2+s9], $0x40, s20, s9, $0xb8;
	[tilespmem:$0x15400] =	vst v63  }
0x1da: {  	s29 =	simm.s32 $0x12C0  }
0x1db: {  	[tilespmem:s10], [sflag:$0x4] =	stream.indirect.gather [hbm4b:s3+s9], $0x40, s29, s9, $0xb8;
	[tilespmem:$0x15400] =	vst v63  }
0x1dc: {  	_ =	swait.ge [sflag:s14], $0x5000  }
0x1dd: {  	[sflag:s14] =	ssyncset.done $0x0  }
0x1de: {  	[sflag:s14] =	ssyncadd.s32 $0xFFFFB000  }
0x1df: {  	_ =	swait.ge [sflag:s13], $0x5000  }
0x1e0: {  	[sflag:s13] =	ssyncset.done $0x0  }
0x1e1: {  	s30 =	rddreg [dreg:$0x12];
	[sflag:s13] =	ssyncadd.s32 $0xFFFFB000  }
0x1e2: {  	[hbm4b:s30+s4] =	stream.strided.scatter [tilespmem:s6], [sflag:$0x6], $0x5000, s5, s4, $0x38;
	[tilespmem:$0x15400] =	vst v63  }
0x1e3: {  	s31 =	rddreg [dreg:$0x13]  }
0x1e4: {  	[hbm4b:s31+s4] =	stream.strided.scatter [tilespmem:s10], [sflag:$0x8], $0x5000, s5, s4, $0x38;
	[tilespmem:$0x15400] =	vst v63  }
0x1e5: {  	_ =	swait.ge [sflag:s11], $0x5000  }
0x1e6: {  	[sflag:s11] =	ssyncset.done $0x0  }
0x1e7: {  	[sflag:s11] =	ssyncadd.s32 $0xFFFFB000  }
0x1e8: {  	_ =	swait.ge [sflag:s7], $0x5000  }
0x1e9: {  	[sflag:s7] =	ssyncset.done $0x0  }
0x1ea: {  	[sflag:s7] =	ssyncadd.s32 $0xFFFFB000  }
0x1eb: {  	_ =	swait.ge [sflag:s12], $0x5000  }
0x1ec: {  	[sflag:s12] =	ssyncset.done $0x0  }
0x1ed: {  	[sflag:s12] =	ssyncadd.s32 $0xFFFFB000  }
0x1ee: {  	_ =	swait.ge [sflag:s8], $0x5000  }
0x1ef: {  	[sflag:s8] =	ssyncset.done $0x0  }
0x1f0: {  	[sflag:s8] =	ssyncadd.s32 $0xFFFFB000  }
0x1f1: {  	_ =	sfence.sel $0x180000  }
0x1f2: {  	[bflag:$0x0] =	sbarrier.arrive $0xFFFF  }
0x1f3: {  	_ =	strace $0x9000004D  }
0x1f4: {  	[bflag:$0x2] =	sbarrier.arrive $0xFFFF  }
0x1f5: {  	p0 =	sne.s32 s19, $0x0;
	s0 =	rddreg [dreg:$0x1]  }
0x1f6: {  	s0 =	sadd.s32 @!p0 $0x100000, s0  }
0x1f7: {  	[sflag:s0] =	ssyncadd.tile.s32 @!p0 $0x1;
	_ =	shalt  }
.LBB2_1:
.Ltmp3:
0x1f8: {  	(pc) =	sbr.rel .LBB2_6-.Ltmp3, $4  }
0x1f9: {  	_ = 	snop  }
0x1fa: {  	s21 =	simm.s32 $0xDC0;
	s29 =	simm.s32 $0xF00  }
0x1fb: {  	s28 =	simm.s32 $0x500;
	s26 =	simm.s32 $0x1040;
	s25 =	simm.s32 $0x640  }
0x1fc: {  	s24 =	simm.s32 $0x1180;
	s22 =	simm.s32 $0x780;
	s20 =	simm.s32 $0x8C0  }
.LBB2_3:
.Ltmp4:
0x1fd: {  	(pc) =	sbr.rel .LBB2_6-.Ltmp4, $4  }
0x1fe: {  	_ = 	snop  }
0x1ff: {  	s21 =	simm.s32 $0xDC0;
	s29 =	simm.s32 $0xF00;
	s28 =	simm.s32 $0x500  }
0x200: {  	s26 =	simm.s32 $0x1040;
	s25 =	simm.s32 $0x640;
	s24 =	simm.s32 $0x1180  }
0x201: {  	s22 =	simm.s32 $0x780;
	s20 =	simm.s32 $0x8C0;
	s19 =	stileid.u32  }
.Lfunc_end2:
_tile_overlayer_lowered:
.L_overlay_start_2:
0x202: {  	(tag) =	ssettag $0x2  }
0x203: {  	s0 =	rddreg [dreg:$0x0];
	s2 =	stileid.u32  }
0x204: {  	s1 =	rddreg [dreg:$0x1];
	p0 =	sne.s32 s2, $0x0  }
0x205: {  	s3 =	rddreg [dreg:$0x2];
	[bflag:$0x3] =	sbarrier.arrive $0xFFFF;
	s2 =	simm.s32 @!p0 $0x1C09  }
0x206: {  	[timem:s3], [sflag:s2] =	dma.local @!p0 [hbm:s0], s1  }
0x207: {  	s0 =	simm.s32 @!p0 $0x9  }
0x208: {  	_ =	swait.ge @!p0 [sflag:s0], s1  }
0x209: {  	s1 =	ssub.s32 @!p0 $0x0, s1;
	[sflag:s0] =	ssyncset.done @!p0 $0x0  }
0x20a: {  	[sflag:s0] =	ssyncadd.s32 @!p0 s1  }
0x20b: {  	[bflag:$0x3] =	sbarrier.arrive $0xFFFF  }
0x20c: {  	_ =	shalt  }

// kernel: kernel.19.cloned.1.call-start
scs
__scs_entry_jumppad:
0x0: {  	(pc) =	sbr.rel $0x88, $3  }
0x1: {  	(tag) =	ssettag $0x0;
	lr =	simm.s32 $0x1  }
0x2: {  	[smem:$0x3F94] =	sst lr;
	_ =	strace $0xD0000000  }
0x3: {  	_ = 	snop  }
0x4: {  	_ = 	snop  }
0x5: {  	_ = 	snop  }
0x6: {  	_ = 	snop  }
0x7: {  	_ = 	snop  }
__scs_overlays_trampoline_lowered:
0x8: {  	[smem:$0x3FA3] =	sst s0  }
0x9: {  	[smem:$0x3FA4] =	sst s1  }
0xa: {  	[smem:$0x3FA5] =	sst s2  }
0xb: {  	[smem:$0x3FA6] =	sst s3  }
0xc: {  	[smem:$0x3FA7] =	sst s4  }
0xd: {  	[smem:$0x3FA8] =	sst s5  }
0xe: {  	[smem:$0x3FA9] =	sst s6  }
0xf: {  	[smem:$0x3FAA] =	sst s7  }
0x10: {  	[smem:$0x3FAB] =	sst s8  }
0x11: {  	[smem:$0x3FAC] =	sst s9;
	s0 =	simm.s32 @!p0 $0x0  }
0x12: {  	s1 =	sld [smem:$0x3F92];
	s0 =	simm.s32 @p0 $0x1  }
0x13: {  	[smem:$0x3FAD] =	sst s0;
	s0 =	simm.s32 @!p1 $0x0  }
0x14: {  	s2 =	sld [smem:$0x3F91];
	s0 =	simm.s32 @p1 $0x1  }
0x15: {  	[smem:$0x3FAE] =	sst s0;
	s0 =	simm.s32 @!p2 $0x0  }
0x16: {  	s3 =	sld [smem:$0x3FDB];
	s0 =	simm.s32 @p2 $0x1  }
0x17: {  	s4 =	simm.s32 $0x1BF5;
	[smem:$0x3FB0] =	sst s0  }
0x18: {  	s0 =	sld [smem:$0x3F93];
	_ =	swait.ge [sflag:s4], $0x0  }
0x19: {  	s7 =	sld [smem:$0x3F94]  }
0x1a: {  	s8 =	sadd.s32 $0xFFFFE003, lr  }
0x1b: {  	s9 =	sadd.s32 $0xFFFFFEF7, lr;
	s5 =	simm.s32 $0xFFFFFFFF;
	p2 =	slt.u32 s8, $0xFFFFF086  }
0x1c: {  	p1 =	slt.u32 s9, $0xF7A;
	s5 =	simm.s32 @!p2 $0x0  }
0x1d: {  	s5 =	simm.s32 @p1 $0x1;
	p0 =	seq.s32 s7, s2  }
0x1e: {  	s7 =	smul.u32 @!p0 $0xF7A, s2;
	p2 =	seq.s32 @!p0 s5, $0x0  }
0x1f: {  	s9 =	smul.u32 $0xF7A, s1;
	s8 =	simm.s32 @!p0 $0x1BF5;
	p2 =	por !p2, p0  }
0x20: {  	[sflag:s8] =	ssyncset.s32 @!p0 $0xFFFFF086;
	s6 =	sadd.s32 @!p0 s3, s7;
	s7 =	simm.s32 @!p0 $0x108  }
0x21: {  	s3 =	sadd.s32 s3, s9;
	s6 =	sadd.s32 @!p0 $0x88, s6;
	s7 =	simm.s32 @p2 $0x1082  }
0x22: {  	[simem:s7], [sflag:s8] =	dma.local @!p0 [hbm:s6], $0xF7A  }
0x23: {  	s9 =	sor.u32 $0xD0000000, s2;
	s6 =	simm.s32 $0x108;
	_ =	swait.ge @!p0 [sflag:s8], $0x0  }
0x24: {  	s3 =	sadd.s32 $0x88, s3;
	s6 =	simm.s32 @!p1 $0x1082;
	[sflag:s4] =	ssyncset.s32 $0xFFFFF086  }
0x25: {  	[simem:s6], [sflag:s4] =	dma.local [hbm:s3], $0xF7A  }
0x26: {  	[smem:$0x3F94] =	sst s1;
	(tag) =	ssettag s2;
	_ =	strace s9  }
0x27: {  	s1 =	sld [smem:$0x3FA4]  }
0x28: {  	s2 =	sld [smem:$0x3FA5]  }
0x29: {  	s4 =	sld [smem:$0x3FA7]  }
0x2a: {  	p0 =	seq.s32 s5, $0x0;
	s5 =	sld [smem:$0x3FA8]  }
0x2b: {  	s6 =	sld [smem:$0x3FA9]  }
0x2c: {  	s7 =	sld [smem:$0x3FAA]  }
0x2d: {  	s3 =	simm.s32 $0x108;
	s8 =	sld [smem:$0x3FAB]  }
0x2e: {  	s3 =	simm.s32 @!p0 $0x1082;
	s9 =	sld [smem:$0x3FAC]  }
0x2f: {  	lr =	sadd.s32 s0, s3;
	s0 =	sld [smem:$0x3FA3]  }
0x30: {  	s3 =	sld [smem:$0x3FA6]  }
0x31: {  	[smem:$0x3FAF] =	sst s10  }
0x32: {  	s10 =	sld [smem:$0x3FAD];
	_ =	sdelay $0x3  }
0x33: {  	p0 =	seq.s32 s10, $0x1;
	s10 =	sld [smem:$0x3FAF];
	_ =	sdelay $0x3  }
0x34: {  	[smem:$0x3FAF] =	sst s10  }
0x35: {  	s10 =	sld [smem:$0x3FAE];
	_ =	sdelay $0x3  }
0x36: {  	p1 =	seq.s32 s10, $0x1;
	s10 =	sld [smem:$0x3FAF];
	_ =	sdelay $0x3  }
0x37: {  	[smem:$0x3FAF] =	sst s10  }
0x38: {  	s10 =	sld [smem:$0x3FB0]  }
0x39: {  	_ = 	snop;
	(pc) =	sbr.ind lr, $3  }
0x3a: {  	_ = 	snop  }
0x3b: {  	_ = 	snop  }
0x3c: {  	p2 =	seq.s32 s10, $0x1;
	s10 =	sld [smem:$0x3FAF]  }
0x3d: {  	_ =	shalt  }
0x3e: {  	_ =	shalt  }
0x3f: {  	_ =	shalt  }
0x40: {  	_ =	shalt  }
0x41: {  	_ =	shalt  }
0x42: {  	_ =	shalt  }
0x43: {  	_ =	shalt  }
0x44: {  	_ =	shalt  }
0x45: {  	_ =	shalt  }
0x46: {  	_ =	shalt  }
0x47: {  	_ =	shalt  }
0x48: {  	_ =	shalt  }
0x49: {  	_ =	shalt  }
0x4a: {  	_ =	shalt  }
0x4b: {  	_ =	shalt  }
0x4c: {  	_ =	shalt  }
0x4d: {  	_ =	shalt  }
0x4e: {  	_ =	shalt  }
0x4f: {  	_ =	shalt  }
0x50: {  	_ =	shalt  }
0x51: {  	_ =	shalt  }
0x52: {  	_ =	shalt  }
0x53: {  	_ =	shalt  }
0x54: {  	_ =	shalt  }
0x55: {  	_ =	shalt  }
0x56: {  	_ =	shalt  }
0x57: {  	_ =	shalt  }
0x58: {  	_ =	shalt  }
0x59: {  	_ =	shalt  }
0x5a: {  	_ =	shalt  }
0x5b: {  	_ =	shalt  }
0x5c: {  	_ =	shalt  }
0x5d: {  	_ =	shalt  }
0x5e: {  	_ =	shalt  }
0x5f: {  	_ =	shalt  }
0x60: {  	_ =	shalt  }
0x61: {  	_ =	shalt  }
0x62: {  	_ =	shalt  }
0x63: {  	_ =	shalt  }
0x64: {  	_ =	shalt  }
0x65: {  	_ =	shalt  }
0x66: {  	_ =	shalt  }
0x67: {  	_ =	shalt  }
0x68: {  	_ =	shalt  }
0x69: {  	_ =	shalt  }
0x6a: {  	_ =	shalt  }
0x6b: {  	_ =	shalt  }
0x6c: {  	_ =	shalt  }
0x6d: {  	_ =	shalt  }
0x6e: {  	_ =	shalt  }
0x6f: {  	_ =	shalt  }
0x70: {  	_ =	shalt  }
0x71: {  	_ =	shalt  }
0x72: {  	_ =	shalt  }
0x73: {  	_ =	shalt  }
0x74: {  	_ =	shalt  }
0x75: {  	_ =	shalt  }
0x76: {  	_ =	shalt  }
0x77: {  	_ =	shalt  }
0x78: {  	_ =	shalt  }
0x79: {  	_ =	shalt  }
0x7a: {  	_ =	shalt  }
0x7b: {  	_ =	shalt  }
0x7c: {  	_ =	shalt  }
0x7d: {  	_ =	shalt  }
0x7e: {  	_ =	shalt  }
0x7f: {  	_ =	shalt  }
0x80: {  	_ =	shalt  }
0x81: {  	_ =	shalt  }
0x82: {  	_ =	shalt  }
0x83: {  	_ =	shalt  }
0x84: {  	_ =	shalt  }
0x85: {  	_ =	shalt  }
0x86: {  	_ =	shalt  }
0x87: {  	_ =	shalt  }
.Lfunc_end0:
.L_simem_size_0:
called_computation.3_lowered:
.L_overlay_start_0:
0x88: {  	s2 =	sld [smem:$0x3FD9]  }
0x89: {  	s3 =	sld [smem:$0x3FFE];
	_ =	sdelay $0x1  }
0x8a: {  	s1 =	srdreg.scid  }
0x8b: {  	s0 =	sand.u32 $0x1, s1  }
0x8c: {  	s17 =	sshll.u32 s0, $0xA;
	s2 =	sadd.s32 s3, s2  }
0x8d: {  	s2 =	sadd.s32 s2, s17  }
0x8e: {  	[smem:$0x3FBB] =	sst s2  }
0x8f: {  	_ = 	snop  }
0x90: {  	(tm) =	ssettm $0x1  }
0x91: {  	s18 =	sld [smem:$0x3FFB];
	_ =	sdelay $0x3  }
0x92: {  	_ =	strace s18  }
0x93: {  	s2 =	sld [smem:$0x3FFC];
	_ =	sdelay $0x3  }
0x94: {  	_ =	strace s2  }
0x95: {  	s2 =	sld [smem:$0x3FFD];
	_ =	sdelay $0x3  }
0x96: {  	_ =	strace s2  }
0x97: {  	_ =	strace $0x8FFFFFFF  }
0x98: {  	s19 =	sld [smem:$0x3FDB];
	_ =	sdelay $0x1  }
0x99: {  	s20 =	simm.s32 $_scs_section_size  }
0x9a: {  	s4 =	simm.s32 $_size__tile_overlayer_lowered;
	s5 =	simm.s32 $_tile_overlayer_lowered  }
0x9b: {  	s6 =	simm.s32 $0x1BFF;
	s21 =	sshll.u32 s5, $0x1;
	s3 =	sadd.s32 s20, s19  }
0x9c: {  	s22 =	simm.s32 $0x0;
	s4 =	sshll.u32 s4, $0x1;
	s5 =	sadd.s32 s21, s3  }
0x9d: {  	[timem:s22], [sflag:s6] =	dma.local [hbm:s5], s4  }
0x9e: {  	_ =	swait.ge [sflag:s6], s4  }
0x9f: {  	s4 =	ssub.s32 $0x0, s4;
	[sflag:s6] =	ssyncset.done $0x0  }
0xa0: {  	[sflag:s6] =	ssyncadd.s32 s4;
	_ =	sdelay $0x1  }
0xa1: {  	s23 =	simm.s32 $0x1B8B  }
0xa2: {  	_ =	swait.ge [sflag:s23], $0x1  }
0xa3: {  	[sflag:s23] =	ssyncset.done $0x0  }
0xa4: {  	[sflag:s23] =	ssyncadd.s32 $0xFFFFFFFF  }
0xa5: {  	s4 =	sld [smem:$0x0]  }
0xa6: {  	s5 =	sand.u32 $0xFFFFFFFE, s1  }
0xa7: {  	p0 =	sne.s32 s1, s5  }
0xa8: {  	s5 =	sshll.u32 @p0 s5, $0xE  }
0xa9: {  	s5 =	sadd.s32 @p0 $0x11B8D, s5;
	s6 =	sshll.u32 @p0 s4, $0x11  }
0xaa: {  	s5 =	sor.u32 @p0 s6, s5  }
0xab: {  	[sflag:s5] =	ssyncadd.remote.s32 @p0 $0x1;
	_ =	sdelay $0x1  }
0xac: {  	s5 =	simm.s32 @p0 $0x1B8D  }
0xad: {  	_ =	swait.eq @p0 [sflag:s5], $0x1  }
0xae: {  	[sflag:s5] =	ssyncadd.s32 @p0 $0xFFFFFFFF  }
0xaf: {  	s6 =	sshll.u32 @!p0 s1, $0xE  }
0xb0: {  	s6 =	sor.u32 @!p0 $0x4000, s6;
	s5 =	simm.s32 @!p0 $0x1B8D  }
0xb1: {  	s4 =	sshll.u32 @!p0 s4, $0x11;
	s6 =	sadd.s32 @!p0 $0x11B8D, s6;
	_ =	swait.eq @!p0 [sflag:s5], $0x1  }
0xb2: {  	s4 =	sor.u32 @!p0 s4, s6;
	[sflag:s5] =	ssyncadd.s32 @!p0 $0xFFFFFFFF  }
0xb3: {  	s25 =	simm.s32 $0x1B8E;
	s24 =	sld [smem:$0x3FFE];
	[sflag:s4] =	ssyncadd.remote.s32 @!p0 $0x1  }
0xb4: {  	s26 =	simm.s32 $execute0_lowered;
	[smem:$0x3FD2] =	sst s25  }
0xb5: {  	s5 =	sshll.u32 s26, $0x1;
	_ =	strace $0x8000004F;
	[dreg:$0x1] =	wrdreg $0xFFFFFFFF  }
0xb6: {  	s28 =	simm.s32 $_size_execute0_lowered;
	s3 =	sadd.s32 s3, s5;
	[dreg:$0x0] =	wrdreg $0x0  }
0xb7: {  	s5 =	sshll.u32 s28, $0x1;
	[dreg:$0x2] =	wrdreg s3  }
0xb8: {  	[dreg:$0x3] =	wrdreg s5  }
0xb9: {  	[dreg:$0x4] =	wrdreg $0xC0  }
0xba: {  	_ =	task [dreg:s22], $0x5FFFF  }
0xbb: {  	[dreg:$0x1] =	wrdreg $0xFFFFFFFF  }
0xbc: {  	[dreg:$0x0] =	wrdreg $0x60  }
0xbd: {  	[dreg:$0x2] =	wrdreg s24  }
0xbe: {  	[dreg:$0x3] =	wrdreg $0xC  }
0xbf: {  	_ =	task.clear_ibuf [dreg:s22], $0x4FFFF;
	_ =	strace $0x9000004F  }
0xc0: {  	s29 =	simm.s32 $0xC;
	_ =	strace $0x80000051  }
0xc1: {  	_ =	swait.ge [sflag:s29], $0x1  }
0xc2: {  	[sflag:s29] =	ssyncadd.s32 $0xFFFFFFFF  }
0xc3: {  	_ =	strace $0x90000051  }
0xc4: {  	_ =	sfence  }
0xc5: {  	s30 =	sld [smem:$0x0];
	_ =	sdelay $0x2  }
0xc6: {  	s31 =	sshll.u32 s1, $0xD;
	s1 =	sshrl.u32 s1, $0x2  }
0xc7: {  	s4 =	sand.u32 $0x4000, s31;
	s1 =	sadd.s32 s1, s30  }
0xc8: {  	s0 =	sor.u32 s4, s0;
	s1 =	sshll.u32 s1, $0x11  }
0xc9: {  	s0 =	sor.u32 s1, s0  }
0xca: {  	s0 =	sadd.s32 $0x8F2B, s0  }
0xcb: {  	[sflag:s0] =	ssyncadd.remote.s32 $0x1  }
0xcc: {  	_ =	sfence.sel $0xFFFF  }
0xcd: {  	[dreg:$0x0] =	wrdreg $0xFFFFFFFF;
	(pc) =	sbr.abs _section_cstart, $3  }
0xce: {  	[dreg:$0x1] =	wrdreg $0xFFFFFFFF  }
0xcf: {  	_ =	task.clear_ibuf [dreg:s22], $0x2FFFF;
	_ =	strace $0x9FFFFFFF  }
0xd0: {  	(tm) =	ssettm $0x7FFFFFFF  }
0xd1: {  	_ =	shalt  }
tec
execute0_lowered:
.L_overlay_start_1:
0x0: {  	(tag) =	ssettag $0x1  }
0x1: {  	s0 =	srdreg.scid;
	s19 =	stileid.u32  }
0x2: {  	s3 =	rddreg [dreg:$0x0];
	s23 =	simm.s32 $0x0;
	s31 =	simm.s32 $0x9  }
0x3: {  	s30 =	simm.s32 $0xA00;
	s0 =	sand.u32 $0x1, s0;
	s1 =	sshll.u32 s19, $0x1  }
0x4: {  	s28 =	simm.s32 $0xDC0;
	s29 =	simm.s32 $0xF00;
	s1 =	sor.u32 s0, s1  }
0x5: {  	p0 =	por $0x0, $0x0;
	s5 =	sadd.s32 $0x55CC00, s3;
	s2 =	smul.u32 $0x140, s1  }
0x6: {  	[smem:$0x7FF] =	sst s23;
	s22 =	sadd.s32 $0x55CC08, s3;
	s1 =	smul.u32 $0xA000, s1  }
0x7: {  	_ =	strace $0x80000050;
	s0 =	ssub.s32 $0x2, s0;
	s2 =	sadd.s32 s2, s3  }
0x8: {  	s24 =	sadd.s32 s5, s1;
	s25 =	sadd.s32 s1, s22;
	s6 =	sor.u32 $0x1400, s1  }
0x9: {  	s8 =	sadd.s32 $0x2800, s1;
	s12 =	sadd.s32 $0x5000, s1;
	[dreg:$0x4] =	wrdreg s24  }
0xa: {  	s15 =	sadd.s32 $0x6400, s1;
	s4 =	sadd.s32 $0x19A400, s2;
	[dreg:$0x5] =	wrdreg s25  }
0xb: {  	s18 =	sadd.s32 $0x7800, s1;
	s2 =	sadd.s32 $0x192C00, s2;
	[dreg:$0x2] =	wrdreg s4  }
0xc: {  	s26 =	sadd.s32 s5, s6;
	s7 =	sadd.s32 s6, s22;
	[dreg:$0x3] =	wrdreg s2  }
0xd: {  	s9 =	sadd.s32 s5, s8;
	s6 =	sadd.s32 s8, s22;
	[dreg:$0x6] =	wrdreg s26  }
0xe: {  	s13 =	sadd.s32 s5, s12;
	s14 =	sadd.s32 s12, s22;
	[dreg:$0x7] =	wrdreg s7  }
0xf: {  	s16 =	sadd.s32 s5, s15;
	s17 =	sadd.s32 s15, s22;
	[dreg:$0x8] =	wrdreg s9  }
0x10: {  	s8 =	sshrl.u32 s0, $0x1;
	s20 =	sadd.s32 s5, s18;
	[dreg:$0x9] =	wrdreg s6  }
0x11: {  	s21 =	sadd.s32 s18, s22;
	s15 =	simm.s32 $0x1400;
	[dreg:$0xc] =	wrdreg s13  }
0x12: {  	s18 =	simm.s32 $0x1;
	s24 =	simm.s32 $0x280;
	[dreg:$0xd] =	wrdreg s14  }
0x13: {  	s25 =	simm.s32 $0xC80;
	s12 =	simm.s32 $0x6;
	[dreg:$0xe] =	wrdreg s16  }
0x14: {  	s7 =	sadd.s32 $0x3C00, s1;
	s2 =	sadd.s32 $0xC7E00, s3;
	[dreg:$0xf] =	wrdreg s17  }
0x15: {  	s3 =	sadd.s32 $0x4800, s3;
	[dreg:$0x10] =	wrdreg s20;
	s1 =	sadd.s32 $0x8C00, s1  }
0x16: {  	s0 =	ssub.s32 s0, s8;
	[dreg:$0x11] =	wrdreg s21;
	s9 =	simm.s32 $0x140  }
0x17: {  	s16 =	simm.s32 $0xB400;
	s17 =	simm.s32 $0x3;
	s4 =	simm.s32 $0x40  }
0x18: {  	s6 =	simm.s32 $0x6400;
	s14 =	simm.s32 $0x2;
	[dreg:$0x15] =	wrdreg s24  }
0x19: {  	s13 =	simm.s32 $0x4;
	[dreg:$0x16] =	wrdreg s25;
	s26 =	simm.s32 $0x3C0  }
0x1a: {  	s8 =	simm.s32 $0x8;
	s25 =	simm.s32 $0x640;
	s24 =	simm.s32 $0x1180  }
0x1b: {  	s20 =	simm.s32 $0x8C0;
	s21 =	simm.s32 $0x12C0;
	s10 =	sadd.s32 s5, s7  }
0x1c: {  	s11 =	sadd.s32 s7, s22;
	s0 =	smax.u32 s0, $0x1;
	[dreg:$0x17] =	wrdreg s26  }
0x1d: {  	s5 =	sadd.s32 s5, s1;
	[dreg:$0xa] =	wrdreg s10;
	p1 =	sne.s32 s0, $0x1  }
.Ltmp0:
0x1e: {  	s1 =	sadd.s32 s1, s22;
	[dreg:$0xb] =	wrdreg s11;
	(pc) =	sbr.rel @!p1 .LBB2_1-.Ltmp0, $4  }
0x1f: {  	s22 =	simm.s32 $0xB40;
	s7 =	simm.s32 $0x7;
	[dreg:$0x12] =	wrdreg s5  }
0x20: {  	s26 =	simm.s32 $0x1040;
	[dreg:$0x13] =	wrdreg s1;
	s5 =	simm.s32 $0x80  }
0x21: {  	[dreg:$0x14] =	wrdreg s22;
	s10 =	simm.s32 $0x10400;
	s11 =	simm.s32 $0x5  }
0x22: {  	s1 =	sadd.s32 $0xFFFFFFFF, s0;
	s22 =	simm.s32 $0x780;
	s0 =	rddreg [dreg:$0x2]  }
0x23: {  	[tilespmem:s23], [sflag:$0x9] =	stream.linear.gather [hbm4b:s0+s23], $0xA00, $0x38;
	[tilespmem:$0x15400] =	vst v63  }
0x24: {  	_ =	swait.ge [sflag:s31], $0xA00  }
0x25: {  	[sflag:s31] =	ssyncset.done $0x0  }
0x26: {  	s19 =	rddreg [dreg:$0x3];
	[sflag:s31] =	ssyncadd.s32 $0xFFFFF600  }
0x27: {  	[tilespmem:s30], [sflag:$0x9] =	stream.linear.gather [hbm4b:s19+s23], $0xA00, $0x38;
	[tilespmem:$0x15400] =	vst v63  }
0x28: {  	_ =	swait.ge [sflag:s31], $0xA00  }
0x29: {  	[sflag:s31] =	ssyncset.done $0x0  }
0x2a: {  	[sflag:s31] =	ssyncadd.s32 $0xFFFFF600  }
0x2b: {  	[tilespmem:s15], [sflag:$0x1] =	stream.indirect.gather [hbm4b:s2+s9], $0x40, s23, s9, $0xb8;
	[tilespmem:$0x15400] =	vst v63  }
0x2c: {  	_ = 	snop  }
0x2d: {  	[tilespmem:s16], [sflag:$0x3] =	stream.indirect.gather [hbm4b:s3+s9], $0x40, s30, s9, $0xb8;
	[tilespmem:$0x15400] =	vst v63  }
0x2e: {  	_ =	swait.ge [sflag:s18], $0x5000  }
0x2f: {  	[sflag:s18] =	ssyncset.done $0x0  }
0x30: {  	[sflag:s18] =	ssyncadd.s32 $0xFFFFB000  }
0x31: {  	_ =	swait.ge [sflag:s17], $0x5000  }
0x32: {  	[sflag:s17] =	ssyncset.done $0x0  }
0x33: {  	s0 =	rddreg [dreg:$0x4];
	[sflag:s17] =	ssyncadd.s32 $0xFFFFB000  }
0x34: {  	[hbm4b:s0+s4] =	stream.strided.scatter [tilespmem:s15], [sflag:$0x5], $0x5000, s5, s4, $0x38;
	[tilespmem:$0x15400] =	vst v63  }
0x35: {  	s19 =	smov.u32 s1;
	s1 =	rddreg [dreg:$0x5]  }
0x36: {  	[hbm4b:s1+s4] =	stream.strided.scatter [tilespmem:s16], [sflag:$0x7], $0x5000, s5, s4, $0x38;
	[tilespmem:$0x15400] =	vst v63  }
0x37: {  	_ = 	snop  }
0x38: {  	[tilespmem:s6], [sflag:$0x2] =	stream.indirect.gather [hbm4b:s2+s9], $0x40, s9, s9, $0xb8;
	[tilespmem:$0x15400] =	vst v63  }
0x39: {  	s1 =	rddreg [dreg:$0x14]  }
0x3a: {  	[tilespmem:s10], [sflag:$0x4] =	stream.indirect.gather [hbm4b:s3+s9], $0x40, s1, s9, $0xb8;
	[tilespmem:$0x15400] =	vst v63  }
0x3b: {  	_ =	swait.ge [sflag:s14], $0x5000  }
0x3c: {  	[sflag:s14] =	ssyncset.done $0x0  }
0x3d: {  	[sflag:s14] =	ssyncadd.s32 $0xFFFFB000  }
0x3e: {  	_ =	swait.ge [sflag:s13], $0x5000  }
0x3f: {  	[sflag:s13] =	ssyncset.done $0x0  }
0x40: {  	s0 =	rddreg [dreg:$0x6];
	[sflag:s13] =	ssyncadd.s32 $0xFFFFB000  }
0x41: {  	[hbm4b:s0+s4] =	stream.strided.scatter [tilespmem:s6], [sflag:$0x6], $0x5000, s5, s4, $0x38;
	[tilespmem:$0x15400] =	vst v63  }
0x42: {  	s1 =	rddreg [dreg:$0x7]  }
0x43: {  	[hbm4b:s1+s4] =	stream.strided.scatter [tilespmem:s10], [sflag:$0x8], $0x5000, s5, s4, $0x38;
	[tilespmem:$0x15400] =	vst v63  }
0x44: {  	_ =	swait.ge [sflag:s11], $0x5000  }
0x45: {  	[sflag:s11] =	ssyncset.done $0x0  }
0x46: {  	[sflag:s11] =	ssyncadd.s32 $0xFFFFB000  }
0x47: {  	_ =	swait.ge [sflag:s7], $0x5000  }
0x48: {  	[sflag:s7] =	ssyncset.done $0x0  }
0x49: {  	s0 =	rddreg [dreg:$0x15];
	[sflag:s7] =	ssyncadd.s32 $0xFFFFB000  }
0x4a: {  	[tilespmem:s15], [sflag:$0x1] =	stream.indirect.gather [hbm4b:s2+s9], $0x40, s0, s9, $0xb8;
	[tilespmem:$0x15400] =	vst v63  }
0x4b: {  	s1 =	rddreg [dreg:$0x16]  }
0x4c: {  	[tilespmem:s16], [sflag:$0x3] =	stream.indirect.gather [hbm4b:s3+s9], $0x40, s1, s9, $0xb8;
	[tilespmem:$0x15400] =	vst v63  }
0x4d: {  	_ =	swait.ge [sflag:s18], $0x5000  }
0x4e: {  	[sflag:s18] =	ssyncset.done $0x0  }
0x4f: {  	[sflag:s18] =	ssyncadd.s32 $0xFFFFB000  }
0x50: {  	_ =	swait.ge [sflag:s17], $0x5000  }
0x51: {  	[sflag:s17] =	ssyncset.done $0x0  }
0x52: {  	s0 =	rddreg [dreg:$0x8];
	[sflag:s17] =	ssyncadd.s32 $0xFFFFB000  }
0x53: {  	[hbm4b:s0+s4] =	stream.strided.scatter [tilespmem:s15], [sflag:$0x5], $0x5000, s5, s4, $0x38;
	[tilespmem:$0x15400] =	vst v63  }
0x54: {  	s1 =	rddreg [dreg:$0x9]  }
0x55: {  	[hbm4b:s1+s4] =	stream.strided.scatter [tilespmem:s16], [sflag:$0x7], $0x5000, s5, s4, $0x38;
	[tilespmem:$0x15400] =	vst v63  }
0x56: {  	_ =	swait.ge [sflag:s12], $0x5000  }
0x57: {  	[sflag:s12] =	ssyncset.done $0x0  }
0x58: {  	[sflag:s12] =	ssyncadd.s32 $0xFFFFB000  }
0x59: {  	_ =	swait.ge [sflag:s8], $0x5000  }
0x5a: {  	[sflag:s8] =	ssyncset.done $0x0  }
0x5b: {  	s1 =	rddreg [dreg:$0x17];
	[sflag:s8] =	ssyncadd.s32 $0xFFFFB000  }
0x5c: {  	[tilespmem:s6], [sflag:$0x2] =	stream.indirect.gather [hbm4b:s2+s9], $0x40, s1, s9, $0xb8;
	[tilespmem:$0x15400] =	vst v63  }
0x5d: {  	_ = 	snop  }
0x5e: {  	[tilespmem:s10], [sflag:$0x4] =	stream.indirect.gather [hbm4b:s3+s9], $0x40, s28, s9, $0xb8;
	[tilespmem:$0x15400] =	vst v63  }
0x5f: {  	_ =	swait.ge [sflag:s14], $0x5000  }
0x60: {  	[sflag:s14] =	ssyncset.done $0x0  }
0x61: {  	[sflag:s14] =	ssyncadd.s32 $0xFFFFB000  }
0x62: {  	_ =	swait.ge [sflag:s13], $0x5000  }
0x63: {  	[sflag:s13] =	ssyncset.done $0x0  }
0x64: {  	s0 =	rddreg [dreg:$0xa];
	[sflag:s13] =	ssyncadd.s32 $0xFFFFB000  }
0x65: {  	[hbm4b:s0+s4] =	stream.strided.scatter [tilespmem:s6], [sflag:$0x6], $0x5000, s5, s4, $0x38;
	[tilespmem:$0x15400] =	vst v63  }
0x66: {  	s1 =	rddreg [dreg:$0xb]  }
0x67: {  	[hbm4b:s1+s4] =	stream.strided.scatter [tilespmem:s10], [sflag:$0x8], $0x5000, s5, s4, $0x38;
	[tilespmem:$0x15400] =	vst v63  }
0x68: {  	_ =	swait.ge [sflag:s11], $0x5000  }
0x69: {  	[sflag:s11] =	ssyncset.done $0x0  }
0x6a: {  	[sflag:s11] =	ssyncadd.s32 $0xFFFFB000  }
0x6b: {  	_ =	swait.ge [sflag:s7], $0x5000  }
0x6c: {  	[sflag:s7] =	ssyncset.done $0x0  }
0x6d: {  	s1 =	simm.s32 $0x500;
	[sflag:s7] =	ssyncadd.s32 $0xFFFFB000  }
0x6e: {  	[tilespmem:s15], [sflag:$0x1] =	stream.indirect.gather [hbm4b:s2+s9], $0x40, s1, s9, $0xb8;
	[tilespmem:$0x15400] =	vst v63  }
0x6f: {  	_ = 	snop  }
0x70: {  	[tilespmem:s16], [sflag:$0x3] =	stream.indirect.gather [hbm4b:s3+s9], $0x40, s29, s9, $0xb8;
	[tilespmem:$0x15400] =	vst v63  }
0x71: {  	_ =	swait.ge [sflag:s18], $0x5000  }
0x72: {  	[sflag:s18] =	ssyncset.done $0x0  }
0x73: {  	[sflag:s18] =	ssyncadd.s32 $0xFFFFB000  }
0x74: {  	_ =	swait.ge [sflag:s17], $0x5000  }
0x75: {  	[sflag:s17] =	ssyncset.done $0x0  }
0x76: {  	s0 =	rddreg [dreg:$0xc];
	[sflag:s17] =	ssyncadd.s32 $0xFFFFB000  }
0x77: {  	[hbm4b:s0+s4] =	stream.strided.scatter [tilespmem:s15], [sflag:$0x5], $0x5000, s5, s4, $0x38;
	[tilespmem:$0x15400] =	vst v63  }
0x78: {  	s1 =	rddreg [dreg:$0xd]  }
0x79: {  	[hbm4b:s1+s4] =	stream.strided.scatter [tilespmem:s16], [sflag:$0x7], $0x5000, s5, s4, $0x38;
	[tilespmem:$0x15400] =	vst v63  }
0x7a: {  	_ =	swait.ge [sflag:s12], $0x5000  }
0x7b: {  	[sflag:s12] =	ssyncset.done $0x0  }
0x7c: {  	[sflag:s12] =	ssyncadd.s32 $0xFFFFB000  }
0x7d: {  	_ =	swait.ge [sflag:s8], $0x5000  }
0x7e: {  	[sflag:s8] =	ssyncset.done $0x0  }
0x7f: {  	[sflag:s8] =	ssyncadd.s32 $0xFFFFB000  }
0x80: {  	[tilespmem:s6], [sflag:$0x2] =	stream.indirect.gather [hbm4b:s2+s9], $0x40, s25, s9, $0xb8;
	[tilespmem:$0x15400] =	vst v63  }
0x81: {  	_ = 	snop  }
0x82: {  	[tilespmem:s10], [sflag:$0x4] =	stream.indirect.gather [hbm4b:s3+s9], $0x40, s26, s9, $0xb8;
	[tilespmem:$0x15400] =	vst v63  }
0x83: {  	_ =	swait.ge [sflag:s14], $0x5000  }
0x84: {  	[sflag:s14] =	ssyncset.done $0x0  }
0x85: {  	[sflag:s14] =	ssyncadd.s32 $0xFFFFB000  }
0x86: {  	_ =	swait.ge [sflag:s13], $0x5000  }
0x87: {  	[sflag:s13] =	ssyncset.done $0x0  }
0x88: {  	s0 =	rddreg [dreg:$0xe];
	[sflag:s13] =	ssyncadd.s32 $0xFFFFB000  }
0x89: {  	[hbm4b:s0+s4] =	stream.strided.scatter [tilespmem:s6], [sflag:$0x6], $0x5000, s5, s4, $0x38;
	[tilespmem:$0x15400] =	vst v63  }
0x8a: {  	s1 =	rddreg [dreg:$0xf]  }
0x8b: {  	[hbm4b:s1+s4] =	stream.strided.scatter [tilespmem:s10], [sflag:$0x8], $0x5000, s5, s4, $0x38;
	[tilespmem:$0x15400] =	vst v63  }
0x8c: {  	_ =	swait.ge [sflag:s11], $0x5000  }
0x8d: {  	[sflag:s11] =	ssyncset.done $0x0  }
0x8e: {  	[sflag:s11] =	ssyncadd.s32 $0xFFFFB000  }
0x8f: {  	_ =	swait.ge [sflag:s7], $0x5000  }
0x90: {  	[sflag:s7] =	ssyncset.done $0x0  }
0x91: {  	[sflag:s7] =	ssyncadd.s32 $0xFFFFB000  }
0x92: {  	[tilespmem:s15], [sflag:$0x1] =	stream.indirect.gather [hbm4b:s2+s9], $0x40, s22, s9, $0xb8;
	[tilespmem:$0x15400] =	vst v63  }
0x93: {  	_ = 	snop  }
0x94: {  	[tilespmem:s16], [sflag:$0x3] =	stream.indirect.gather [hbm4b:s3+s9], $0x40, s24, s9, $0xb8;
	[tilespmem:$0x15400] =	vst v63  }
0x95: {  	_ =	swait.ge [sflag:s18], $0x5000  }
0x96: {  	[sflag:s18] =	ssyncset.done $0x0  }
0x97: {  	[sflag:s18] =	ssyncadd.s32 $0xFFFFB000  }
0x98: {  	_ =	swait.ge [sflag:s17], $0x5000  }
0x99: {  	[sflag:s17] =	ssyncset.done $0x0  }
0x9a: {  	s0 =	rddreg [dreg:$0x10];
	[sflag:s17] =	ssyncadd.s32 $0xFFFFB000  }
0x9b: {  	[hbm4b:s0+s4] =	stream.strided.scatter [tilespmem:s15], [sflag:$0x5], $0x5000, s5, s4, $0x38;
	[tilespmem:$0x15400] =	vst v63  }
0x9c: {  	s1 =	rddreg [dreg:$0x11]  }
0x9d: {  	[hbm4b:s1+s4] =	stream.strided.scatter [tilespmem:s16], [sflag:$0x7], $0x5000, s5, s4, $0x38;
	[tilespmem:$0x15400] =	vst v63  }
0x9e: {  	_ =	swait.ge [sflag:s12], $0x5000  }
0x9f: {  	[sflag:s12] =	ssyncset.done $0x0  }
0xa0: {  	[sflag:s12] =	ssyncadd.s32 $0xFFFFB000  }
0xa1: {  	_ =	swait.ge [sflag:s8], $0x5000  }
0xa2: {  	[sflag:s8] =	ssyncset.done $0x0  }
0xa3: {  	[sflag:s8] =	ssyncadd.s32 $0xFFFFB000  }
0xa4: {  	[tilespmem:s6], [sflag:$0x2] =	stream.indirect.gather [hbm4b:s2+s9], $0x40, s20, s9, $0xb8;
	[tilespmem:$0x15400] =	vst v63  }
0xa5: {  	_ = 	snop  }
0xa6: {  	[tilespmem:s10], [sflag:$0x4] =	stream.indirect.gather [hbm4b:s3+s9], $0x40, s21, s9, $0xb8;
	[tilespmem:$0x15400] =	vst v63  }
0xa7: {  	_ =	swait.ge [sflag:s14], $0x5000  }
0xa8: {  	[sflag:s14] =	ssyncset.done $0x0  }
0xa9: {  	[sflag:s14] =	ssyncadd.s32 $0xFFFFB000  }
0xaa: {  	_ =	swait.ge [sflag:s13], $0x5000  }
0xab: {  	[sflag:s13] =	ssyncset.done $0x0  }
0xac: {  	s0 =	rddreg [dreg:$0x12];
	[sflag:s13] =	ssyncadd.s32 $0xFFFFB000  }
0xad: {  	[hbm4b:s0+s4] =	stream.strided.scatter [tilespmem:s6], [sflag:$0x6], $0x5000, s5, s4, $0x38;
	[tilespmem:$0x15400] =	vst v63  }
0xae: {  	s1 =	rddreg [dreg:$0x13]  }
0xaf: {  	[hbm4b:s1+s4] =	stream.strided.scatter [tilespmem:s10], [sflag:$0x8], $0x5000, s5, s4, $0x38;
	[tilespmem:$0x15400] =	vst v63  }
0xb0: {  	_ =	swait.ge [sflag:s11], $0x5000  }
0xb1: {  	[sflag:s11] =	ssyncset.done $0x0  }
0xb2: {  	[sflag:s11] =	ssyncadd.s32 $0xFFFFB000  }
0xb3: {  	_ =	swait.ge [sflag:s7], $0x5000  }
0xb4: {  	[sflag:s7] =	ssyncset.done $0x0  }
0xb5: {  	p1 =	sne.s32 s19, $0x1;
	[sflag:s7] =	ssyncadd.s32 $0xFFFFB000  }
.Ltmp1:
0xb6: {  	_ =	swait.ge [sflag:s12], $0x5000;
	(pc) =	sbr.rel @!p1 .LBB2_3-.Ltmp1, $4  }
0xb7: {  	[sflag:s12] =	ssyncset.done $0x0  }
0xb8: {  	[sflag:s12] =	ssyncadd.s32 $0xFFFFB000  }
0xb9: {  	p0 =	por $0x1, $0x1;
	_ =	swait.ge [sflag:s8], $0x5000  }
0xba: {  	s1 =	sadd.s32 $0xFFFFFFFF, s19;
	s0 =	rddreg [dreg:$0x2];
	[sflag:s8] =	ssyncset.done $0x0  }
.LBB2_4:
0xbb: {  	[sflag:s8] =	ssyncadd.s32 $0xFFFFB000  }
0xbc: {  	[tilespmem:s23], [sflag:$0x9] =	stream.linear.gather [hbm4b:s0+s23], $0xA00, $0x38;
	[tilespmem:$0x15400] =	vst v63  }
0xbd: {  	_ =	swait.ge [sflag:s31], $0xA00  }
0xbe: {  	[sflag:s31] =	ssyncset.done $0x0  }
0xbf: {  	s19 =	rddreg [dreg:$0x3];
	[sflag:s31] =	ssyncadd.s32 $0xFFFFF600  }
0xc0: {  	[tilespmem:s30], [sflag:$0x9] =	stream.linear.gather [hbm4b:s19+s23], $0xA00, $0x38;
	[tilespmem:$0x15400] =	vst v63  }
0xc1: {  	_ =	swait.ge [sflag:s31], $0xA00  }
0xc2: {  	[sflag:s31] =	ssyncset.done $0x0  }
0xc3: {  	[sflag:s31] =	ssyncadd.s32 $0xFFFFF600  }
0xc4: {  	[tilespmem:s15], [sflag:$0x1] =	stream.indirect.gather [hbm4b:s2+s9], $0x40, s23, s9, $0xb8;
	[tilespmem:$0x15400] =	vst v63  }
0xc5: {  	_ = 	snop  }
0xc6: {  	[tilespmem:s16], [sflag:$0x3] =	stream.indirect.gather [hbm4b:s3+s9], $0x40, s30, s9, $0xb8;
	[tilespmem:$0x15400] =	vst v63  }
0xc7: {  	_ =	swait.ge [sflag:s18], $0x5000  }
0xc8: {  	[sflag:s18] =	ssyncset.done $0x0  }
0xc9: {  	[sflag:s18] =	ssyncadd.s32 $0xFFFFB000  }
0xca: {  	_ =	swait.ge [sflag:s17], $0x5000  }
0xcb: {  	[sflag:s17] =	ssyncset.done $0x0  }
0xcc: {  	s0 =	rddreg [dreg:$0x4];
	[sflag:s17] =	ssyncadd.s32 $0xFFFFB000  }
0xcd: {  	[hbm4b:s0+s4] =	stream.strided.scatter [tilespmem:s15], [sflag:$0x5], $0x5000, s5, s4, $0x38;
	[tilespmem:$0x15400] =	vst v63  }
0xce: {  	s19 =	rddreg [dreg:$0x5]  }
0xcf: {  	[hbm4b:s19+s4] =	stream.strided.scatter [tilespmem:s16], [sflag:$0x7], $0x5000, s5, s4, $0x38;
	[tilespmem:$0x15400] =	vst v63  }
0xd0: {  	_ = 	snop  }
0xd1: {  	[tilespmem:s6], [sflag:$0x2] =	stream.indirect.gather [hbm4b:s2+s9], $0x40, s9, s9, $0xb8;
	[tilespmem:$0x15400] =	vst v63  }
0xd2: {  	s19 =	rddreg [dreg:$0x14]  }
0xd3: {  	[tilespmem:s10], [sflag:$0x4] =	stream.indirect.gather [hbm4b:s3+s9], $0x40, s19, s9, $0xb8;
	[tilespmem:$0x15400] =	vst v63  }
0xd4: {  	_ =	swait.ge [sflag:s14], $0x5000  }
0xd5: {  	[sflag:s14] =	ssyncset.done $0x0  }
0xd6: {  	[sflag:s14] =	ssyncadd.s32 $0xFFFFB000  }
0xd7: {  	_ =	swait.ge [sflag:s13], $0x5000  }
0xd8: {  	[sflag:s13] =	ssyncset.done $0x0  }
0xd9: {  	s0 =	rddreg [dreg:$0x6];
	[sflag:s13] =	ssyncadd.s32 $0xFFFFB000  }
0xda: {  	[hbm4b:s0+s4] =	stream.strided.scatter [tilespmem:s6], [sflag:$0x6], $0x5000, s5, s4, $0x38;
	[tilespmem:$0x15400] =	vst v63  }
0xdb: {  	s19 =	rddreg [dreg:$0x7]  }
0xdc: {  	[hbm4b:s19+s4] =	stream.strided.scatter [tilespmem:s10], [sflag:$0x8], $0x5000, s5, s4, $0x38;
	[tilespmem:$0x15400] =	vst v63  }
0xdd: {  	_ =	swait.ge [sflag:s11], $0x5000  }
0xde: {  	[sflag:s11] =	ssyncset.done $0x0  }
0xdf: {  	[sflag:s11] =	ssyncadd.s32 $0xFFFFB000  }
0xe0: {  	_ =	swait.ge [sflag:s7], $0x5000  }
0xe1: {  	[sflag:s7] =	ssyncset.done $0x0  }
0xe2: {  	s0 =	rddreg [dreg:$0x15];
	[sflag:s7] =	ssyncadd.s32 $0xFFFFB000  }
0xe3: {  	[tilespmem:s15], [sflag:$0x1] =	stream.indirect.gather [hbm4b:s2+s9], $0x40, s0, s9, $0xb8;
	[tilespmem:$0x15400] =	vst v63  }
0xe4: {  	s19 =	rddreg [dreg:$0x16]  }
0xe5: {  	[tilespmem:s16], [sflag:$0x3] =	stream.indirect.gather [hbm4b:s3+s9], $0x40, s19, s9, $0xb8;
	[tilespmem:$0x15400] =	vst v63  }
0xe6: {  	_ =	swait.ge [sflag:s18], $0x5000  }
0xe7: {  	[sflag:s18] =	ssyncset.done $0x0  }
0xe8: {  	[sflag:s18] =	ssyncadd.s32 $0xFFFFB000  }
0xe9: {  	_ =	swait.ge [sflag:s17], $0x5000  }
0xea: {  	[sflag:s17] =	ssyncset.done $0x0  }
0xeb: {  	s0 =	rddreg [dreg:$0x8];
	[sflag:s17] =	ssyncadd.s32 $0xFFFFB000  }
0xec: {  	[hbm4b:s0+s4] =	stream.strided.scatter [tilespmem:s15], [sflag:$0x5], $0x5000, s5, s4, $0x38;
	[tilespmem:$0x15400] =	vst v63  }
0xed: {  	s19 =	rddreg [dreg:$0x9]  }
0xee: {  	[hbm4b:s19+s4] =	stream.strided.scatter [tilespmem:s16], [sflag:$0x7], $0x5000, s5, s4, $0x38;
	[tilespmem:$0x15400] =	vst v63  }
0xef: {  	_ =	swait.ge [sflag:s12], $0x5000  }
0xf0: {  	[sflag:s12] =	ssyncset.done $0x0  }
0xf1: {  	[sflag:s12] =	ssyncadd.s32 $0xFFFFB000  }
0xf2: {  	_ =	swait.ge [sflag:s8], $0x5000  }
0xf3: {  	[sflag:s8] =	ssyncset.done $0x0  }
0xf4: {  	s19 =	rddreg [dreg:$0x17];
	[sflag:s8] =	ssyncadd.s32 $0xFFFFB000  }
0xf5: {  	[tilespmem:s6], [sflag:$0x2] =	stream.indirect.gather [hbm4b:s2+s9], $0x40, s19, s9, $0xb8;
	[tilespmem:$0x15400] =	vst v63  }
0xf6: {  	_ = 	snop  }
0xf7: {  	[tilespmem:s10], [sflag:$0x4] =	stream.indirect.gather [hbm4b:s3+s9], $0x40, s28, s9, $0xb8;
	[tilespmem:$0x15400] =	vst v63  }
0xf8: {  	_ =	swait.ge [sflag:s14], $0x5000  }
0xf9: {  	[sflag:s14] =	ssyncset.done $0x0  }
0xfa: {  	[sflag:s14] =	ssyncadd.s32 $0xFFFFB000  }
0xfb: {  	_ =	swait.ge [sflag:s13], $0x5000  }
0xfc: {  	[sflag:s13] =	ssyncset.done $0x0  }
0xfd: {  	s0 =	rddreg [dreg:$0xa];
	[sflag:s13] =	ssyncadd.s32 $0xFFFFB000  }
0xfe: {  	[hbm4b:s0+s4] =	stream.strided.scatter [tilespmem:s6], [sflag:$0x6], $0x5000, s5, s4, $0x38;
	[tilespmem:$0x15400] =	vst v63  }
0xff: {  	s19 =	rddreg [dreg:$0xb]  }
0x100: {  	[hbm4b:s19+s4] =	stream.strided.scatter [tilespmem:s10], [sflag:$0x8], $0x5000, s5, s4, $0x38;
	[tilespmem:$0x15400] =	vst v63  }
0x101: {  	_ =	swait.ge [sflag:s11], $0x5000  }
0x102: {  	[sflag:s11] =	ssyncset.done $0x0  }
0x103: {  	[sflag:s11] =	ssyncadd.s32 $0xFFFFB000  }
0x104: {  	_ =	swait.ge [sflag:s7], $0x5000  }
0x105: {  	[sflag:s7] =	ssyncset.done $0x0  }
0x106: {  	s19 =	simm.s32 $0x500;
	[sflag:s7] =	ssyncadd.s32 $0xFFFFB000  }
0x107: {  	[tilespmem:s15], [sflag:$0x1] =	stream.indirect.gather [hbm4b:s2+s9], $0x40, s19, s9, $0xb8;
	[tilespmem:$0x15400] =	vst v63  }
0x108: {  	_ = 	snop  }
0x109: {  	[tilespmem:s16], [sflag:$0x3] =	stream.indirect.gather [hbm4b:s3+s9], $0x40, s29, s9, $0xb8;
	[tilespmem:$0x15400] =	vst v63  }
0x10a: {  	_ =	swait.ge [sflag:s18], $0x5000  }
0x10b: {  	[sflag:s18] =	ssyncset.done $0x0  }
0x10c: {  	[sflag:s18] =	ssyncadd.s32 $0xFFFFB000  }
0x10d: {  	_ =	swait.ge [sflag:s17], $0x5000  }
0x10e: {  	[sflag:s17] =	ssyncset.done $0x0  }
0x10f: {  	s0 =	rddreg [dreg:$0xc];
	[sflag:s17] =	ssyncadd.s32 $0xFFFFB000  }
0x110: {  	[hbm4b:s0+s4] =	stream.strided.scatter [tilespmem:s15], [sflag:$0x5], $0x5000, s5, s4, $0x38;
	[tilespmem:$0x15400] =	vst v63  }
0x111: {  	s19 =	rddreg [dreg:$0xd]  }
0x112: {  	[hbm4b:s19+s4] =	stream.strided.scatter [tilespmem:s16], [sflag:$0x7], $0x5000, s5, s4, $0x38;
	[tilespmem:$0x15400] =	vst v63  }
0x113: {  	_ =	swait.ge [sflag:s12], $0x5000  }
0x114: {  	[sflag:s12] =	ssyncset.done $0x0  }
0x115: {  	[sflag:s12] =	ssyncadd.s32 $0xFFFFB000  }
0x116: {  	_ =	swait.ge [sflag:s8], $0x5000  }
0x117: {  	[sflag:s8] =	ssyncset.done $0x0  }
0x118: {  	[sflag:s8] =	ssyncadd.s32 $0xFFFFB000  }
0x119: {  	[tilespmem:s6], [sflag:$0x2] =	stream.indirect.gather [hbm4b:s2+s9], $0x40, s25, s9, $0xb8;
	[tilespmem:$0x15400] =	vst v63  }
0x11a: {  	_ = 	snop  }
0x11b: {  	[tilespmem:s10], [sflag:$0x4] =	stream.indirect.gather [hbm4b:s3+s9], $0x40, s26, s9, $0xb8;
	[tilespmem:$0x15400] =	vst v63  }
0x11c: {  	_ =	swait.ge [sflag:s14], $0x5000  }
0x11d: {  	[sflag:s14] =	ssyncset.done $0x0  }
0x11e: {  	[sflag:s14] =	ssyncadd.s32 $0xFFFFB000  }
0x11f: {  	_ =	swait.ge [sflag:s13], $0x5000  }
0x120: {  	[sflag:s13] =	ssyncset.done $0x0  }
0x121: {  	s0 =	rddreg [dreg:$0xe];
	[sflag:s13] =	ssyncadd.s32 $0xFFFFB000  }
0x122: {  	[hbm4b:s0+s4] =	stream.strided.scatter [tilespmem:s6], [sflag:$0x6], $0x5000, s5, s4, $0x38;
	[tilespmem:$0x15400] =	vst v63  }
0x123: {  	s19 =	rddreg [dreg:$0xf]  }
0x124: {  	[hbm4b:s19+s4] =	stream.strided.scatter [tilespmem:s10], [sflag:$0x8], $0x5000, s5, s4, $0x38;
	[tilespmem:$0x15400] =	vst v63  }
0x125: {  	_ =	swait.ge [sflag:s11], $0x5000  }
0x126: {  	[sflag:s11] =	ssyncset.done $0x0  }
0x127: {  	[sflag:s11] =	ssyncadd.s32 $0xFFFFB000  }
0x128: {  	_ =	swait.ge [sflag:s7], $0x5000  }
0x129: {  	[sflag:s7] =	ssyncset.done $0x0  }
0x12a: {  	[sflag:s7] =	ssyncadd.s32 $0xFFFFB000  }
0x12b: {  	[tilespmem:s15], [sflag:$0x1] =	stream.indirect.gather [hbm4b:s2+s9], $0x40, s22, s9, $0xb8;
	[tilespmem:$0x15400] =	vst v63  }
0x12c: {  	_ = 	snop  }
0x12d: {  	[tilespmem:s16], [sflag:$0x3] =	stream.indirect.gather [hbm4b:s3+s9], $0x40, s24, s9, $0xb8;
	[tilespmem:$0x15400] =	vst v63  }
0x12e: {  	_ =	swait.ge [sflag:s18], $0x5000  }
0x12f: {  	[sflag:s18] =	ssyncset.done $0x0  }
0x130: {  	[sflag:s18] =	ssyncadd.s32 $0xFFFFB000  }
0x131: {  	_ =	swait.ge [sflag:s17], $0x5000  }
0x132: {  	[sflag:s17] =	ssyncset.done $0x0  }
0x133: {  	s0 =	rddreg [dreg:$0x10];
	[sflag:s17] =	ssyncadd.s32 $0xFFFFB000  }
0x134: {  	[hbm4b:s0+s4] =	stream.strided.scatter [tilespmem:s15], [sflag:$0x5], $0x5000, s5, s4, $0x38;
	[tilespmem:$0x15400] =	vst v63  }
0x135: {  	s19 =	rddreg [dreg:$0x11]  }
0x136: {  	[hbm4b:s19+s4] =	stream.strided.scatter [tilespmem:s16], [sflag:$0x7], $0x5000, s5, s4, $0x38;
	[tilespmem:$0x15400] =	vst v63  }
0x137: {  	_ =	swait.ge [sflag:s12], $0x5000  }
0x138: {  	[sflag:s12] =	ssyncset.done $0x0  }
0x139: {  	[sflag:s12] =	ssyncadd.s32 $0xFFFFB000  }
0x13a: {  	_ =	swait.ge [sflag:s8], $0x5000  }
0x13b: {  	[sflag:s8] =	ssyncset.done $0x0  }
0x13c: {  	[sflag:s8] =	ssyncadd.s32 $0xFFFFB000  }
0x13d: {  	[tilespmem:s6], [sflag:$0x2] =	stream.indirect.gather [hbm4b:s2+s9], $0x40, s20, s9, $0xb8;
	[tilespmem:$0x15400] =	vst v63  }
0x13e: {  	_ = 	snop  }
0x13f: {  	[tilespmem:s10], [sflag:$0x4] =	stream.indirect.gather [hbm4b:s3+s9], $0x40, s21, s9, $0xb8;
	[tilespmem:$0x15400] =	vst v63  }
0x140: {  	_ =	swait.ge [sflag:s14], $0x5000  }
0x141: {  	[sflag:s14] =	ssyncset.done $0x0  }
0x142: {  	[sflag:s14] =	ssyncadd.s32 $0xFFFFB000  }
0x143: {  	_ =	swait.ge [sflag:s13], $0x5000  }
0x144: {  	[sflag:s13] =	ssyncset.done $0x0  }
0x145: {  	s0 =	rddreg [dreg:$0x12];
	[sflag:s13] =	ssyncadd.s32 $0xFFFFB000  }
0x146: {  	[hbm4b:s0+s4] =	stream.strided.scatter [tilespmem:s6], [sflag:$0x6], $0x5000, s5, s4, $0x38;
	[tilespmem:$0x15400] =	vst v63  }
0x147: {  	s19 =	rddreg [dreg:$0x13]  }
0x148: {  	[hbm4b:s19+s4] =	stream.strided.scatter [tilespmem:s10], [sflag:$0x8], $0x5000, s5, s4, $0x38;
	[tilespmem:$0x15400] =	vst v63  }
0x149: {  	_ =	swait.ge [sflag:s11], $0x5000  }
0x14a: {  	[sflag:s11] =	ssyncset.done $0x0  }
0x14b: {  	[sflag:s11] =	ssyncadd.s32 $0xFFFFB000  }
0x14c: {  	_ =	swait.ge [sflag:s7], $0x5000  }
0x14d: {  	[sflag:s7] =	ssyncset.done $0x0  }
0x14e: {  	p1 =	sne.s32 s1, $0x1;
	[sflag:s7] =	ssyncadd.s32 $0xFFFFB000  }
.Ltmp2:
0x14f: {  	_ =	swait.ge [sflag:s12], $0x5000;
	(pc) =	sbr.rel @p1 .LBB2_4-.Ltmp2, $4  }
0x150: {  	[sflag:s12] =	ssyncset.done $0x0  }
0x151: {  	[sflag:s12] =	ssyncadd.s32 $0xFFFFB000  }
0x152: {  	_ =	swait.ge [sflag:s8], $0x5000  }
0x153: {  	s1 =	sadd.s32 $0xFFFFFFFF, s1;
	s0 =	rddreg [dreg:$0x2];
	[sflag:s8] =	ssyncset.done $0x0  }
0x154: {  	s21 =	simm.s32 $0xDC0;
	s29 =	simm.s32 $0xF00;
	s28 =	simm.s32 $0x500  }
0x155: {  	s26 =	simm.s32 $0x1040;
	s25 =	simm.s32 $0x640;
	s24 =	simm.s32 $0x1180  }
0x156: {  	s22 =	simm.s32 $0x780;
	s20 =	simm.s32 $0x8C0;
	s19 =	stileid.u32  }
.LBB2_6:
0x157: {  	[sflag:s8] =	ssyncadd.s32 @p0 $0xFFFFB000  }
0x158: {  	[tilespmem:s23], [sflag:$0x9] =	stream.linear.gather [hbm4b:s0+s23], $0xA00, $0x38;
	[tilespmem:$0x15400] =	vst v63  }
0x159: {  	_ =	swait.ge [sflag:s31], $0xA00  }
0x15a: {  	[sflag:s31] =	ssyncset.done $0x0  }
0x15b: {  	s1 =	rddreg [dreg:$0x3];
	[sflag:s31] =	ssyncadd.s32 $0xFFFFF600  }
0x15c: {  	[tilespmem:s30], [sflag:$0x9] =	stream.linear.gather [hbm4b:s1+s23], $0xA00, $0x38;
	[tilespmem:$0x15400] =	vst v63  }
0x15d: {  	_ =	swait.ge [sflag:s31], $0xA00  }
0x15e: {  	[sflag:s31] =	ssyncset.done $0x0  }
0x15f: {  	[sflag:s31] =	ssyncadd.s32 $0xFFFFF600  }
0x160: {  	[tilespmem:s15], [sflag:$0x1] =	stream.indirect.gather [hbm4b:s2+s9], $0x40, s23, s9, $0xb8;
	[tilespmem:$0x15400] =	vst v63  }
0x161: {  	_ = 	snop  }
0x162: {  	[tilespmem:s16], [sflag:$0x3] =	stream.indirect.gather [hbm4b:s3+s9], $0x40, s30, s9, $0xb8;
	[tilespmem:$0x15400] =	vst v63  }
0x163: {  	_ =	swait.ge [sflag:s18], $0x5000  }
0x164: {  	[sflag:s18] =	ssyncset.done $0x0  }
0x165: {  	[sflag:s18] =	ssyncadd.s32 $0xFFFFB000  }
0x166: {  	_ =	swait.ge [sflag:s17], $0x5000  }
0x167: {  	[sflag:s17] =	ssyncset.done $0x0  }
0x168: {  	s31 =	rddreg [dreg:$0x4];
	[sflag:s17] =	ssyncadd.s32 $0xFFFFB000  }
0x169: {  	[hbm4b:s31+s4] =	stream.strided.scatter [tilespmem:s15], [sflag:$0x5], $0x5000, s5, s4, $0x38;
	[tilespmem:$0x15400] =	vst v63  }
0x16a: {  	s1 =	rddreg [dreg:$0x5]  }
0x16b: {  	[hbm4b:s1+s4] =	stream.strided.scatter [tilespmem:s16], [sflag:$0x7], $0x5000, s5, s4, $0x38;
	[tilespmem:$0x15400] =	vst v63  }
0x16c: {  	_ = 	snop  }
0x16d: {  	[tilespmem:s6], [sflag:$0x2] =	stream.indirect.gather [hbm4b:s2+s9], $0x40, s9, s9, $0xb8;
	[tilespmem:$0x15400] =	vst v63  }
0x16e: {  	s23 =	rddreg [dreg:$0x14]  }
0x16f: {  	[tilespmem:s10], [sflag:$0x4] =	stream.indirect.gather [hbm4b:s3+s9], $0x40, s23, s9, $0xb8;
	[tilespmem:$0x15400] =	vst v63  }
0x170: {  	_ =	swait.ge [sflag:s14], $0x5000  }
0x171: {  	[sflag:s14] =	ssyncset.done $0x0  }
0x172: {  	[sflag:s14] =	ssyncadd.s32 $0xFFFFB000  }
0x173: {  	_ =	swait.ge [sflag:s13], $0x5000  }
0x174: {  	[sflag:s13] =	ssyncset.done $0x0  }
0x175: {  	s30 =	rddreg [dreg:$0x6];
	[sflag:s13] =	ssyncadd.s32 $0xFFFFB000  }
0x176: {  	[hbm4b:s30+s4] =	stream.strided.scatter [tilespmem:s6], [sflag:$0x6], $0x5000, s5, s4, $0x38;
	[tilespmem:$0x15400] =	vst v63  }
0x177: {  	s31 =	rddreg [dreg:$0x7]  }
0x178: {  	[hbm4b:s31+s4] =	stream.strided.scatter [tilespmem:s10], [sflag:$0x8], $0x5000, s5, s4, $0x38;
	[tilespmem:$0x15400] =	vst v63  }
0x179: {  	_ =	swait.ge [sflag:s11], $0x5000  }
0x17a: {  	[sflag:s11] =	ssyncset.done $0x0  }
0x17b: {  	[sflag:s11] =	ssyncadd.s32 $0xFFFFB000  }
0x17c: {  	_ =	swait.ge [sflag:s7], $0x5000  }
0x17d: {  	[sflag:s7] =	ssyncset.done $0x0  }
0x17e: {  	s1 =	rddreg [dreg:$0x15];
	[sflag:s7] =	ssyncadd.s32 $0xFFFFB000  }
0x17f: {  	[tilespmem:s15], [sflag:$0x1] =	stream.indirect.gather [hbm4b:s2+s9], $0x40, s1, s9, $0xb8;
	[tilespmem:$0x15400] =	vst v63  }
0x180: {  	s23 =	rddreg [dreg:$0x16]  }
0x181: {  	[tilespmem:s16], [sflag:$0x3] =	stream.indirect.gather [hbm4b:s3+s9], $0x40, s23, s9, $0xb8;
	[tilespmem:$0x15400] =	vst v63  }
0x182: {  	_ =	swait.ge [sflag:s18], $0x5000  }
0x183: {  	[sflag:s18] =	ssyncset.done $0x0  }
0x184: {  	[sflag:s18] =	ssyncadd.s32 $0xFFFFB000  }
0x185: {  	_ =	swait.ge [sflag:s17], $0x5000  }
0x186: {  	[sflag:s17] =	ssyncset.done $0x0  }
0x187: {  	s30 =	rddreg [dreg:$0x8];
	[sflag:s17] =	ssyncadd.s32 $0xFFFFB000  }
0x188: {  	[hbm4b:s30+s4] =	stream.strided.scatter [tilespmem:s15], [sflag:$0x5], $0x5000, s5, s4, $0x38;
	[tilespmem:$0x15400] =	vst v63  }
0x189: {  	s31 =	rddreg [dreg:$0x9]  }
0x18a: {  	[hbm4b:s31+s4] =	stream.strided.scatter [tilespmem:s16], [sflag:$0x7], $0x5000, s5, s4, $0x38;
	[tilespmem:$0x15400] =	vst v63  }
0x18b: {  	_ =	swait.ge [sflag:s12], $0x5000  }
0x18c: {  	[sflag:s12] =	ssyncset.done $0x0  }
0x18d: {  	[sflag:s12] =	ssyncadd.s32 $0xFFFFB000  }
0x18e: {  	_ =	swait.ge [sflag:s8], $0x5000  }
0x18f: {  	[sflag:s8] =	ssyncset.done $0x0  }
0x190: {  	s23 =	rddreg [dreg:$0x17];
	[sflag:s8] =	ssyncadd.s32 $0xFFFFB000  }
0x191: {  	[tilespmem:s6], [sflag:$0x2] =	stream.indirect.gather [hbm4b:s2+s9], $0x40, s23, s9, $0xb8;
	[tilespmem:$0x15400] =	vst v63  }
0x192: {  	_ = 	snop  }
0x193: {  	[tilespmem:s10], [sflag:$0x4] =	stream.indirect.gather [hbm4b:s3+s9], $0x40, s21, s9, $0xb8;
	[tilespmem:$0x15400] =	vst v63  }
0x194: {  	_ =	swait.ge [sflag:s14], $0x5000  }
0x195: {  	[sflag:s14] =	ssyncset.done $0x0  }
0x196: {  	[sflag:s14] =	ssyncadd.s32 $0xFFFFB000  }
0x197: {  	_ =	swait.ge [sflag:s13], $0x5000  }
0x198: {  	[sflag:s13] =	ssyncset.done $0x0  }
0x199: {  	s30 =	rddreg [dreg:$0xa];
	[sflag:s13] =	ssyncadd.s32 $0xFFFFB000  }
0x19a: {  	[hbm4b:s30+s4] =	stream.strided.scatter [tilespmem:s6], [sflag:$0x6], $0x5000, s5, s4, $0x38;
	[tilespmem:$0x15400] =	vst v63  }
0x19b: {  	s31 =	rddreg [dreg:$0xb]  }
0x19c: {  	[hbm4b:s31+s4] =	stream.strided.scatter [tilespmem:s10], [sflag:$0x8], $0x5000, s5, s4, $0x38;
	[tilespmem:$0x15400] =	vst v63  }
0x19d: {  	_ =	swait.ge [sflag:s11], $0x5000  }
0x19e: {  	[sflag:s11] =	ssyncset.done $0x0  }
0x19f: {  	[sflag:s11] =	ssyncadd.s32 $0xFFFFB000  }
0x1a0: {  	_ =	swait.ge [sflag:s7], $0x5000  }
0x1a1: {  	[sflag:s7] =	ssyncset.done $0x0  }
0x1a2: {  	[sflag:s7] =	ssyncadd.s32 $0xFFFFB000  }
0x1a3: {  	[tilespmem:s15], [sflag:$0x1] =	stream.indirect.gather [hbm4b:s2+s9], $0x40, s28, s9, $0xb8;
	[tilespmem:$0x15400] =	vst v63  }
0x1a4: {  	_ = 	snop  }
0x1a5: {  	[tilespmem:s16], [sflag:$0x3] =	stream.indirect.gather [hbm4b:s3+s9], $0x40, s29, s9, $0xb8;
	[tilespmem:$0x15400] =	vst v63  }
0x1a6: {  	_ =	swait.ge [sflag:s18], $0x5000  }
0x1a7: {  	[sflag:s18] =	ssyncset.done $0x0  }
0x1a8: {  	[sflag:s18] =	ssyncadd.s32 $0xFFFFB000  }
0x1a9: {  	_ =	swait.ge [sflag:s17], $0x5000  }
0x1aa: {  	[sflag:s17] =	ssyncset.done $0x0  }
0x1ab: {  	s1 =	rddreg [dreg:$0xc];
	[sflag:s17] =	ssyncadd.s32 $0xFFFFB000  }
0x1ac: {  	[hbm4b:s1+s4] =	stream.strided.scatter [tilespmem:s15], [sflag:$0x5], $0x5000, s5, s4, $0x38;
	[tilespmem:$0x15400] =	vst v63  }
0x1ad: {  	s21 =	rddreg [dreg:$0xd]  }
0x1ae: {  	[hbm4b:s21+s4] =	stream.strided.scatter [tilespmem:s16], [sflag:$0x7], $0x5000, s5, s4, $0x38;
	[tilespmem:$0x15400] =	vst v63  }
0x1af: {  	_ =	swait.ge [sflag:s12], $0x5000  }
0x1b0: {  	[sflag:s12] =	ssyncset.done $0x0  }
0x1b1: {  	[sflag:s12] =	ssyncadd.s32 $0xFFFFB000  }
0x1b2: {  	_ =	swait.ge [sflag:s8], $0x5000  }
0x1b3: {  	[sflag:s8] =	ssyncset.done $0x0  }
0x1b4: {  	[sflag:s8] =	ssyncadd.s32 $0xFFFFB000  }
0x1b5: {  	[tilespmem:s6], [sflag:$0x2] =	stream.indirect.gather [hbm4b:s2+s9], $0x40, s25, s9, $0xb8;
	[tilespmem:$0x15400] =	vst v63  }
0x1b6: {  	_ = 	snop  }
0x1b7: {  	[tilespmem:s10], [sflag:$0x4] =	stream.indirect.gather [hbm4b:s3+s9], $0x40, s26, s9, $0xb8;
	[tilespmem:$0x15400] =	vst v63  }
0x1b8: {  	_ =	swait.ge [sflag:s14], $0x5000  }
0x1b9: {  	[sflag:s14] =	ssyncset.done $0x0  }
0x1ba: {  	[sflag:s14] =	ssyncadd.s32 $0xFFFFB000  }
0x1bb: {  	_ =	swait.ge [sflag:s13], $0x5000  }
0x1bc: {  	[sflag:s13] =	ssyncset.done $0x0  }
0x1bd: {  	s23 =	rddreg [dreg:$0xe];
	[sflag:s13] =	ssyncadd.s32 $0xFFFFB000  }
0x1be: {  	[hbm4b:s23+s4] =	stream.strided.scatter [tilespmem:s6], [sflag:$0x6], $0x5000, s5, s4, $0x38;
	[tilespmem:$0x15400] =	vst v63  }
0x1bf: {  	s25 =	rddreg [dreg:$0xf]  }
0x1c0: {  	[hbm4b:s25+s4] =	stream.strided.scatter [tilespmem:s10], [sflag:$0x8], $0x5000, s5, s4, $0x38;
	[tilespmem:$0x15400] =	vst v63  }
0x1c1: {  	_ =	swait.ge [sflag:s11], $0x5000  }
0x1c2: {  	[sflag:s11] =	ssyncset.done $0x0  }
0x1c3: {  	[sflag:s11] =	ssyncadd.s32 $0xFFFFB000  }
0x1c4: {  	_ =	swait.ge [sflag:s7], $0x5000  }
0x1c5: {  	[sflag:s7] =	ssyncset.done $0x0  }
0x1c6: {  	[sflag:s7] =	ssyncadd.s32 $0xFFFFB000  }
0x1c7: {  	[tilespmem:s15], [sflag:$0x1] =	stream.indirect.gather [hbm4b:s2+s9], $0x40, s22, s9, $0xb8;
	[tilespmem:$0x15400] =	vst v63  }
0x1c8: {  	_ = 	snop  }
0x1c9: {  	[tilespmem:s16], [sflag:$0x3] =	stream.indirect.gather [hbm4b:s3+s9], $0x40, s24, s9, $0xb8;
	[tilespmem:$0x15400] =	vst v63  }
0x1ca: {  	_ =	swait.ge [sflag:s18], $0x5000  }
0x1cb: {  	[sflag:s18] =	ssyncset.done $0x0  }
0x1cc: {  	[sflag:s18] =	ssyncadd.s32 $0xFFFFB000  }
0x1cd: {  	_ =	swait.ge [sflag:s17], $0x5000  }
0x1ce: {  	[sflag:s17] =	ssyncset.done $0x0  }
0x1cf: {  	s26 =	rddreg [dreg:$0x10];
	[sflag:s17] =	ssyncadd.s32 $0xFFFFB000  }
0x1d0: {  	[hbm4b:s26+s4] =	stream.strided.scatter [tilespmem:s15], [sflag:$0x5], $0x5000, s5, s4, $0x38;
	[tilespmem:$0x15400] =	vst v63  }
0x1d1: {  	s28 =	rddreg [dreg:$0x11]  }
0x1d2: {  	[hbm4b:s28+s4] =	stream.strided.scatter [tilespmem:s16], [sflag:$0x7], $0x5000, s5, s4, $0x38;
	[tilespmem:$0x15400] =	vst v63  }
0x1d3: {  	_ =	swait.ge [sflag:s12], $0x5000  }
0x1d4: {  	[sflag:s12] =	ssyncset.done $0x0  }
0x1d5: {  	[sflag:s12] =	ssyncadd.s32 $0xFFFFB000  }
0x1d6: {  	_ =	swait.ge [sflag:s8], $0x5000  }
0x1d7: {  	[sflag:s8] =	ssyncset.done $0x0  }
0x1d8: {  	[sflag:s8] =	ssyncadd.s32 $0xFFFFB000  }
0x1d9: {  	[tilespmem:s6], [sflag:$0x2] =	stream.indirect.gather [hbm4b:s2+s9], $0x40, s20, s9, $0xb8;
	[tilespmem:$0x15400] =	vst v63  }
0x1da: {  	s29 =	simm.s32 $0x12C0  }
0x1db: {  	[tilespmem:s10], [sflag:$0x4] =	stream.indirect.gather [hbm4b:s3+s9], $0x40, s29, s9, $0xb8;
	[tilespmem:$0x15400] =	vst v63  }
0x1dc: {  	_ =	swait.ge [sflag:s14], $0x5000  }
0x1dd: {  	[sflag:s14] =	ssyncset.done $0x0  }
0x1de: {  	[sflag:s14] =	ssyncadd.s32 $0xFFFFB000  }
0x1df: {  	_ =	swait.ge [sflag:s13], $0x5000  }
0x1e0: {  	[sflag:s13] =	ssyncset.done $0x0  }
0x1e1: {  	s30 =	rddreg [dreg:$0x12];
	[sflag:s13] =	ssyncadd.s32 $0xFFFFB000  }
0x1e2: {  	[hbm4b:s30+s4] =	stream.strided.scatter [tilespmem:s6], [sflag:$0x6], $0x5000, s5, s4, $0x38;
	[tilespmem:$0x15400] =	vst v63  }
0x1e3: {  	s31 =	rddreg [dreg:$0x13]  }
0x1e4: {  	[hbm4b:s31+s4] =	stream.strided.scatter [tilespmem:s10], [sflag:$0x8], $0x5000, s5, s4, $0x38;
	[tilespmem:$0x15400] =	vst v63  }
0x1e5: {  	_ =	swait.ge [sflag:s11], $0x5000  }
0x1e6: {  	[sflag:s11] =	ssyncset.done $0x0  }
0x1e7: {  	[sflag:s11] =	ssyncadd.s32 $0xFFFFB000  }
0x1e8: {  	_ =	swait.ge [sflag:s7], $0x5000  }
0x1e9: {  	[sflag:s7] =	ssyncset.done $0x0  }
0x1ea: {  	[sflag:s7] =	ssyncadd.s32 $0xFFFFB000  }
0x1eb: {  	_ =	swait.ge [sflag:s12], $0x5000  }
0x1ec: {  	[sflag:s12] =	ssyncset.done $0x0  }
0x1ed: {  	[sflag:s12] =	ssyncadd.s32 $0xFFFFB000  }
0x1ee: {  	_ =	swait.ge [sflag:s8], $0x5000  }
0x1ef: {  	[sflag:s8] =	ssyncset.done $0x0  }
0x1f0: {  	[sflag:s8] =	ssyncadd.s32 $0xFFFFB000  }
0x1f1: {  	_ =	sfence.sel $0x180000  }
0x1f2: {  	[bflag:$0x0] =	sbarrier.arrive $0xFFFF  }
0x1f3: {  	_ =	strace $0x90000050  }
0x1f4: {  	[bflag:$0x2] =	sbarrier.arrive $0xFFFF  }
0x1f5: {  	p0 =	sne.s32 s19, $0x0;
	s0 =	rddreg [dreg:$0x1]  }
0x1f6: {  	s0 =	sadd.s32 @!p0 $0x100000, s0  }
0x1f7: {  	[sflag:s0] =	ssyncadd.tile.s32 @!p0 $0x1;
	_ =	shalt  }
.LBB2_1:
.Ltmp3:
0x1f8: {  	(pc) =	sbr.rel .LBB2_6-.Ltmp3, $4  }
0x1f9: {  	_ = 	snop  }
0x1fa: {  	s21 =	simm.s32 $0xDC0;
	s29 =	simm.s32 $0xF00  }
0x1fb: {  	s28 =	simm.s32 $0x500;
	s26 =	simm.s32 $0x1040;
	s25 =	simm.s32 $0x640  }
0x1fc: {  	s24 =	simm.s32 $0x1180;
	s22 =	simm.s32 $0x780;
	s20 =	simm.s32 $0x8C0  }
.LBB2_3:
.Ltmp4:
0x1fd: {  	(pc) =	sbr.rel .LBB2_6-.Ltmp4, $4  }
0x1fe: {  	_ = 	snop  }
0x1ff: {  	s21 =	simm.s32 $0xDC0;
	s29 =	simm.s32 $0xF00;
	s28 =	simm.s32 $0x500  }
0x200: {  	s26 =	simm.s32 $0x1040;
	s25 =	simm.s32 $0x640;
	s24 =	simm.s32 $0x1180  }
0x201: {  	s22 =	simm.s32 $0x780;
	s20 =	simm.s32 $0x8C0;
	s19 =	stileid.u32  }
.Lfunc_end2:
_tile_overlayer_lowered:
.L_overlay_start_2:
0x202: {  	(tag) =	ssettag $0x2  }
0x203: {  	s0 =	rddreg [dreg:$0x0];
	s2 =	stileid.u32  }
0x204: {  	s1 =	rddreg [dreg:$0x1];
	p0 =	sne.s32 s2, $0x0  }
0x205: {  	s3 =	rddreg [dreg:$0x2];
	[bflag:$0x3] =	sbarrier.arrive $0xFFFF;
	s2 =	simm.s32 @!p0 $0x1C09  }
0x206: {  	[timem:s3], [sflag:s2] =	dma.local @!p0 [hbm:s0], s1  }
0x207: {  	s0 =	simm.s32 @!p0 $0x9  }
0x208: {  	_ =	swait.ge @!p0 [sflag:s0], s1  }
0x209: {  	s1 =	ssub.s32 @!p0 $0x0, s1;
	[sflag:s0] =	ssyncset.done @!p0 $0x0  }
0x20a: {  	[sflag:s0] =	ssyncadd.s32 @!p0 s1  }
0x20b: {  	[bflag:$0x3] =	sbarrier.arrive $0xFFFF  }
0x20c: {  	_ =	shalt  }

</sc_bundles>
